<compile_context>
chip_gen: v7x
topology: tpu7x:2x2x1
jax: 0.10.2.dev20260603
libtpu: 0.0.44.dev20260713+nightly
codegen_flags: <defaults>
</compile_context>

<pallas_src>
import functools

import jax
import jax.numpy as jnp
from jax import lax
from jax.experimental import pallas as pl
from jax.experimental.pallas import tpu as pltpu
from jax.experimental.pallas import tpu_sc as plsc

SEQ = 16384
D = 64
V = 4096
MPS = 64
L = 16

NC = 2
NS = 16
NW = NC * NS
BPW = SEQ // NW
CHUNK = 128
NCHUNK = BPW // CHUNK

_INV2PI = 0.15915494309189535
_TWOPI = 6.283185307179586
_SIN_C = (9.99450173e-01, -1.65838429e-01, 7.99857532e-03, -1.47740438e-04)
_COS_C = (9.99971093e-01, -4.99837596e-01, 4.15223046e-02,
          -1.34410687e-03, 1.90652161e-05)


def _sincos(xv):
    k = (xv * _INV2PI + 0.5).astype(jnp.int32).astype(jnp.float32)
    r = xv - k * _TWOPI
    r2 = r * r
    s = jnp.float32(_SIN_C[-1])
    for c in _SIN_C[-2::-1]:
        s = s * r2 + jnp.float32(c)
    s = s * r
    cs = jnp.float32(_COS_C[-1])
    for c in _COS_C[-2::-1]:
        cs = cs * r2 + jnp.float32(c)
    return s, cs


def _sc_body(inv_hbm, idx_hbm, cos_out, sin_out,
             idx_v, row65, ch, sh, cw, sw, cbuf, sbuf, wsem):
    wid = lax.axis_index("s") * NC + lax.axis_index("c")
    idx_cp = pltpu.async_copy(idx_hbm.at[wid], idx_v, wsem)
    pltpu.sync_copy(inv_hbm.at[65], row65)
    fe = row65[pl.ds(0, L)]
    fo = row65[pl.ds(L, L)]

    def table_body(i, _):
        fi = i.astype(jnp.float32)
        se, ce = _sincos(fe * fi)
        so, co = _sincos(fo * fi)
        ch[i] = ce
        sh[i] = se
        cw[i] = co
        sw[i] = so
        return 0

    lax.fori_loop(0, MPS, table_body, 0)
    idx_cp.wait()

    def group_body(g, _):
        base = g * L
        pvec = idx_v[pl.ds(base, L)]
        hvec = lax.shift_right_logical(pvec, 6)
        wvec = lax.bitwise_and(pvec, 63)
        for i in range(L):
            r = base + i
            h = hvec[i]
            w = wvec[i]
            chv = ch[h]
            cwv = cw[w]
            shv = sh[h]
            swv = sw[w]
            cbuf[r, pl.ds(0, L)] = chv
            cbuf[r, pl.ds(L, L)] = cwv
            cbuf[r, pl.ds(2 * L, L)] = chv
            cbuf[r, pl.ds(3 * L, L)] = cwv
            sbuf[r, pl.ds(0, L)] = shv
            sbuf[r, pl.ds(L, L)] = swv
            sbuf[r, pl.ds(2 * L, L)] = shv
            sbuf[r, pl.ds(3 * L, L)] = swv
        return 0

    writes = []
    gpc = CHUNK // L
    for j in range(NCHUNK):
        lax.fori_loop(j * gpc, (j + 1) * gpc, group_body, 0)
        writes.append(pltpu.async_copy(
            cbuf.at[pl.ds(j * CHUNK, CHUNK)],
            cos_out.at[wid, pl.ds(j * CHUNK, CHUNK)], wsem))
        writes.append(pltpu.async_copy(
            sbuf.at[pl.ds(j * CHUNK, CHUNK)],
            sin_out.at[wid, pl.ds(j * CHUNK, CHUNK)], wsem))
    for wcopy in writes:
        wcopy.wait()


_sc_rope = functools.partial(
    pl.kernel,
    out_type=(
        jax.ShapeDtypeStruct((NW, BPW, D), jnp.float32),
        jax.ShapeDtypeStruct((NW, BPW, D), jnp.float32),
    ),
    mesh=plsc.VectorSubcoreMesh(
        core_axis_name="c", subcore_axis_name="s",
        num_cores=NC, num_subcores=NS,
    ),
    scratch_types=[
        pltpu.VMEM((BPW,), jnp.int32),
        pltpu.VMEM((D,), jnp.float32),
        pltpu.VMEM((MPS, L), jnp.float32),
        pltpu.VMEM((MPS, L), jnp.float32),
        pltpu.VMEM((MPS, L), jnp.float32),
        pltpu.VMEM((MPS, L), jnp.float32),
        pltpu.VMEM((BPW, D), jnp.float32),
        pltpu.VMEM((BPW, D), jnp.float32),
        pltpu.SemaphoreType.DMA,
    ],
    compiler_params=pltpu.CompilerParams(use_tc_tiling_on_sc=False),
)(_sc_body)


def kernel(x, position_ids, inv_freq):
    idx = position_ids.reshape(NW, BPW)
    cos, sin = _sc_rope(inv_freq, idx)
    cos = cos.reshape(1, SEQ, D).astype(x.dtype)
    sin = sin.reshape(1, SEQ, D).astype(x.dtype)
    return (cos, sin)

# --- scband reference (transcript-rebuilt; emitter-appended) ---
"""Pipeline reference for scband-pixtral-rotary-embedding-40450001994273 (READ-ONLY COPY).

The authoritative reference and input builder live on the scoring server;
editing this copy changes nothing except your own understanding.
"""

import jax, jax.numpy as jnp
import numpy as np

HEAD_DIM = 64
ROPE_THETA = 10000.0
IMAGE_SIZE = 1024
PATCH_SIZE = 16
SEQ = 16384
HIDDEN = 1024


def _build_inv_freq():
    dim = HEAD_DIM
    base = ROPE_THETA
    mps = IMAGE_SIZE // PATCH_SIZE  # max_patches_per_side = 64
    freqs = 1.0 / base ** (jnp.arange(0, dim, 2, dtype=jnp.float32) / dim)
    h = jnp.arange(mps, dtype=jnp.float32)
    w = jnp.arange(mps, dtype=jnp.float32)
    freqs_h = jnp.outer(h, freqs[::2]).astype(jnp.float32)
    freqs_w = jnp.outer(w, freqs[1::2]).astype(jnp.float32)
    inv_freq = jnp.concatenate(
        [
            jnp.tile(freqs_h[:, None, :], (1, mps, 1)),
            jnp.tile(freqs_w[None, :, :], (mps, 1, 1)),
        ],
        axis=-1,
    ).reshape(-1, dim // 2)
    return jnp.concatenate((inv_freq, inv_freq), axis=-1)  # [mps*mps, dim]


def setup_inputs(seed: int = 0) -> dict:
    key = jax.random.key(seed)
    k1, k2 = jax.random.split(key)
    x = jax.random.normal(k1, (1, SEQ, HIDDEN), dtype=jnp.float32)
    position_ids = jax.random.randint(k2, (SEQ,), 0, (IMAGE_SIZE // PATCH_SIZE) ** 2, dtype=jnp.int32)
    inv_freq = _build_inv_freq()
    return {"x": x, "position_ids": position_ids, "inv_freq": inv_freq}


def reference(x, position_ids, inv_freq):
    # gather: index precomputed frequency table by flattened 2D patch positions
    freqs = jnp.take(inv_freq, position_ids, axis=0)  # [SEQ, HEAD_DIM]
    emb = freqs
    cos = jnp.cos(emb)
    sin = jnp.sin(emb)
    return (cos.astype(x.dtype)[None], sin.astype(x.dtype)[None])

if __name__ == "__main__":
    import jax
    _d = setup_inputs()
    print(jax.jit(kernel)(*tuple(_d.values())))

</pallas_src>

<mosaic_0001>
#map = affine_map<(d0, d1) -> (0, 0)>
#map1 = affine_map<(d0, d1) -> (0, 0, 0)>
module attributes {stable_mosaic.version = 14 : i64} {
  func.func @_sc_body(%arg0: i32, %arg1: i32, %arg2: memref<4096x64xf32, #tpu.memory_space<hbm>>, %arg3: memref<32x512xi32, #tpu.memory_space<hbm>>, %arg4: memref<32x512x64xf32, #tpu.memory_space<hbm>>, %arg5: memref<32x512x64xf32, #tpu.memory_space<hbm>>, %arg6: memref<512xi32, #tpu.memory_space<vmem>>, %arg7: memref<64xf32, #tpu.memory_space<vmem>>, %arg8: memref<64x16xf32, #tpu.memory_space<vmem>>, %arg9: memref<64x16xf32, #tpu.memory_space<vmem>>, %arg10: memref<64x16xf32, #tpu.memory_space<vmem>>, %arg11: memref<64x16xf32, #tpu.memory_space<vmem>>, %arg12: memref<512x64xf32, #tpu.memory_space<vmem>>, %arg13: memref<512x64xf32, #tpu.memory_space<vmem>>, %arg14: memref<!tpu.dma_semaphore, #tpu.memory_space<semaphore_mem>>) attributes {dimension_semantics = [#tpu.dimension_semantics<core_parallel>, #tpu.dimension_semantics<subcore_parallel>], iteration_bounds = array<i64: 2, 16>, scalar_prefetch = 0 : i64, scratch_operands = 9 : i64, tpu.core_type = #tpu.core_type<sc_vector_subcore>, window_params = [{transform_indices = #map}, {transform_indices = #map}, {transform_indices = #map1}, {transform_indices = #map1}]} {
    %mul3A = arith.constant 2 : i32
    %mul3A_0 = arith.muli %arg1, %mul3A : i32
    %add3A = arith.addi %mul3A_0, %arg0 : i32
    %dma_start3A = arith.constant 0 : i32
    %dma_start3A_1 = tpu.memref_slice %arg3[%add3A, %dma_start3A] : memref<32x512xi32, #tpu.memory_space<hbm>> -> memref<1x512xi32, #tpu.memory_space<hbm>>
    %dma_start3A_2 = tpu.memref_squeeze %dma_start3A_1 : memref<1x512xi32, #tpu.memory_space<hbm>> -> memref<512xi32, #tpu.memory_space<hbm>>
    %dma_start3A_3 = arith.constant 0 : i32
    %dma_start3A_4 = tpu.memref_slice %arg3[%add3A, %dma_start3A_3] : memref<32x512xi32, #tpu.memory_space<hbm>> -> memref<1x512xi32, #tpu.memory_space<hbm>>
    %dma_start3A_5 = tpu.memref_squeeze %dma_start3A_4 : memref<1x512xi32, #tpu.memory_space<hbm>> -> memref<512xi32, #tpu.memory_space<hbm>>
    tpu.enqueue_dma source(%dma_start3A_5 : memref<512xi32, #tpu.memory_space<hbm>>) target(%arg6 : memref<512xi32, #tpu.memory_space<vmem>>) target_semaphore(%arg14 : memref<!tpu.dma_semaphore, #tpu.memory_space<semaphore_mem>>)
    %run_scoped3A = arith.constant 65 : i32
    "tpu.region"() ({
      %run_scoped3A_274 = tpu.sem_alloc : memref<!tpu.dma_semaphore, #tpu.memory_space<semaphore_mem>>
      %dma_start3A_275 = arith.constant 0 : i32
      %dma_start3A_276 = tpu.memref_slice %arg2[%run_scoped3A, %dma_start3A_275] : memref<4096x64xf32, #tpu.memory_space<hbm>> -> memref<1x64xf32, #tpu.memory_space<hbm>>
      %dma_start3A_277 = tpu.memref_squeeze %dma_start3A_276 : memref<1x64xf32, #tpu.memory_space<hbm>> -> memref<64xf32, #tpu.memory_space<hbm>>
      %dma_start3A_278 = arith.constant 0 : i32
      %dma_start3A_279 = tpu.memref_slice %arg2[%run_scoped3A, %dma_start3A_278] : memref<4096x64xf32, #tpu.memory_space<hbm>> -> memref<1x64xf32, #tpu.memory_space<hbm>>
      %dma_start3A_280 = tpu.memref_squeeze %dma_start3A_279 : memref<1x64xf32, #tpu.memory_space<hbm>> -> memref<64xf32, #tpu.memory_space<hbm>>
      tpu.enqueue_dma source(%dma_start3A_280 : memref<64xf32, #tpu.memory_space<hbm>>) target(%arg7 : memref<64xf32, #tpu.memory_space<vmem>>) target_semaphore(%run_scoped3A_274 : memref<!tpu.dma_semaphore, #tpu.memory_space<semaphore_mem>>)
      %dma_wait3A_281 = arith.constant 0 : i32
      %dma_wait3A_282 = tpu.memref_slice %arg2[%run_scoped3A, %dma_wait3A_281] : memref<4096x64xf32, #tpu.memory_space<hbm>> -> memref<1x64xf32, #tpu.memory_space<hbm>>
      %dma_wait3A_283 = tpu.memref_squeeze %dma_wait3A_282 : memref<1x64xf32, #tpu.memory_space<hbm>> -> memref<64xf32, #tpu.memory_space<hbm>>
      %dma_wait3A_284 = arith.constant 0 : i32
      %dma_wait3A_285 = tpu.memref_slice %arg2[%run_scoped3A, %dma_wait3A_284] : memref<4096x64xf32, #tpu.memory_space<hbm>> -> memref<1x64xf32, #tpu.memory_space<hbm>>
      %dma_wait3A_286 = tpu.memref_squeeze %dma_wait3A_285 : memref<1x64xf32, #tpu.memory_space<hbm>> -> memref<64xf32, #tpu.memory_space<hbm>>
      tpu.wait_dma2 semaphore(%run_scoped3A_274 : memref<!tpu.dma_semaphore, #tpu.memory_space<semaphore_mem>>) src(%dma_wait3A_286 : memref<64xf32, #tpu.memory_space<hbm>>) dst(%arg7 : memref<64xf32, #tpu.memory_space<vmem>>)
      tpu.yield
    }) : () -> ()
    %get3A = arith.constant 0 : index
    %get3A_6 = tpu.vector_load %arg7[%get3A] {strides = array<i32>} : memref<64xf32, #tpu.memory_space<vmem>>, vector<16xf32>,
    %get3A_7 = vector.shape_cast %get3A_6 : vector<16xf32> to vector<16xf32>
    %get3A_8 = arith.constant 16 : index
    %get3A_9 = tpu.vector_load %arg7[%get3A_8] {strides = array<i32>} : memref<64xf32, #tpu.memory_space<vmem>>, vector<16xf32>,
    %get3A_10 = vector.shape_cast %get3A_9 : vector<16xf32> to vector<16xf32>
    %scan3A = arith.constant 0 : i32
    %scan3A_11 = arith.constant 0 : i32
    %scan3A_12 = arith.constant 64 : i32
    %scan3A_13 = arith.addi %scan3A_11, %scan3A_12 : i32
    %scan3A_14 = arith.constant 1 : i32
    %scan3A_15 = scf.for %scan3A_274 = %scan3A_11 to %scan3A_13 step %scan3A_14 iter_args(%scan3A_275 = %scan3A) -> (i32)  : i32 {
      %convert_element_type3A = arith.sitofp %scan3A_274 : i32 to f32
      %mul3A_276 = vector.broadcast %convert_element_type3A : f32 to vector<16xf32>
      %mul3A_277 = arith.mulf %get3A_7, %mul3A_276 : vector<16xf32>
      %mul3A_278 = arith.constant 0.159154937 : f32
      %mul3A_279 = vector.broadcast %mul3A_278 : f32 to vector<16xf32>
      %mul3A_280 = arith.mulf %mul3A_277, %mul3A_279 : vector<16xf32>
      %add3A_281 = arith.constant 5.000000e-01 : f32
      %add3A_282 = vector.broadcast %add3A_281 : f32 to vector<16xf32>
      %add3A_283 = arith.addf %mul3A_280, %add3A_282 : vector<16xf32>
      %convert_element_type3A_284 = arith.fptosi %add3A_283 : vector<16xf32> to vector<16xi32>
      %convert_element_type3A_285 = arith.sitofp %convert_element_type3A_284 : vector<16xi32> to vector<16xf32>
      %mul3A_286 = arith.constant 6.28318548 : f32
      %mul3A_287 = vector.broadcast %mul3A_286 : f32 to vector<16xf32>
      %mul3A_288 = arith.mulf %convert_element_type3A_285, %mul3A_287 : vector<16xf32>
      %sub3A = arith.subf %mul3A_277, %mul3A_288 : vector<16xf32>
      %mul3A_289 = arith.mulf %sub3A, %sub3A : vector<16xf32>
      %mul3A_290 = arith.constant -1.47740444E-4 : f32
      %mul3A_291 = vector.broadcast %mul3A_290 : f32 to vector<16xf32>
      %mul3A_292 = arith.mulf %mul3A_291, %mul3A_289 : vector<16xf32>
      %add3A_293 = arith.constant 0.00799857546 : f32
      %add3A_294 = vector.broadcast %add3A_293 : f32 to vector<16xf32>
      %add3A_295 = arith.addf %mul3A_292, %add3A_294 : vector<16xf32>
      %mul3A_296 = arith.mulf %add3A_295, %mul3A_289 : vector<16xf32>
      %add3A_297 = arith.constant -0.165838435 : f32
      %add3A_298 = vector.broadcast %add3A_297 : f32 to vector<16xf32>
      %add3A_299 = arith.addf %mul3A_296, %add3A_298 : vector<16xf32>
      %mul3A_300 = arith.mulf %add3A_299, %mul3A_289 : vector<16xf32>
      %add3A_301 = arith.constant 0.999450147 : f32
      %add3A_302 = vector.broadcast %add3A_301 : f32 to vector<16xf32>
      %add3A_303 = arith.addf %mul3A_300, %add3A_302 : vector<16xf32>
      %mul3A_304 = arith.mulf %add3A_303, %sub3A : vector<16xf32>
      %mul3A_305 = arith.constant 1.90652154E-5 : f32
      %mul3A_306 = vector.broadcast %mul3A_305 : f32 to vector<16xf32>
      %mul3A_307 = arith.mulf %mul3A_306, %mul3A_289 : vector<16xf32>
      %add3A_308 = arith.constant -0.00134410686 : f32
      %add3A_309 = vector.broadcast %add3A_308 : f32 to vector<16xf32>
      %add3A_310 = arith.addf %mul3A_307, %add3A_309 : vector<16xf32>
      %mul3A_311 = arith.mulf %add3A_310, %mul3A_289 : vector<16xf32>
      %add3A_312 = arith.constant 0.0415223055 : f32
      %add3A_313 = vector.broadcast %add3A_312 : f32 to vector<16xf32>
      %add3A_314 = arith.addf %mul3A_311, %add3A_313 : vector<16xf32>
      %mul3A_315 = arith.mulf %add3A_314, %mul3A_289 : vector<16xf32>
      %add3A_316 = arith.constant -0.499837607 : f32
      %add3A_317 = vector.broadcast %add3A_316 : f32 to vector<16xf32>
      %add3A_318 = arith.addf %mul3A_315, %add3A_317 : vector<16xf32>
      %mul3A_319 = arith.mulf %add3A_318, %mul3A_289 : vector<16xf32>
      %add3A_320 = arith.constant 0.999971091 : f32
      %add3A_321 = vector.broadcast %add3A_320 : f32 to vector<16xf32>
      %add3A_322 = arith.addf %mul3A_319, %add3A_321 : vector<16xf32>
      %mul3A_323 = vector.broadcast %convert_element_type3A : f32 to vector<16xf32>
      %mul3A_324 = arith.mulf %get3A_10, %mul3A_323 : vector<16xf32>
      %mul3A_325 = arith.constant 0.159154937 : f32
      %mul3A_326 = vector.broadcast %mul3A_325 : f32 to vector<16xf32>
      %mul3A_327 = arith.mulf %mul3A_324, %mul3A_326 : vector<16xf32>
      %add3A_328 = arith.constant 5.000000e-01 : f32
      %add3A_329 = vector.broadcast %add3A_328 : f32 to vector<16xf32>
      %add3A_330 = arith.addf %mul3A_327, %add3A_329 : vector<16xf32>
      %convert_element_type3A_331 = arith.fptosi %add3A_330 : vector<16xf32> to vector<16xi32>
      %convert_element_type3A_332 = arith.sitofp %convert_element_type3A_331 : vector<16xi32> to vector<16xf32>
      %mul3A_333 = arith.constant 6.28318548 : f32
      %mul3A_334 = vector.broadcast %mul3A_333 : f32 to vector<16xf32>
      %mul3A_335 = arith.mulf %convert_element_type3A_332, %mul3A_334 : vector<16xf32>
      %sub3A_336 = arith.subf %mul3A_324, %mul3A_335 : vector<16xf32>
      %mul3A_337 = arith.mulf %sub3A_336, %sub3A_336 : vector<16xf32>
      %mul3A_338 = arith.constant -1.47740444E-4 : f32
      %mul3A_339 = vector.broadcast %mul3A_338 : f32 to vector<16xf32>
      %mul3A_340 = arith.mulf %mul3A_339, %mul3A_337 : vector<16xf32>
      %add3A_341 = arith.constant 0.00799857546 : f32
      %add3A_342 = vector.broadcast %add3A_341 : f32 to vector<16xf32>
      %add3A_343 = arith.addf %mul3A_340, %add3A_342 : vector<16xf32>
      %mul3A_344 = arith.mulf %add3A_343, %mul3A_337 : vector<16xf32>
      %add3A_345 = arith.constant -0.165838435 : f32
      %add3A_346 = vector.broadcast %add3A_345 : f32 to vector<16xf32>
      %add3A_347 = arith.addf %mul3A_344, %add3A_346 : vector<16xf32>
      %mul3A_348 = arith.mulf %add3A_347, %mul3A_337 : vector<16xf32>
      %add3A_349 = arith.constant 0.999450147 : f32
      %add3A_350 = vector.broadcast %add3A_349 : f32 to vector<16xf32>
      %add3A_351 = arith.addf %mul3A_348, %add3A_350 : vector<16xf32>
      %mul3A_352 = arith.mulf %add3A_351, %sub3A_336 : vector<16xf32>
      %mul3A_353 = arith.constant 1.90652154E-5 : f32
      %mul3A_354 = vector.broadcast %mul3A_353 : f32 to vector<16xf32>
      %mul3A_355 = arith.mulf %mul3A_354, %mul3A_337 : vector<16xf32>
      %add3A_356 = arith.constant -0.00134410686 : f32
      %add3A_357 = vector.broadcast %add3A_356 : f32 to vector<16xf32>
      %add3A_358 = arith.addf %mul3A_355, %add3A_357 : vector<16xf32>
      %mul3A_359 = arith.mulf %add3A_358, %mul3A_337 : vector<16xf32>
      %add3A_360 = arith.constant 0.0415223055 : f32
      %add3A_361 = vector.broadcast %add3A_360 : f32 to vector<16xf32>
      %add3A_362 = arith.addf %mul3A_359, %add3A_361 : vector<16xf32>
      %mul3A_363 = arith.mulf %add3A_362, %mul3A_337 : vector<16xf32>
      %add3A_364 = arith.constant -0.499837607 : f32
      %add3A_365 = vector.broadcast %add3A_364 : f32 to vector<16xf32>
      %add3A_366 = arith.addf %mul3A_363, %add3A_365 : vector<16xf32>
      %mul3A_367 = arith.mulf %add3A_366, %mul3A_337 : vector<16xf32>
      %add3A_368 = arith.constant 0.999971091 : f32
      %add3A_369 = vector.broadcast %add3A_368 : f32 to vector<16xf32>
      %add3A_370 = arith.addf %mul3A_367, %add3A_369 : vector<16xf32>
      %swap3A = arith.index_cast %scan3A_274 : i32 to index
      %swap3A_371 = arith.constant 0 : index
      %swap3A_372 = tpu.vector_load %arg8[%swap3A, %swap3A_371] {strides = array<i32>} : memref<64x16xf32, #tpu.memory_space<vmem>>, vector<1x16xf32>,
      %swap3A_373 = vector.shape_cast %swap3A_372 : vector<1x16xf32> to vector<16xf32>
      %swap3A_374 = vector.shape_cast %add3A_322 : vector<16xf32> to vector<1x16xf32>
      tpu.vector_store %arg8[%swap3A, %swap3A_371], %swap3A_374 {strides = array<i32>} : memref<64x16xf32, #tpu.memory_space<vmem>>, vector<1x16xf32>,
      %swap3A_375 = arith.index_cast %scan3A_274 : i32 to index
      %swap3A_376 = arith.constant 0 : index
      %swap3A_377 = tpu.vector_load %arg9[%swap3A_375, %swap3A_376] {strides = array<i32>} : memref<64x16xf32, #tpu.memory_space<vmem>>, vector<1x16xf32>,
      %swap3A_378 = vector.shape_cast %swap3A_377 : vector<1x16xf32> to vector<16xf32>
      %swap3A_379 = vector.shape_cast %mul3A_304 : vector<16xf32> to vector<1x16xf32>
      tpu.vector_store %arg9[%swap3A_375, %swap3A_376], %swap3A_379 {strides = array<i32>} : memref<64x16xf32, #tpu.memory_space<vmem>>, vector<1x16xf32>,
      %swap3A_380 = arith.index_cast %scan3A_274 : i32 to index
      %swap3A_381 = arith.constant 0 : index
      %swap3A_382 = tpu.vector_load %arg10[%swap3A_380, %swap3A_381] {strides = array<i32>} : memref<64x16xf32, #tpu.memory_space<vmem>>, vector<1x16xf32>,
      %swap3A_383 = vector.shape_cast %swap3A_382 : vector<1x16xf32> to vector<16xf32>
      %swap3A_384 = vector.shape_cast %add3A_370 : vector<16xf32> to vector<1x16xf32>
      tpu.vector_store %arg10[%swap3A_380, %swap3A_381], %swap3A_384 {strides = array<i32>} : memref<64x16xf32, #tpu.memory_space<vmem>>, vector<1x16xf32>,
      %swap3A_385 = arith.index_cast %scan3A_274 : i32 to index
      %swap3A_386 = arith.constant 0 : index
      %swap3A_387 = tpu.vector_load %arg11[%swap3A_385, %swap3A_386] {strides = array<i32>} : memref<64x16xf32, #tpu.memory_space<vmem>>, vector<1x16xf32>,
      %swap3A_388 = vector.shape_cast %swap3A_387 : vector<1x16xf32> to vector<16xf32>
      %swap3A_389 = vector.shape_cast %mul3A_352 : vector<16xf32> to vector<1x16xf32>
      tpu.vector_store %arg11[%swap3A_385, %swap3A_386], %swap3A_389 {strides = array<i32>} : memref<64x16xf32, #tpu.memory_space<vmem>>, vector<1x16xf32>,
      %scan3A_390 = arith.constant 0 : i32
      scf.yield %scan3A_390 : i32
    }
    %scan3A_16 = arith.constant 64 : i32
    %dma_wait3A = arith.constant 0 : i32
    %dma_wait3A_17 = tpu.memref_slice %arg3[%add3A, %dma_wait3A] : memref<32x512xi32, #tpu.memory_space<hbm>> -> memref<1x512xi32, #tpu.memory_space<hbm>>
    %dma_wait3A_18 = tpu.memref_squeeze %dma_wait3A_17 : memref<1x512xi32, #tpu.memory_space<hbm>> -> memref<512xi32, #tpu.memory_space<hbm>>
    %dma_wait3A_19 = arith.constant 0 : i32
    %dma_wait3A_20 = tpu.memref_slice %arg3[%add3A, %dma_wait3A_19] : memref<32x512xi32, #tpu.memory_space<hbm>> -> memref<1x512xi32, #tpu.memory_space<hbm>>
    %dma_wait3A_21 = tpu.memref_squeeze %dma_wait3A_20 : memref<1x512xi32, #tpu.memory_space<hbm>> -> memref<512xi32, #tpu.memory_space<hbm>>
    tpu.wait_dma2 semaphore(%arg14 : memref<!tpu.dma_semaphore, #tpu.memory_space<semaphore_mem>>) src(%dma_wait3A_21 : memref<512xi32, #tpu.memory_space<hbm>>) dst(%arg6 : memref<512xi32, #tpu.memory_space<vmem>>)
    %scan3A_22 = arith.constant 0 : i32
    %scan3A_23 = arith.constant 0 : i32
    %scan3A_24 = arith.constant 8 : i32
    %scan3A_25 = arith.addi %scan3A_23, %scan3A_24 : i32
    %scan3A_26 = arith.constant 1 : i32
    %scan3A_27 = scf.for %scan3A_274 = %scan3A_23 to %scan3A_25 step %scan3A_26 iter_args(%scan3A_275 = %scan3A_22) -> (i32)  : i32 {
      %mul3A_276 = arith.constant 16 : i32
      %mul3A_277 = arith.muli %scan3A_274, %mul3A_276 : i32
      %get3A_278 = arith.index_cast %mul3A_277 : i32 to index
      %get3A_279 = tpu.vector_load %arg6[%get3A_278] {strides = array<i32>} : memref<512xi32, #tpu.memory_space<vmem>>, vector<16xi32>,
      %get3A_280 = vector.shape_cast %get3A_279 : vector<16xi32> to vector<16xi32>
      %shift_right_logical3A = arith.constant 6 : i32
      %shift_right_logical3A_281 = vector.broadcast %shift_right_logical3A : i32 to vector<16xi32>
      %shift_right_logical3A_282 = arith.shrui %get3A_280, %shift_right_logical3A_281 : vector<16xi32>
      %and3A = arith.constant 63 : i32
      %and3A_283 = vector.broadcast %and3A : i32 to vector<16xi32>
      %and3A_284 = arith.andi %get3A_280, %and3A_283 : vector<16xi32>
      %add3A_285 = arith.constant 0 : i32
      %add3A_286 = arith.addi %mul3A_277, %add3A_285 : i32
      %slice3A = vector.extract_strided_slice %shift_right_logical3A_282 {offsets = [0], sizes = [1], strides = [1]} : vector<16xi32> to vector<1xi32>
      %squeeze3A = vector.extract %slice3A[0] : i32 from vector<1xi32>
      %slice3A_287 = vector.extract_strided_slice %and3A_284 {offsets = [0], sizes = [1], strides = [1]} : vector<16xi32> to vector<1xi32>
      %squeeze3A_288 = vector.extract %slice3A_287[0] : i32 from vector<1xi32>
      %get3A_289 = arith.index_cast %squeeze3A : i32 to index
      %get3A_290 = arith.constant 0 : index
      %get3A_291 = tpu.vector_load %arg8[%get3A_289, %get3A_290] {strides = array<i32>} : memref<64x16xf32, #tpu.memory_space<vmem>>, vector<1x16xf32>,
      %get3A_292 = vector.shape_cast %get3A_291 : vector<1x16xf32> to vector<16xf32>
      %get3A_293 = arith.index_cast %squeeze3A_288 : i32 to index
      %get3A_294 = arith.constant 0 : index
      %get3A_295 = tpu.vector_load %arg10[%get3A_293, %get3A_294] {strides = array<i32>} : memref<64x16xf32, #tpu.memory_space<vmem>>, vector<1x16xf32>,
      %get3A_296 = vector.shape_cast %get3A_295 : vector<1x16xf32> to vector<16xf32>
      %get3A_297 = arith.index_cast %squeeze3A : i32 to index
      %get3A_298 = arith.constant 0 : index
      %get3A_299 = tpu.vector_load %arg9[%get3A_297, %get3A_298] {strides = array<i32>} : memref<64x16xf32, #tpu.memory_space<vmem>>, vector<1x16xf32>,
      %get3A_300 = vector.shape_cast %get3A_299 : vector<1x16xf32> to vector<16xf32>
      %get3A_301 = arith.index_cast %squeeze3A_288 : i32 to index
      %get3A_302 = arith.constant 0 : index
      %get3A_303 = tpu.vector_load %arg11[%get3A_301, %get3A_302] {strides = array<i32>} : memref<64x16xf32, #tpu.memory_space<vmem>>, vector<1x16xf32>,
      %get3A_304 = vector.shape_cast %get3A_303 : vector<1x16xf32> to vector<16xf32>
      %swap3A = arith.index_cast %add3A_286 : i32 to index
      %swap3A_305 = arith.constant 0 : index
      %swap3A_306 = tpu.vector_load %arg12[%swap3A, %swap3A_305] {strides = array<i32>} : memref<512x64xf32, #tpu.memory_space<vmem>>, vector<1x16xf32>,
      %swap3A_307 = vector.shape_cast %swap3A_306 : vector<1x16xf32> to vector<16xf32>
      %swap3A_308 = vector.shape_cast %get3A_292 : vector<16xf32> to vector<1x16xf32>
      tpu.vector_store %arg12[%swap3A, %swap3A_305], %swap3A_308 {strides = array<i32>} : memref<512x64xf32, #tpu.memory_space<vmem>>, vector<1x16xf32>,
      %swap3A_309 = arith.index_cast %add3A_286 : i32 to index
      %swap3A_310 = arith.constant 16 : index
      %swap3A_311 = tpu.vector_load %arg12[%swap3A_309, %swap3A_310] {strides = array<i32>} : memref<512x64xf32, #tpu.memory_space<vmem>>, vector<1x16xf32>,
      %swap3A_312 = vector.shape_cast %swap3A_311 : vector<1x16xf32> to vector<16xf32>
      %swap3A_313 = vector.shape_cast %get3A_296 : vector<16xf32> to vector<1x16xf32>
      tpu.vector_store %arg12[%swap3A_309, %swap3A_310], %swap3A_313 {strides = array<i32>} : memref<512x64xf32, #tpu.memory_space<vmem>>, vector<1x16xf32>,
      %swap3A_314 = arith.index_cast %add3A_286 : i32 to index
      %swap3A_315 = arith.constant 32 : index
      %swap3A_316 = tpu.vector_load %arg12[%swap3A_314, %swap3A_315] {strides = array<i32>} : memref<512x64xf32, #tpu.memory_space<vmem>>, vector<1x16xf32>,
      %swap3A_317 = vector.shape_cast %swap3A_316 : vector<1x16xf32> to vector<16xf32>
      %swap3A_318 = vector.shape_cast %get3A_292 : vector<16xf32> to vector<1x16xf32>
      tpu.vector_store %arg12[%swap3A_314, %swap3A_315], %swap3A_318 {strides = array<i32>} : memref<512x64xf32, #tpu.memory_space<vmem>>, vector<1x16xf32>,
      %swap3A_319 = arith.index_cast %add3A_286 : i32 to index
      %swap3A_320 = arith.constant 48 : index
      %swap3A_321 = tpu.vector_load %arg12[%swap3A_319, %swap3A_320] {strides = array<i32>} : memref<512x64xf32, #tpu.memory_space<vmem>>, vector<1x16xf32>,
      %swap3A_322 = vector.shape_cast %swap3A_321 : vector<1x16xf32> to vector<16xf32>
      %swap3A_323 = vector.shape_cast %get3A_296 : vector<16xf32> to vector<1x16xf32>
      tpu.vector_store %arg12[%swap3A_319, %swap3A_320], %swap3A_323 {strides = array<i32>} : memref<512x64xf32, #tpu.memory_space<vmem>>, vector<1x16xf32>,
      %swap3A_324 = arith.index_cast %add3A_286 : i32 to index
      %swap3A_325 = arith.constant 0 : index
      %swap3A_326 = tpu.vector_load %arg13[%swap3A_324, %swap3A_325] {strides = array<i32>} : memref<512x64xf32, #tpu.memory_space<vmem>>, vector<1x16xf32>,
      %swap3A_327 = vector.shape_cast %swap3A_326 : vector<1x16xf32> to vector<16xf32>
      %swap3A_328 = vector.shape_cast %get3A_300 : vector<16xf32> to vector<1x16xf32>
      tpu.vector_store %arg13[%swap3A_324, %swap3A_325], %swap3A_328 {strides = array<i32>} : memref<512x64xf32, #tpu.memory_space<vmem>>, vector<1x16xf32>,
      %swap3A_329 = arith.index_cast %add3A_286 : i32 to index
      %swap3A_330 = arith.constant 16 : index
      %swap3A_331 = tpu.vector_load %arg13[%swap3A_329, %swap3A_330] {strides = array<i32>} : memref<512x64xf32, #tpu.memory_space<vmem>>, vector<1x16xf32>,
      %swap3A_332 = vector.shape_cast %swap3A_331 : vector<1x16xf32> to vector<16xf32>
      %swap3A_333 = vector.shape_cast %get3A_304 : vector<16xf32> to vector<1x16xf32>
      tpu.vector_store %arg13[%swap3A_329, %swap3A_330], %swap3A_333 {strides = array<i32>} : memref<512x64xf32, #tpu.memory_space<vmem>>, vector<1x16xf32>,
      %swap3A_334 = arith.index_cast %add3A_286 : i32 to index
      %swap3A_335 = arith.constant 32 : index
      %swap3A_336 = tpu.vector_load %arg13[%swap3A_334, %swap3A_335] {strides = array<i32>} : memref<512x64xf32, #tpu.memory_space<vmem>>, vector<1x16xf32>,
      %swap3A_337 = vector.shape_cast %swap3A_336 : vector<1x16xf32> to vector<16xf32>
      %swap3A_338 = vector.shape_cast %get3A_300 : vector<16xf32> to vector<1x16xf32>
      tpu.vector_store %arg13[%swap3A_334, %swap3A_335], %swap3A_338 {strides = array<i32>} : memref<512x64xf32, #tpu.memory_space<vmem>>, vector<1x16xf32>,
      %swap3A_339 = arith.index_cast %add3A_286 : i32 to index
      %swap3A_340 = arith.constant 48 : index
      %swap3A_341 = tpu.vector_load %arg13[%swap3A_339, %swap3A_340] {strides = array<i32>} : memref<512x64xf32, #tpu.memory_space<vmem>>, vector<1x16xf32>,
      %swap3A_342 = vector.shape_cast %swap3A_341 : vector<1x16xf32> to vector<16xf32>
      %swap3A_343 = vector.shape_cast %get3A_304 : vector<16xf32> to vector<1x16xf32>
      tpu.vector_store %arg13[%swap3A_339, %swap3A_340], %swap3A_343 {strides = array<i32>} : memref<512x64xf32, #tpu.memory_space<vmem>>, vector<1x16xf32>,
      %add3A_344 = arith.constant 1 : i32
      %add3A_345 = arith.addi %mul3A_277, %add3A_344 : i32
      %slice3A_346 = vector.extract_strided_slice %shift_right_logical3A_282 {offsets = [1], sizes = [1], strides = [1]} : vector<16xi32> to vector<1xi32>
      %squeeze3A_347 = vector.extract %slice3A_346[0] : i32 from vector<1xi32>
      %slice3A_348 = vector.extract_strided_slice %and3A_284 {offsets = [1], sizes = [1], strides = [1]} : vector<16xi32> to vector<1xi32>
      %squeeze3A_349 = vector.extract %slice3A_348[0] : i32 from vector<1xi32>
      %get3A_350 = arith.index_cast %squeeze3A_347 : i32 to index
      %get3A_351 = arith.constant 0 : index
      %get3A_352 = tpu.vector_load %arg8[%get3A_350, %get3A_351] {strides = array<i32>} : memref<64x16xf32, #tpu.memory_space<vmem>>, vector<1x16xf32>,
      %get3A_353 = vector.shape_cast %get3A_352 : vector<1x16xf32> to vector<16xf32>
      %get3A_354 = arith.index_cast %squeeze3A_349 : i32 to index
      %get3A_355 = arith.constant 0 : index
      %get3A_356 = tpu.vector_load %arg10[%get3A_354, %get3A_355] {strides = array<i32>} : memref<64x16xf32, #tpu.memory_space<vmem>>, vector<1x16xf32>,
      %get3A_357 = vector.shape_cast %get3A_356 : vector<1x16xf32> to vector<16xf32>
      %get3A_358 = arith.index_cast %squeeze3A_347 : i32 to index
      %get3A_359 = arith.constant 0 : index
      %get3A_360 = tpu.vector_load %arg9[%get3A_358, %get3A_359] {strides = array<i32>} : memref<64x16xf32, #tpu.memory_space<vmem>>, vector<1x16xf32>,
      %get3A_361 = vector.shape_cast %get3A_360 : vector<1x16xf32> to vector<16xf32>
      %get3A_362 = arith.index_cast %squeeze3A_349 : i32 to index
      %get3A_363 = arith.constant 0 : index
      %get3A_364 = tpu.vector_load %arg11[%get3A_362, %get3A_363] {strides = array<i32>} : memref<64x16xf32, #tpu.memory_space<vmem>>, vector<1x16xf32>,
      %get3A_365 = vector.shape_cast %get3A_364 : vector<1x16xf32> to vector<16xf32>
      %swap3A_366 = arith.index_cast %add3A_345 : i32 to index
      %swap3A_367 = arith.constant 0 : index
      %swap3A_368 = tpu.vector_load %arg12[%swap3A_366, %swap3A_367] {strides = array<i32>} : memref<512x64xf32, #tpu.memory_space<vmem>>, vector<1x16xf32>,
      %swap3A_369 = vector.shape_cast %swap3A_368 : vector<1x16xf32> to vector<16xf32>
      %swap3A_370 = vector.shape_cast %get3A_353 : vector<16xf32> to vector<1x16xf32>
      tpu.vector_store %arg12[%swap3A_366, %swap3A_367], %swap3A_370 {strides = array<i32>} : memref<512x64xf32, #tpu.memory_space<vmem>>, vector<1x16xf32>,
      %swap3A_371 = arith.index_cast %add3A_345 : i32 to index
      %swap3A_372 = arith.constant 16 : index
      %swap3A_373 = tpu.vector_load %arg12[%swap3A_371, %swap3A_372] {strides = array<i32>} : memref<512x64xf32, #tpu.memory_space<vmem>>, vector<1x16xf32>,
      %swap3A_374 = vector.shape_cast %swap3A_373 : vector<1x16xf32> to vector<16xf32>
      %swap3A_375 = vector.shape_cast %get3A_357 : vector<16xf32> to vector<1x16xf32>
      tpu.vector_store %arg12[%swap3A_371, %swap3A_372], %swap3A_375 {strides = array<i32>} : memref<512x64xf32, #tpu.memory_space<vmem>>, vector<1x16xf32>,
      %swap3A_376 = arith.index_cast %add3A_345 : i32 to index
      %swap3A_377 = arith.constant 32 : index
      %swap3A_378 = tpu.vector_load %arg12[%swap3A_376, %swap3A_377] {strides = array<i32>} : memref<512x64xf32, #tpu.memory_space<vmem>>, vector<1x16xf32>,
      %swap3A_379 = vector.shape_cast %swap3A_378 : vector<1x16xf32> to vector<16xf32>
      %swap3A_380 = vector.shape_cast %get3A_353 : vector<16xf32> to vector<1x16xf32>
      tpu.vector_store %arg12[%swap3A_376, %swap3A_377], %swap3A_380 {strides = array<i32>} : memref<512x64xf32, #tpu.memory_space<vmem>>, vector<1x16xf32>,
      %swap3A_381 = arith.index_cast %add3A_345 : i32 to index
      %swap3A_382 = arith.constant 48 : index
      %swap3A_383 = tpu.vector_load %arg12[%swap3A_381, %swap3A_382] {strides = array<i32>} : memref<512x64xf32, #tpu.memory_space<vmem>>, vector<1x16xf32>,
      %swap3A_384 = vector.shape_cast %swap3A_383 : vector<1x16xf32> to vector<16xf32>
      %swap3A_385 = vector.shape_cast %get3A_357 : vector<16xf32> to vector<1x16xf32>
      tpu.vector_store %arg12[%swap3A_381, %swap3A_382], %swap3A_385 {strides = array<i32>} : memref<512x64xf32, #tpu.memory_space<vmem>>, vector<1x16xf32>,
      %swap3A_386 = arith.index_cast %add3A_345 : i32 to index
      %swap3A_387 = arith.constant 0 : index
      %swap3A_388 = tpu.vector_load %arg13[%swap3A_386, %swap3A_387] {strides = array<i32>} : memref<512x64xf32, #tpu.memory_space<vmem>>, vector<1x16xf32>,
      %swap3A_389 = vector.shape_cast %swap3A_388 : vector<1x16xf32> to vector<16xf32>
      %swap3A_390 = vector.shape_cast %get3A_361 : vector<16xf32> to vector<1x16xf32>
      tpu.vector_store %arg13[%swap3A_386, %swap3A_387], %swap3A_390 {strides = array<i32>} : memref<512x64xf32, #tpu.memory_space<vmem>>, vector<1x16xf32>,
      %swap3A_391 = arith.index_cast %add3A_345 : i32 to index
      %swap3A_392 = arith.constant 16 : index
      %swap3A_393 = tpu.vector_load %arg13[%swap3A_391, %swap3A_392] {strides = array<i32>} : memref<512x64xf32, #tpu.memory_space<vmem>>, vector<1x16xf32>,
      %swap3A_394 = vector.shape_cast %swap3A_393 : vector<1x16xf32> to vector<16xf32>
      %swap3A_395 = vector.shape_cast %get3A_365 : vector<16xf32> to vector<1x16xf32>
      tpu.vector_store %arg13[%swap3A_391, %swap3A_392], %swap3A_395 {strides = array<i32>} : memref<512x64xf32, #tpu.memory_space<vmem>>, vector<1x16xf32>,
      %swap3A_396 = arith.index_cast %add3A_345 : i32 to index
      %swap3A_397 = arith.constant 32 : index
      %swap3A_398 = tpu.vector_load %arg13[%swap3A_396, %swap3A_397] {strides = array<i32>} : memref<512x64xf32, #tpu.memory_space<vmem>>, vector<1x16xf32>,
      %swap3A_399 = vector.shape_cast %swap3A_398 : vector<1x16xf32> to vector<16xf32>
      %swap3A_400 = vector.shape_cast %get3A_361 : vector<16xf32> to vector<1x16xf32>
      tpu.vector_store %arg13[%swap3A_396, %swap3A_397], %swap3A_400 {strides = array<i32>} : memref<512x64xf32, #tpu.memory_space<vmem>>, vector<1x16xf32>,
      %swap3A_401 = arith.index_cast %add3A_345 : i32 to index
      %swap3A_402 = arith.constant 48 : index
      %swap3A_403 = tpu.vector_load %arg13[%swap3A_401, %swap3A_402] {strides = array<i32>} : memref<512x64xf32, #tpu.memory_space<vmem>>, vector<1x16xf32>,
      %swap3A_404 = vector.shape_cast %swap3A_403 : vector<1x16xf32> to vector<16xf32>
      %swap3A_405 = vector.shape_cast %get3A_365 : vector<16xf32> to vector<1x16xf32>
      tpu.vector_store %arg13[%swap3A_401, %swap3A_402], %swap3A_405 {strides = array<i32>} : memref<512x64xf32, #tpu.memory_space<vmem>>, vector<1x16xf32>,
      %add3A_406 = arith.constant 2 : i32
      %add3A_407 = arith.addi %mul3A_277, %add3A_406 : i32
      %slice3A_408 = vector.extract_strided_slice %shift_right_logical3A_282 {offsets = [2], sizes = [1], strides = [1]} : vector<16xi32> to vector<1xi32>
      %squeeze3A_409 = vector.extract %slice3A_408[0] : i32 from vector<1xi32>
      %slice3A_410 = vector.extract_strided_slice %and3A_284 {offsets = [2], sizes = [1], strides = [1]} : vector<16xi32> to vector<1xi32>
      %squeeze3A_411 = vector.extract %slice3A_410[0] : i32 from vector<1xi32>
      %get3A_412 = arith.index_cast %squeeze3A_409 : i32 to index
      %get3A_413 = arith.constant 0 : index
      %get3A_414 = tpu.vector_load %arg8[%get3A_412, %get3A_413] {strides = array<i32>} : memref<64x16xf32, #tpu.memory_space<vmem>>, vector<1x16xf32>,
      %get3A_415 = vector.shape_cast %get3A_414 : vector<1x16xf32> to vector<16xf32>
      %get3A_416 = arith.index_cast %squeeze3A_411 : i32 to index
      %get3A_417 = arith.constant 0 : index
      %get3A_418 = tpu.vector_load %arg10[%get3A_416, %get3A_417] {strides = array<i32>} : memref<64x16xf32, #tpu.memory_space<vmem>>, vector<1x16xf32>,
      %get3A_419 = vector.shape_cast %get3A_418 : vector<1x16xf32> to vector<16xf32>
      %get3A_420 = arith.index_cast %squeeze3A_409 : i32 to index
      %get3A_421 = arith.constant 0 : index
      %get3A_422 = tpu.vector_load %arg9[%get3A_420, %get3A_421] {strides = array<i32>} : memref<64x16xf32, #tpu.memory_space<vmem>>, vector<1x16xf32>,
      %get3A_423 = vector.shape_cast %get3A_422 : vector<1x16xf32> to vector<16xf32>
      %get3A_424 = arith.index_cast %squeeze3A_411 : i32 to index
      %get3A_425 = arith.constant 0 : index
      %get3A_426 = tpu.vector_load %arg11[%get3A_424, %get3A_425] {strides = array<i32>} : memref<64x16xf32, #tpu.memory_space<vmem>>, vector<1x16xf32>,
      %get3A_427 = vector.shape_cast %get3A_426 : vector<1x16xf32> to vector<16xf32>
      %swap3A_428 = arith.index_cast %add3A_407 : i32 to index
      %swap3A_429 = arith.constant 0 : index
      %swap3A_430 = tpu.vector_load %arg12[%swap3A_428, %swap3A_429] {strides = array<i32>} : memref<512x64xf32, #tpu.memory_space<vmem>>, vector<1x16xf32>,
      %swap3A_431 = vector.shape_cast %swap3A_430 : vector<1x16xf32> to vector<16xf32>
      %swap3A_432 = vector.shape_cast %get3A_415 : vector<16xf32> to vector<1x16xf32>
      tpu.vector_store %arg12[%swap3A_428, %swap3A_429], %swap3A_432 {strides = array<i32>} : memref<512x64xf32, #tpu.memory_space<vmem>>, vector<1x16xf32>,
      %swap3A_433 = arith.index_cast %add3A_407 : i32 to index
      %swap3A_434 = arith.constant 16 : index
      %swap3A_435 = tpu.vector_load %arg12[%swap3A_433, %swap3A_434] {strides = array<i32>} : memref<512x64xf32, #tpu.memory_space<vmem>>, vector<1x16xf32>,
      %swap3A_436 = vector.shape_cast %swap3A_435 : vector<1x16xf32> to vector<16xf32>
      %swap3A_437 = vector.shape_cast %get3A_419 : vector<16xf32> to vector<1x16xf32>
      tpu.vector_store %arg12[%swap3A_433, %swap3A_434], %swap3A_437 {strides = array<i32>} : memref<512x64xf32, #tpu.memory_space<vmem>>, vector<1x16xf32>,
      %swap3A_438 = arith.index_cast %add3A_407 : i32 to index
      %swap3A_439 = arith.constant 32 : index
      %swap3A_440 = tpu.vector_load %arg12[%swap3A_438, %swap3A_439] {strides = array<i32>} : memref<512x64xf32, #tpu.memory_space<vmem>>, vector<1x16xf32>,
      %swap3A_441 = vector.shape_cast %swap3A_440 : vector<1x16xf32> to vector<16xf32>
      %swap3A_442 = vector.shape_cast %get3A_415 : vector<16xf32> to vector<1x16xf32>
      tpu.vector_store %arg12[%swap3A_438, %swap3A_439], %swap3A_442 {strides = array<i32>} : memref<512x64xf32, #tpu.memory_space<vmem>>, vector<1x16xf32>,
      %swap3A_443 = arith.index_cast %add3A_407 : i32 to index
      %swap3A_444 = arith.constant 48 : index
      %swap3A_445 = tpu.vector_load %arg12[%swap3A_443, %swap3A_444] {strides = array<i32>} : memref<512x64xf32, #tpu.memory_space<vmem>>, vector<1x16xf32>,
      %swap3A_446 = vector.shape_cast %swap3A_445 : vector<1x16xf32> to vector<16xf32>
      %swap3A_447 = vector.shape_cast %get3A_419 : vector<16xf32> to vector<1x16xf32>
      tpu.vector_store %arg12[%swap3A_443, %swap3A_444], %swap3A_447 {strides = array<i32>} : memref<512x64xf32, #tpu.memory_space<vmem>>, vector<1x16xf32>,
      %swap3A_448 = arith.index_cast %add3A_407 : i32 to index
      %swap3A_449 = arith.constant 0 : index
      %swap3A_450 = tpu.vector_load %arg13[%swap3A_448, %swap3A_449] {strides = array<i32>} : memref<512x64xf32, #tpu.memory_space<vmem>>, vector<1x16xf32>,
      %swap3A_451 = vector.shape_cast %swap3A_450 : vector<1x16xf32> to vector<16xf32>
      %swap3A_452 = vector.shape_cast %get3A_423 : vector<16xf32> to vector<1x16xf32>
      tpu.vector_store %arg13[%swap3A_448, %swap3A_449], %swap3A_452 {strides = array<i32>} : memref<512x64xf32, #tpu.memory_space<vmem>>, vector<1x16xf32>,
      %swap3A_453 = arith.index_cast %add3A_407 : i32 to index
      %swap3A_454 = arith.constant 16 : index
      %swap3A_455 = tpu.vector_load %arg13[%swap3A_453, %swap3A_454] {strides = array<i32>} : memref<512x64xf32, #tpu.memory_space<vmem>>, vector<1x16xf32>,
      %swap3A_456 = vector.shape_cast %swap3A_455 : vector<1x16xf32> to vector<16xf32>
      %swap3A_457 = vector.shape_cast %get3A_427 : vector<16xf32> to vector<1x16xf32>
      tpu.vector_store %arg13[%swap3A_453, %swap3A_454], %swap3A_457 {strides = array<i32>} : memref<512x64xf32, #tpu.memory_space<vmem>>, vector<1x16xf32>,
      %swap3A_458 = arith.index_cast %add3A_407 : i32 to index
      %swap3A_459 = arith.constant 32 : index
      %swap3A_460 = tpu.vector_load %arg13[%swap3A_458, %swap3A_459] {strides = array<i32>} : memref<512x64xf32, #tpu.memory_space<vmem>>, vector<1x16xf32>,
      %swap3A_461 = vector.shape_cast %swap3A_460 : vector<1x16xf32> to vector<16xf32>
      %swap3A_462 = vector.shape_cast %get3A_423 : vector<16xf32> to vector<1x16xf32>
      tpu.vector_store %arg13[%swap3A_458, %swap3A_459], %swap3A_462 {strides = array<i32>} : memref<512x64xf32, #tpu.memory_space<vmem>>, vector<1x16xf32>,
      %swap3A_463 = arith.index_cast %add3A_407 : i32 to index
      %swap3A_464 = arith.constant 48 : index
      %swap3A_465 = tpu.vector_load %arg13[%swap3A_463, %swap3A_464] {strides = array<i32>} : memref<512x64xf32, #tpu.memory_space<vmem>>, vector<1x16xf32>,
      %swap3A_466 = vector.shape_cast %swap3A_465 : vector<1x16xf32> to vector<16xf32>
      %swap3A_467 = vector.shape_cast %get3A_427 : vector<16xf32> to vector<1x16xf32>
      tpu.vector_store %arg13[%swap3A_463, %swap3A_464], %swap3A_467 {strides = array<i32>} : memref<512x64xf32, #tpu.memory_space<vmem>>, vector<1x16xf32>,
      %add3A_468 = arith.constant 3 : i32
      %add3A_469 = arith.addi %mul3A_277, %add3A_468 : i32
      %slice3A_470 = vector.extract_strided_slice %shift_right_logical3A_282 {offsets = [3], sizes = [1], strides = [1]} : vector<16xi32> to vector<1xi32>
      %squeeze3A_471 = vector.extract %slice3A_470[0] : i32 from vector<1xi32>
      %slice3A_472 = vector.extract_strided_slice %and3A_284 {offsets = [3], sizes = [1], strides = [1]} : vector<16xi32> to vector<1xi32>
      %squeeze3A_473 = vector.extract %slice3A_472[0] : i32 from vector<1xi32>
      %get3A_474 = arith.index_cast %squeeze3A_471 : i32 to index
      %get3A_475 = arith.constant 0 : index
      %get3A_476 = tpu.vector_load %arg8[%get3A_474, %get3A_475] {strides = array<i32>} : memref<64x16xf32, #tpu.memory_space<vmem>>, vector<1x16xf32>,
      %get3A_477 = vector.shape_cast %get3A_476 : vector<1x16xf32> to vector<16xf32>
      %get3A_478 = arith.index_cast %squeeze3A_473 : i32 to index
      %get3A_479 = arith.constant 0 : index
      %get3A_480 = tpu.vector_load %arg10[%get3A_478, %get3A_479] {strides = array<i32>} : memref<64x16xf32, #tpu.memory_space<vmem>>, vector<1x16xf32>,
      %get3A_481 = vector.shape_cast %get3A_480 : vector<1x16xf32> to vector<16xf32>
      %get3A_482 = arith.index_cast %squeeze3A_471 : i32 to index
      %get3A_483 = arith.constant 0 : index
      %get3A_484 = tpu.vector_load %arg9[%get3A_482, %get3A_483] {strides = array<i32>} : memref<64x16xf32, #tpu.memory_space<vmem>>, vector<1x16xf32>,
      %get3A_485 = vector.shape_cast %get3A_484 : vector<1x16xf32> to vector<16xf32>
      %get3A_486 = arith.index_cast %squeeze3A_473 : i32 to index
      %get3A_487 = arith.constant 0 : index
      %get3A_488 = tpu.vector_load %arg11[%get3A_486, %get3A_487] {strides = array<i32>} : memref<64x16xf32, #tpu.memory_space<vmem>>, vector<1x16xf32>,
      %get3A_489 = vector.shape_cast %get3A_488 : vector<1x16xf32> to vector<16xf32>
      %swap3A_490 = arith.index_cast %add3A_469 : i32 to index
      %swap3A_491 = arith.constant 0 : index
      %swap3A_492 = tpu.vector_load %arg12[%swap3A_490, %swap3A_491] {strides = array<i32>} : memref<512x64xf32, #tpu.memory_space<vmem>>, vector<1x16xf32>,
      %swap3A_493 = vector.shape_cast %swap3A_492 : vector<1x16xf32> to vector<16xf32>
      %swap3A_494 = vector.shape_cast %get3A_477 : vector<16xf32> to vector<1x16xf32>
      tpu.vector_store %arg12[%swap3A_490, %swap3A_491], %swap3A_494 {strides = array<i32>} : memref<512x64xf32, #tpu.memory_space<vmem>>, vector<1x16xf32>,
      %swap3A_495 = arith.index_cast %add3A_469 : i32 to index
      %swap3A_496 = arith.constant 16 : index
      %swap3A_497 = tpu.vector_load %arg12[%swap3A_495, %swap3A_496] {strides = array<i32>} : memref<512x64xf32, #tpu.memory_space<vmem>>, vector<1x16xf32>,
      %swap3A_498 = vector.shape_cast %swap3A_497 : vector<1x16xf32> to vector<16xf32>
      %swap3A_499 = vector.shape_cast %get3A_481 : vector<16xf32> to vector<1x16xf32>
      tpu.vector_store %arg12[%swap3A_495, %swap3A_496], %swap3A_499 {strides = array<i32>} : memref<512x64xf32, #tpu.memory_space<vmem>>, vector<1x16xf32>,
      %swap3A_500 = arith.index_cast %add3A_469 : i32 to index
      %swap3A_501 = arith.constant 32 : index
      %swap3A_502 = tpu.vector_load %arg12[%swap3A_500, %swap3A_501] {strides = array<i32>} : memref<512x64xf32, #tpu.memory_space<vmem>>, vector<1x16xf32>,
      %swap3A_503 = vector.shape_cast %swap3A_502 : vector<1x16xf32> to vector<16xf32>
      %swap3A_504 = vector.shape_cast %get3A_477 : vector<16xf32> to vector<1x16xf32>
      tpu.vector_store %arg12[%swap3A_500, %swap3A_501], %swap3A_504 {strides = array<i32>} : memref<512x64xf32, #tpu.memory_space<vmem>>, vector<1x16xf32>,
      %swap3A_505 = arith.index_cast %add3A_469 : i32 to index
      %swap3A_506 = arith.constant 48 : index
      %swap3A_507 = tpu.vector_load %arg12[%swap3A_505, %swap3A_506] {strides = array<i32>} : memref<512x64xf32, #tpu.memory_space<vmem>>, vector<1x16xf32>,
      %swap3A_508 = vector.shape_cast %swap3A_507 : vector<1x16xf32> to vector<16xf32>
      %swap3A_509 = vector.shape_cast %get3A_481 : vector<16xf32> to vector<1x16xf32>
      tpu.vector_store %arg12[%swap3A_505, %swap3A_506], %swap3A_509 {strides = array<i32>} : memref<512x64xf32, #tpu.memory_space<vmem>>, vector<1x16xf32>,
      %swap3A_510 = arith.index_cast %add3A_469 : i32 to index
      %swap3A_511 = arith.constant 0 : index
      %swap3A_512 = tpu.vector_load %arg13[%swap3A_510, %swap3A_511] {strides = array<i32>} : memref<512x64xf32, #tpu.memory_space<vmem>>, vector<1x16xf32>,
      %swap3A_513 = vector.shape_cast %swap3A_512 : vector<1x16xf32> to vector<16xf32>
      %swap3A_514 = vector.shape_cast %get3A_485 : vector<16xf32> to vector<1x16xf32>
      tpu.vector_store %arg13[%swap3A_510, %swap3A_511], %swap3A_514 {strides = array<i32>} : memref<512x64xf32, #tpu.memory_space<vmem>>, vector<1x16xf32>,
      %swap3A_515 = arith.index_cast %add3A_469 : i32 to index
      %swap3A_516 = arith.constant 16 : index
      %swap3A_517 = tpu.vector_load %arg13[%swap3A_515, %swap3A_516] {strides = array<i32>} : memref<512x64xf32, #tpu.memory_space<vmem>>, vector<1x16xf32>,
      %swap3A_518 = vector.shape_cast %swap3A_517 : vector<1x16xf32> to vector<16xf32>
      %swap3A_519 = vector.shape_cast %get3A_489 : vector<16xf32> to vector<1x16xf32>
      tpu.vector_store %arg13[%swap3A_515, %swap3A_516], %swap3A_519 {strides = array<i32>} : memref<512x64xf32, #tpu.memory_space<vmem>>, vector<1x16xf32>,
      %swap3A_520 = arith.index_cast %add3A_469 : i32 to index
      %swap3A_521 = arith.constant 32 : index
      %swap3A_522 = tpu.vector_load %arg13[%swap3A_520, %swap3A_521] {strides = array<i32>} : memref<512x64xf32, #tpu.memory_space<vmem>>, vector<1x16xf32>,
      %swap3A_523 = vector.shape_cast %swap3A_522 : vector<1x16xf32> to vector<16xf32>
      %swap3A_524 = vector.shape_cast %get3A_485 : vector<16xf32> to vector<1x16xf32>
      tpu.vector_store %arg13[%swap3A_520, %swap3A_521], %swap3A_524 {strides = array<i32>} : memref<512x64xf32, #tpu.memory_space<vmem>>, vector<1x16xf32>,
      %swap3A_525 = arith.index_cast %add3A_469 : i32 to index
      %swap3A_526 = arith.constant 48 : index
      %swap3A_527 = tpu.vector_load %arg13[%swap3A_525, %swap3A_526] {strides = array<i32>} : memref<512x64xf32, #tpu.memory_space<vmem>>, vector<1x16xf32>,
      %swap3A_528 = vector.shape_cast %swap3A_527 : vector<1x16xf32> to vector<16xf32>
      %swap3A_529 = vector.shape_cast %get3A_489 : vector<16xf32> to vector<1x16xf32>
      tpu.vector_store %arg13[%swap3A_525, %swap3A_526], %swap3A_529 {strides = array<i32>} : memref<512x64xf32, #tpu.memory_space<vmem>>, vector<1x16xf32>,
      %add3A_530 = arith.constant 4 : i32
      %add3A_531 = arith.addi %mul3A_277, %add3A_530 : i32
      %slice3A_532 = vector.extract_strided_slice %shift_right_logical3A_282 {offsets = [4], sizes = [1], strides = [1]} : vector<16xi32> to vector<1xi32>
      %squeeze3A_533 = vector.extract %slice3A_532[0] : i32 from vector<1xi32>
      %slice3A_534 = vector.extract_strided_slice %and3A_284 {offsets = [4], sizes = [1], strides = [1]} : vector<16xi32> to vector<1xi32>
      %squeeze3A_535 = vector.extract %slice3A_534[0] : i32 from vector<1xi32>
      %get3A_536 = arith.index_cast %squeeze3A_533 : i32 to index
      %get3A_537 = arith.constant 0 : index
      %get3A_538 = tpu.vector_load %arg8[%get3A_536, %get3A_537] {strides = array<i32>} : memref<64x16xf32, #tpu.memory_space<vmem>>, vector<1x16xf32>,
      %get3A_539 = vector.shape_cast %get3A_538 : vector<1x16xf32> to vector<16xf32>
      %get3A_540 = arith.index_cast %squeeze3A_535 : i32 to index
      %get3A_541 = arith.constant 0 : index
      %get3A_542 = tpu.vector_load %arg10[%get3A_540, %get3A_541] {strides = array<i32>} : memref<64x16xf32, #tpu.memory_space<vmem>>, vector<1x16xf32>,
      %get3A_543 = vector.shape_cast %get3A_542 : vector<1x16xf32> to vector<16xf32>
      %get3A_544 = arith.index_cast %squeeze3A_533 : i32 to index
      %get3A_545 = arith.constant 0 : index
      %get3A_546 = tpu.vector_load %arg9[%get3A_544, %get3A_545] {strides = array<i32>} : memref<64x16xf32, #tpu.memory_space<vmem>>, vector<1x16xf32>,
      %get3A_547 = vector.shape_cast %get3A_546 : vector<1x16xf32> to vector<16xf32>
      %get3A_548 = arith.index_cast %squeeze3A_535 : i32 to index
      %get3A_549 = arith.constant 0 : index
      %get3A_550 = tpu.vector_load %arg11[%get3A_548, %get3A_549] {strides = array<i32>} : memref<64x16xf32, #tpu.memory_space<vmem>>, vector<1x16xf32>,
      %get3A_551 = vector.shape_cast %get3A_550 : vector<1x16xf32> to vector<16xf32>
      %swap3A_552 = arith.index_cast %add3A_531 : i32 to index
      %swap3A_553 = arith.constant 0 : index
      %swap3A_554 = tpu.vector_load %arg12[%swap3A_552, %swap3A_553] {strides = array<i32>} : memref<512x64xf32, #tpu.memory_space<vmem>>, vector<1x16xf32>,
      %swap3A_555 = vector.shape_cast %swap3A_554 : vector<1x16xf32> to vector<16xf32>
      %swap3A_556 = vector.shape_cast %get3A_539 : vector<16xf32> to vector<1x16xf32>
      tpu.vector_store %arg12[%swap3A_552, %swap3A_553], %swap3A_556 {strides = array<i32>} : memref<512x64xf32, #tpu.memory_space<vmem>>, vector<1x16xf32>,
      %swap3A_557 = arith.index_cast %add3A_531 : i32 to index
      %swap3A_558 = arith.constant 16 : index
      %swap3A_559 = tpu.vector_load %arg12[%swap3A_557, %swap3A_558] {strides = array<i32>} : memref<512x64xf32, #tpu.memory_space<vmem>>, vector<1x16xf32>,
      %swap3A_560 = vector.shape_cast %swap3A_559 : vector<1x16xf32> to vector<16xf32>
      %swap3A_561 = vector.shape_cast %get3A_543 : vector<16xf32> to vector<1x16xf32>
      tpu.vector_store %arg12[%swap3A_557, %swap3A_558], %swap3A_561 {strides = array<i32>} : memref<512x64xf32, #tpu.memory_space<vmem>>, vector<1x16xf32>,
      %swap3A_562 = arith.index_cast %add3A_531 : i32 to index
      %swap3A_563 = arith.constant 32 : index
      %swap3A_564 = tpu.vector_load %arg12[%swap3A_562, %swap3A_563] {strides = array<i32>} : memref<512x64xf32, #tpu.memory_space<vmem>>, vector<1x16xf32>,
      %swap3A_565 = vector.shape_cast %swap3A_564 : vector<1x16xf32> to vector<16xf32>
      %swap3A_566 = vector.shape_cast %get3A_539 : vector<16xf32> to vector<1x16xf32>
      tpu.vector_store %arg12[%swap3A_562, %swap3A_563], %swap3A_566 {strides = array<i32>} : memref<512x64xf32, #tpu.memory_space<vmem>>, vector<1x16xf32>,
      %swap3A_567 = arith.index_cast %add3A_531 : i32 to index
      %swap3A_568 = arith.constant 48 : index
      %swap3A_569 = tpu.vector_load %arg12[%swap3A_567, %swap3A_568] {strides = array<i32>} : memref<512x64xf32, #tpu.memory_space<vmem>>, vector<1x16xf32>,
      %swap3A_570 = vector.shape_cast %swap3A_569 : vector<1x16xf32> to vector<16xf32>
      %swap3A_571 = vector.shape_cast %get3A_543 : vector<16xf32> to vector<1x16xf32>
      tpu.vector_store %arg12[%swap3A_567, %swap3A_568], %swap3A_571 {strides = array<i32>} : memref<512x64xf32, #tpu.memory_space<vmem>>, vector<1x16xf32>,
      %swap3A_572 = arith.index_cast %add3A_531 : i32 to index
      %swap3A_573 = arith.constant 0 : index
      %swap3A_574 = tpu.vector_load %arg13[%swap3A_572, %swap3A_573] {strides = array<i32>} : memref<512x64xf32, #tpu.memory_space<vmem>>, vector<1x16xf32>,
      %swap3A_575 = vector.shape_cast %swap3A_574 : vector<1x16xf32> to vector<16xf32>
      %swap3A_576 = vector.shape_cast %get3A_547 : vector<16xf32> to vector<1x16xf32>
      tpu.vector_store %arg13[%swap3A_572, %swap3A_573], %swap3A_576 {strides = array<i32>} : memref<512x64xf32, #tpu.memory_space<vmem>>, vector<1x16xf32>,
      %swap3A_577 = arith.index_cast %add3A_531 : i32 to index
      %swap3A_578 = arith.constant 16 : index
      %swap3A_579 = tpu.vector_load %arg13[%swap3A_577, %swap3A_578] {strides = array<i32>} : memref<512x64xf32, #tpu.memory_space<vmem>>, vector<1x16xf32>,
      %swap3A_580 = vector.shape_cast %swap3A_579 : vector<1x16xf32> to vector<16xf32>
      %swap3A_581 = vector.shape_cast %get3A_551 : vector<16xf32> to vector<1x16xf32>
      tpu.vector_store %arg13[%swap3A_577, %swap3A_578], %swap3A_581 {strides = array<i32>} : memref<512x64xf32, #tpu.memory_space<vmem>>, vector<1x16xf32>,
      %swap3A_582 = arith.index_cast %add3A_531 : i32 to index
      %swap3A_583 = arith.constant 32 : index
      %swap3A_584 = tpu.vector_load %arg13[%swap3A_582, %swap3A_583] {strides = array<i32>} : memref<512x64xf32, #tpu.memory_space<vmem>>, vector<1x16xf32>,
      %swap3A_585 = vector.shape_cast %swap3A_584 : vector<1x16xf32> to vector<16xf32>
      %swap3A_586 = vector.shape_cast %get3A_547 : vector<16xf32> to vector<1x16xf32>
      tpu.vector_store %arg13[%swap3A_582, %swap3A_583], %swap3A_586 {strides = array<i32>} : memref<512x64xf32, #tpu.memory_space<vmem>>, vector<1x16xf32>,
      %swap3A_587 = arith.index_cast %add3A_531 : i32 to index
      %swap3A_588 = arith.constant 48 : index
      %swap3A_589 = tpu.vector_load %arg13[%swap3A_587, %swap3A_588] {strides = array<i32>} : memref<512x64xf32, #tpu.memory_space<vmem>>, vector<1x16xf32>,
      %swap3A_590 = vector.shape_cast %swap3A_589 : vector<1x16xf32> to vector<16xf32>
      %swap3A_591 = vector.shape_cast %get3A_551 : vector<16xf32> to vector<1x16xf32>
      tpu.vector_store %arg13[%swap3A_587, %swap3A_588], %swap3A_591 {strides = array<i32>} : memref<512x64xf32, #tpu.memory_space<vmem>>, vector<1x16xf32>,
      %add3A_592 = arith.constant 5 : i32
      %add3A_593 = arith.addi %mul3A_277, %add3A_592 : i32
      %slice3A_594 = vector.extract_strided_slice %shift_right_logical3A_282 {offsets = [5], sizes = [1], strides = [1]} : vector<16xi32> to vector<1xi32>
      %squeeze3A_595 = vector.extract %slice3A_594[0] : i32 from vector<1xi32>
      %slice3A_596 = vector.extract_strided_slice %and3A_284 {offsets = [5], sizes = [1], strides = [1]} : vector<16xi32> to vector<1xi32>
      %squeeze3A_597 = vector.extract %slice3A_596[0] : i32 from vector<1xi32>
      %get3A_598 = arith.index_cast %squeeze3A_595 : i32 to index
      %get3A_599 = arith.constant 0 : index
      %get3A_600 = tpu.vector_load %arg8[%get3A_598, %get3A_599] {strides = array<i32>} : memref<64x16xf32, #tpu.memory_space<vmem>>, vector<1x16xf32>,
      %get3A_601 = vector.shape_cast %get3A_600 : vector<1x16xf32> to vector<16xf32>
      %get3A_602 = arith.index_cast %squeeze3A_597 : i32 to index
      %get3A_603 = arith.constant 0 : index
      %get3A_604 = tpu.vector_load %arg10[%get3A_602, %get3A_603] {strides = array<i32>} : memref<64x16xf32, #tpu.memory_space<vmem>>, vector<1x16xf32>,
      %get3A_605 = vector.shape_cast %get3A_604 : vector<1x16xf32> to vector<16xf32>
      %get3A_606 = arith.index_cast %squeeze3A_595 : i32 to index
      %get3A_607 = arith.constant 0 : index
      %get3A_608 = tpu.vector_load %arg9[%get3A_606, %get3A_607] {strides = array<i32>} : memref<64x16xf32, #tpu.memory_space<vmem>>, vector<1x16xf32>,
      %get3A_609 = vector.shape_cast %get3A_608 : vector<1x16xf32> to vector<16xf32>
      %get3A_610 = arith.index_cast %squeeze3A_597 : i32 to index
      %get3A_611 = arith.constant 0 : index
      %get3A_612 = tpu.vector_load %arg11[%get3A_610, %get3A_611] {strides = array<i32>} : memref<64x16xf32, #tpu.memory_space<vmem>>, vector<1x16xf32>,
      %get3A_613 = vector.shape_cast %get3A_612 : vector<1x16xf32> to vector<16xf32>
      %swap3A_614 = arith.index_cast %add3A_593 : i32 to index
      %swap3A_615 = arith.constant 0 : index
      %swap3A_616 = tpu.vector_load %arg12[%swap3A_614, %swap3A_615] {strides = array<i32>} : memref<512x64xf32, #tpu.memory_space<vmem>>, vector<1x16xf32>,
      %swap3A_617 = vector.shape_cast %swap3A_616 : vector<1x16xf32> to vector<16xf32>
      %swap3A_618 = vector.shape_cast %get3A_601 : vector<16xf32> to vector<1x16xf32>
      tpu.vector_store %arg12[%swap3A_614, %swap3A_615], %swap3A_618 {strides = array<i32>} : memref<512x64xf32, #tpu.memory_space<vmem>>, vector<1x16xf32>,
      %swap3A_619 = arith.index_cast %add3A_593 : i32 to index
      %swap3A_620 = arith.constant 16 : index
      %swap3A_621 = tpu.vector_load %arg12[%swap3A_619, %swap3A_620] {strides = array<i32>} : memref<512x64xf32, #tpu.memory_space<vmem>>, vector<1x16xf32>,
      %swap3A_622 = vector.shape_cast %swap3A_621 : vector<1x16xf32> to vector<16xf32>
      %swap3A_623 = vector.shape_cast %get3A_605 : vector<16xf32> to vector<1x16xf32>
      tpu.vector_store %arg12[%swap3A_619, %swap3A_620], %swap3A_623 {strides = array<i32>} : memref<512x64xf32, #tpu.memory_space<vmem>>, vector<1x16xf32>,
      %swap3A_624 = arith.index_cast %add3A_593 : i32 to index
      %swap3A_625 = arith.constant 32 : index
      %swap3A_626 = tpu.vector_load %arg12[%swap3A_624, %swap3A_625] {strides = array<i32>} : memref<512x64xf32, #tpu.memory_space<vmem>>, vector<1x16xf32>,
      %swap3A_627 = vector.shape_cast %swap3A_626 : vector<1x16xf32> to vector<16xf32>
      %swap3A_628 = vector.shape_cast %get3A_601 : vector<16xf32> to vector<1x16xf32>
      tpu.vector_store %arg12[%swap3A_624, %swap3A_625], %swap3A_628 {strides = array<i32>} : memref<512x64xf32, #tpu.memory_space<vmem>>, vector<1x16xf32>,
      %swap3A_629 = arith.index_cast %add3A_593 : i32 to index
      %swap3A_630 = arith.constant 48 : index
      %swap3A_631 = tpu.vector_load %arg12[%swap3A_629, %swap3A_630] {strides = array<i32>} : memref<512x64xf32, #tpu.memory_space<vmem>>, vector<1x16xf32>,
      %swap3A_632 = vector.shape_cast %swap3A_631 : vector<1x16xf32> to vector<16xf32>
      %swap3A_633 = vector.shape_cast %get3A_605 : vector<16xf32> to vector<1x16xf32>
      tpu.vector_store %arg12[%swap3A_629, %swap3A_630], %swap3A_633 {strides = array<i32>} : memref<512x64xf32, #tpu.memory_space<vmem>>, vector<1x16xf32>,
      %swap3A_634 = arith.index_cast %add3A_593 : i32 to index
      %swap3A_635 = arith.constant 0 : index
      %swap3A_636 = tpu.vector_load %arg13[%swap3A_634, %swap3A_635] {strides = array<i32>} : memref<512x64xf32, #tpu.memory_space<vmem>>, vector<1x16xf32>,
      %swap3A_637 = vector.shape_cast %swap3A_636 : vector<1x16xf32> to vector<16xf32>
      %swap3A_638 = vector.shape_cast %get3A_609 : vector<16xf32> to vector<1x16xf32>
      tpu.vector_store %arg13[%swap3A_634, %swap3A_635], %swap3A_638 {strides = array<i32>} : memref<512x64xf32, #tpu.memory_space<vmem>>, vector<1x16xf32>,
      %swap3A_639 = arith.index_cast %add3A_593 : i32 to index
      %swap3A_640 = arith.constant 16 : index
      %swap3A_641 = tpu.vector_load %arg13[%swap3A_639, %swap3A_640] {strides = array<i32>} : memref<512x64xf32, #tpu.memory_space<vmem>>, vector<1x16xf32>,
      %swap3A_642 = vector.shape_cast %swap3A_641 : vector<1x16xf32> to vector<16xf32>
      %swap3A_643 = vector.shape_cast %get3A_613 : vector<16xf32> to vector<1x16xf32>
      tpu.vector_store %arg13[%swap3A_639, %swap3A_640], %swap3A_643 {strides = array<i32>} : memref<512x64xf32, #tpu.memory_space<vmem>>, vector<1x16xf32>,
      %swap3A_644 = arith.index_cast %add3A_593 : i32 to index
      %swap3A_645 = arith.constant 32 : index
      %swap3A_646 = tpu.vector_load %arg13[%swap3A_644, %swap3A_645] {strides = array<i32>} : memref<512x64xf32, #tpu.memory_space<vmem>>, vector<1x16xf32>,
      %swap3A_647 = vector.shape_cast %swap3A_646 : vector<1x16xf32> to vector<16xf32>
      %swap3A_648 = vector.shape_cast %get3A_609 : vector<16xf32> to vector<1x16xf32>
      tpu.vector_store %arg13[%swap3A_644, %swap3A_645], %swap3A_648 {strides = array<i32>} : memref<512x64xf32, #tpu.memory_space<vmem>>, vector<1x16xf32>,
      %swap3A_649 = arith.index_cast %add3A_593 : i32 to index
      %swap3A_650 = arith.constant 48 : index
      %swap3A_651 = tpu.vector_load %arg13[%swap3A_649, %swap3A_650] {strides = array<i32>} : memref<512x64xf32, #tpu.memory_space<vmem>>, vector<1x16xf32>,
      %swap3A_652 = vector.shape_cast %swap3A_651 : vector<1x16xf32> to vector<16xf32>
      %swap3A_653 = vector.shape_cast %get3A_613 : vector<16xf32> to vector<1x16xf32>
      tpu.vector_store %arg13[%swap3A_649, %swap3A_650], %swap3A_653 {strides = array<i32>} : memref<512x64xf32, #tpu.memory_space<vmem>>, vector<1x16xf32>,
      %add3A_654 = arith.constant 6 : i32
      %add3A_655 = arith.addi %mul3A_277, %add3A_654 : i32
      %slice3A_656 = vector.extract_strided_slice %shift_right_logical3A_282 {offsets = [6], sizes = [1], strides = [1]} : vector<16xi32> to vector<1xi32>
      %squeeze3A_657 = vector.extract %slice3A_656[0] : i32 from vector<1xi32>
      %slice3A_658 = vector.extract_strided_slice %and3A_284 {offsets = [6], sizes = [1], strides = [1]} : vector<16xi32> to vector<1xi32>
      %squeeze3A_659 = vector.extract %slice3A_658[0] : i32 from vector<1xi32>
      %get3A_660 = arith.index_cast %squeeze3A_657 : i32 to index
      %get3A_661 = arith.constant 0 : index
      %get3A_662 = tpu.vector_load %arg8[%get3A_660, %get3A_661] {strides = array<i32>} : memref<64x16xf32, #tpu.memory_space<vmem>>, vector<1x16xf32>,
      %get3A_663 = vector.shape_cast %get3A_662 : vector<1x16xf32> to vector<16xf32>
      %get3A_664 = arith.index_cast %squeeze3A_659 : i32 to index
      %get3A_665 = arith.constant 0 : index
      %get3A_666 = tpu.vector_load %arg10[%get3A_664, %get3A_665] {strides = array<i32>} : memref<64x16xf32, #tpu.memory_space<vmem>>, vector<1x16xf32>,
      %get3A_667 = vector.shape_cast %get3A_666 : vector<1x16xf32> to vector<16xf32>
      %get3A_668 = arith.index_cast %squeeze3A_657 : i32 to index
      %get3A_669 = arith.constant 0 : index
      %get3A_670 = tpu.vector_load %arg9[%get3A_668, %get3A_669] {strides = array<i32>} : memref<64x16xf32, #tpu.memory_space<vmem>>, vector<1x16xf32>,
      %get3A_671 = vector.shape_cast %get3A_670 : vector<1x16xf32> to vector<16xf32>
      %get3A_672 = arith.index_cast %squeeze3A_659 : i32 to index
      %get3A_673 = arith.constant 0 : index
      %get3A_674 = tpu.vector_load %arg11[%get3A_672, %get3A_673] {strides = array<i32>} : memref<64x16xf32, #tpu.memory_space<vmem>>, vector<1x16xf32>,
      %get3A_675 = vector.shape_cast %get3A_674 : vector<1x16xf32> to vector<16xf32>
      %swap3A_676 = arith.index_cast %add3A_655 : i32 to index
      %swap3A_677 = arith.constant 0 : index
      %swap3A_678 = tpu.vector_load %arg12[%swap3A_676, %swap3A_677] {strides = array<i32>} : memref<512x64xf32, #tpu.memory_space<vmem>>, vector<1x16xf32>,
      %swap3A_679 = vector.shape_cast %swap3A_678 : vector<1x16xf32> to vector<16xf32>
      %swap3A_680 = vector.shape_cast %get3A_663 : vector<16xf32> to vector<1x16xf32>
      tpu.vector_store %arg12[%swap3A_676, %swap3A_677], %swap3A_680 {strides = array<i32>} : memref<512x64xf32, #tpu.memory_space<vmem>>, vector<1x16xf32>,
      %swap3A_681 = arith.index_cast %add3A_655 : i32 to index
      %swap3A_682 = arith.constant 16 : index
      %swap3A_683 = tpu.vector_load %arg12[%swap3A_681, %swap3A_682] {strides = array<i32>} : memref<512x64xf32, #tpu.memory_space<vmem>>, vector<1x16xf32>,
      %swap3A_684 = vector.shape_cast %swap3A_683 : vector<1x16xf32> to vector<16xf32>
      %swap3A_685 = vector.shape_cast %get3A_667 : vector<16xf32> to vector<1x16xf32>
      tpu.vector_store %arg12[%swap3A_681, %swap3A_682], %swap3A_685 {strides = array<i32>} : memref<512x64xf32, #tpu.memory_space<vmem>>, vector<1x16xf32>,
      %swap3A_686 = arith.index_cast %add3A_655 : i32 to index
      %swap3A_687 = arith.constant 32 : index
      %swap3A_688 = tpu.vector_load %arg12[%swap3A_686, %swap3A_687] {strides = array<i32>} : memref<512x64xf32, #tpu.memory_space<vmem>>, vector<1x16xf32>,
      %swap3A_689 = vector.shape_cast %swap3A_688 : vector<1x16xf32> to vector<16xf32>
      %swap3A_690 = vector.shape_cast %get3A_663 : vector<16xf32> to vector<1x16xf32>
      tpu.vector_store %arg12[%swap3A_686, %swap3A_687], %swap3A_690 {strides = array<i32>} : memref<512x64xf32, #tpu.memory_space<vmem>>, vector<1x16xf32>,
      %swap3A_691 = arith.index_cast %add3A_655 : i32 to index
      %swap3A_692 = arith.constant 48 : index
      %swap3A_693 = tpu.vector_load %arg12[%swap3A_691, %swap3A_692] {strides = array<i32>} : memref<512x64xf32, #tpu.memory_space<vmem>>, vector<1x16xf32>,
      %swap3A_694 = vector.shape_cast %swap3A_693 : vector<1x16xf32> to vector<16xf32>
      %swap3A_695 = vector.shape_cast %get3A_667 : vector<16xf32> to vector<1x16xf32>
      tpu.vector_store %arg12[%swap3A_691, %swap3A_692], %swap3A_695 {strides = array<i32>} : memref<512x64xf32, #tpu.memory_space<vmem>>, vector<1x16xf32>,
      %swap3A_696 = arith.index_cast %add3A_655 : i32 to index
      %swap3A_697 = arith.constant 0 : index
      %swap3A_698 = tpu.vector_load %arg13[%swap3A_696, %swap3A_697] {strides = array<i32>} : memref<512x64xf32, #tpu.memory_space<vmem>>, vector<1x16xf32>,
      %swap3A_699 = vector.shape_cast %swap3A_698 : vector<1x16xf32> to vector<16xf32>
      %swap3A_700 = vector.shape_cast %get3A_671 : vector<16xf32> to vector<1x16xf32>
      tpu.vector_store %arg13[%swap3A_696, %swap3A_697], %swap3A_700 {strides = array<i32>} : memref<512x64xf32, #tpu.memory_space<vmem>>, vector<1x16xf32>,
      %swap3A_701 = arith.index_cast %add3A_655 : i32 to index
      %swap3A_702 = arith.constant 16 : index
      %swap3A_703 = tpu.vector_load %arg13[%swap3A_701, %swap3A_702] {strides = array<i32>} : memref<512x64xf32, #tpu.memory_space<vmem>>, vector<1x16xf32>,
      %swap3A_704 = vector.shape_cast %swap3A_703 : vector<1x16xf32> to vector<16xf32>
      %swap3A_705 = vector.shape_cast %get3A_675 : vector<16xf32> to vector<1x16xf32>
      tpu.vector_store %arg13[%swap3A_701, %swap3A_702], %swap3A_705 {strides = array<i32>} : memref<512x64xf32, #tpu.memory_space<vmem>>, vector<1x16xf32>,
      %swap3A_706 = arith.index_cast %add3A_655 : i32 to index
      %swap3A_707 = arith.constant 32 : index
      %swap3A_708 = tpu.vector_load %arg13[%swap3A_706, %swap3A_707] {strides = array<i32>} : memref<512x64xf32, #tpu.memory_space<vmem>>, vector<1x16xf32>,
      %swap3A_709 = vector.shape_cast %swap3A_708 : vector<1x16xf32> to vector<16xf32>
      %swap3A_710 = vector.shape_cast %get3A_671 : vector<16xf32> to vector<1x16xf32>
      tpu.vector_store %arg13[%swap3A_706, %swap3A_707], %swap3A_710 {strides = array<i32>} : memref<512x64xf32, #tpu.memory_space<vmem>>, vector<1x16xf32>,
      %swap3A_711 = arith.index_cast %add3A_655 : i32 to index
      %swap3A_712 = arith.constant 48 : index
      %swap3A_713 = tpu.vector_load %arg13[%swap3A_711, %swap3A_712] {strides = array<i32>} : memref<512x64xf32, #tpu.memory_space<vmem>>, vector<1x16xf32>,
      %swap3A_714 = vector.shape_cast %swap3A_713 : vector<1x16xf32> to vector<16xf32>
      %swap3A_715 = vector.shape_cast %get3A_675 : vector<16xf32> to vector<1x16xf32>
      tpu.vector_store %arg13[%swap3A_711, %swap3A_712], %swap3A_715 {strides = array<i32>} : memref<512x64xf32, #tpu.memory_space<vmem>>, vector<1x16xf32>,
      %add3A_716 = arith.constant 7 : i32
      %add3A_717 = arith.addi %mul3A_277, %add3A_716 : i32
      %slice3A_718 = vector.extract_strided_slice %shift_right_logical3A_282 {offsets = [7], sizes = [1], strides = [1]} : vector<16xi32> to vector<1xi32>
      %squeeze3A_719 = vector.extract %slice3A_718[0] : i32 from vector<1xi32>
      %slice3A_720 = vector.extract_strided_slice %and3A_284 {offsets = [7], sizes = [1], strides = [1]} : vector<16xi32> to vector<1xi32>
      %squeeze3A_721 = vector.extract %slice3A_720[0] : i32 from vector<1xi32>
      %get3A_722 = arith.index_cast %squeeze3A_719 : i32 to index
      %get3A_723 = arith.constant 0 : index
      %get3A_724 = tpu.vector_load %arg8[%get3A_722, %get3A_723] {strides = array<i32>} : memref<64x16xf32, #tpu.memory_space<vmem>>, vector<1x16xf32>,
      %get3A_725 = vector.shape_cast %get3A_724 : vector<1x16xf32> to vector<16xf32>
      %get3A_726 = arith.index_cast %squeeze3A_721 : i32 to index
      %get3A_727 = arith.constant 0 : index
      %get3A_728 = tpu.vector_load %arg10[%get3A_726, %get3A_727] {strides = array<i32>} : memref<64x16xf32, #tpu.memory_space<vmem>>, vector<1x16xf32>,
      %get3A_729 = vector.shape_cast %get3A_728 : vector<1x16xf32> to vector<16xf32>
      %get3A_730 = arith.index_cast %squeeze3A_719 : i32 to index
      %get3A_731 = arith.constant 0 : index
      %get3A_732 = tpu.vector_load %arg9[%get3A_730, %get3A_731] {strides = array<i32>} : memref<64x16xf32, #tpu.memory_space<vmem>>, vector<1x16xf32>,
      %get3A_733 = vector.shape_cast %get3A_732 : vector<1x16xf32> to vector<16xf32>
      %get3A_734 = arith.index_cast %squeeze3A_721 : i32 to index
      %get3A_735 = arith.constant 0 : index
      %get3A_736 = tpu.vector_load %arg11[%get3A_734, %get3A_735] {strides = array<i32>} : memref<64x16xf32, #tpu.memory_space<vmem>>, vector<1x16xf32>,
      %get3A_737 = vector.shape_cast %get3A_736 : vector<1x16xf32> to vector<16xf32>
      %swap3A_738 = arith.index_cast %add3A_717 : i32 to index
      %swap3A_739 = arith.constant 0 : index
      %swap3A_740 = tpu.vector_load %arg12[%swap3A_738, %swap3A_739] {strides = array<i32>} : memref<512x64xf32, #tpu.memory_space<vmem>>, vector<1x16xf32>,
      %swap3A_741 = vector.shape_cast %swap3A_740 : vector<1x16xf32> to vector<16xf32>
      %swap3A_742 = vector.shape_cast %get3A_725 : vector<16xf32> to vector<1x16xf32>
      tpu.vector_store %arg12[%swap3A_738, %swap3A_739], %swap3A_742 {strides = array<i32>} : memref<512x64xf32, #tpu.memory_space<vmem>>, vector<1x16xf32>,
      %swap3A_743 = arith.index_cast %add3A_717 : i32 to index
      %swap3A_744 = arith.constant 16 : index
      %swap3A_745 = tpu.vector_load %arg12[%swap3A_743, %swap3A_744] {strides = array<i32>} : memref<512x64xf32, #tpu.memory_space<vmem>>, vector<1x16xf32>,
      %swap3A_746 = vector.shape_cast %swap3A_745 : vector<1x16xf32> to vector<16xf32>
      %swap3A_747 = vector.shape_cast %get3A_729 : vector<16xf32> to vector<1x16xf32>
      tpu.vector_store %arg12[%swap3A_743, %swap3A_744], %swap3A_747 {strides = array<i32>} : memref<512x64xf32, #tpu.memory_space<vmem>>, vector<1x16xf32>,
      %swap3A_748 = arith.index_cast %add3A_717 : i32 to index
      %swap3A_749 = arith.constant 32 : index
      %swap3A_750 = tpu.vector_load %arg12[%swap3A_748, %swap3A_749] {strides = array<i32>} : memref<512x64xf32, #tpu.memory_space<vmem>>, vector<1x16xf32>,
      %swap3A_751 = vector.shape_cast %swap3A_750 : vector<1x16xf32> to vector<16xf32>
      %swap3A_752 = vector.shape_cast %get3A_725 : vector<16xf32> to vector<1x16xf32>
      tpu.vector_store %arg12[%swap3A_748, %swap3A_749], %swap3A_752 {strides = array<i32>} : memref<512x64xf32, #tpu.memory_space<vmem>>, vector<1x16xf32>,
      %swap3A_753 = arith.index_cast %add3A_717 : i32 to index
      %swap3A_754 = arith.constant 48 : index
      %swap3A_755 = tpu.vector_load %arg12[%swap3A_753, %swap3A_754] {strides = array<i32>} : memref<512x64xf32, #tpu.memory_space<vmem>>, vector<1x16xf32>,
      %swap3A_756 = vector.shape_cast %swap3A_755 : vector<1x16xf32> to vector<16xf32>
      %swap3A_757 = vector.shape_cast %get3A_729 : vector<16xf32> to vector<1x16xf32>
      tpu.vector_store %arg12[%swap3A_753, %swap3A_754], %swap3A_757 {strides = array<i32>} : memref<512x64xf32, #tpu.memory_space<vmem>>, vector<1x16xf32>,
      %swap3A_758 = arith.index_cast %add3A_717 : i32 to index
      %swap3A_759 = arith.constant 0 : index
      %swap3A_760 = tpu.vector_load %arg13[%swap3A_758, %swap3A_759] {strides = array<i32>} : memref<512x64xf32, #tpu.memory_space<vmem>>, vector<1x16xf32>,
      %swap3A_761 = vector.shape_cast %swap3A_760 : vector<1x16xf32> to vector<16xf32>
      %swap3A_762 = vector.shape_cast %get3A_733 : vector<16xf32> to vector<1x16xf32>
      tpu.vector_store %arg13[%swap3A_758, %swap3A_759], %swap3A_762 {strides = array<i32>} : memref<512x64xf32, #tpu.memory_space<vmem>>, vector<1x16xf32>,
      %swap3A_763 = arith.index_cast %add3A_717 : i32 to index
      %swap3A_764 = arith.constant 16 : index
      %swap3A_765 = tpu.vector_load %arg13[%swap3A_763, %swap3A_764] {strides = array<i32>} : memref<512x64xf32, #tpu.memory_space<vmem>>, vector<1x16xf32>,
      %swap3A_766 = vector.shape_cast %swap3A_765 : vector<1x16xf32> to vector<16xf32>
      %swap3A_767 = vector.shape_cast %get3A_737 : vector<16xf32> to vector<1x16xf32>
      tpu.vector_store %arg13[%swap3A_763, %swap3A_764], %swap3A_767 {strides = array<i32>} : memref<512x64xf32, #tpu.memory_space<vmem>>, vector<1x16xf32>,
      %swap3A_768 = arith.index_cast %add3A_717 : i32 to index
      %swap3A_769 = arith.constant 32 : index
      %swap3A_770 = tpu.vector_load %arg13[%swap3A_768, %swap3A_769] {strides = array<i32>} : memref<512x64xf32, #tpu.memory_space<vmem>>, vector<1x16xf32>,
      %swap3A_771 = vector.shape_cast %swap3A_770 : vector<1x16xf32> to vector<16xf32>
      %swap3A_772 = vector.shape_cast %get3A_733 : vector<16xf32> to vector<1x16xf32>
      tpu.vector_store %arg13[%swap3A_768, %swap3A_769], %swap3A_772 {strides = array<i32>} : memref<512x64xf32, #tpu.memory_space<vmem>>, vector<1x16xf32>,
      %swap3A_773 = arith.index_cast %add3A_717 : i32 to index
      %swap3A_774 = arith.constant 48 : index
      %swap3A_775 = tpu.vector_load %arg13[%swap3A_773, %swap3A_774] {strides = array<i32>} : memref<512x64xf32, #tpu.memory_space<vmem>>, vector<1x16xf32>,
      %swap3A_776 = vector.shape_cast %swap3A_775 : vector<1x16xf32> to vector<16xf32>
      %swap3A_777 = vector.shape_cast %get3A_737 : vector<16xf32> to vector<1x16xf32>
      tpu.vector_store %arg13[%swap3A_773, %swap3A_774], %swap3A_777 {strides = array<i32>} : memref<512x64xf32, #tpu.memory_space<vmem>>, vector<1x16xf32>,
      %add3A_778 = arith.constant 8 : i32
      %add3A_779 = arith.addi %mul3A_277, %add3A_778 : i32
      %slice3A_780 = vector.extract_strided_slice %shift_right_logical3A_282 {offsets = [8], sizes = [1], strides = [1]} : vector<16xi32> to vector<1xi32>
      %squeeze3A_781 = vector.extract %slice3A_780[0] : i32 from vector<1xi32>
      %slice3A_782 = vector.extract_strided_slice %and3A_284 {offsets = [8], sizes = [1], strides = [1]} : vector<16xi32> to vector<1xi32>
      %squeeze3A_783 = vector.extract %slice3A_782[0] : i32 from vector<1xi32>
      %get3A_784 = arith.index_cast %squeeze3A_781 : i32 to index
      %get3A_785 = arith.constant 0 : index
      %get3A_786 = tpu.vector_load %arg8[%get3A_784, %get3A_785] {strides = array<i32>} : memref<64x16xf32, #tpu.memory_space<vmem>>, vector<1x16xf32>,
      %get3A_787 = vector.shape_cast %get3A_786 : vector<1x16xf32> to vector<16xf32>
      %get3A_788 = arith.index_cast %squeeze3A_783 : i32 to index
      %get3A_789 = arith.constant 0 : index
      %get3A_790 = tpu.vector_load %arg10[%get3A_788, %get3A_789] {strides = array<i32>} : memref<64x16xf32, #tpu.memory_space<vmem>>, vector<1x16xf32>,
      %get3A_791 = vector.shape_cast %get3A_790 : vector<1x16xf32> to vector<16xf32>
      %get3A_792 = arith.index_cast %squeeze3A_781 : i32 to index
      %get3A_793 = arith.constant 0 : index
      %get3A_794 = tpu.vector_load %arg9[%get3A_792, %get3A_793] {strides = array<i32>} : memref<64x16xf32, #tpu.memory_space<vmem>>, vector<1x16xf32>,
      %get3A_795 = vector.shape_cast %get3A_794 : vector<1x16xf32> to vector<16xf32>
      %get3A_796 = arith.index_cast %squeeze3A_783 : i32 to index
      %get3A_797 = arith.constant 0 : index
      %get3A_798 = tpu.vector_load %arg11[%get3A_796, %get3A_797] {strides = array<i32>} : memref<64x16xf32, #tpu.memory_space<vmem>>, vector<1x16xf32>,
      %get3A_799 = vector.shape_cast %get3A_798 : vector<1x16xf32> to vector<16xf32>
      %swap3A_800 = arith.index_cast %add3A_779 : i32 to index
      %swap3A_801 = arith.constant 0 : index
      %swap3A_802 = tpu.vector_load %arg12[%swap3A_800, %swap3A_801] {strides = array<i32>} : memref<512x64xf32, #tpu.memory_space<vmem>>, vector<1x16xf32>,
      %swap3A_803 = vector.shape_cast %swap3A_802 : vector<1x16xf32> to vector<16xf32>
      %swap3A_804 = vector.shape_cast %get3A_787 : vector<16xf32> to vector<1x16xf32>
      tpu.vector_store %arg12[%swap3A_800, %swap3A_801], %swap3A_804 {strides = array<i32>} : memref<512x64xf32, #tpu.memory_space<vmem>>, vector<1x16xf32>,
      %swap3A_805 = arith.index_cast %add3A_779 : i32 to index
      %swap3A_806 = arith.constant 16 : index
      %swap3A_807 = tpu.vector_load %arg12[%swap3A_805, %swap3A_806] {strides = array<i32>} : memref<512x64xf32, #tpu.memory_space<vmem>>, vector<1x16xf32>,
      %swap3A_808 = vector.shape_cast %swap3A_807 : vector<1x16xf32> to vector<16xf32>
      %swap3A_809 = vector.shape_cast %get3A_791 : vector<16xf32> to vector<1x16xf32>
      tpu.vector_store %arg12[%swap3A_805, %swap3A_806], %swap3A_809 {strides = array<i32>} : memref<512x64xf32, #tpu.memory_space<vmem>>, vector<1x16xf32>,
      %swap3A_810 = arith.index_cast %add3A_779 : i32 to index
      %swap3A_811 = arith.constant 32 : index
      %swap3A_812 = tpu.vector_load %arg12[%swap3A_810, %swap3A_811] {strides = array<i32>} : memref<512x64xf32, #tpu.memory_space<vmem>>, vector<1x16xf32>,
      %swap3A_813 = vector.shape_cast %swap3A_812 : vector<1x16xf32> to vector<16xf32>
      %swap3A_814 = vector.shape_cast %get3A_787 : vector<16xf32> to vector<1x16xf32>
      tpu.vector_store %arg12[%swap3A_810, %swap3A_811], %swap3A_814 {strides = array<i32>} : memref<512x64xf32, #tpu.memory_space<vmem>>, vector<1x16xf32>,
      %swap3A_815 = arith.index_cast %add3A_779 : i32 to index
      %swap3A_816 = arith.constant 48 : index
      %swap3A_817 = tpu.vector_load %arg12[%swap3A_815, %swap3A_816] {strides = array<i32>} : memref<512x64xf32, #tpu.memory_space<vmem>>, vector<1x16xf32>,
      %swap3A_818 = vector.shape_cast %swap3A_817 : vector<1x16xf32> to vector<16xf32>
      %swap3A_819 = vector.shape_cast %get3A_791 : vector<16xf32> to vector<1x16xf32>
      tpu.vector_store %arg12[%swap3A_815, %swap3A_816], %swap3A_819 {strides = array<i32>} : memref<512x64xf32, #tpu.memory_space<vmem>>, vector<1x16xf32>,
      %swap3A_820 = arith.index_cast %add3A_779 : i32 to index
      %swap3A_821 = arith.constant 0 : index
      %swap3A_822 = tpu.vector_load %arg13[%swap3A_820, %swap3A_821] {strides = array<i32>} : memref<512x64xf32, #tpu.memory_space<vmem>>, vector<1x16xf32>,
      %swap3A_823 = vector.shape_cast %swap3A_822 : vector<1x16xf32> to vector<16xf32>
      %swap3A_824 = vector.shape_cast %get3A_795 : vector<16xf32> to vector<1x16xf32>
      tpu.vector_store %arg13[%swap3A_820, %swap3A_821], %swap3A_824 {strides = array<i32>} : memref<512x64xf32, #tpu.memory_space<vmem>>, vector<1x16xf32>,
      %swap3A_825 = arith.index_cast %add3A_779 : i32 to index
      %swap3A_826 = arith.constant 16 : index
      %swap3A_827 = tpu.vector_load %arg13[%swap3A_825, %swap3A_826] {strides = array<i32>} : memref<512x64xf32, #tpu.memory_space<vmem>>, vector<1x16xf32>,
      %swap3A_828 = vector.shape_cast %swap3A_827 : vector<1x16xf32> to vector<16xf32>
      %swap3A_829 = vector.shape_cast %get3A_799 : vector<16xf32> to vector<1x16xf32>
      tpu.vector_store %arg13[%swap3A_825, %swap3A_826], %swap3A_829 {strides = array<i32>} : memref<512x64xf32, #tpu.memory_space<vmem>>, vector<1x16xf32>,
      %swap3A_830 = arith.index_cast %add3A_779 : i32 to index
      %swap3A_831 = arith.constant 32 : index
      %swap3A_832 = tpu.vector_load %arg13[%swap3A_830, %swap3A_831] {strides = array<i32>} : memref<512x64xf32, #tpu.memory_space<vmem>>, vector<1x16xf32>,
      %swap3A_833 = vector.shape_cast %swap3A_832 : vector<1x16xf32> to vector<16xf32>
      %swap3A_834 = vector.shape_cast %get3A_795 : vector<16xf32> to vector<1x16xf32>
      tpu.vector_store %arg13[%swap3A_830, %swap3A_831], %swap3A_834 {strides = array<i32>} : memref<512x64xf32, #tpu.memory_space<vmem>>, vector<1x16xf32>,
      %swap3A_835 = arith.index_cast %add3A_779 : i32 to index
      %swap3A_836 = arith.constant 48 : index
      %swap3A_837 = tpu.vector_load %arg13[%swap3A_835, %swap3A_836] {strides = array<i32>} : memref<512x64xf32, #tpu.memory_space<vmem>>, vector<1x16xf32>,
      %swap3A_838 = vector.shape_cast %swap3A_837 : vector<1x16xf32> to vector<16xf32>
      %swap3A_839 = vector.shape_cast %get3A_799 : vector<16xf32> to vector<1x16xf32>
      tpu.vector_store %arg13[%swap3A_835, %swap3A_836], %swap3A_839 {strides = array<i32>} : memref<512x64xf32, #tpu.memory_space<vmem>>, vector<1x16xf32>,
      %add3A_840 = arith.constant 9 : i32
      %add3A_841 = arith.addi %mul3A_277, %add3A_840 : i32
      %slice3A_842 = vector.extract_strided_slice %shift_right_logical3A_282 {offsets = [9], sizes = [1], strides = [1]} : vector<16xi32> to vector<1xi32>
      %squeeze3A_843 = vector.extract %slice3A_842[0] : i32 from vector<1xi32>
      %slice3A_844 = vector.extract_strided_slice %and3A_284 {offsets = [9], sizes = [1], strides = [1]} : vector<16xi32> to vector<1xi32>
      %squeeze3A_845 = vector.extract %slice3A_844[0] : i32 from vector<1xi32>
      %get3A_846 = arith.index_cast %squeeze3A_843 : i32 to index
      %get3A_847 = arith.constant 0 : index
      %get3A_848 = tpu.vector_load %arg8[%get3A_846, %get3A_847] {strides = array<i32>} : memref<64x16xf32, #tpu.memory_space<vmem>>, vector<1x16xf32>,
      %get3A_849 = vector.shape_cast %get3A_848 : vector<1x16xf32> to vector<16xf32>
      %get3A_850 = arith.index_cast %squeeze3A_845 : i32 to index
      %get3A_851 = arith.constant 0 : index
      %get3A_852 = tpu.vector_load %arg10[%get3A_850, %get3A_851] {strides = array<i32>} : memref<64x16xf32, #tpu.memory_space<vmem>>, vector<1x16xf32>,
      %get3A_853 = vector.shape_cast %get3A_852 : vector<1x16xf32> to vector<16xf32>
      %get3A_854 = arith.index_cast %squeeze3A_843 : i32 to index
      %get3A_855 = arith.constant 0 : index
      %get3A_856 = tpu.vector_load %arg9[%get3A_854, %get3A_855] {strides = array<i32>} : memref<64x16xf32, #tpu.memory_space<vmem>>, vector<1x16xf32>,
      %get3A_857 = vector.shape_cast %get3A_856 : vector<1x16xf32> to vector<16xf32>
      %get3A_858 = arith.index_cast %squeeze3A_845 : i32 to index
      %get3A_859 = arith.constant 0 : index
      %get3A_860 = tpu.vector_load %arg11[%get3A_858, %get3A_859] {strides = array<i32>} : memref<64x16xf32, #tpu.memory_space<vmem>>, vector<1x16xf32>,
      %get3A_861 = vector.shape_cast %get3A_860 : vector<1x16xf32> to vector<16xf32>
      %swap3A_862 = arith.index_cast %add3A_841 : i32 to index
      %swap3A_863 = arith.constant 0 : index
      %swap3A_864 = tpu.vector_load %arg12[%swap3A_862, %swap3A_863] {strides = array<i32>} : memref<512x64xf32, #tpu.memory_space<vmem>>, vector<1x16xf32>,
      %swap3A_865 = vector.shape_cast %swap3A_864 : vector<1x16xf32> to vector<16xf32>
      %swap3A_866 = vector.shape_cast %get3A_849 : vector<16xf32> to vector<1x16xf32>
      tpu.vector_store %arg12[%swap3A_862, %swap3A_863], %swap3A_866 {strides = array<i32>} : memref<512x64xf32, #tpu.memory_space<vmem>>, vector<1x16xf32>,
      %swap3A_867 = arith.index_cast %add3A_841 : i32 to index
      %swap3A_868 = arith.constant 16 : index
      %swap3A_869 = tpu.vector_load %arg12[%swap3A_867, %swap3A_868] {strides = array<i32>} : memref<512x64xf32, #tpu.memory_space<vmem>>, vector<1x16xf32>,
      %swap3A_870 = vector.shape_cast %swap3A_869 : vector<1x16xf32> to vector<16xf32>
      %swap3A_871 = vector.shape_cast %get3A_853 : vector<16xf32> to vector<1x16xf32>
      tpu.vector_store %arg12[%swap3A_867, %swap3A_868], %swap3A_871 {strides = array<i32>} : memref<512x64xf32, #tpu.memory_space<vmem>>, vector<1x16xf32>,
      %swap3A_872 = arith.index_cast %add3A_841 : i32 to index
      %swap3A_873 = arith.constant 32 : index
      %swap3A_874 = tpu.vector_load %arg12[%swap3A_872, %swap3A_873] {strides = array<i32>} : memref<512x64xf32, #tpu.memory_space<vmem>>, vector<1x16xf32>,
      %swap3A_875 = vector.shape_cast %swap3A_874 : vector<1x16xf32> to vector<16xf32>
      %swap3A_876 = vector.shape_cast %get3A_849 : vector<16xf32> to vector<1x16xf32>
      tpu.vector_store %arg12[%swap3A_872, %swap3A_873], %swap3A_876 {strides = array<i32>} : memref<512x64xf32, #tpu.memory_space<vmem>>, vector<1x16xf32>,
      %swap3A_877 = arith.index_cast %add3A_841 : i32 to index
      %swap3A_878 = arith.constant 48 : index
      %swap3A_879 = tpu.vector_load %arg12[%swap3A_877, %swap3A_878] {strides = array<i32>} : memref<512x64xf32, #tpu.memory_space<vmem>>, vector<1x16xf32>,
      %swap3A_880 = vector.shape_cast %swap3A_879 : vector<1x16xf32> to vector<16xf32>
      %swap3A_881 = vector.shape_cast %get3A_853 : vector<16xf32> to vector<1x16xf32>
      tpu.vector_store %arg12[%swap3A_877, %swap3A_878], %swap3A_881 {strides = array<i32>} : memref<512x64xf32, #tpu.memory_space<vmem>>, vector<1x16xf32>,
      %swap3A_882 = arith.index_cast %add3A_841 : i32 to index
      %swap3A_883 = arith.constant 0 : index
      %swap3A_884 = tpu.vector_load %arg13[%swap3A_882, %swap3A_883] {strides = array<i32>} : memref<512x64xf32, #tpu.memory_space<vmem>>, vector<1x16xf32>,
      %swap3A_885 = vector.shape_cast %swap3A_884 : vector<1x16xf32> to vector<16xf32>
      %swap3A_886 = vector.shape_cast %get3A_857 : vector<16xf32> to vector<1x16xf32>
      tpu.vector_store %arg13[%swap3A_882, %swap3A_883], %swap3A_886 {strides = array<i32>} : memref<512x64xf32, #tpu.memory_space<vmem>>, vector<1x16xf32>,
      %swap3A_887 = arith.index_cast %add3A_841 : i32 to index
      %swap3A_888 = arith.constant 16 : index
      %swap3A_889 = tpu.vector_load %arg13[%swap3A_887, %swap3A_888] {strides = array<i32>} : memref<512x64xf32, #tpu.memory_space<vmem>>, vector<1x16xf32>,
      %swap3A_890 = vector.shape_cast %swap3A_889 : vector<1x16xf32> to vector<16xf32>
      %swap3A_891 = vector.shape_cast %get3A_861 : vector<16xf32> to vector<1x16xf32>
      tpu.vector_store %arg13[%swap3A_887, %swap3A_888], %swap3A_891 {strides = array<i32>} : memref<512x64xf32, #tpu.memory_space<vmem>>, vector<1x16xf32>,
      %swap3A_892 = arith.index_cast %add3A_841 : i32 to index
      %swap3A_893 = arith.constant 32 : index
      %swap3A_894 = tpu.vector_load %arg13[%swap3A_892, %swap3A_893] {strides = array<i32>} : memref<512x64xf32, #tpu.memory_space<vmem>>, vector<1x16xf32>,
      %swap3A_895 = vector.shape_cast %swap3A_894 : vector<1x16xf32> to vector<16xf32>
      %swap3A_896 = vector.shape_cast %get3A_857 : vector<16xf32> to vector<1x16xf32>
      tpu.vector_store %arg13[%swap3A_892, %swap3A_893], %swap3A_896 {strides = array<i32>} : memref<512x64xf32, #tpu.memory_space<vmem>>, vector<1x16xf32>,
      %swap3A_897 = arith.index_cast %add3A_841 : i32 to index
      %swap3A_898 = arith.constant 48 : index
      %swap3A_899 = tpu.vector_load %arg13[%swap3A_897, %swap3A_898] {strides = array<i32>} : memref<512x64xf32, #tpu.memory_space<vmem>>, vector<1x16xf32>,
      %swap3A_900 = vector.shape_cast %swap3A_899 : vector<1x16xf32> to vector<16xf32>
      %swap3A_901 = vector.shape_cast %get3A_861 : vector<16xf32> to vector<1x16xf32>
      tpu.vector_store %arg13[%swap3A_897, %swap3A_898], %swap3A_901 {strides = array<i32>} : memref<512x64xf32, #tpu.memory_space<vmem>>, vector<1x16xf32>,
      %add3A_902 = arith.constant 10 : i32
      %add3A_903 = arith.addi %mul3A_277, %add3A_902 : i32
      %slice3A_904 = vector.extract_strided_slice %shift_right_logical3A_282 {offsets = [10], sizes = [1], strides = [1]} : vector<16xi32> to vector<1xi32>
      %squeeze3A_905 = vector.extract %slice3A_904[0] : i32 from vector<1xi32>
      %slice3A_906 = vector.extract_strided_slice %and3A_284 {offsets = [10], sizes = [1], strides = [1]} : vector<16xi32> to vector<1xi32>
      %squeeze3A_907 = vector.extract %slice3A_906[0] : i32 from vector<1xi32>
      %get3A_908 = arith.index_cast %squeeze3A_905 : i32 to index
      %get3A_909 = arith.constant 0 : index
      %get3A_910 = tpu.vector_load %arg8[%get3A_908, %get3A_909] {strides = array<i32>} : memref<64x16xf32, #tpu.memory_space<vmem>>, vector<1x16xf32>,
      %get3A_911 = vector.shape_cast %get3A_910 : vector<1x16xf32> to vector<16xf32>
      %get3A_912 = arith.index_cast %squeeze3A_907 : i32 to index
      %get3A_913 = arith.constant 0 : index
      %get3A_914 = tpu.vector_load %arg10[%get3A_912, %get3A_913] {strides = array<i32>} : memref<64x16xf32, #tpu.memory_space<vmem>>, vector<1x16xf32>,
      %get3A_915 = vector.shape_cast %get3A_914 : vector<1x16xf32> to vector<16xf32>
      %get3A_916 = arith.index_cast %squeeze3A_905 : i32 to index
      %get3A_917 = arith.constant 0 : index
      %get3A_918 = tpu.vector_load %arg9[%get3A_916, %get3A_917] {strides = array<i32>} : memref<64x16xf32, #tpu.memory_space<vmem>>, vector<1x16xf32>,
      %get3A_919 = vector.shape_cast %get3A_918 : vector<1x16xf32> to vector<16xf32>
      %get3A_920 = arith.index_cast %squeeze3A_907 : i32 to index
      %get3A_921 = arith.constant 0 : index
      %get3A_922 = tpu.vector_load %arg11[%get3A_920, %get3A_921] {strides = array<i32>} : memref<64x16xf32, #tpu.memory_space<vmem>>, vector<1x16xf32>,
      %get3A_923 = vector.shape_cast %get3A_922 : vector<1x16xf32> to vector<16xf32>
      %swap3A_924 = arith.index_cast %add3A_903 : i32 to index
      %swap3A_925 = arith.constant 0 : index
      %swap3A_926 = tpu.vector_load %arg12[%swap3A_924, %swap3A_925] {strides = array<i32>} : memref<512x64xf32, #tpu.memory_space<vmem>>, vector<1x16xf32>,
      %swap3A_927 = vector.shape_cast %swap3A_926 : vector<1x16xf32> to vector<16xf32>
      %swap3A_928 = vector.shape_cast %get3A_911 : vector<16xf32> to vector<1x16xf32>
      tpu.vector_store %arg12[%swap3A_924, %swap3A_925], %swap3A_928 {strides = array<i32>} : memref<512x64xf32, #tpu.memory_space<vmem>>, vector<1x16xf32>,
      %swap3A_929 = arith.index_cast %add3A_903 : i32 to index
      %swap3A_930 = arith.constant 16 : index
      %swap3A_931 = tpu.vector_load %arg12[%swap3A_929, %swap3A_930] {strides = array<i32>} : memref<512x64xf32, #tpu.memory_space<vmem>>, vector<1x16xf32>,
      %swap3A_932 = vector.shape_cast %swap3A_931 : vector<1x16xf32> to vector<16xf32>
      %swap3A_933 = vector.shape_cast %get3A_915 : vector<16xf32> to vector<1x16xf32>
      tpu.vector_store %arg12[%swap3A_929, %swap3A_930], %swap3A_933 {strides = array<i32>} : memref<512x64xf32, #tpu.memory_space<vmem>>, vector<1x16xf32>,
      %swap3A_934 = arith.index_cast %add3A_903 : i32 to index
      %swap3A_935 = arith.constant 32 : index
      %swap3A_936 = tpu.vector_load %arg12[%swap3A_934, %swap3A_935] {strides = array<i32>} : memref<512x64xf32, #tpu.memory_space<vmem>>, vector<1x16xf32>,
      %swap3A_937 = vector.shape_cast %swap3A_936 : vector<1x16xf32> to vector<16xf32>
      %swap3A_938 = vector.shape_cast %get3A_911 : vector<16xf32> to vector<1x16xf32>
      tpu.vector_store %arg12[%swap3A_934, %swap3A_935], %swap3A_938 {strides = array<i32>} : memref<512x64xf32, #tpu.memory_space<vmem>>, vector<1x16xf32>,
      %swap3A_939 = arith.index_cast %add3A_903 : i32 to index
      %swap3A_940 = arith.constant 48 : index
      %swap3A_941 = tpu.vector_load %arg12[%swap3A_939, %swap3A_940] {strides = array<i32>} : memref<512x64xf32, #tpu.memory_space<vmem>>, vector<1x16xf32>,
      %swap3A_942 = vector.shape_cast %swap3A_941 : vector<1x16xf32> to vector<16xf32>
      %swap3A_943 = vector.shape_cast %get3A_915 : vector<16xf32> to vector<1x16xf32>
      tpu.vector_store %arg12[%swap3A_939, %swap3A_940], %swap3A_943 {strides = array<i32>} : memref<512x64xf32, #tpu.memory_space<vmem>>, vector<1x16xf32>,
      %swap3A_944 = arith.index_cast %add3A_903 : i32 to index
      %swap3A_945 = arith.constant 0 : index
      %swap3A_946 = tpu.vector_load %arg13[%swap3A_944, %swap3A_945] {strides = array<i32>} : memref<512x64xf32, #tpu.memory_space<vmem>>, vector<1x16xf32>,
      %swap3A_947 = vector.shape_cast %swap3A_946 : vector<1x16xf32> to vector<16xf32>
      %swap3A_948 = vector.shape_cast %get3A_919 : vector<16xf32> to vector<1x16xf32>
      tpu.vector_store %arg13[%swap3A_944, %swap3A_945], %swap3A_948 {strides = array<i32>} : memref<512x64xf32, #tpu.memory_space<vmem>>, vector<1x16xf32>,
      %swap3A_949 = arith.index_cast %add3A_903 : i32 to index
      %swap3A_950 = arith.constant 16 : index
      %swap3A_951 = tpu.vector_load %arg13[%swap3A_949, %swap3A_950] {strides = array<i32>} : memref<512x64xf32, #tpu.memory_space<vmem>>, vector<1x16xf32>,
      %swap3A_952 = vector.shape_cast %swap3A_951 : vector<1x16xf32> to vector<16xf32>
      %swap3A_953 = vector.shape_cast %get3A_923 : vector<16xf32> to vector<1x16xf32>
      tpu.vector_store %arg13[%swap3A_949, %swap3A_950], %swap3A_953 {strides = array<i32>} : memref<512x64xf32, #tpu.memory_space<vmem>>, vector<1x16xf32>,
      %swap3A_954 = arith.index_cast %add3A_903 : i32 to index
      %swap3A_955 = arith.constant 32 : index
      %swap3A_956 = tpu.vector_load %arg13[%swap3A_954, %swap3A_955] {strides = array<i32>} : memref<512x64xf32, #tpu.memory_space<vmem>>, vector<1x16xf32>,
      %swap3A_957 = vector.shape_cast %swap3A_956 : vector<1x16xf32> to vector<16xf32>
      %swap3A_958 = vector.shape_cast %get3A_919 : vector<16xf32> to vector<1x16xf32>
      tpu.vector_store %arg13[%swap3A_954, %swap3A_955], %swap3A_958 {strides = array<i32>} : memref<512x64xf32, #tpu.memory_space<vmem>>, vector<1x16xf32>,
      %swap3A_959 = arith.index_cast %add3A_903 : i32 to index
      %swap3A_960 = arith.constant 48 : index
      %swap3A_961 = tpu.vector_load %arg13[%swap3A_959, %swap3A_960] {strides = array<i32>} : memref<512x64xf32, #tpu.memory_space<vmem>>, vector<1x16xf32>,
      %swap3A_962 = vector.shape_cast %swap3A_961 : vector<1x16xf32> to vector<16xf32>
      %swap3A_963 = vector.shape_cast %get3A_923 : vector<16xf32> to vector<1x16xf32>
      tpu.vector_store %arg13[%swap3A_959, %swap3A_960], %swap3A_963 {strides = array<i32>} : memref<512x64xf32, #tpu.memory_space<vmem>>, vector<1x16xf32>,
      %add3A_964 = arith.constant 11 : i32
      %add3A_965 = arith.addi %mul3A_277, %add3A_964 : i32
      %slice3A_966 = vector.extract_strided_slice %shift_right_logical3A_282 {offsets = [11], sizes = [1], strides = [1]} : vector<16xi32> to vector<1xi32>
      %squeeze3A_967 = vector.extract %slice3A_966[0] : i32 from vector<1xi32>
      %slice3A_968 = vector.extract_strided_slice %and3A_284 {offsets = [11], sizes = [1], strides = [1]} : vector<16xi32> to vector<1xi32>
      %squeeze3A_969 = vector.extract %slice3A_968[0] : i32 from vector<1xi32>
      %get3A_970 = arith.index_cast %squeeze3A_967 : i32 to index
      %get3A_971 = arith.constant 0 : index
      %get3A_972 = tpu.vector_load %arg8[%get3A_970, %get3A_971] {strides = array<i32>} : memref<64x16xf32, #tpu.memory_space<vmem>>, vector<1x16xf32>,
      %get3A_973 = vector.shape_cast %get3A_972 : vector<1x16xf32> to vector<16xf32>
      %get3A_974 = arith.index_cast %squeeze3A_969 : i32 to index
      %get3A_975 = arith.constant 0 : index
      %get3A_976 = tpu.vector_load %arg10[%get3A_974, %get3A_975] {strides = array<i32>} : memref<64x16xf32, #tpu.memory_space<vmem>>, vector<1x16xf32>,
      %get3A_977 = vector.shape_cast %get3A_976 : vector<1x16xf32> to vector<16xf32>
      %get3A_978 = arith.index_cast %squeeze3A_967 : i32 to index
      %get3A_979 = arith.constant 0 : index
      %get3A_980 = tpu.vector_load %arg9[%get3A_978, %get3A_979] {strides = array<i32>} : memref<64x16xf32, #tpu.memory_space<vmem>>, vector<1x16xf32>,
      %get3A_981 = vector.shape_cast %get3A_980 : vector<1x16xf32> to vector<16xf32>
      %get3A_982 = arith.index_cast %squeeze3A_969 : i32 to index
      %get3A_983 = arith.constant 0 : index
      %get3A_984 = tpu.vector_load %arg11[%get3A_982, %get3A_983] {strides = array<i32>} : memref<64x16xf32, #tpu.memory_space<vmem>>, vector<1x16xf32>,
      %get3A_985 = vector.shape_cast %get3A_984 : vector<1x16xf32> to vector<16xf32>
      %swap3A_986 = arith.index_cast %add3A_965 : i32 to index
      %swap3A_987 = arith.constant 0 : index
      %swap3A_988 = tpu.vector_load %arg12[%swap3A_986, %swap3A_987] {strides = array<i32>} : memref<512x64xf32, #tpu.memory_space<vmem>>, vector<1x16xf32>,
      %swap3A_989 = vector.shape_cast %swap3A_988 : vector<1x16xf32> to vector<16xf32>
      %swap3A_990 = vector.shape_cast %get3A_973 : vector<16xf32> to vector<1x16xf32>
      tpu.vector_store %arg12[%swap3A_986, %swap3A_987], %swap3A_990 {strides = array<i32>} : memref<512x64xf32, #tpu.memory_space<vmem>>, vector<1x16xf32>,
      %swap3A_991 = arith.index_cast %add3A_965 : i32 to index
      %swap3A_992 = arith.constant 16 : index
      %swap3A_993 = tpu.vector_load %arg12[%swap3A_991, %swap3A_992] {strides = array<i32>} : memref<512x64xf32, #tpu.memory_space<vmem>>, vector<1x16xf32>,
      %swap3A_994 = vector.shape_cast %swap3A_993 : vector<1x16xf32> to vector<16xf32>
      %swap3A_995 = vector.shape_cast %get3A_977 : vector<16xf32> to vector<1x16xf32>
      tpu.vector_store %arg12[%swap3A_991, %swap3A_992], %swap3A_995 {strides = array<i32>} : memref<512x64xf32, #tpu.memory_space<vmem>>, vector<1x16xf32>,
      %swap3A_996 = arith.index_cast %add3A_965 : i32 to index
      %swap3A_997 = arith.constant 32 : index
      %swap3A_998 = tpu.vector_load %arg12[%swap3A_996, %swap3A_997] {strides = array<i32>} : memref<512x64xf32, #tpu.memory_space<vmem>>, vector<1x16xf32>,
      %swap3A_999 = vector.shape_cast %swap3A_998 : vector<1x16xf32> to vector<16xf32>
      %swap3A_1000 = vector.shape_cast %get3A_973 : vector<16xf32> to vector<1x16xf32>
      tpu.vector_store %arg12[%swap3A_996, %swap3A_997], %swap3A_1000 {strides = array<i32>} : memref<512x64xf32, #tpu.memory_space<vmem>>, vector<1x16xf32>,
      %swap3A_1001 = arith.index_cast %add3A_965 : i32 to index
      %swap3A_1002 = arith.constant 48 : index
      %swap3A_1003 = tpu.vector_load %arg12[%swap3A_1001, %swap3A_1002] {strides = array<i32>} : memref<512x64xf32, #tpu.memory_space<vmem>>, vector<1x16xf32>,
      %swap3A_1004 = vector.shape_cast %swap3A_1003 : vector<1x16xf32> to vector<16xf32>
      %swap3A_1005 = vector.shape_cast %get3A_977 : vector<16xf32> to vector<1x16xf32>
      tpu.vector_store %arg12[%swap3A_1001, %swap3A_1002], %swap3A_1005 {strides = array<i32>} : memref<512x64xf32, #tpu.memory_space<vmem>>, vector<1x16xf32>,
      %swap3A_1006 = arith.index_cast %add3A_965 : i32 to index
      %swap3A_1007 = arith.constant 0 : index
      %swap3A_1008 = tpu.vector_load %arg13[%swap3A_1006, %swap3A_1007] {strides = array<i32>} : memref<512x64xf32, #tpu.memory_space<vmem>>, vector<1x16xf32>,
      %swap3A_1009 = vector.shape_cast %swap3A_1008 : vector<1x16xf32> to vector<16xf32>
      %swap3A_1010 = vector.shape_cast %get3A_981 : vector<16xf32> to vector<1x16xf32>
      tpu.vector_store %arg13[%swap3A_1006, %swap3A_1007], %swap3A_1010 {strides = array<i32>} : memref<512x64xf32, #tpu.memory_space<vmem>>, vector<1x16xf32>,
      %swap3A_1011 = arith.index_cast %add3A_965 : i32 to index
      %swap3A_1012 = arith.constant 16 : index
      %swap3A_1013 = tpu.vector_load %arg13[%swap3A_1011, %swap3A_1012] {strides = array<i32>} : memref<512x64xf32, #tpu.memory_space<vmem>>, vector<1x16xf32>,
      %swap3A_1014 = vector.shape_cast %swap3A_1013 : vector<1x16xf32> to vector<16xf32>
      %swap3A_1015 = vector.shape_cast %get3A_985 : vector<16xf32> to vector<1x16xf32>
      tpu.vector_store %arg13[%swap3A_1011, %swap3A_1012], %swap3A_1015 {strides = array<i32>} : memref<512x64xf32, #tpu.memory_space<vmem>>, vector<1x16xf32>,
      %swap3A_1016 = arith.index_cast %add3A_965 : i32 to index
      %swap3A_1017 = arith.constant 32 : index
      %swap3A_1018 = tpu.vector_load %arg13[%swap3A_1016, %swap3A_1017] {strides = array<i32>} : memref<512x64xf32, #tpu.memory_space<vmem>>, vector<1x16xf32>,
      %swap3A_1019 = vector.shape_cast %swap3A_1018 : vector<1x16xf32> to vector<16xf32>
      %swap3A_1020 = vector.shape_cast %get3A_981 : vector<16xf32> to vector<1x16xf32>
      tpu.vector_store %arg13[%swap3A_1016, %swap3A_1017], %swap3A_1020 {strides = array<i32>} : memref<512x64xf32, #tpu.memory_space<vmem>>, vector<1x16xf32>,
      %swap3A_1021 = arith.index_cast %add3A_965 : i32 to index
      %swap3A_1022 = arith.constant 48 : index
      %swap3A_1023 = tpu.vector_load %arg13[%swap3A_1021, %swap3A_1022] {strides = array<i32>} : memref<512x64xf32, #tpu.memory_space<vmem>>, vector<1x16xf32>,
      %swap3A_1024 = vector.shape_cast %swap3A_1023 : vector<1x16xf32> to vector<16xf32>
      %swap3A_1025 = vector.shape_cast %get3A_985 : vector<16xf32> to vector<1x16xf32>
      tpu.vector_store %arg13[%swap3A_1021, %swap3A_1022], %swap3A_1025 {strides = array<i32>} : memref<512x64xf32, #tpu.memory_space<vmem>>, vector<1x16xf32>,
      %add3A_1026 = arith.constant 12 : i32
      %add3A_1027 = arith.addi %mul3A_277, %add3A_1026 : i32
      %slice3A_1028 = vector.extract_strided_slice %shift_right_logical3A_282 {offsets = [12], sizes = [1], strides = [1]} : vector<16xi32> to vector<1xi32>
      %squeeze3A_1029 = vector.extract %slice3A_1028[0] : i32 from vector<1xi32>
      %slice3A_1030 = vector.extract_strided_slice %and3A_284 {offsets = [12], sizes = [1], strides = [1]} : vector<16xi32> to vector<1xi32>
      %squeeze3A_1031 = vector.extract %slice3A_1030[0] : i32 from vector<1xi32>
      %get3A_1032 = arith.index_cast %squeeze3A_1029 : i32 to index
      %get3A_1033 = arith.constant 0 : index
      %get3A_1034 = tpu.vector_load %arg8[%get3A_1032, %get3A_1033] {strides = array<i32>} : memref<64x16xf32, #tpu.memory_space<vmem>>, vector<1x16xf32>,
      %get3A_1035 = vector.shape_cast %get3A_1034 : vector<1x16xf32> to vector<16xf32>
      %get3A_1036 = arith.index_cast %squeeze3A_1031 : i32 to index
      %get3A_1037 = arith.constant 0 : index
      %get3A_1038 = tpu.vector_load %arg10[%get3A_1036, %get3A_1037] {strides = array<i32>} : memref<64x16xf32, #tpu.memory_space<vmem>>, vector<1x16xf32>,
      %get3A_1039 = vector.shape_cast %get3A_1038 : vector<1x16xf32> to vector<16xf32>
      %get3A_1040 = arith.index_cast %squeeze3A_1029 : i32 to index
      %get3A_1041 = arith.constant 0 : index
      %get3A_1042 = tpu.vector_load %arg9[%get3A_1040, %get3A_1041] {strides = array<i32>} : memref<64x16xf32, #tpu.memory_space<vmem>>, vector<1x16xf32>,
      %get3A_1043 = vector.shape_cast %get3A_1042 : vector<1x16xf32> to vector<16xf32>
      %get3A_1044 = arith.index_cast %squeeze3A_1031 : i32 to index
      %get3A_1045 = arith.constant 0 : index
      %get3A_1046 = tpu.vector_load %arg11[%get3A_1044, %get3A_1045] {strides = array<i32>} : memref<64x16xf32, #tpu.memory_space<vmem>>, vector<1x16xf32>,
      %get3A_1047 = vector.shape_cast %get3A_1046 : vector<1x16xf32> to vector<16xf32>
      %swap3A_1048 = arith.index_cast %add3A_1027 : i32 to index
      %swap3A_1049 = arith.constant 0 : index
      %swap3A_1050 = tpu.vector_load %arg12[%swap3A_1048, %swap3A_1049] {strides = array<i32>} : memref<512x64xf32, #tpu.memory_space<vmem>>, vector<1x16xf32>,
      %swap3A_1051 = vector.shape_cast %swap3A_1050 : vector<1x16xf32> to vector<16xf32>
      %swap3A_1052 = vector.shape_cast %get3A_1035 : vector<16xf32> to vector<1x16xf32>
      tpu.vector_store %arg12[%swap3A_1048, %swap3A_1049], %swap3A_1052 {strides = array<i32>} : memref<512x64xf32, #tpu.memory_space<vmem>>, vector<1x16xf32>,
      %swap3A_1053 = arith.index_cast %add3A_1027 : i32 to index
      %swap3A_1054 = arith.constant 16 : index
      %swap3A_1055 = tpu.vector_load %arg12[%swap3A_1053, %swap3A_1054] {strides = array<i32>} : memref<512x64xf32, #tpu.memory_space<vmem>>, vector<1x16xf32>,
      %swap3A_1056 = vector.shape_cast %swap3A_1055 : vector<1x16xf32> to vector<16xf32>
      %swap3A_1057 = vector.shape_cast %get3A_1039 : vector<16xf32> to vector<1x16xf32>
      tpu.vector_store %arg12[%swap3A_1053, %swap3A_1054], %swap3A_1057 {strides = array<i32>} : memref<512x64xf32, #tpu.memory_space<vmem>>, vector<1x16xf32>,
      %swap3A_1058 = arith.index_cast %add3A_1027 : i32 to index
      %swap3A_1059 = arith.constant 32 : index
      %swap3A_1060 = tpu.vector_load %arg12[%swap3A_1058, %swap3A_1059] {strides = array<i32>} : memref<512x64xf32, #tpu.memory_space<vmem>>, vector<1x16xf32>,
      %swap3A_1061 = vector.shape_cast %swap3A_1060 : vector<1x16xf32> to vector<16xf32>
      %swap3A_1062 = vector.shape_cast %get3A_1035 : vector<16xf32> to vector<1x16xf32>
      tpu.vector_store %arg12[%swap3A_1058, %swap3A_1059], %swap3A_1062 {strides = array<i32>} : memref<512x64xf32, #tpu.memory_space<vmem>>, vector<1x16xf32>,
      %swap3A_1063 = arith.index_cast %add3A_1027 : i32 to index
      %swap3A_1064 = arith.constant 48 : index
      %swap3A_1065 = tpu.vector_load %arg12[%swap3A_1063, %swap3A_1064] {strides = array<i32>} : memref<512x64xf32, #tpu.memory_space<vmem>>, vector<1x16xf32>,
      %swap3A_1066 = vector.shape_cast %swap3A_1065 : vector<1x16xf32> to vector<16xf32>
      %swap3A_1067 = vector.shape_cast %get3A_1039 : vector<16xf32> to vector<1x16xf32>
      tpu.vector_store %arg12[%swap3A_1063, %swap3A_1064], %swap3A_1067 {strides = array<i32>} : memref<512x64xf32, #tpu.memory_space<vmem>>, vector<1x16xf32>,
      %swap3A_1068 = arith.index_cast %add3A_1027 : i32 to index
      %swap3A_1069 = arith.constant 0 : index
      %swap3A_1070 = tpu.vector_load %arg13[%swap3A_1068, %swap3A_1069] {strides = array<i32>} : memref<512x64xf32, #tpu.memory_space<vmem>>, vector<1x16xf32>,
      %swap3A_1071 = vector.shape_cast %swap3A_1070 : vector<1x16xf32> to vector<16xf32>
      %swap3A_1072 = vector.shape_cast %get3A_1043 : vector<16xf32> to vector<1x16xf32>
      tpu.vector_store %arg13[%swap3A_1068, %swap3A_1069], %swap3A_1072 {strides = array<i32>} : memref<512x64xf32, #tpu.memory_space<vmem>>, vector<1x16xf32>,
      %swap3A_1073 = arith.index_cast %add3A_1027 : i32 to index
      %swap3A_1074 = arith.constant 16 : index
      %swap3A_1075 = tpu.vector_load %arg13[%swap3A_1073, %swap3A_1074] {strides = array<i32>} : memref<512x64xf32, #tpu.memory_space<vmem>>, vector<1x16xf32>,
      %swap3A_1076 = vector.shape_cast %swap3A_1075 : vector<1x16xf32> to vector<16xf32>
      %swap3A_1077 = vector.shape_cast %get3A_1047 : vector<16xf32> to vector<1x16xf32>
      tpu.vector_store %arg13[%swap3A_1073, %swap3A_1074], %swap3A_1077 {strides = array<i32>} : memref<512x64xf32, #tpu.memory_space<vmem>>, vector<1x16xf32>,
      %swap3A_1078 = arith.index_cast %add3A_1027 : i32 to index
      %swap3A_1079 = arith.constant 32 : index
      %swap3A_1080 = tpu.vector_load %arg13[%swap3A_1078, %swap3A_1079] {strides = array<i32>} : memref<512x64xf32, #tpu.memory_space<vmem>>, vector<1x16xf32>,
      %swap3A_1081 = vector.shape_cast %swap3A_1080 : vector<1x16xf32> to vector<16xf32>
      %swap3A_1082 = vector.shape_cast %get3A_1043 : vector<16xf32> to vector<1x16xf32>
      tpu.vector_store %arg13[%swap3A_1078, %swap3A_1079], %swap3A_1082 {strides = array<i32>} : memref<512x64xf32, #tpu.memory_space<vmem>>, vector<1x16xf32>,
      %swap3A_1083 = arith.index_cast %add3A_1027 : i32 to index
      %swap3A_1084 = arith.constant 48 : index
      %swap3A_1085 = tpu.vector_load %arg13[%swap3A_1083, %swap3A_1084] {strides = array<i32>} : memref<512x64xf32, #tpu.memory_space<vmem>>, vector<1x16xf32>,
      %swap3A_1086 = vector.shape_cast %swap3A_1085 : vector<1x16xf32> to vector<16xf32>
      %swap3A_1087 = vector.shape_cast %get3A_1047 : vector<16xf32> to vector<1x16xf32>
      tpu.vector_store %arg13[%swap3A_1083, %swap3A_1084], %swap3A_1087 {strides = array<i32>} : memref<512x64xf32, #tpu.memory_space<vmem>>, vector<1x16xf32>,
      %add3A_1088 = arith.constant 13 : i32
      %add3A_1089 = arith.addi %mul3A_277, %add3A_1088 : i32
      %slice3A_1090 = vector.extract_strided_slice %shift_right_logical3A_282 {offsets = [13], sizes = [1], strides = [1]} : vector<16xi32> to vector<1xi32>
      %squeeze3A_1091 = vector.extract %slice3A_1090[0] : i32 from vector<1xi32>
      %slice3A_1092 = vector.extract_strided_slice %and3A_284 {offsets = [13], sizes = [1], strides = [1]} : vector<16xi32> to vector<1xi32>
      %squeeze3A_1093 = vector.extract %slice3A_1092[0] : i32 from vector<1xi32>
      %get3A_1094 = arith.index_cast %squeeze3A_1091 : i32 to index
      %get3A_1095 = arith.constant 0 : index
      %get3A_1096 = tpu.vector_load %arg8[%get3A_1094, %get3A_1095] {strides = array<i32>} : memref<64x16xf32, #tpu.memory_space<vmem>>, vector<1x16xf32>,
      %get3A_1097 = vector.shape_cast %get3A_1096 : vector<1x16xf32> to vector<16xf32>
      %get3A_1098 = arith.index_cast %squeeze3A_1093 : i32 to index
      %get3A_1099 = arith.constant 0 : index
      %get3A_1100 = tpu.vector_load %arg10[%get3A_1098, %get3A_1099] {strides = array<i32>} : memref<64x16xf32, #tpu.memory_space<vmem>>, vector<1x16xf32>,
      %get3A_1101 = vector.shape_cast %get3A_1100 : vector<1x16xf32> to vector<16xf32>
      %get3A_1102 = arith.index_cast %squeeze3A_1091 : i32 to index
      %get3A_1103 = arith.constant 0 : index
      %get3A_1104 = tpu.vector_load %arg9[%get3A_1102, %get3A_1103] {strides = array<i32>} : memref<64x16xf32, #tpu.memory_space<vmem>>, vector<1x16xf32>,
      %get3A_1105 = vector.shape_cast %get3A_1104 : vector<1x16xf32> to vector<16xf32>
      %get3A_1106 = arith.index_cast %squeeze3A_1093 : i32 to index
      %get3A_1107 = arith.constant 0 : index
      %get3A_1108 = tpu.vector_load %arg11[%get3A_1106, %get3A_1107] {strides = array<i32>} : memref<64x16xf32, #tpu.memory_space<vmem>>, vector<1x16xf32>,
      %get3A_1109 = vector.shape_cast %get3A_1108 : vector<1x16xf32> to vector<16xf32>
      %swap3A_1110 = arith.index_cast %add3A_1089 : i32 to index
      %swap3A_1111 = arith.constant 0 : index
      %swap3A_1112 = tpu.vector_load %arg12[%swap3A_1110, %swap3A_1111] {strides = array<i32>} : memref<512x64xf32, #tpu.memory_space<vmem>>, vector<1x16xf32>,
      %swap3A_1113 = vector.shape_cast %swap3A_1112 : vector<1x16xf32> to vector<16xf32>
      %swap3A_1114 = vector.shape_cast %get3A_1097 : vector<16xf32> to vector<1x16xf32>
      tpu.vector_store %arg12[%swap3A_1110, %swap3A_1111], %swap3A_1114 {strides = array<i32>} : memref<512x64xf32, #tpu.memory_space<vmem>>, vector<1x16xf32>,
      %swap3A_1115 = arith.index_cast %add3A_1089 : i32 to index
      %swap3A_1116 = arith.constant 16 : index
      %swap3A_1117 = tpu.vector_load %arg12[%swap3A_1115, %swap3A_1116] {strides = array<i32>} : memref<512x64xf32, #tpu.memory_space<vmem>>, vector<1x16xf32>,
      %swap3A_1118 = vector.shape_cast %swap3A_1117 : vector<1x16xf32> to vector<16xf32>
      %swap3A_1119 = vector.shape_cast %get3A_1101 : vector<16xf32> to vector<1x16xf32>
      tpu.vector_store %arg12[%swap3A_1115, %swap3A_1116], %swap3A_1119 {strides = array<i32>} : memref<512x64xf32, #tpu.memory_space<vmem>>, vector<1x16xf32>,
      %swap3A_1120 = arith.index_cast %add3A_1089 : i32 to index
      %swap3A_1121 = arith.constant 32 : index
      %swap3A_1122 = tpu.vector_load %arg12[%swap3A_1120, %swap3A_1121] {strides = array<i32>} : memref<512x64xf32, #tpu.memory_space<vmem>>, vector<1x16xf32>,
      %swap3A_1123 = vector.shape_cast %swap3A_1122 : vector<1x16xf32> to vector<16xf32>
      %swap3A_1124 = vector.shape_cast %get3A_1097 : vector<16xf32> to vector<1x16xf32>
      tpu.vector_store %arg12[%swap3A_1120, %swap3A_1121], %swap3A_1124 {strides = array<i32>} : memref<512x64xf32, #tpu.memory_space<vmem>>, vector<1x16xf32>,
      %swap3A_1125 = arith.index_cast %add3A_1089 : i32 to index
      %swap3A_1126 = arith.constant 48 : index
      %swap3A_1127 = tpu.vector_load %arg12[%swap3A_1125, %swap3A_1126] {strides = array<i32>} : memref<512x64xf32, #tpu.memory_space<vmem>>, vector<1x16xf32>,
      %swap3A_1128 = vector.shape_cast %swap3A_1127 : vector<1x16xf32> to vector<16xf32>
      %swap3A_1129 = vector.shape_cast %get3A_1101 : vector<16xf32> to vector<1x16xf32>
      tpu.vector_store %arg12[%swap3A_1125, %swap3A_1126], %swap3A_1129 {strides = array<i32>} : memref<512x64xf32, #tpu.memory_space<vmem>>, vector<1x16xf32>,
      %swap3A_1130 = arith.index_cast %add3A_1089 : i32 to index
      %swap3A_1131 = arith.constant 0 : index
      %swap3A_1132 = tpu.vector_load %arg13[%swap3A_1130, %swap3A_1131] {strides = array<i32>} : memref<512x64xf32, #tpu.memory_space<vmem>>, vector<1x16xf32>,
      %swap3A_1133 = vector.shape_cast %swap3A_1132 : vector<1x16xf32> to vector<16xf32>
      %swap3A_1134 = vector.shape_cast %get3A_1105 : vector<16xf32> to vector<1x16xf32>
      tpu.vector_store %arg13[%swap3A_1130, %swap3A_1131], %swap3A_1134 {strides = array<i32>} : memref<512x64xf32, #tpu.memory_space<vmem>>, vector<1x16xf32>,
      %swap3A_1135 = arith.index_cast %add3A_1089 : i32 to index
      %swap3A_1136 = arith.constant 16 : index
      %swap3A_1137 = tpu.vector_load %arg13[%swap3A_1135, %swap3A_1136] {strides = array<i32>} : memref<512x64xf32, #tpu.memory_space<vmem>>, vector<1x16xf32>,
      %swap3A_1138 = vector.shape_cast %swap3A_1137 : vector<1x16xf32> to vector<16xf32>
      %swap3A_1139 = vector.shape_cast %get3A_1109 : vector<16xf32> to vector<1x16xf32>
      tpu.vector_store %arg13[%swap3A_1135, %swap3A_1136], %swap3A_1139 {strides = array<i32>} : memref<512x64xf32, #tpu.memory_space<vmem>>, vector<1x16xf32>,
      %swap3A_1140 = arith.index_cast %add3A_1089 : i32 to index
      %swap3A_1141 = arith.constant 32 : index
      %swap3A_1142 = tpu.vector_load %arg13[%swap3A_1140, %swap3A_1141] {strides = array<i32>} : memref<512x64xf32, #tpu.memory_space<vmem>>, vector<1x16xf32>,
      %swap3A_1143 = vector.shape_cast %swap3A_1142 : vector<1x16xf32> to vector<16xf32>
      %swap3A_1144 = vector.shape_cast %get3A_1105 : vector<16xf32> to vector<1x16xf32>
      tpu.vector_store %arg13[%swap3A_1140, %swap3A_1141], %swap3A_1144 {strides = array<i32>} : memref<512x64xf32, #tpu.memory_space<vmem>>, vector<1x16xf32>,
      %swap3A_1145 = arith.index_cast %add3A_1089 : i32 to index
      %swap3A_1146 = arith.constant 48 : index
      %swap3A_1147 = tpu.vector_load %arg13[%swap3A_1145, %swap3A_1146] {strides = array<i32>} : memref<512x64xf32, #tpu.memory_space<vmem>>, vector<1x16xf32>,
      %swap3A_1148 = vector.shape_cast %swap3A_1147 : vector<1x16xf32> to vector<16xf32>
      %swap3A_1149 = vector.shape_cast %get3A_1109 : vector<16xf32> to vector<1x16xf32>
      tpu.vector_store %arg13[%swap3A_1145, %swap3A_1146], %swap3A_1149 {strides = array<i32>} : memref<512x64xf32, #tpu.memory_space<vmem>>, vector<1x16xf32>,
      %add3A_1150 = arith.constant 14 : i32
      %add3A_1151 = arith.addi %mul3A_277, %add3A_1150 : i32
      %slice3A_1152 = vector.extract_strided_slice %shift_right_logical3A_282 {offsets = [14], sizes = [1], strides = [1]} : vector<16xi32> to vector<1xi32>
      %squeeze3A_1153 = vector.extract %slice3A_1152[0] : i32 from vector<1xi32>
      %slice3A_1154 = vector.extract_strided_slice %and3A_284 {offsets = [14], sizes = [1], strides = [1]} : vector<16xi32> to vector<1xi32>
      %squeeze3A_1155 = vector.extract %slice3A_1154[0] : i32 from vector<1xi32>
      %get3A_1156 = arith.index_cast %squeeze3A_1153 : i32 to index
      %get3A_1157 = arith.constant 0 : index
      %get3A_1158 = tpu.vector_load %arg8[%get3A_1156, %get3A_1157] {strides = array<i32>} : memref<64x16xf32, #tpu.memory_space<vmem>>, vector<1x16xf32>,
      %get3A_1159 = vector.shape_cast %get3A_1158 : vector<1x16xf32> to vector<16xf32>
      %get3A_1160 = arith.index_cast %squeeze3A_1155 : i32 to index
      %get3A_1161 = arith.constant 0 : index
      %get3A_1162 = tpu.vector_load %arg10[%get3A_1160, %get3A_1161] {strides = array<i32>} : memref<64x16xf32, #tpu.memory_space<vmem>>, vector<1x16xf32>,
      %get3A_1163 = vector.shape_cast %get3A_1162 : vector<1x16xf32> to vector<16xf32>
      %get3A_1164 = arith.index_cast %squeeze3A_1153 : i32 to index
      %get3A_1165 = arith.constant 0 : index
      %get3A_1166 = tpu.vector_load %arg9[%get3A_1164, %get3A_1165] {strides = array<i32>} : memref<64x16xf32, #tpu.memory_space<vmem>>, vector<1x16xf32>,
      %get3A_1167 = vector.shape_cast %get3A_1166 : vector<1x16xf32> to vector<16xf32>
      %get3A_1168 = arith.index_cast %squeeze3A_1155 : i32 to index
      %get3A_1169 = arith.constant 0 : index
      %get3A_1170 = tpu.vector_load %arg11[%get3A_1168, %get3A_1169] {strides = array<i32>} : memref<64x16xf32, #tpu.memory_space<vmem>>, vector<1x16xf32>,
      %get3A_1171 = vector.shape_cast %get3A_1170 : vector<1x16xf32> to vector<16xf32>
      %swap3A_1172 = arith.index_cast %add3A_1151 : i32 to index
      %swap3A_1173 = arith.constant 0 : index
      %swap3A_1174 = tpu.vector_load %arg12[%swap3A_1172, %swap3A_1173] {strides = array<i32>} : memref<512x64xf32, #tpu.memory_space<vmem>>, vector<1x16xf32>,
      %swap3A_1175 = vector.shape_cast %swap3A_1174 : vector<1x16xf32> to vector<16xf32>
      %swap3A_1176 = vector.shape_cast %get3A_1159 : vector<16xf32> to vector<1x16xf32>
      tpu.vector_store %arg12[%swap3A_1172, %swap3A_1173], %swap3A_1176 {strides = array<i32>} : memref<512x64xf32, #tpu.memory_space<vmem>>, vector<1x16xf32>,
      %swap3A_1177 = arith.index_cast %add3A_1151 : i32 to index
      %swap3A_1178 = arith.constant 16 : index
      %swap3A_1179 = tpu.vector_load %arg12[%swap3A_1177, %swap3A_1178] {strides = array<i32>} : memref<512x64xf32, #tpu.memory_space<vmem>>, vector<1x16xf32>,
      %swap3A_1180 = vector.shape_cast %swap3A_1179 : vector<1x16xf32> to vector<16xf32>
      %swap3A_1181 = vector.shape_cast %get3A_1163 : vector<16xf32> to vector<1x16xf32>
      tpu.vector_store %arg12[%swap3A_1177, %swap3A_1178], %swap3A_1181 {strides = array<i32>} : memref<512x64xf32, #tpu.memory_space<vmem>>, vector<1x16xf32>,
      %swap3A_1182 = arith.index_cast %add3A_1151 : i32 to index
      %swap3A_1183 = arith.constant 32 : index
      %swap3A_1184 = tpu.vector_load %arg12[%swap3A_1182, %swap3A_1183] {strides = array<i32>} : memref<512x64xf32, #tpu.memory_space<vmem>>, vector<1x16xf32>,
      %swap3A_1185 = vector.shape_cast %swap3A_1184 : vector<1x16xf32> to vector<16xf32>
      %swap3A_1186 = vector.shape_cast %get3A_1159 : vector<16xf32> to vector<1x16xf32>
      tpu.vector_store %arg12[%swap3A_1182, %swap3A_1183], %swap3A_1186 {strides = array<i32>} : memref<512x64xf32, #tpu.memory_space<vmem>>, vector<1x16xf32>,
      %swap3A_1187 = arith.index_cast %add3A_1151 : i32 to index
      %swap3A_1188 = arith.constant 48 : index
      %swap3A_1189 = tpu.vector_load %arg12[%swap3A_1187, %swap3A_1188] {strides = array<i32>} : memref<512x64xf32, #tpu.memory_space<vmem>>, vector<1x16xf32>,
      %swap3A_1190 = vector.shape_cast %swap3A_1189 : vector<1x16xf32> to vector<16xf32>
      %swap3A_1191 = vector.shape_cast %get3A_1163 : vector<16xf32> to vector<1x16xf32>
      tpu.vector_store %arg12[%swap3A_1187, %swap3A_1188], %swap3A_1191 {strides = array<i32>} : memref<512x64xf32, #tpu.memory_space<vmem>>, vector<1x16xf32>,
      %swap3A_1192 = arith.index_cast %add3A_1151 : i32 to index
      %swap3A_1193 = arith.constant 0 : index
      %swap3A_1194 = tpu.vector_load %arg13[%swap3A_1192, %swap3A_1193] {strides = array<i32>} : memref<512x64xf32, #tpu.memory_space<vmem>>, vector<1x16xf32>,
      %swap3A_1195 = vector.shape_cast %swap3A_1194 : vector<1x16xf32> to vector<16xf32>
      %swap3A_1196 = vector.shape_cast %get3A_1167 : vector<16xf32> to vector<1x16xf32>
      tpu.vector_store %arg13[%swap3A_1192, %swap3A_1193], %swap3A_1196 {strides = array<i32>} : memref<512x64xf32, #tpu.memory_space<vmem>>, vector<1x16xf32>,
      %swap3A_1197 = arith.index_cast %add3A_1151 : i32 to index
      %swap3A_1198 = arith.constant 16 : index
      %swap3A_1199 = tpu.vector_load %arg13[%swap3A_1197, %swap3A_1198] {strides = array<i32>} : memref<512x64xf32, #tpu.memory_space<vmem>>, vector<1x16xf32>,
      %swap3A_1200 = vector.shape_cast %swap3A_1199 : vector<1x16xf32> to vector<16xf32>
      %swap3A_1201 = vector.shape_cast %get3A_1171 : vector<16xf32> to vector<1x16xf32>
      tpu.vector_store %arg13[%swap3A_1197, %swap3A_1198], %swap3A_1201 {strides = array<i32>} : memref<512x64xf32, #tpu.memory_space<vmem>>, vector<1x16xf32>,
      %swap3A_1202 = arith.index_cast %add3A_1151 : i32 to index
      %swap3A_1203 = arith.constant 32 : index
      %swap3A_1204 = tpu.vector_load %arg13[%swap3A_1202, %swap3A_1203] {strides = array<i32>} : memref<512x64xf32, #tpu.memory_space<vmem>>, vector<1x16xf32>,
      %swap3A_1205 = vector.shape_cast %swap3A_1204 : vector<1x16xf32> to vector<16xf32>
      %swap3A_1206 = vector.shape_cast %get3A_1167 : vector<16xf32> to vector<1x16xf32>
      tpu.vector_store %arg13[%swap3A_1202, %swap3A_1203], %swap3A_1206 {strides = array<i32>} : memref<512x64xf32, #tpu.memory_space<vmem>>, vector<1x16xf32>,
      %swap3A_1207 = arith.index_cast %add3A_1151 : i32 to index
      %swap3A_1208 = arith.constant 48 : index
      %swap3A_1209 = tpu.vector_load %arg13[%swap3A_1207, %swap3A_1208] {strides = array<i32>} : memref<512x64xf32, #tpu.memory_space<vmem>>, vector<1x16xf32>,
      %swap3A_1210 = vector.shape_cast %swap3A_1209 : vector<1x16xf32> to vector<16xf32>
      %swap3A_1211 = vector.shape_cast %get3A_1171 : vector<16xf32> to vector<1x16xf32>
      tpu.vector_store %arg13[%swap3A_1207, %swap3A_1208], %swap3A_1211 {strides = array<i32>} : memref<512x64xf32, #tpu.memory_space<vmem>>, vector<1x16xf32>,
      %add3A_1212 = arith.constant 15 : i32
      %add3A_1213 = arith.addi %mul3A_277, %add3A_1212 : i32
      %slice3A_1214 = vector.extract_strided_slice %shift_right_logical3A_282 {offsets = [15], sizes = [1], strides = [1]} : vector<16xi32> to vector<1xi32>
      %squeeze3A_1215 = vector.extract %slice3A_1214[0] : i32 from vector<1xi32>
      %slice3A_1216 = vector.extract_strided_slice %and3A_284 {offsets = [15], sizes = [1], strides = [1]} : vector<16xi32> to vector<1xi32>
      %squeeze3A_1217 = vector.extract %slice3A_1216[0] : i32 from vector<1xi32>
      %get3A_1218 = arith.index_cast %squeeze3A_1215 : i32 to index
      %get3A_1219 = arith.constant 0 : index
      %get3A_1220 = tpu.vector_load %arg8[%get3A_1218, %get3A_1219] {strides = array<i32>} : memref<64x16xf32, #tpu.memory_space<vmem>>, vector<1x16xf32>,
      %get3A_1221 = vector.shape_cast %get3A_1220 : vector<1x16xf32> to vector<16xf32>
      %get3A_1222 = arith.index_cast %squeeze3A_1217 : i32 to index
      %get3A_1223 = arith.constant 0 : index
      %get3A_1224 = tpu.vector_load %arg10[%get3A_1222, %get3A_1223] {strides = array<i32>} : memref<64x16xf32, #tpu.memory_space<vmem>>, vector<1x16xf32>,
      %get3A_1225 = vector.shape_cast %get3A_1224 : vector<1x16xf32> to vector<16xf32>
      %get3A_1226 = arith.index_cast %squeeze3A_1215 : i32 to index
      %get3A_1227 = arith.constant 0 : index
      %get3A_1228 = tpu.vector_load %arg9[%get3A_1226, %get3A_1227] {strides = array<i32>} : memref<64x16xf32, #tpu.memory_space<vmem>>, vector<1x16xf32>,
      %get3A_1229 = vector.shape_cast %get3A_1228 : vector<1x16xf32> to vector<16xf32>
      %get3A_1230 = arith.index_cast %squeeze3A_1217 : i32 to index
      %get3A_1231 = arith.constant 0 : index
      %get3A_1232 = tpu.vector_load %arg11[%get3A_1230, %get3A_1231] {strides = array<i32>} : memref<64x16xf32, #tpu.memory_space<vmem>>, vector<1x16xf32>,
      %get3A_1233 = vector.shape_cast %get3A_1232 : vector<1x16xf32> to vector<16xf32>
      %swap3A_1234 = arith.index_cast %add3A_1213 : i32 to index
      %swap3A_1235 = arith.constant 0 : index
      %swap3A_1236 = tpu.vector_load %arg12[%swap3A_1234, %swap3A_1235] {strides = array<i32>} : memref<512x64xf32, #tpu.memory_space<vmem>>, vector<1x16xf32>,
      %swap3A_1237 = vector.shape_cast %swap3A_1236 : vector<1x16xf32> to vector<16xf32>
      %swap3A_1238 = vector.shape_cast %get3A_1221 : vector<16xf32> to vector<1x16xf32>
      tpu.vector_store %arg12[%swap3A_1234, %swap3A_1235], %swap3A_1238 {strides = array<i32>} : memref<512x64xf32, #tpu.memory_space<vmem>>, vector<1x16xf32>,
      %swap3A_1239 = arith.index_cast %add3A_1213 : i32 to index
      %swap3A_1240 = arith.constant 16 : index
      %swap3A_1241 = tpu.vector_load %arg12[%swap3A_1239, %swap3A_1240] {strides = array<i32>} : memref<512x64xf32, #tpu.memory_space<vmem>>, vector<1x16xf32>,
      %swap3A_1242 = vector.shape_cast %swap3A_1241 : vector<1x16xf32> to vector<16xf32>
      %swap3A_1243 = vector.shape_cast %get3A_1225 : vector<16xf32> to vector<1x16xf32>
      tpu.vector_store %arg12[%swap3A_1239, %swap3A_1240], %swap3A_1243 {strides = array<i32>} : memref<512x64xf32, #tpu.memory_space<vmem>>, vector<1x16xf32>,
      %swap3A_1244 = arith.index_cast %add3A_1213 : i32 to index
      %swap3A_1245 = arith.constant 32 : index
      %swap3A_1246 = tpu.vector_load %arg12[%swap3A_1244, %swap3A_1245] {strides = array<i32>} : memref<512x64xf32, #tpu.memory_space<vmem>>, vector<1x16xf32>,
      %swap3A_1247 = vector.shape_cast %swap3A_1246 : vector<1x16xf32> to vector<16xf32>
      %swap3A_1248 = vector.shape_cast %get3A_1221 : vector<16xf32> to vector<1x16xf32>
      tpu.vector_store %arg12[%swap3A_1244, %swap3A_1245], %swap3A_1248 {strides = array<i32>} : memref<512x64xf32, #tpu.memory_space<vmem>>, vector<1x16xf32>,
      %swap3A_1249 = arith.index_cast %add3A_1213 : i32 to index
      %swap3A_1250 = arith.constant 48 : index
      %swap3A_1251 = tpu.vector_load %arg12[%swap3A_1249, %swap3A_1250] {strides = array<i32>} : memref<512x64xf32, #tpu.memory_space<vmem>>, vector<1x16xf32>,
      %swap3A_1252 = vector.shape_cast %swap3A_1251 : vector<1x16xf32> to vector<16xf32>
      %swap3A_1253 = vector.shape_cast %get3A_1225 : vector<16xf32> to vector<1x16xf32>
      tpu.vector_store %arg12[%swap3A_1249, %swap3A_1250], %swap3A_1253 {strides = array<i32>} : memref<512x64xf32, #tpu.memory_space<vmem>>, vector<1x16xf32>,
      %swap3A_1254 = arith.index_cast %add3A_1213 : i32 to index
      %swap3A_1255 = arith.constant 0 : index
      %swap3A_1256 = tpu.vector_load %arg13[%swap3A_1254, %swap3A_1255] {strides = array<i32>} : memref<512x64xf32, #tpu.memory_space<vmem>>, vector<1x16xf32>,
      %swap3A_1257 = vector.shape_cast %swap3A_1256 : vector<1x16xf32> to vector<16xf32>
      %swap3A_1258 = vector.shape_cast %get3A_1229 : vector<16xf32> to vector<1x16xf32>
      tpu.vector_store %arg13[%swap3A_1254, %swap3A_1255], %swap3A_1258 {strides = array<i32>} : memref<512x64xf32, #tpu.memory_space<vmem>>, vector<1x16xf32>,
      %swap3A_1259 = arith.index_cast %add3A_1213 : i32 to index
      %swap3A_1260 = arith.constant 16 : index
      %swap3A_1261 = tpu.vector_load %arg13[%swap3A_1259, %swap3A_1260] {strides = array<i32>} : memref<512x64xf32, #tpu.memory_space<vmem>>, vector<1x16xf32>,
      %swap3A_1262 = vector.shape_cast %swap3A_1261 : vector<1x16xf32> to vector<16xf32>
      %swap3A_1263 = vector.shape_cast %get3A_1233 : vector<16xf32> to vector<1x16xf32>
      tpu.vector_store %arg13[%swap3A_1259, %swap3A_1260], %swap3A_1263 {strides = array<i32>} : memref<512x64xf32, #tpu.memory_space<vmem>>, vector<1x16xf32>,
      %swap3A_1264 = arith.index_cast %add3A_1213 : i32 to index
      %swap3A_1265 = arith.constant 32 : index
      %swap3A_1266 = tpu.vector_load %arg13[%swap3A_1264, %swap3A_1265] {strides = array<i32>} : memref<512x64xf32, #tpu.memory_space<vmem>>, vector<1x16xf32>,
      %swap3A_1267 = vector.shape_cast %swap3A_1266 : vector<1x16xf32> to vector<16xf32>
      %swap3A_1268 = vector.shape_cast %get3A_1229 : vector<16xf32> to vector<1x16xf32>
      tpu.vector_store %arg13[%swap3A_1264, %swap3A_1265], %swap3A_1268 {strides = array<i32>} : memref<512x64xf32, #tpu.memory_space<vmem>>, vector<1x16xf32>,
      %swap3A_1269 = arith.index_cast %add3A_1213 : i32 to index
      %swap3A_1270 = arith.constant 48 : index
      %swap3A_1271 = tpu.vector_load %arg13[%swap3A_1269, %swap3A_1270] {strides = array<i32>} : memref<512x64xf32, #tpu.memory_space<vmem>>, vector<1x16xf32>,
      %swap3A_1272 = vector.shape_cast %swap3A_1271 : vector<1x16xf32> to vector<16xf32>
      %swap3A_1273 = vector.shape_cast %get3A_1233 : vector<16xf32> to vector<1x16xf32>
      tpu.vector_store %arg13[%swap3A_1269, %swap3A_1270], %swap3A_1273 {strides = array<i32>} : memref<512x64xf32, #tpu.memory_space<vmem>>, vector<1x16xf32>,
      %scan3A_1274 = arith.constant 0 : i32
      scf.yield %scan3A_1274 : i32
    }
    %scan3A_28 = arith.constant 8 : i32
    %dma_start3A_29 = arith.constant 0 : i32
    %dma_start3A_30 = arith.constant 0 : i32
    %dma_start3A_31 = tpu.memref_slice %arg12[%dma_start3A_29, %dma_start3A_30] : memref<512x64xf32, #tpu.memory_space<vmem>> -> memref<128x64xf32, #tpu.memory_space<vmem>>
    %dma_start3A_32 = arith.constant 0 : i32
    %dma_start3A_33 = arith.constant 0 : i32
    %dma_start3A_34 = tpu.memref_slice %arg4[%add3A, %dma_start3A_32, %dma_start3A_33] : memref<32x512x64xf32, #tpu.memory_space<hbm>> -> memref<1x128x64xf32, #tpu.memory_space<hbm>>
    %dma_start3A_35 = tpu.memref_squeeze %dma_start3A_34 : memref<1x128x64xf32, #tpu.memory_space<hbm>> -> memref<128x64xf32, #tpu.memory_space<hbm>>
    %dma_start3A_36 = arith.constant 0 : i32
    %dma_start3A_37 = arith.constant 0 : i32
    %dma_start3A_38 = tpu.memref_slice %arg4[%add3A, %dma_start3A_36, %dma_start3A_37] : memref<32x512x64xf32, #tpu.memory_space<hbm>> -> memref<1x128x64xf32, #tpu.memory_space<hbm>>
    %dma_start3A_39 = tpu.memref_squeeze %dma_start3A_38 : memref<1x128x64xf32, #tpu.memory_space<hbm>> -> memref<128x64xf32, #tpu.memory_space<hbm>>
    %dma_start3A_40 = arith.constant 0 : i32
    %dma_start3A_41 = arith.constant 0 : i32
    %dma_start3A_42 = tpu.memref_slice %arg12[%dma_start3A_40, %dma_start3A_41] : memref<512x64xf32, #tpu.memory_space<vmem>> -> memref<128x64xf32, #tpu.memory_space<vmem>>
    tpu.enqueue_dma source(%dma_start3A_42 : memref<128x64xf32, #tpu.memory_space<vmem>>) target(%dma_start3A_39 : memref<128x64xf32, #tpu.memory_space<hbm>>) target_semaphore(%arg14 : memref<!tpu.dma_semaphore, #tpu.memory_space<semaphore_mem>>)
    %dma_start3A_43 = arith.constant 0 : i32
    %dma_start3A_44 = arith.constant 0 : i32
    %dma_start3A_45 = tpu.memref_slice %arg13[%dma_start3A_43, %dma_start3A_44] : memref<512x64xf32, #tpu.memory_space<vmem>> -> memref<128x64xf32, #tpu.memory_space<vmem>>
    %dma_start3A_46 = arith.constant 0 : i32
    %dma_start3A_47 = arith.constant 0 : i32
    %dma_start3A_48 = tpu.memref_slice %arg5[%add3A, %dma_start3A_46, %dma_start3A_47] : memref<32x512x64xf32, #tpu.memory_space<hbm>> -> memref<1x128x64xf32, #tpu.memory_space<hbm>>
    %dma_start3A_49 = tpu.memref_squeeze %dma_start3A_48 : memref<1x128x64xf32, #tpu.memory_space<hbm>> -> memref<128x64xf32, #tpu.memory_space<hbm>>
    %dma_start3A_50 = arith.constant 0 : i32
    %dma_start3A_51 = arith.constant 0 : i32
    %dma_start3A_52 = tpu.memref_slice %arg5[%add3A, %dma_start3A_50, %dma_start3A_51] : memref<32x512x64xf32, #tpu.memory_space<hbm>> -> memref<1x128x64xf32, #tpu.memory_space<hbm>>
    %dma_start3A_53 = tpu.memref_squeeze %dma_start3A_52 : memref<1x128x64xf32, #tpu.memory_space<hbm>> -> memref<128x64xf32, #tpu.memory_space<hbm>>
    %dma_start3A_54 = arith.constant 0 : i32
    %dma_start3A_55 = arith.constant 0 : i32
    %dma_start3A_56 = tpu.memref_slice %arg13[%dma_start3A_54, %dma_start3A_55] : memref<512x64xf32, #tpu.memory_space<vmem>> -> memref<128x64xf32, #tpu.memory_space<vmem>>
    tpu.enqueue_dma source(%dma_start3A_56 : memref<128x64xf32, #tpu.memory_space<vmem>>) target(%dma_start3A_53 : memref<128x64xf32, #tpu.memory_space<hbm>>) target_semaphore(%arg14 : memref<!tpu.dma_semaphore, #tpu.memory_space<semaphore_mem>>)
    %scan3A_57 = arith.constant 0 : i32
    %scan3A_58 = arith.constant 8 : i32
    %scan3A_59 = arith.constant 8 : i32
    %scan3A_60 = arith.addi %scan3A_58, %scan3A_59 : i32
    %scan3A_61 = arith.constant 1 : i32
    %scan3A_62 = scf.for %scan3A_274 = %scan3A_58 to %scan3A_60 step %scan3A_61 iter_args(%scan3A_275 = %scan3A_57) -> (i32)  : i32 {
      %mul3A_276 = arith.constant 16 : i32
      %mul3A_277 = arith.muli %scan3A_274, %mul3A_276 : i32
      %get3A_278 = arith.index_cast %mul3A_277 : i32 to index
      %get3A_279 = tpu.vector_load %arg6[%get3A_278] {strides = array<i32>} : memref<512xi32, #tpu.memory_space<vmem>>, vector<16xi32>,
      %get3A_280 = vector.shape_cast %get3A_279 : vector<16xi32> to vector<16xi32>
      %shift_right_logical3A = arith.constant 6 : i32
      %shift_right_logical3A_281 = vector.broadcast %shift_right_logical3A : i32 to vector<16xi32>
      %shift_right_logical3A_282 = arith.shrui %get3A_280, %shift_right_logical3A_281 : vector<16xi32>
      %and3A = arith.constant 63 : i32
      %and3A_283 = vector.broadcast %and3A : i32 to vector<16xi32>
      %and3A_284 = arith.andi %get3A_280, %and3A_283 : vector<16xi32>
      %add3A_285 = arith.constant 0 : i32
      %add3A_286 = arith.addi %mul3A_277, %add3A_285 : i32
      %slice3A = vector.extract_strided_slice %shift_right_logical3A_282 {offsets = [0], sizes = [1], strides = [1]} : vector<16xi32> to vector<1xi32>
      %squeeze3A = vector.extract %slice3A[0] : i32 from vector<1xi32>
      %slice3A_287 = vector.extract_strided_slice %and3A_284 {offsets = [0], sizes = [1], strides = [1]} : vector<16xi32> to vector<1xi32>
      %squeeze3A_288 = vector.extract %slice3A_287[0] : i32 from vector<1xi32>
      %get3A_289 = arith.index_cast %squeeze3A : i32 to index
      %get3A_290 = arith.constant 0 : index
      %get3A_291 = tpu.vector_load %arg8[%get3A_289, %get3A_290] {strides = array<i32>} : memref<64x16xf32, #tpu.memory_space<vmem>>, vector<1x16xf32>,
      %get3A_292 = vector.shape_cast %get3A_291 : vector<1x16xf32> to vector<16xf32>
      %get3A_293 = arith.index_cast %squeeze3A_288 : i32 to index
      %get3A_294 = arith.constant 0 : index
      %get3A_295 = tpu.vector_load %arg10[%get3A_293, %get3A_294] {strides = array<i32>} : memref<64x16xf32, #tpu.memory_space<vmem>>, vector<1x16xf32>,
      %get3A_296 = vector.shape_cast %get3A_295 : vector<1x16xf32> to vector<16xf32>
      %get3A_297 = arith.index_cast %squeeze3A : i32 to index
      %get3A_298 = arith.constant 0 : index
      %get3A_299 = tpu.vector_load %arg9[%get3A_297, %get3A_298] {strides = array<i32>} : memref<64x16xf32, #tpu.memory_space<vmem>>, vector<1x16xf32>,
      %get3A_300 = vector.shape_cast %get3A_299 : vector<1x16xf32> to vector<16xf32>
      %get3A_301 = arith.index_cast %squeeze3A_288 : i32 to index
      %get3A_302 = arith.constant 0 : index
      %get3A_303 = tpu.vector_load %arg11[%get3A_301, %get3A_302] {strides = array<i32>} : memref<64x16xf32, #tpu.memory_space<vmem>>, vector<1x16xf32>,
      %get3A_304 = vector.shape_cast %get3A_303 : vector<1x16xf32> to vector<16xf32>
      %swap3A = arith.index_cast %add3A_286 : i32 to index
      %swap3A_305 = arith.constant 0 : index
      %swap3A_306 = tpu.vector_load %arg12[%swap3A, %swap3A_305] {strides = array<i32>} : memref<512x64xf32, #tpu.memory_space<vmem>>, vector<1x16xf32>,
      %swap3A_307 = vector.shape_cast %swap3A_306 : vector<1x16xf32> to vector<16xf32>
      %swap3A_308 = vector.shape_cast %get3A_292 : vector<16xf32> to vector<1x16xf32>
      tpu.vector_store %arg12[%swap3A, %swap3A_305], %swap3A_308 {strides = array<i32>} : memref<512x64xf32, #tpu.memory_space<vmem>>, vector<1x16xf32>,
      %swap3A_309 = arith.index_cast %add3A_286 : i32 to index
      %swap3A_310 = arith.constant 16 : index
      %swap3A_311 = tpu.vector_load %arg12[%swap3A_309, %swap3A_310] {strides = array<i32>} : memref<512x64xf32, #tpu.memory_space<vmem>>, vector<1x16xf32>,
      %swap3A_312 = vector.shape_cast %swap3A_311 : vector<1x16xf32> to vector<16xf32>
      %swap3A_313 = vector.shape_cast %get3A_296 : vector<16xf32> to vector<1x16xf32>
      tpu.vector_store %arg12[%swap3A_309, %swap3A_310], %swap3A_313 {strides = array<i32>} : memref<512x64xf32, #tpu.memory_space<vmem>>, vector<1x16xf32>,
      %swap3A_314 = arith.index_cast %add3A_286 : i32 to index
      %swap3A_315 = arith.constant 32 : index
      %swap3A_316 = tpu.vector_load %arg12[%swap3A_314, %swap3A_315] {strides = array<i32>} : memref<512x64xf32, #tpu.memory_space<vmem>>, vector<1x16xf32>,
      %swap3A_317 = vector.shape_cast %swap3A_316 : vector<1x16xf32> to vector<16xf32>
      %swap3A_318 = vector.shape_cast %get3A_292 : vector<16xf32> to vector<1x16xf32>
      tpu.vector_store %arg12[%swap3A_314, %swap3A_315], %swap3A_318 {strides = array<i32>} : memref<512x64xf32, #tpu.memory_space<vmem>>, vector<1x16xf32>,
      %swap3A_319 = arith.index_cast %add3A_286 : i32 to index
      %swap3A_320 = arith.constant 48 : index
      %swap3A_321 = tpu.vector_load %arg12[%swap3A_319, %swap3A_320] {strides = array<i32>} : memref<512x64xf32, #tpu.memory_space<vmem>>, vector<1x16xf32>,
      %swap3A_322 = vector.shape_cast %swap3A_321 : vector<1x16xf32> to vector<16xf32>
      %swap3A_323 = vector.shape_cast %get3A_296 : vector<16xf32> to vector<1x16xf32>
      tpu.vector_store %arg12[%swap3A_319, %swap3A_320], %swap3A_323 {strides = array<i32>} : memref<512x64xf32, #tpu.memory_space<vmem>>, vector<1x16xf32>,
      %swap3A_324 = arith.index_cast %add3A_286 : i32 to index
      %swap3A_325 = arith.constant 0 : index
      %swap3A_326 = tpu.vector_load %arg13[%swap3A_324, %swap3A_325] {strides = array<i32>} : memref<512x64xf32, #tpu.memory_space<vmem>>, vector<1x16xf32>,
      %swap3A_327 = vector.shape_cast %swap3A_326 : vector<1x16xf32> to vector<16xf32>
      %swap3A_328 = vector.shape_cast %get3A_300 : vector<16xf32> to vector<1x16xf32>
      tpu.vector_store %arg13[%swap3A_324, %swap3A_325], %swap3A_328 {strides = array<i32>} : memref<512x64xf32, #tpu.memory_space<vmem>>, vector<1x16xf32>,
      %swap3A_329 = arith.index_cast %add3A_286 : i32 to index
      %swap3A_330 = arith.constant 16 : index
      %swap3A_331 = tpu.vector_load %arg13[%swap3A_329, %swap3A_330] {strides = array<i32>} : memref<512x64xf32, #tpu.memory_space<vmem>>, vector<1x16xf32>,
      %swap3A_332 = vector.shape_cast %swap3A_331 : vector<1x16xf32> to vector<16xf32>
      %swap3A_333 = vector.shape_cast %get3A_304 : vector<16xf32> to vector<1x16xf32>
      tpu.vector_store %arg13[%swap3A_329, %swap3A_330], %swap3A_333 {strides = array<i32>} : memref<512x64xf32, #tpu.memory_space<vmem>>, vector<1x16xf32>,
      %swap3A_334 = arith.index_cast %add3A_286 : i32 to index
      %swap3A_335 = arith.constant 32 : index
      %swap3A_336 = tpu.vector_load %arg13[%swap3A_334, %swap3A_335] {strides = array<i32>} : memref<512x64xf32, #tpu.memory_space<vmem>>, vector<1x16xf32>,
      %swap3A_337 = vector.shape_cast %swap3A_336 : vector<1x16xf32> to vector<16xf32>
      %swap3A_338 = vector.shape_cast %get3A_300 : vector<16xf32> to vector<1x16xf32>
      tpu.vector_store %arg13[%swap3A_334, %swap3A_335], %swap3A_338 {strides = array<i32>} : memref<512x64xf32, #tpu.memory_space<vmem>>, vector<1x16xf32>,
      %swap3A_339 = arith.index_cast %add3A_286 : i32 to index
      %swap3A_340 = arith.constant 48 : index
      %swap3A_341 = tpu.vector_load %arg13[%swap3A_339, %swap3A_340] {strides = array<i32>} : memref<512x64xf32, #tpu.memory_space<vmem>>, vector<1x16xf32>,
      %swap3A_342 = vector.shape_cast %swap3A_341 : vector<1x16xf32> to vector<16xf32>
      %swap3A_343 = vector.shape_cast %get3A_304 : vector<16xf32> to vector<1x16xf32>
      tpu.vector_store %arg13[%swap3A_339, %swap3A_340], %swap3A_343 {strides = array<i32>} : memref<512x64xf32, #tpu.memory_space<vmem>>, vector<1x16xf32>,
      %add3A_344 = arith.constant 1 : i32
      %add3A_345 = arith.addi %mul3A_277, %add3A_344 : i32
      %slice3A_346 = vector.extract_strided_slice %shift_right_logical3A_282 {offsets = [1], sizes = [1], strides = [1]} : vector<16xi32> to vector<1xi32>
      %squeeze3A_347 = vector.extract %slice3A_346[0] : i32 from vector<1xi32>
      %slice3A_348 = vector.extract_strided_slice %and3A_284 {offsets = [1], sizes = [1], strides = [1]} : vector<16xi32> to vector<1xi32>
      %squeeze3A_349 = vector.extract %slice3A_348[0] : i32 from vector<1xi32>
      %get3A_350 = arith.index_cast %squeeze3A_347 : i32 to index
      %get3A_351 = arith.constant 0 : index
      %get3A_352 = tpu.vector_load %arg8[%get3A_350, %get3A_351] {strides = array<i32>} : memref<64x16xf32, #tpu.memory_space<vmem>>, vector<1x16xf32>,
      %get3A_353 = vector.shape_cast %get3A_352 : vector<1x16xf32> to vector<16xf32>
      %get3A_354 = arith.index_cast %squeeze3A_349 : i32 to index
      %get3A_355 = arith.constant 0 : index
      %get3A_356 = tpu.vector_load %arg10[%get3A_354, %get3A_355] {strides = array<i32>} : memref<64x16xf32, #tpu.memory_space<vmem>>, vector<1x16xf32>,
      %get3A_357 = vector.shape_cast %get3A_356 : vector<1x16xf32> to vector<16xf32>
      %get3A_358 = arith.index_cast %squeeze3A_347 : i32 to index
      %get3A_359 = arith.constant 0 : index
      %get3A_360 = tpu.vector_load %arg9[%get3A_358, %get3A_359] {strides = array<i32>} : memref<64x16xf32, #tpu.memory_space<vmem>>, vector<1x16xf32>,
      %get3A_361 = vector.shape_cast %get3A_360 : vector<1x16xf32> to vector<16xf32>
      %get3A_362 = arith.index_cast %squeeze3A_349 : i32 to index
      %get3A_363 = arith.constant 0 : index
      %get3A_364 = tpu.vector_load %arg11[%get3A_362, %get3A_363] {strides = array<i32>} : memref<64x16xf32, #tpu.memory_space<vmem>>, vector<1x16xf32>,
      %get3A_365 = vector.shape_cast %get3A_364 : vector<1x16xf32> to vector<16xf32>
      %swap3A_366 = arith.index_cast %add3A_345 : i32 to index
      %swap3A_367 = arith.constant 0 : index
      %swap3A_368 = tpu.vector_load %arg12[%swap3A_366, %swap3A_367] {strides = array<i32>} : memref<512x64xf32, #tpu.memory_space<vmem>>, vector<1x16xf32>,
      %swap3A_369 = vector.shape_cast %swap3A_368 : vector<1x16xf32> to vector<16xf32>
      %swap3A_370 = vector.shape_cast %get3A_353 : vector<16xf32> to vector<1x16xf32>
      tpu.vector_store %arg12[%swap3A_366, %swap3A_367], %swap3A_370 {strides = array<i32>} : memref<512x64xf32, #tpu.memory_space<vmem>>, vector<1x16xf32>,
      %swap3A_371 = arith.index_cast %add3A_345 : i32 to index
      %swap3A_372 = arith.constant 16 : index
      %swap3A_373 = tpu.vector_load %arg12[%swap3A_371, %swap3A_372] {strides = array<i32>} : memref<512x64xf32, #tpu.memory_space<vmem>>, vector<1x16xf32>,
      %swap3A_374 = vector.shape_cast %swap3A_373 : vector<1x16xf32> to vector<16xf32>
      %swap3A_375 = vector.shape_cast %get3A_357 : vector<16xf32> to vector<1x16xf32>
      tpu.vector_store %arg12[%swap3A_371, %swap3A_372], %swap3A_375 {strides = array<i32>} : memref<512x64xf32, #tpu.memory_space<vmem>>, vector<1x16xf32>,
      %swap3A_376 = arith.index_cast %add3A_345 : i32 to index
      %swap3A_377 = arith.constant 32 : index
      %swap3A_378 = tpu.vector_load %arg12[%swap3A_376, %swap3A_377] {strides = array<i32>} : memref<512x64xf32, #tpu.memory_space<vmem>>, vector<1x16xf32>,
      %swap3A_379 = vector.shape_cast %swap3A_378 : vector<1x16xf32> to vector<16xf32>
      %swap3A_380 = vector.shape_cast %get3A_353 : vector<16xf32> to vector<1x16xf32>
      tpu.vector_store %arg12[%swap3A_376, %swap3A_377], %swap3A_380 {strides = array<i32>} : memref<512x64xf32, #tpu.memory_space<vmem>>, vector<1x16xf32>,
      %swap3A_381 = arith.index_cast %add3A_345 : i32 to index
      %swap3A_382 = arith.constant 48 : index
      %swap3A_383 = tpu.vector_load %arg12[%swap3A_381, %swap3A_382] {strides = array<i32>} : memref<512x64xf32, #tpu.memory_space<vmem>>, vector<1x16xf32>,
      %swap3A_384 = vector.shape_cast %swap3A_383 : vector<1x16xf32> to vector<16xf32>
      %swap3A_385 = vector.shape_cast %get3A_357 : vector<16xf32> to vector<1x16xf32>
      tpu.vector_store %arg12[%swap3A_381, %swap3A_382], %swap3A_385 {strides = array<i32>} : memref<512x64xf32, #tpu.memory_space<vmem>>, vector<1x16xf32>,
      %swap3A_386 = arith.index_cast %add3A_345 : i32 to index
      %swap3A_387 = arith.constant 0 : index
      %swap3A_388 = tpu.vector_load %arg13[%swap3A_386, %swap3A_387] {strides = array<i32>} : memref<512x64xf32, #tpu.memory_space<vmem>>, vector<1x16xf32>,
      %swap3A_389 = vector.shape_cast %swap3A_388 : vector<1x16xf32> to vector<16xf32>
      %swap3A_390 = vector.shape_cast %get3A_361 : vector<16xf32> to vector<1x16xf32>
      tpu.vector_store %arg13[%swap3A_386, %swap3A_387], %swap3A_390 {strides = array<i32>} : memref<512x64xf32, #tpu.memory_space<vmem>>, vector<1x16xf32>,
      %swap3A_391 = arith.index_cast %add3A_345 : i32 to index
      %swap3A_392 = arith.constant 16 : index
      %swap3A_393 = tpu.vector_load %arg13[%swap3A_391, %swap3A_392] {strides = array<i32>} : memref<512x64xf32, #tpu.memory_space<vmem>>, vector<1x16xf32>,
      %swap3A_394 = vector.shape_cast %swap3A_393 : vector<1x16xf32> to vector<16xf32>
      %swap3A_395 = vector.shape_cast %get3A_365 : vector<16xf32> to vector<1x16xf32>
      tpu.vector_store %arg13[%swap3A_391, %swap3A_392], %swap3A_395 {strides = array<i32>} : memref<512x64xf32, #tpu.memory_space<vmem>>, vector<1x16xf32>,
      %swap3A_396 = arith.index_cast %add3A_345 : i32 to index
      %swap3A_397 = arith.constant 32 : index
      %swap3A_398 = tpu.vector_load %arg13[%swap3A_396, %swap3A_397] {strides = array<i32>} : memref<512x64xf32, #tpu.memory_space<vmem>>, vector<1x16xf32>,
      %swap3A_399 = vector.shape_cast %swap3A_398 : vector<1x16xf32> to vector<16xf32>
      %swap3A_400 = vector.shape_cast %get3A_361 : vector<16xf32> to vector<1x16xf32>
      tpu.vector_store %arg13[%swap3A_396, %swap3A_397], %swap3A_400 {strides = array<i32>} : memref<512x64xf32, #tpu.memory_space<vmem>>, vector<1x16xf32>,
      %swap3A_401 = arith.index_cast %add3A_345 : i32 to index
      %swap3A_402 = arith.constant 48 : index
      %swap3A_403 = tpu.vector_load %arg13[%swap3A_401, %swap3A_402] {strides = array<i32>} : memref<512x64xf32, #tpu.memory_space<vmem>>, vector<1x16xf32>,
      %swap3A_404 = vector.shape_cast %swap3A_403 : vector<1x16xf32> to vector<16xf32>
      %swap3A_405 = vector.shape_cast %get3A_365 : vector<16xf32> to vector<1x16xf32>
      tpu.vector_store %arg13[%swap3A_401, %swap3A_402], %swap3A_405 {strides = array<i32>} : memref<512x64xf32, #tpu.memory_space<vmem>>, vector<1x16xf32>,
      %add3A_406 = arith.constant 2 : i32
      %add3A_407 = arith.addi %mul3A_277, %add3A_406 : i32
      %slice3A_408 = vector.extract_strided_slice %shift_right_logical3A_282 {offsets = [2], sizes = [1], strides = [1]} : vector<16xi32> to vector<1xi32>
      %squeeze3A_409 = vector.extract %slice3A_408[0] : i32 from vector<1xi32>
      %slice3A_410 = vector.extract_strided_slice %and3A_284 {offsets = [2], sizes = [1], strides = [1]} : vector<16xi32> to vector<1xi32>
      %squeeze3A_411 = vector.extract %slice3A_410[0] : i32 from vector<1xi32>
      %get3A_412 = arith.index_cast %squeeze3A_409 : i32 to index
      %get3A_413 = arith.constant 0 : index
      %get3A_414 = tpu.vector_load %arg8[%get3A_412, %get3A_413] {strides = array<i32>} : memref<64x16xf32, #tpu.memory_space<vmem>>, vector<1x16xf32>,
      %get3A_415 = vector.shape_cast %get3A_414 : vector<1x16xf32> to vector<16xf32>
      %get3A_416 = arith.index_cast %squeeze3A_411 : i32 to index
      %get3A_417 = arith.constant 0 : index
      %get3A_418 = tpu.vector_load %arg10[%get3A_416, %get3A_417] {strides = array<i32>} : memref<64x16xf32, #tpu.memory_space<vmem>>, vector<1x16xf32>,
      %get3A_419 = vector.shape_cast %get3A_418 : vector<1x16xf32> to vector<16xf32>
      %get3A_420 = arith.index_cast %squeeze3A_409 : i32 to index
      %get3A_421 = arith.constant 0 : index
      %get3A_422 = tpu.vector_load %arg9[%get3A_420, %get3A_421] {strides = array<i32>} : memref<64x16xf32, #tpu.memory_space<vmem>>, vector<1x16xf32>,
      %get3A_423 = vector.shape_cast %get3A_422 : vector<1x16xf32> to vector<16xf32>
      %get3A_424 = arith.index_cast %squeeze3A_411 : i32 to index
      %get3A_425 = arith.constant 0 : index
      %get3A_426 = tpu.vector_load %arg11[%get3A_424, %get3A_425] {strides = array<i32>} : memref<64x16xf32, #tpu.memory_space<vmem>>, vector<1x16xf32>,
      %get3A_427 = vector.shape_cast %get3A_426 : vector<1x16xf32> to vector<16xf32>
      %swap3A_428 = arith.index_cast %add3A_407 : i32 to index
      %swap3A_429 = arith.constant 0 : index
      %swap3A_430 = tpu.vector_load %arg12[%swap3A_428, %swap3A_429] {strides = array<i32>} : memref<512x64xf32, #tpu.memory_space<vmem>>, vector<1x16xf32>,
      %swap3A_431 = vector.shape_cast %swap3A_430 : vector<1x16xf32> to vector<16xf32>
      %swap3A_432 = vector.shape_cast %get3A_415 : vector<16xf32> to vector<1x16xf32>
      tpu.vector_store %arg12[%swap3A_428, %swap3A_429], %swap3A_432 {strides = array<i32>} : memref<512x64xf32, #tpu.memory_space<vmem>>, vector<1x16xf32>,
      %swap3A_433 = arith.index_cast %add3A_407 : i32 to index
      %swap3A_434 = arith.constant 16 : index
      %swap3A_435 = tpu.vector_load %arg12[%swap3A_433, %swap3A_434] {strides = array<i32>} : memref<512x64xf32, #tpu.memory_space<vmem>>, vector<1x16xf32>,
      %swap3A_436 = vector.shape_cast %swap3A_435 : vector<1x16xf32> to vector<16xf32>
      %swap3A_437 = vector.shape_cast %get3A_419 : vector<16xf32> to vector<1x16xf32>
      tpu.vector_store %arg12[%swap3A_433, %swap3A_434], %swap3A_437 {strides = array<i32>} : memref<512x64xf32, #tpu.memory_space<vmem>>, vector<1x16xf32>,
      %swap3A_438 = arith.index_cast %add3A_407 : i32 to index
      %swap3A_439 = arith.constant 32 : index
      %swap3A_440 = tpu.vector_load %arg12[%swap3A_438, %swap3A_439] {strides = array<i32>} : memref<512x64xf32, #tpu.memory_space<vmem>>, vector<1x16xf32>,
      %swap3A_441 = vector.shape_cast %swap3A_440 : vector<1x16xf32> to vector<16xf32>
      %swap3A_442 = vector.shape_cast %get3A_415 : vector<16xf32> to vector<1x16xf32>
      tpu.vector_store %arg12[%swap3A_438, %swap3A_439], %swap3A_442 {strides = array<i32>} : memref<512x64xf32, #tpu.memory_space<vmem>>, vector<1x16xf32>,
      %swap3A_443 = arith.index_cast %add3A_407 : i32 to index
      %swap3A_444 = arith.constant 48 : index
      %swap3A_445 = tpu.vector_load %arg12[%swap3A_443, %swap3A_444] {strides = array<i32>} : memref<512x64xf32, #tpu.memory_space<vmem>>, vector<1x16xf32>,
      %swap3A_446 = vector.shape_cast %swap3A_445 : vector<1x16xf32> to vector<16xf32>
      %swap3A_447 = vector.shape_cast %get3A_419 : vector<16xf32> to vector<1x16xf32>
      tpu.vector_store %arg12[%swap3A_443, %swap3A_444], %swap3A_447 {strides = array<i32>} : memref<512x64xf32, #tpu.memory_space<vmem>>, vector<1x16xf32>,
      %swap3A_448 = arith.index_cast %add3A_407 : i32 to index
      %swap3A_449 = arith.constant 0 : index
      %swap3A_450 = tpu.vector_load %arg13[%swap3A_448, %swap3A_449] {strides = array<i32>} : memref<512x64xf32, #tpu.memory_space<vmem>>, vector<1x16xf32>,
      %swap3A_451 = vector.shape_cast %swap3A_450 : vector<1x16xf32> to vector<16xf32>
      %swap3A_452 = vector.shape_cast %get3A_423 : vector<16xf32> to vector<1x16xf32>
      tpu.vector_store %arg13[%swap3A_448, %swap3A_449], %swap3A_452 {strides = array<i32>} : memref<512x64xf32, #tpu.memory_space<vmem>>, vector<1x16xf32>,
      %swap3A_453 = arith.index_cast %add3A_407 : i32 to index
      %swap3A_454 = arith.constant 16 : index
      %swap3A_455 = tpu.vector_load %arg13[%swap3A_453, %swap3A_454] {strides = array<i32>} : memref<512x64xf32, #tpu.memory_space<vmem>>, vector<1x16xf32>,
      %swap3A_456 = vector.shape_cast %swap3A_455 : vector<1x16xf32> to vector<16xf32>
      %swap3A_457 = vector.shape_cast %get3A_427 : vector<16xf32> to vector<1x16xf32>
      tpu.vector_store %arg13[%swap3A_453, %swap3A_454], %swap3A_457 {strides = array<i32>} : memref<512x64xf32, #tpu.memory_space<vmem>>, vector<1x16xf32>,
      %swap3A_458 = arith.index_cast %add3A_407 : i32 to index
      %swap3A_459 = arith.constant 32 : index
      %swap3A_460 = tpu.vector_load %arg13[%swap3A_458, %swap3A_459] {strides = array<i32>} : memref<512x64xf32, #tpu.memory_space<vmem>>, vector<1x16xf32>,
      %swap3A_461 = vector.shape_cast %swap3A_460 : vector<1x16xf32> to vector<16xf32>
      %swap3A_462 = vector.shape_cast %get3A_423 : vector<16xf32> to vector<1x16xf32>
      tpu.vector_store %arg13[%swap3A_458, %swap3A_459], %swap3A_462 {strides = array<i32>} : memref<512x64xf32, #tpu.memory_space<vmem>>, vector<1x16xf32>,
      %swap3A_463 = arith.index_cast %add3A_407 : i32 to index
      %swap3A_464 = arith.constant 48 : index
      %swap3A_465 = tpu.vector_load %arg13[%swap3A_463, %swap3A_464] {strides = array<i32>} : memref<512x64xf32, #tpu.memory_space<vmem>>, vector<1x16xf32>,
      %swap3A_466 = vector.shape_cast %swap3A_465 : vector<1x16xf32> to vector<16xf32>
      %swap3A_467 = vector.shape_cast %get3A_427 : vector<16xf32> to vector<1x16xf32>
      tpu.vector_store %arg13[%swap3A_463, %swap3A_464], %swap3A_467 {strides = array<i32>} : memref<512x64xf32, #tpu.memory_space<vmem>>, vector<1x16xf32>,
      %add3A_468 = arith.constant 3 : i32
      %add3A_469 = arith.addi %mul3A_277, %add3A_468 : i32
      %slice3A_470 = vector.extract_strided_slice %shift_right_logical3A_282 {offsets = [3], sizes = [1], strides = [1]} : vector<16xi32> to vector<1xi32>
      %squeeze3A_471 = vector.extract %slice3A_470[0] : i32 from vector<1xi32>
      %slice3A_472 = vector.extract_strided_slice %and3A_284 {offsets = [3], sizes = [1], strides = [1]} : vector<16xi32> to vector<1xi32>
      %squeeze3A_473 = vector.extract %slice3A_472[0] : i32 from vector<1xi32>
      %get3A_474 = arith.index_cast %squeeze3A_471 : i32 to index
      %get3A_475 = arith.constant 0 : index
      %get3A_476 = tpu.vector_load %arg8[%get3A_474, %get3A_475] {strides = array<i32>} : memref<64x16xf32, #tpu.memory_space<vmem>>, vector<1x16xf32>,
      %get3A_477 = vector.shape_cast %get3A_476 : vector<1x16xf32> to vector<16xf32>
      %get3A_478 = arith.index_cast %squeeze3A_473 : i32 to index
      %get3A_479 = arith.constant 0 : index
      %get3A_480 = tpu.vector_load %arg10[%get3A_478, %get3A_479] {strides = array<i32>} : memref<64x16xf32, #tpu.memory_space<vmem>>, vector<1x16xf32>,
      %get3A_481 = vector.shape_cast %get3A_480 : vector<1x16xf32> to vector<16xf32>
      %get3A_482 = arith.index_cast %squeeze3A_471 : i32 to index
      %get3A_483 = arith.constant 0 : index
      %get3A_484 = tpu.vector_load %arg9[%get3A_482, %get3A_483] {strides = array<i32>} : memref<64x16xf32, #tpu.memory_space<vmem>>, vector<1x16xf32>,
      %get3A_485 = vector.shape_cast %get3A_484 : vector<1x16xf32> to vector<16xf32>
      %get3A_486 = arith.index_cast %squeeze3A_473 : i32 to index
      %get3A_487 = arith.constant 0 : index
      %get3A_488 = tpu.vector_load %arg11[%get3A_486, %get3A_487] {strides = array<i32>} : memref<64x16xf32, #tpu.memory_space<vmem>>, vector<1x16xf32>,
      %get3A_489 = vector.shape_cast %get3A_488 : vector<1x16xf32> to vector<16xf32>
      %swap3A_490 = arith.index_cast %add3A_469 : i32 to index
      %swap3A_491 = arith.constant 0 : index
      %swap3A_492 = tpu.vector_load %arg12[%swap3A_490, %swap3A_491] {strides = array<i32>} : memref<512x64xf32, #tpu.memory_space<vmem>>, vector<1x16xf32>,
      %swap3A_493 = vector.shape_cast %swap3A_492 : vector<1x16xf32> to vector<16xf32>
      %swap3A_494 = vector.shape_cast %get3A_477 : vector<16xf32> to vector<1x16xf32>
      tpu.vector_store %arg12[%swap3A_490, %swap3A_491], %swap3A_494 {strides = array<i32>} : memref<512x64xf32, #tpu.memory_space<vmem>>, vector<1x16xf32>,
      %swap3A_495 = arith.index_cast %add3A_469 : i32 to index
      %swap3A_496 = arith.constant 16 : index
      %swap3A_497 = tpu.vector_load %arg12[%swap3A_495, %swap3A_496] {strides = array<i32>} : memref<512x64xf32, #tpu.memory_space<vmem>>, vector<1x16xf32>,
      %swap3A_498 = vector.shape_cast %swap3A_497 : vector<1x16xf32> to vector<16xf32>
      %swap3A_499 = vector.shape_cast %get3A_481 : vector<16xf32> to vector<1x16xf32>
      tpu.vector_store %arg12[%swap3A_495, %swap3A_496], %swap3A_499 {strides = array<i32>} : memref<512x64xf32, #tpu.memory_space<vmem>>, vector<1x16xf32>,
      %swap3A_500 = arith.index_cast %add3A_469 : i32 to index
      %swap3A_501 = arith.constant 32 : index
      %swap3A_502 = tpu.vector_load %arg12[%swap3A_500, %swap3A_501] {strides = array<i32>} : memref<512x64xf32, #tpu.memory_space<vmem>>, vector<1x16xf32>,
      %swap3A_503 = vector.shape_cast %swap3A_502 : vector<1x16xf32> to vector<16xf32>
      %swap3A_504 = vector.shape_cast %get3A_477 : vector<16xf32> to vector<1x16xf32>
      tpu.vector_store %arg12[%swap3A_500, %swap3A_501], %swap3A_504 {strides = array<i32>} : memref<512x64xf32, #tpu.memory_space<vmem>>, vector<1x16xf32>,
      %swap3A_505 = arith.index_cast %add3A_469 : i32 to index
      %swap3A_506 = arith.constant 48 : index
      %swap3A_507 = tpu.vector_load %arg12[%swap3A_505, %swap3A_506] {strides = array<i32>} : memref<512x64xf32, #tpu.memory_space<vmem>>, vector<1x16xf32>,
      %swap3A_508 = vector.shape_cast %swap3A_507 : vector<1x16xf32> to vector<16xf32>
      %swap3A_509 = vector.shape_cast %get3A_481 : vector<16xf32> to vector<1x16xf32>
      tpu.vector_store %arg12[%swap3A_505, %swap3A_506], %swap3A_509 {strides = array<i32>} : memref<512x64xf32, #tpu.memory_space<vmem>>, vector<1x16xf32>,
      %swap3A_510 = arith.index_cast %add3A_469 : i32 to index
      %swap3A_511 = arith.constant 0 : index
      %swap3A_512 = tpu.vector_load %arg13[%swap3A_510, %swap3A_511] {strides = array<i32>} : memref<512x64xf32, #tpu.memory_space<vmem>>, vector<1x16xf32>,
      %swap3A_513 = vector.shape_cast %swap3A_512 : vector<1x16xf32> to vector<16xf32>
      %swap3A_514 = vector.shape_cast %get3A_485 : vector<16xf32> to vector<1x16xf32>
      tpu.vector_store %arg13[%swap3A_510, %swap3A_511], %swap3A_514 {strides = array<i32>} : memref<512x64xf32, #tpu.memory_space<vmem>>, vector<1x16xf32>,
      %swap3A_515 = arith.index_cast %add3A_469 : i32 to index
      %swap3A_516 = arith.constant 16 : index
      %swap3A_517 = tpu.vector_load %arg13[%swap3A_515, %swap3A_516] {strides = array<i32>} : memref<512x64xf32, #tpu.memory_space<vmem>>, vector<1x16xf32>,
      %swap3A_518 = vector.shape_cast %swap3A_517 : vector<1x16xf32> to vector<16xf32>
      %swap3A_519 = vector.shape_cast %get3A_489 : vector<16xf32> to vector<1x16xf32>
      tpu.vector_store %arg13[%swap3A_515, %swap3A_516], %swap3A_519 {strides = array<i32>} : memref<512x64xf32, #tpu.memory_space<vmem>>, vector<1x16xf32>,
      %swap3A_520 = arith.index_cast %add3A_469 : i32 to index
      %swap3A_521 = arith.constant 32 : index
      %swap3A_522 = tpu.vector_load %arg13[%swap3A_520, %swap3A_521] {strides = array<i32>} : memref<512x64xf32, #tpu.memory_space<vmem>>, vector<1x16xf32>,
      %swap3A_523 = vector.shape_cast %swap3A_522 : vector<1x16xf32> to vector<16xf32>
      %swap3A_524 = vector.shape_cast %get3A_485 : vector<16xf32> to vector<1x16xf32>
      tpu.vector_store %arg13[%swap3A_520, %swap3A_521], %swap3A_524 {strides = array<i32>} : memref<512x64xf32, #tpu.memory_space<vmem>>, vector<1x16xf32>,
      %swap3A_525 = arith.index_cast %add3A_469 : i32 to index
      %swap3A_526 = arith.constant 48 : index
      %swap3A_527 = tpu.vector_load %arg13[%swap3A_525, %swap3A_526] {strides = array<i32>} : memref<512x64xf32, #tpu.memory_space<vmem>>, vector<1x16xf32>,
      %swap3A_528 = vector.shape_cast %swap3A_527 : vector<1x16xf32> to vector<16xf32>
      %swap3A_529 = vector.shape_cast %get3A_489 : vector<16xf32> to vector<1x16xf32>
      tpu.vector_store %arg13[%swap3A_525, %swap3A_526], %swap3A_529 {strides = array<i32>} : memref<512x64xf32, #tpu.memory_space<vmem>>, vector<1x16xf32>,
      %add3A_530 = arith.constant 4 : i32
      %add3A_531 = arith.addi %mul3A_277, %add3A_530 : i32
      %slice3A_532 = vector.extract_strided_slice %shift_right_logical3A_282 {offsets = [4], sizes = [1], strides = [1]} : vector<16xi32> to vector<1xi32>
      %squeeze3A_533 = vector.extract %slice3A_532[0] : i32 from vector<1xi32>
      %slice3A_534 = vector.extract_strided_slice %and3A_284 {offsets = [4], sizes = [1], strides = [1]} : vector<16xi32> to vector<1xi32>
      %squeeze3A_535 = vector.extract %slice3A_534[0] : i32 from vector<1xi32>
      %get3A_536 = arith.index_cast %squeeze3A_533 : i32 to index
      %get3A_537 = arith.constant 0 : index
      %get3A_538 = tpu.vector_load %arg8[%get3A_536, %get3A_537] {strides = array<i32>} : memref<64x16xf32, #tpu.memory_space<vmem>>, vector<1x16xf32>,
      %get3A_539 = vector.shape_cast %get3A_538 : vector<1x16xf32> to vector<16xf32>
      %get3A_540 = arith.index_cast %squeeze3A_535 : i32 to index
      %get3A_541 = arith.constant 0 : index
      %get3A_542 = tpu.vector_load %arg10[%get3A_540, %get3A_541] {strides = array<i32>} : memref<64x16xf32, #tpu.memory_space<vmem>>, vector<1x16xf32>,
      %get3A_543 = vector.shape_cast %get3A_542 : vector<1x16xf32> to vector<16xf32>
      %get3A_544 = arith.index_cast %squeeze3A_533 : i32 to index
      %get3A_545 = arith.constant 0 : index
      %get3A_546 = tpu.vector_load %arg9[%get3A_544, %get3A_545] {strides = array<i32>} : memref<64x16xf32, #tpu.memory_space<vmem>>, vector<1x16xf32>,
      %get3A_547 = vector.shape_cast %get3A_546 : vector<1x16xf32> to vector<16xf32>
      %get3A_548 = arith.index_cast %squeeze3A_535 : i32 to index
      %get3A_549 = arith.constant 0 : index
      %get3A_550 = tpu.vector_load %arg11[%get3A_548, %get3A_549] {strides = array<i32>} : memref<64x16xf32, #tpu.memory_space<vmem>>, vector<1x16xf32>,
      %get3A_551 = vector.shape_cast %get3A_550 : vector<1x16xf32> to vector<16xf32>
      %swap3A_552 = arith.index_cast %add3A_531 : i32 to index
      %swap3A_553 = arith.constant 0 : index
      %swap3A_554 = tpu.vector_load %arg12[%swap3A_552, %swap3A_553] {strides = array<i32>} : memref<512x64xf32, #tpu.memory_space<vmem>>, vector<1x16xf32>,
      %swap3A_555 = vector.shape_cast %swap3A_554 : vector<1x16xf32> to vector<16xf32>
      %swap3A_556 = vector.shape_cast %get3A_539 : vector<16xf32> to vector<1x16xf32>
      tpu.vector_store %arg12[%swap3A_552, %swap3A_553], %swap3A_556 {strides = array<i32>} : memref<512x64xf32, #tpu.memory_space<vmem>>, vector<1x16xf32>,
      %swap3A_557 = arith.index_cast %add3A_531 : i32 to index
      %swap3A_558 = arith.constant 16 : index
      %swap3A_559 = tpu.vector_load %arg12[%swap3A_557, %swap3A_558] {strides = array<i32>} : memref<512x64xf32, #tpu.memory_space<vmem>>, vector<1x16xf32>,
      %swap3A_560 = vector.shape_cast %swap3A_559 : vector<1x16xf32> to vector<16xf32>
      %swap3A_561 = vector.shape_cast %get3A_543 : vector<16xf32> to vector<1x16xf32>
      tpu.vector_store %arg12[%swap3A_557, %swap3A_558], %swap3A_561 {strides = array<i32>} : memref<512x64xf32, #tpu.memory_space<vmem>>, vector<1x16xf32>,
      %swap3A_562 = arith.index_cast %add3A_531 : i32 to index
      %swap3A_563 = arith.constant 32 : index
      %swap3A_564 = tpu.vector_load %arg12[%swap3A_562, %swap3A_563] {strides = array<i32>} : memref<512x64xf32, #tpu.memory_space<vmem>>, vector<1x16xf32>,
      %swap3A_565 = vector.shape_cast %swap3A_564 : vector<1x16xf32> to vector<16xf32>
      %swap3A_566 = vector.shape_cast %get3A_539 : vector<16xf32> to vector<1x16xf32>
      tpu.vector_store %arg12[%swap3A_562, %swap3A_563], %swap3A_566 {strides = array<i32>} : memref<512x64xf32, #tpu.memory_space<vmem>>, vector<1x16xf32>,
      %swap3A_567 = arith.index_cast %add3A_531 : i32 to index
      %swap3A_568 = arith.constant 48 : index
      %swap3A_569 = tpu.vector_load %arg12[%swap3A_567, %swap3A_568] {strides = array<i32>} : memref<512x64xf32, #tpu.memory_space<vmem>>, vector<1x16xf32>,
      %swap3A_570 = vector.shape_cast %swap3A_569 : vector<1x16xf32> to vector<16xf32>
      %swap3A_571 = vector.shape_cast %get3A_543 : vector<16xf32> to vector<1x16xf32>
      tpu.vector_store %arg12[%swap3A_567, %swap3A_568], %swap3A_571 {strides = array<i32>} : memref<512x64xf32, #tpu.memory_space<vmem>>, vector<1x16xf32>,
      %swap3A_572 = arith.index_cast %add3A_531 : i32 to index
      %swap3A_573 = arith.constant 0 : index
      %swap3A_574 = tpu.vector_load %arg13[%swap3A_572, %swap3A_573] {strides = array<i32>} : memref<512x64xf32, #tpu.memory_space<vmem>>, vector<1x16xf32>,
      %swap3A_575 = vector.shape_cast %swap3A_574 : vector<1x16xf32> to vector<16xf32>
      %swap3A_576 = vector.shape_cast %get3A_547 : vector<16xf32> to vector<1x16xf32>
      tpu.vector_store %arg13[%swap3A_572, %swap3A_573], %swap3A_576 {strides = array<i32>} : memref<512x64xf32, #tpu.memory_space<vmem>>, vector<1x16xf32>,
      %swap3A_577 = arith.index_cast %add3A_531 : i32 to index
      %swap3A_578 = arith.constant 16 : index
      %swap3A_579 = tpu.vector_load %arg13[%swap3A_577, %swap3A_578] {strides = array<i32>} : memref<512x64xf32, #tpu.memory_space<vmem>>, vector<1x16xf32>,
      %swap3A_580 = vector.shape_cast %swap3A_579 : vector<1x16xf32> to vector<16xf32>
      %swap3A_581 = vector.shape_cast %get3A_551 : vector<16xf32> to vector<1x16xf32>
      tpu.vector_store %arg13[%swap3A_577, %swap3A_578], %swap3A_581 {strides = array<i32>} : memref<512x64xf32, #tpu.memory_space<vmem>>, vector<1x16xf32>,
      %swap3A_582 = arith.index_cast %add3A_531 : i32 to index
      %swap3A_583 = arith.constant 32 : index
      %swap3A_584 = tpu.vector_load %arg13[%swap3A_582, %swap3A_583] {strides = array<i32>} : memref<512x64xf32, #tpu.memory_space<vmem>>, vector<1x16xf32>,
      %swap3A_585 = vector.shape_cast %swap3A_584 : vector<1x16xf32> to vector<16xf32>
      %swap3A_586 = vector.shape_cast %get3A_547 : vector<16xf32> to vector<1x16xf32>
      tpu.vector_store %arg13[%swap3A_582, %swap3A_583], %swap3A_586 {strides = array<i32>} : memref<512x64xf32, #tpu.memory_space<vmem>>, vector<1x16xf32>,
      %swap3A_587 = arith.index_cast %add3A_531 : i32 to index
      %swap3A_588 = arith.constant 48 : index
      %swap3A_589 = tpu.vector_load %arg13[%swap3A_587, %swap3A_588] {strides = array<i32>} : memref<512x64xf32, #tpu.memory_space<vmem>>, vector<1x16xf32>,
      %swap3A_590 = vector.shape_cast %swap3A_589 : vector<1x16xf32> to vector<16xf32>
      %swap3A_591 = vector.shape_cast %get3A_551 : vector<16xf32> to vector<1x16xf32>
      tpu.vector_store %arg13[%swap3A_587, %swap3A_588], %swap3A_591 {strides = array<i32>} : memref<512x64xf32, #tpu.memory_space<vmem>>, vector<1x16xf32>,
      %add3A_592 = arith.constant 5 : i32
      %add3A_593 = arith.addi %mul3A_277, %add3A_592 : i32
      %slice3A_594 = vector.extract_strided_slice %shift_right_logical3A_282 {offsets = [5], sizes = [1], strides = [1]} : vector<16xi32> to vector<1xi32>
      %squeeze3A_595 = vector.extract %slice3A_594[0] : i32 from vector<1xi32>
      %slice3A_596 = vector.extract_strided_slice %and3A_284 {offsets = [5], sizes = [1], strides = [1]} : vector<16xi32> to vector<1xi32>
      %squeeze3A_597 = vector.extract %slice3A_596[0] : i32 from vector<1xi32>
      %get3A_598 = arith.index_cast %squeeze3A_595 : i32 to index
      %get3A_599 = arith.constant 0 : index
      %get3A_600 = tpu.vector_load %arg8[%get3A_598, %get3A_599] {strides = array<i32>} : memref<64x16xf32, #tpu.memory_space<vmem>>, vector<1x16xf32>,
      %get3A_601 = vector.shape_cast %get3A_600 : vector<1x16xf32> to vector<16xf32>
      %get3A_602 = arith.index_cast %squeeze3A_597 : i32 to index
      %get3A_603 = arith.constant 0 : index
      %get3A_604 = tpu.vector_load %arg10[%get3A_602, %get3A_603] {strides = array<i32>} : memref<64x16xf32, #tpu.memory_space<vmem>>, vector<1x16xf32>,
      %get3A_605 = vector.shape_cast %get3A_604 : vector<1x16xf32> to vector<16xf32>
      %get3A_606 = arith.index_cast %squeeze3A_595 : i32 to index
      %get3A_607 = arith.constant 0 : index
      %get3A_608 = tpu.vector_load %arg9[%get3A_606, %get3A_607] {strides = array<i32>} : memref<64x16xf32, #tpu.memory_space<vmem>>, vector<1x16xf32>,
      %get3A_609 = vector.shape_cast %get3A_608 : vector<1x16xf32> to vector<16xf32>
      %get3A_610 = arith.index_cast %squeeze3A_597 : i32 to index
      %get3A_611 = arith.constant 0 : index
      %get3A_612 = tpu.vector_load %arg11[%get3A_610, %get3A_611] {strides = array<i32>} : memref<64x16xf32, #tpu.memory_space<vmem>>, vector<1x16xf32>,
      %get3A_613 = vector.shape_cast %get3A_612 : vector<1x16xf32> to vector<16xf32>
      %swap3A_614 = arith.index_cast %add3A_593 : i32 to index
      %swap3A_615 = arith.constant 0 : index
      %swap3A_616 = tpu.vector_load %arg12[%swap3A_614, %swap3A_615] {strides = array<i32>} : memref<512x64xf32, #tpu.memory_space<vmem>>, vector<1x16xf32>,
      %swap3A_617 = vector.shape_cast %swap3A_616 : vector<1x16xf32> to vector<16xf32>
      %swap3A_618 = vector.shape_cast %get3A_601 : vector<16xf32> to vector<1x16xf32>
      tpu.vector_store %arg12[%swap3A_614, %swap3A_615], %swap3A_618 {strides = array<i32>} : memref<512x64xf32, #tpu.memory_space<vmem>>, vector<1x16xf32>,
      %swap3A_619 = arith.index_cast %add3A_593 : i32 to index
      %swap3A_620 = arith.constant 16 : index
      %swap3A_621 = tpu.vector_load %arg12[%swap3A_619, %swap3A_620] {strides = array<i32>} : memref<512x64xf32, #tpu.memory_space<vmem>>, vector<1x16xf32>,
      %swap3A_622 = vector.shape_cast %swap3A_621 : vector<1x16xf32> to vector<16xf32>
      %swap3A_623 = vector.shape_cast %get3A_605 : vector<16xf32> to vector<1x16xf32>
      tpu.vector_store %arg12[%swap3A_619, %swap3A_620], %swap3A_623 {strides = array<i32>} : memref<512x64xf32, #tpu.memory_space<vmem>>, vector<1x16xf32>,
      %swap3A_624 = arith.index_cast %add3A_593 : i32 to index
      %swap3A_625 = arith.constant 32 : index
      %swap3A_626 = tpu.vector_load %arg12[%swap3A_624, %swap3A_625] {strides = array<i32>} : memref<512x64xf32, #tpu.memory_space<vmem>>, vector<1x16xf32>,
      %swap3A_627 = vector.shape_cast %swap3A_626 : vector<1x16xf32> to vector<16xf32>
      %swap3A_628 = vector.shape_cast %get3A_601 : vector<16xf32> to vector<1x16xf32>
      tpu.vector_store %arg12[%swap3A_624, %swap3A_625], %swap3A_628 {strides = array<i32>} : memref<512x64xf32, #tpu.memory_space<vmem>>, vector<1x16xf32>,
      %swap3A_629 = arith.index_cast %add3A_593 : i32 to index
      %swap3A_630 = arith.constant 48 : index
      %swap3A_631 = tpu.vector_load %arg12[%swap3A_629, %swap3A_630] {strides = array<i32>} : memref<512x64xf32, #tpu.memory_space<vmem>>, vector<1x16xf32>,
      %swap3A_632 = vector.shape_cast %swap3A_631 : vector<1x16xf32> to vector<16xf32>
      %swap3A_633 = vector.shape_cast %get3A_605 : vector<16xf32> to vector<1x16xf32>
      tpu.vector_store %arg12[%swap3A_629, %swap3A_630], %swap3A_633 {strides = array<i32>} : memref<512x64xf32, #tpu.memory_space<vmem>>, vector<1x16xf32>,
      %swap3A_634 = arith.index_cast %add3A_593 : i32 to index
      %swap3A_635 = arith.constant 0 : index
      %swap3A_636 = tpu.vector_load %arg13[%swap3A_634, %swap3A_635] {strides = array<i32>} : memref<512x64xf32, #tpu.memory_space<vmem>>, vector<1x16xf32>,
      %swap3A_637 = vector.shape_cast %swap3A_636 : vector<1x16xf32> to vector<16xf32>
      %swap3A_638 = vector.shape_cast %get3A_609 : vector<16xf32> to vector<1x16xf32>
      tpu.vector_store %arg13[%swap3A_634, %swap3A_635], %swap3A_638 {strides = array<i32>} : memref<512x64xf32, #tpu.memory_space<vmem>>, vector<1x16xf32>,
      %swap3A_639 = arith.index_cast %add3A_593 : i32 to index
      %swap3A_640 = arith.constant 16 : index
      %swap3A_641 = tpu.vector_load %arg13[%swap3A_639, %swap3A_640] {strides = array<i32>} : memref<512x64xf32, #tpu.memory_space<vmem>>, vector<1x16xf32>,
      %swap3A_642 = vector.shape_cast %swap3A_641 : vector<1x16xf32> to vector<16xf32>
      %swap3A_643 = vector.shape_cast %get3A_613 : vector<16xf32> to vector<1x16xf32>
      tpu.vector_store %arg13[%swap3A_639, %swap3A_640], %swap3A_643 {strides = array<i32>} : memref<512x64xf32, #tpu.memory_space<vmem>>, vector<1x16xf32>,
      %swap3A_644 = arith.index_cast %add3A_593 : i32 to index
      %swap3A_645 = arith.constant 32 : index
      %swap3A_646 = tpu.vector_load %arg13[%swap3A_644, %swap3A_645] {strides = array<i32>} : memref<512x64xf32, #tpu.memory_space<vmem>>, vector<1x16xf32>,
      %swap3A_647 = vector.shape_cast %swap3A_646 : vector<1x16xf32> to vector<16xf32>
      %swap3A_648 = vector.shape_cast %get3A_609 : vector<16xf32> to vector<1x16xf32>
      tpu.vector_store %arg13[%swap3A_644, %swap3A_645], %swap3A_648 {strides = array<i32>} : memref<512x64xf32, #tpu.memory_space<vmem>>, vector<1x16xf32>,
      %swap3A_649 = arith.index_cast %add3A_593 : i32 to index
      %swap3A_650 = arith.constant 48 : index
      %swap3A_651 = tpu.vector_load %arg13[%swap3A_649, %swap3A_650] {strides = array<i32>} : memref<512x64xf32, #tpu.memory_space<vmem>>, vector<1x16xf32>,
      %swap3A_652 = vector.shape_cast %swap3A_651 : vector<1x16xf32> to vector<16xf32>
      %swap3A_653 = vector.shape_cast %get3A_613 : vector<16xf32> to vector<1x16xf32>
      tpu.vector_store %arg13[%swap3A_649, %swap3A_650], %swap3A_653 {strides = array<i32>} : memref<512x64xf32, #tpu.memory_space<vmem>>, vector<1x16xf32>,
      %add3A_654 = arith.constant 6 : i32
      %add3A_655 = arith.addi %mul3A_277, %add3A_654 : i32
      %slice3A_656 = vector.extract_strided_slice %shift_right_logical3A_282 {offsets = [6], sizes = [1], strides = [1]} : vector<16xi32> to vector<1xi32>
      %squeeze3A_657 = vector.extract %slice3A_656[0] : i32 from vector<1xi32>
      %slice3A_658 = vector.extract_strided_slice %and3A_284 {offsets = [6], sizes = [1], strides = [1]} : vector<16xi32> to vector<1xi32>
      %squeeze3A_659 = vector.extract %slice3A_658[0] : i32 from vector<1xi32>
      %get3A_660 = arith.index_cast %squeeze3A_657 : i32 to index
      %get3A_661 = arith.constant 0 : index
      %get3A_662 = tpu.vector_load %arg8[%get3A_660, %get3A_661] {strides = array<i32>} : memref<64x16xf32, #tpu.memory_space<vmem>>, vector<1x16xf32>,
      %get3A_663 = vector.shape_cast %get3A_662 : vector<1x16xf32> to vector<16xf32>
      %get3A_664 = arith.index_cast %squeeze3A_659 : i32 to index
      %get3A_665 = arith.constant 0 : index
      %get3A_666 = tpu.vector_load %arg10[%get3A_664, %get3A_665] {strides = array<i32>} : memref<64x16xf32, #tpu.memory_space<vmem>>, vector<1x16xf32>,
      %get3A_667 = vector.shape_cast %get3A_666 : vector<1x16xf32> to vector<16xf32>
      %get3A_668 = arith.index_cast %squeeze3A_657 : i32 to index
      %get3A_669 = arith.constant 0 : index
      %get3A_670 = tpu.vector_load %arg9[%get3A_668, %get3A_669] {strides = array<i32>} : memref<64x16xf32, #tpu.memory_space<vmem>>, vector<1x16xf32>,
      %get3A_671 = vector.shape_cast %get3A_670 : vector<1x16xf32> to vector<16xf32>
      %get3A_672 = arith.index_cast %squeeze3A_659 : i32 to index
      %get3A_673 = arith.constant 0 : index
      %get3A_674 = tpu.vector_load %arg11[%get3A_672, %get3A_673] {strides = array<i32>} : memref<64x16xf32, #tpu.memory_space<vmem>>, vector<1x16xf32>,
      %get3A_675 = vector.shape_cast %get3A_674 : vector<1x16xf32> to vector<16xf32>
      %swap3A_676 = arith.index_cast %add3A_655 : i32 to index
      %swap3A_677 = arith.constant 0 : index
      %swap3A_678 = tpu.vector_load %arg12[%swap3A_676, %swap3A_677] {strides = array<i32>} : memref<512x64xf32, #tpu.memory_space<vmem>>, vector<1x16xf32>,
      %swap3A_679 = vector.shape_cast %swap3A_678 : vector<1x16xf32> to vector<16xf32>
      %swap3A_680 = vector.shape_cast %get3A_663 : vector<16xf32> to vector<1x16xf32>
      tpu.vector_store %arg12[%swap3A_676, %swap3A_677], %swap3A_680 {strides = array<i32>} : memref<512x64xf32, #tpu.memory_space<vmem>>, vector<1x16xf32>,
      %swap3A_681 = arith.index_cast %add3A_655 : i32 to index
      %swap3A_682 = arith.constant 16 : index
      %swap3A_683 = tpu.vector_load %arg12[%swap3A_681, %swap3A_682] {strides = array<i32>} : memref<512x64xf32, #tpu.memory_space<vmem>>, vector<1x16xf32>,
      %swap3A_684 = vector.shape_cast %swap3A_683 : vector<1x16xf32> to vector<16xf32>
      %swap3A_685 = vector.shape_cast %get3A_667 : vector<16xf32> to vector<1x16xf32>
      tpu.vector_store %arg12[%swap3A_681, %swap3A_682], %swap3A_685 {strides = array<i32>} : memref<512x64xf32, #tpu.memory_space<vmem>>, vector<1x16xf32>,
      %swap3A_686 = arith.index_cast %add3A_655 : i32 to index
      %swap3A_687 = arith.constant 32 : index
      %swap3A_688 = tpu.vector_load %arg12[%swap3A_686, %swap3A_687] {strides = array<i32>} : memref<512x64xf32, #tpu.memory_space<vmem>>, vector<1x16xf32>,
      %swap3A_689 = vector.shape_cast %swap3A_688 : vector<1x16xf32> to vector<16xf32>
      %swap3A_690 = vector.shape_cast %get3A_663 : vector<16xf32> to vector<1x16xf32>
      tpu.vector_store %arg12[%swap3A_686, %swap3A_687], %swap3A_690 {strides = array<i32>} : memref<512x64xf32, #tpu.memory_space<vmem>>, vector<1x16xf32>,
      %swap3A_691 = arith.index_cast %add3A_655 : i32 to index
      %swap3A_692 = arith.constant 48 : index
      %swap3A_693 = tpu.vector_load %arg12[%swap3A_691, %swap3A_692] {strides = array<i32>} : memref<512x64xf32, #tpu.memory_space<vmem>>, vector<1x16xf32>,
      %swap3A_694 = vector.shape_cast %swap3A_693 : vector<1x16xf32> to vector<16xf32>
      %swap3A_695 = vector.shape_cast %get3A_667 : vector<16xf32> to vector<1x16xf32>
      tpu.vector_store %arg12[%swap3A_691, %swap3A_692], %swap3A_695 {strides = array<i32>} : memref<512x64xf32, #tpu.memory_space<vmem>>, vector<1x16xf32>,
      %swap3A_696 = arith.index_cast %add3A_655 : i32 to index
      %swap3A_697 = arith.constant 0 : index
      %swap3A_698 = tpu.vector_load %arg13[%swap3A_696, %swap3A_697] {strides = array<i32>} : memref<512x64xf32, #tpu.memory_space<vmem>>, vector<1x16xf32>,
      %swap3A_699 = vector.shape_cast %swap3A_698 : vector<1x16xf32> to vector<16xf32>
      %swap3A_700 = vector.shape_cast %get3A_671 : vector<16xf32> to vector<1x16xf32>
      tpu.vector_store %arg13[%swap3A_696, %swap3A_697], %swap3A_700 {strides = array<i32>} : memref<512x64xf32, #tpu.memory_space<vmem>>, vector<1x16xf32>,
      %swap3A_701 = arith.index_cast %add3A_655 : i32 to index
      %swap3A_702 = arith.constant 16 : index
      %swap3A_703 = tpu.vector_load %arg13[%swap3A_701, %swap3A_702] {strides = array<i32>} : memref<512x64xf32, #tpu.memory_space<vmem>>, vector<1x16xf32>,
      %swap3A_704 = vector.shape_cast %swap3A_703 : vector<1x16xf32> to vector<16xf32>
      %swap3A_705 = vector.shape_cast %get3A_675 : vector<16xf32> to vector<1x16xf32>
      tpu.vector_store %arg13[%swap3A_701, %swap3A_702], %swap3A_705 {strides = array<i32>} : memref<512x64xf32, #tpu.memory_space<vmem>>, vector<1x16xf32>,
      %swap3A_706 = arith.index_cast %add3A_655 : i32 to index
      %swap3A_707 = arith.constant 32 : index
      %swap3A_708 = tpu.vector_load %arg13[%swap3A_706, %swap3A_707] {strides = array<i32>} : memref<512x64xf32, #tpu.memory_space<vmem>>, vector<1x16xf32>,
      %swap3A_709 = vector.shape_cast %swap3A_708 : vector<1x16xf32> to vector<16xf32>
      %swap3A_710 = vector.shape_cast %get3A_671 : vector<16xf32> to vector<1x16xf32>
      tpu.vector_store %arg13[%swap3A_706, %swap3A_707], %swap3A_710 {strides = array<i32>} : memref<512x64xf32, #tpu.memory_space<vmem>>, vector<1x16xf32>,
      %swap3A_711 = arith.index_cast %add3A_655 : i32 to index
      %swap3A_712 = arith.constant 48 : index
      %swap3A_713 = tpu.vector_load %arg13[%swap3A_711, %swap3A_712] {strides = array<i32>} : memref<512x64xf32, #tpu.memory_space<vmem>>, vector<1x16xf32>,
      %swap3A_714 = vector.shape_cast %swap3A_713 : vector<1x16xf32> to vector<16xf32>
      %swap3A_715 = vector.shape_cast %get3A_675 : vector<16xf32> to vector<1x16xf32>
      tpu.vector_store %arg13[%swap3A_711, %swap3A_712], %swap3A_715 {strides = array<i32>} : memref<512x64xf32, #tpu.memory_space<vmem>>, vector<1x16xf32>,
      %add3A_716 = arith.constant 7 : i32
      %add3A_717 = arith.addi %mul3A_277, %add3A_716 : i32
      %slice3A_718 = vector.extract_strided_slice %shift_right_logical3A_282 {offsets = [7], sizes = [1], strides = [1]} : vector<16xi32> to vector<1xi32>
      %squeeze3A_719 = vector.extract %slice3A_718[0] : i32 from vector<1xi32>
      %slice3A_720 = vector.extract_strided_slice %and3A_284 {offsets = [7], sizes = [1], strides = [1]} : vector<16xi32> to vector<1xi32>
      %squeeze3A_721 = vector.extract %slice3A_720[0] : i32 from vector<1xi32>
      %get3A_722 = arith.index_cast %squeeze3A_719 : i32 to index
      %get3A_723 = arith.constant 0 : index
      %get3A_724 = tpu.vector_load %arg8[%get3A_722, %get3A_723] {strides = array<i32>} : memref<64x16xf32, #tpu.memory_space<vmem>>, vector<1x16xf32>,
      %get3A_725 = vector.shape_cast %get3A_724 : vector<1x16xf32> to vector<16xf32>
      %get3A_726 = arith.index_cast %squeeze3A_721 : i32 to index
      %get3A_727 = arith.constant 0 : index
      %get3A_728 = tpu.vector_load %arg10[%get3A_726, %get3A_727] {strides = array<i32>} : memref<64x16xf32, #tpu.memory_space<vmem>>, vector<1x16xf32>,
      %get3A_729 = vector.shape_cast %get3A_728 : vector<1x16xf32> to vector<16xf32>
      %get3A_730 = arith.index_cast %squeeze3A_719 : i32 to index
      %get3A_731 = arith.constant 0 : index
      %get3A_732 = tpu.vector_load %arg9[%get3A_730, %get3A_731] {strides = array<i32>} : memref<64x16xf32, #tpu.memory_space<vmem>>, vector<1x16xf32>,
      %get3A_733 = vector.shape_cast %get3A_732 : vector<1x16xf32> to vector<16xf32>
      %get3A_734 = arith.index_cast %squeeze3A_721 : i32 to index
      %get3A_735 = arith.constant 0 : index
      %get3A_736 = tpu.vector_load %arg11[%get3A_734, %get3A_735] {strides = array<i32>} : memref<64x16xf32, #tpu.memory_space<vmem>>, vector<1x16xf32>,
      %get3A_737 = vector.shape_cast %get3A_736 : vector<1x16xf32> to vector<16xf32>
      %swap3A_738 = arith.index_cast %add3A_717 : i32 to index
      %swap3A_739 = arith.constant 0 : index
      %swap3A_740 = tpu.vector_load %arg12[%swap3A_738, %swap3A_739] {strides = array<i32>} : memref<512x64xf32, #tpu.memory_space<vmem>>, vector<1x16xf32>,
      %swap3A_741 = vector.shape_cast %swap3A_740 : vector<1x16xf32> to vector<16xf32>
      %swap3A_742 = vector.shape_cast %get3A_725 : vector<16xf32> to vector<1x16xf32>
      tpu.vector_store %arg12[%swap3A_738, %swap3A_739], %swap3A_742 {strides = array<i32>} : memref<512x64xf32, #tpu.memory_space<vmem>>, vector<1x16xf32>,
      %swap3A_743 = arith.index_cast %add3A_717 : i32 to index
      %swap3A_744 = arith.constant 16 : index
      %swap3A_745 = tpu.vector_load %arg12[%swap3A_743, %swap3A_744] {strides = array<i32>} : memref<512x64xf32, #tpu.memory_space<vmem>>, vector<1x16xf32>,
      %swap3A_746 = vector.shape_cast %swap3A_745 : vector<1x16xf32> to vector<16xf32>
      %swap3A_747 = vector.shape_cast %get3A_729 : vector<16xf32> to vector<1x16xf32>
      tpu.vector_store %arg12[%swap3A_743, %swap3A_744], %swap3A_747 {strides = array<i32>} : memref<512x64xf32, #tpu.memory_space<vmem>>, vector<1x16xf32>,
      %swap3A_748 = arith.index_cast %add3A_717 : i32 to index
      %swap3A_749 = arith.constant 32 : index
      %swap3A_750 = tpu.vector_load %arg12[%swap3A_748, %swap3A_749] {strides = array<i32>} : memref<512x64xf32, #tpu.memory_space<vmem>>, vector<1x16xf32>,
      %swap3A_751 = vector.shape_cast %swap3A_750 : vector<1x16xf32> to vector<16xf32>
      %swap3A_752 = vector.shape_cast %get3A_725 : vector<16xf32> to vector<1x16xf32>
      tpu.vector_store %arg12[%swap3A_748, %swap3A_749], %swap3A_752 {strides = array<i32>} : memref<512x64xf32, #tpu.memory_space<vmem>>, vector<1x16xf32>,
      %swap3A_753 = arith.index_cast %add3A_717 : i32 to index
      %swap3A_754 = arith.constant 48 : index
      %swap3A_755 = tpu.vector_load %arg12[%swap3A_753, %swap3A_754] {strides = array<i32>} : memref<512x64xf32, #tpu.memory_space<vmem>>, vector<1x16xf32>,
      %swap3A_756 = vector.shape_cast %swap3A_755 : vector<1x16xf32> to vector<16xf32>
      %swap3A_757 = vector.shape_cast %get3A_729 : vector<16xf32> to vector<1x16xf32>
      tpu.vector_store %arg12[%swap3A_753, %swap3A_754], %swap3A_757 {strides = array<i32>} : memref<512x64xf32, #tpu.memory_space<vmem>>, vector<1x16xf32>,
      %swap3A_758 = arith.index_cast %add3A_717 : i32 to index
      %swap3A_759 = arith.constant 0 : index
      %swap3A_760 = tpu.vector_load %arg13[%swap3A_758, %swap3A_759] {strides = array<i32>} : memref<512x64xf32, #tpu.memory_space<vmem>>, vector<1x16xf32>,
      %swap3A_761 = vector.shape_cast %swap3A_760 : vector<1x16xf32> to vector<16xf32>
      %swap3A_762 = vector.shape_cast %get3A_733 : vector<16xf32> to vector<1x16xf32>
      tpu.vector_store %arg13[%swap3A_758, %swap3A_759], %swap3A_762 {strides = array<i32>} : memref<512x64xf32, #tpu.memory_space<vmem>>, vector<1x16xf32>,
      %swap3A_763 = arith.index_cast %add3A_717 : i32 to index
      %swap3A_764 = arith.constant 16 : index
      %swap3A_765 = tpu.vector_load %arg13[%swap3A_763, %swap3A_764] {strides = array<i32>} : memref<512x64xf32, #tpu.memory_space<vmem>>, vector<1x16xf32>,
      %swap3A_766 = vector.shape_cast %swap3A_765 : vector<1x16xf32> to vector<16xf32>
      %swap3A_767 = vector.shape_cast %get3A_737 : vector<16xf32> to vector<1x16xf32>
      tpu.vector_store %arg13[%swap3A_763, %swap3A_764], %swap3A_767 {strides = array<i32>} : memref<512x64xf32, #tpu.memory_space<vmem>>, vector<1x16xf32>,
      %swap3A_768 = arith.index_cast %add3A_717 : i32 to index
      %swap3A_769 = arith.constant 32 : index
      %swap3A_770 = tpu.vector_load %arg13[%swap3A_768, %swap3A_769] {strides = array<i32>} : memref<512x64xf32, #tpu.memory_space<vmem>>, vector<1x16xf32>,
      %swap3A_771 = vector.shape_cast %swap3A_770 : vector<1x16xf32> to vector<16xf32>
      %swap3A_772 = vector.shape_cast %get3A_733 : vector<16xf32> to vector<1x16xf32>
      tpu.vector_store %arg13[%swap3A_768, %swap3A_769], %swap3A_772 {strides = array<i32>} : memref<512x64xf32, #tpu.memory_space<vmem>>, vector<1x16xf32>,
      %swap3A_773 = arith.index_cast %add3A_717 : i32 to index
      %swap3A_774 = arith.constant 48 : index
      %swap3A_775 = tpu.vector_load %arg13[%swap3A_773, %swap3A_774] {strides = array<i32>} : memref<512x64xf32, #tpu.memory_space<vmem>>, vector<1x16xf32>,
      %swap3A_776 = vector.shape_cast %swap3A_775 : vector<1x16xf32> to vector<16xf32>
      %swap3A_777 = vector.shape_cast %get3A_737 : vector<16xf32> to vector<1x16xf32>
      tpu.vector_store %arg13[%swap3A_773, %swap3A_774], %swap3A_777 {strides = array<i32>} : memref<512x64xf32, #tpu.memory_space<vmem>>, vector<1x16xf32>,
      %add3A_778 = arith.constant 8 : i32
      %add3A_779 = arith.addi %mul3A_277, %add3A_778 : i32
      %slice3A_780 = vector.extract_strided_slice %shift_right_logical3A_282 {offsets = [8], sizes = [1], strides = [1]} : vector<16xi32> to vector<1xi32>
      %squeeze3A_781 = vector.extract %slice3A_780[0] : i32 from vector<1xi32>
      %slice3A_782 = vector.extract_strided_slice %and3A_284 {offsets = [8], sizes = [1], strides = [1]} : vector<16xi32> to vector<1xi32>
      %squeeze3A_783 = vector.extract %slice3A_782[0] : i32 from vector<1xi32>
      %get3A_784 = arith.index_cast %squeeze3A_781 : i32 to index
      %get3A_785 = arith.constant 0 : index
      %get3A_786 = tpu.vector_load %arg8[%get3A_784, %get3A_785] {strides = array<i32>} : memref<64x16xf32, #tpu.memory_space<vmem>>, vector<1x16xf32>,
      %get3A_787 = vector.shape_cast %get3A_786 : vector<1x16xf32> to vector<16xf32>
      %get3A_788 = arith.index_cast %squeeze3A_783 : i32 to index
      %get3A_789 = arith.constant 0 : index
      %get3A_790 = tpu.vector_load %arg10[%get3A_788, %get3A_789] {strides = array<i32>} : memref<64x16xf32, #tpu.memory_space<vmem>>, vector<1x16xf32>,
      %get3A_791 = vector.shape_cast %get3A_790 : vector<1x16xf32> to vector<16xf32>
      %get3A_792 = arith.index_cast %squeeze3A_781 : i32 to index
      %get3A_793 = arith.constant 0 : index
      %get3A_794 = tpu.vector_load %arg9[%get3A_792, %get3A_793] {strides = array<i32>} : memref<64x16xf32, #tpu.memory_space<vmem>>, vector<1x16xf32>,
      %get3A_795 = vector.shape_cast %get3A_794 : vector<1x16xf32> to vector<16xf32>
      %get3A_796 = arith.index_cast %squeeze3A_783 : i32 to index
      %get3A_797 = arith.constant 0 : index
      %get3A_798 = tpu.vector_load %arg11[%get3A_796, %get3A_797] {strides = array<i32>} : memref<64x16xf32, #tpu.memory_space<vmem>>, vector<1x16xf32>,
      %get3A_799 = vector.shape_cast %get3A_798 : vector<1x16xf32> to vector<16xf32>
      %swap3A_800 = arith.index_cast %add3A_779 : i32 to index
      %swap3A_801 = arith.constant 0 : index
      %swap3A_802 = tpu.vector_load %arg12[%swap3A_800, %swap3A_801] {strides = array<i32>} : memref<512x64xf32, #tpu.memory_space<vmem>>, vector<1x16xf32>,
      %swap3A_803 = vector.shape_cast %swap3A_802 : vector<1x16xf32> to vector<16xf32>
      %swap3A_804 = vector.shape_cast %get3A_787 : vector<16xf32> to vector<1x16xf32>
      tpu.vector_store %arg12[%swap3A_800, %swap3A_801], %swap3A_804 {strides = array<i32>} : memref<512x64xf32, #tpu.memory_space<vmem>>, vector<1x16xf32>,
      %swap3A_805 = arith.index_cast %add3A_779 : i32 to index
      %swap3A_806 = arith.constant 16 : index
      %swap3A_807 = tpu.vector_load %arg12[%swap3A_805, %swap3A_806] {strides = array<i32>} : memref<512x64xf32, #tpu.memory_space<vmem>>, vector<1x16xf32>,
      %swap3A_808 = vector.shape_cast %swap3A_807 : vector<1x16xf32> to vector<16xf32>
      %swap3A_809 = vector.shape_cast %get3A_791 : vector<16xf32> to vector<1x16xf32>
      tpu.vector_store %arg12[%swap3A_805, %swap3A_806], %swap3A_809 {strides = array<i32>} : memref<512x64xf32, #tpu.memory_space<vmem>>, vector<1x16xf32>,
      %swap3A_810 = arith.index_cast %add3A_779 : i32 to index
      %swap3A_811 = arith.constant 32 : index
      %swap3A_812 = tpu.vector_load %arg12[%swap3A_810, %swap3A_811] {strides = array<i32>} : memref<512x64xf32, #tpu.memory_space<vmem>>, vector<1x16xf32>,
      %swap3A_813 = vector.shape_cast %swap3A_812 : vector<1x16xf32> to vector<16xf32>
      %swap3A_814 = vector.shape_cast %get3A_787 : vector<16xf32> to vector<1x16xf32>
      tpu.vector_store %arg12[%swap3A_810, %swap3A_811], %swap3A_814 {strides = array<i32>} : memref<512x64xf32, #tpu.memory_space<vmem>>, vector<1x16xf32>,
      %swap3A_815 = arith.index_cast %add3A_779 : i32 to index
      %swap3A_816 = arith.constant 48 : index
      %swap3A_817 = tpu.vector_load %arg12[%swap3A_815, %swap3A_816] {strides = array<i32>} : memref<512x64xf32, #tpu.memory_space<vmem>>, vector<1x16xf32>,
      %swap3A_818 = vector.shape_cast %swap3A_817 : vector<1x16xf32> to vector<16xf32>
      %swap3A_819 = vector.shape_cast %get3A_791 : vector<16xf32> to vector<1x16xf32>
      tpu.vector_store %arg12[%swap3A_815, %swap3A_816], %swap3A_819 {strides = array<i32>} : memref<512x64xf32, #tpu.memory_space<vmem>>, vector<1x16xf32>,
      %swap3A_820 = arith.index_cast %add3A_779 : i32 to index
      %swap3A_821 = arith.constant 0 : index
      %swap3A_822 = tpu.vector_load %arg13[%swap3A_820, %swap3A_821] {strides = array<i32>} : memref<512x64xf32, #tpu.memory_space<vmem>>, vector<1x16xf32>,
      %swap3A_823 = vector.shape_cast %swap3A_822 : vector<1x16xf32> to vector<16xf32>
      %swap3A_824 = vector.shape_cast %get3A_795 : vector<16xf32> to vector<1x16xf32>
      tpu.vector_store %arg13[%swap3A_820, %swap3A_821], %swap3A_824 {strides = array<i32>} : memref<512x64xf32, #tpu.memory_space<vmem>>, vector<1x16xf32>,
      %swap3A_825 = arith.index_cast %add3A_779 : i32 to index
      %swap3A_826 = arith.constant 16 : index
      %swap3A_827 = tpu.vector_load %arg13[%swap3A_825, %swap3A_826] {strides = array<i32>} : memref<512x64xf32, #tpu.memory_space<vmem>>, vector<1x16xf32>,
      %swap3A_828 = vector.shape_cast %swap3A_827 : vector<1x16xf32> to vector<16xf32>
      %swap3A_829 = vector.shape_cast %get3A_799 : vector<16xf32> to vector<1x16xf32>
      tpu.vector_store %arg13[%swap3A_825, %swap3A_826], %swap3A_829 {strides = array<i32>} : memref<512x64xf32, #tpu.memory_space<vmem>>, vector<1x16xf32>,
      %swap3A_830 = arith.index_cast %add3A_779 : i32 to index
      %swap3A_831 = arith.constant 32 : index
      %swap3A_832 = tpu.vector_load %arg13[%swap3A_830, %swap3A_831] {strides = array<i32>} : memref<512x64xf32, #tpu.memory_space<vmem>>, vector<1x16xf32>,
      %swap3A_833 = vector.shape_cast %swap3A_832 : vector<1x16xf32> to vector<16xf32>
      %swap3A_834 = vector.shape_cast %get3A_795 : vector<16xf32> to vector<1x16xf32>
      tpu.vector_store %arg13[%swap3A_830, %swap3A_831], %swap3A_834 {strides = array<i32>} : memref<512x64xf32, #tpu.memory_space<vmem>>, vector<1x16xf32>,
      %swap3A_835 = arith.index_cast %add3A_779 : i32 to index
      %swap3A_836 = arith.constant 48 : index
      %swap3A_837 = tpu.vector_load %arg13[%swap3A_835, %swap3A_836] {strides = array<i32>} : memref<512x64xf32, #tpu.memory_space<vmem>>, vector<1x16xf32>,
      %swap3A_838 = vector.shape_cast %swap3A_837 : vector<1x16xf32> to vector<16xf32>
      %swap3A_839 = vector.shape_cast %get3A_799 : vector<16xf32> to vector<1x16xf32>
      tpu.vector_store %arg13[%swap3A_835, %swap3A_836], %swap3A_839 {strides = array<i32>} : memref<512x64xf32, #tpu.memory_space<vmem>>, vector<1x16xf32>,
      %add3A_840 = arith.constant 9 : i32
      %add3A_841 = arith.addi %mul3A_277, %add3A_840 : i32
      %slice3A_842 = vector.extract_strided_slice %shift_right_logical3A_282 {offsets = [9], sizes = [1], strides = [1]} : vector<16xi32> to vector<1xi32>
      %squeeze3A_843 = vector.extract %slice3A_842[0] : i32 from vector<1xi32>
      %slice3A_844 = vector.extract_strided_slice %and3A_284 {offsets = [9], sizes = [1], strides = [1]} : vector<16xi32> to vector<1xi32>
      %squeeze3A_845 = vector.extract %slice3A_844[0] : i32 from vector<1xi32>
      %get3A_846 = arith.index_cast %squeeze3A_843 : i32 to index
      %get3A_847 = arith.constant 0 : index
      %get3A_848 = tpu.vector_load %arg8[%get3A_846, %get3A_847] {strides = array<i32>} : memref<64x16xf32, #tpu.memory_space<vmem>>, vector<1x16xf32>,
      %get3A_849 = vector.shape_cast %get3A_848 : vector<1x16xf32> to vector<16xf32>
      %get3A_850 = arith.index_cast %squeeze3A_845 : i32 to index
      %get3A_851 = arith.constant 0 : index
      %get3A_852 = tpu.vector_load %arg10[%get3A_850, %get3A_851] {strides = array<i32>} : memref<64x16xf32, #tpu.memory_space<vmem>>, vector<1x16xf32>,
      %get3A_853 = vector.shape_cast %get3A_852 : vector<1x16xf32> to vector<16xf32>
      %get3A_854 = arith.index_cast %squeeze3A_843 : i32 to index
      %get3A_855 = arith.constant 0 : index
      %get3A_856 = tpu.vector_load %arg9[%get3A_854, %get3A_855] {strides = array<i32>} : memref<64x16xf32, #tpu.memory_space<vmem>>, vector<1x16xf32>,
      %get3A_857 = vector.shape_cast %get3A_856 : vector<1x16xf32> to vector<16xf32>
      %get3A_858 = arith.index_cast %squeeze3A_845 : i32 to index
      %get3A_859 = arith.constant 0 : index
      %get3A_860 = tpu.vector_load %arg11[%get3A_858, %get3A_859] {strides = array<i32>} : memref<64x16xf32, #tpu.memory_space<vmem>>, vector<1x16xf32>,
      %get3A_861 = vector.shape_cast %get3A_860 : vector<1x16xf32> to vector<16xf32>
      %swap3A_862 = arith.index_cast %add3A_841 : i32 to index
      %swap3A_863 = arith.constant 0 : index
      %swap3A_864 = tpu.vector_load %arg12[%swap3A_862, %swap3A_863] {strides = array<i32>} : memref<512x64xf32, #tpu.memory_space<vmem>>, vector<1x16xf32>,
      %swap3A_865 = vector.shape_cast %swap3A_864 : vector<1x16xf32> to vector<16xf32>
      %swap3A_866 = vector.shape_cast %get3A_849 : vector<16xf32> to vector<1x16xf32>
      tpu.vector_store %arg12[%swap3A_862, %swap3A_863], %swap3A_866 {strides = array<i32>} : memref<512x64xf32, #tpu.memory_space<vmem>>, vector<1x16xf32>,
      %swap3A_867 = arith.index_cast %add3A_841 : i32 to index
      %swap3A_868 = arith.constant 16 : index
      %swap3A_869 = tpu.vector_load %arg12[%swap3A_867, %swap3A_868] {strides = array<i32>} : memref<512x64xf32, #tpu.memory_space<vmem>>, vector<1x16xf32>,
      %swap3A_870 = vector.shape_cast %swap3A_869 : vector<1x16xf32> to vector<16xf32>
      %swap3A_871 = vector.shape_cast %get3A_853 : vector<16xf32> to vector<1x16xf32>
      tpu.vector_store %arg12[%swap3A_867, %swap3A_868], %swap3A_871 {strides = array<i32>} : memref<512x64xf32, #tpu.memory_space<vmem>>, vector<1x16xf32>,
      %swap3A_872 = arith.index_cast %add3A_841 : i32 to index
      %swap3A_873 = arith.constant 32 : index
      %swap3A_874 = tpu.vector_load %arg12[%swap3A_872, %swap3A_873] {strides = array<i32>} : memref<512x64xf32, #tpu.memory_space<vmem>>, vector<1x16xf32>,
      %swap3A_875 = vector.shape_cast %swap3A_874 : vector<1x16xf32> to vector<16xf32>
      %swap3A_876 = vector.shape_cast %get3A_849 : vector<16xf32> to vector<1x16xf32>
      tpu.vector_store %arg12[%swap3A_872, %swap3A_873], %swap3A_876 {strides = array<i32>} : memref<512x64xf32, #tpu.memory_space<vmem>>, vector<1x16xf32>,
      %swap3A_877 = arith.index_cast %add3A_841 : i32 to index
      %swap3A_878 = arith.constant 48 : index
      %swap3A_879 = tpu.vector_load %arg12[%swap3A_877, %swap3A_878] {strides = array<i32>} : memref<512x64xf32, #tpu.memory_space<vmem>>, vector<1x16xf32>,
      %swap3A_880 = vector.shape_cast %swap3A_879 : vector<1x16xf32> to vector<16xf32>
      %swap3A_881 = vector.shape_cast %get3A_853 : vector<16xf32> to vector<1x16xf32>
      tpu.vector_store %arg12[%swap3A_877, %swap3A_878], %swap3A_881 {strides = array<i32>} : memref<512x64xf32, #tpu.memory_space<vmem>>, vector<1x16xf32>,
      %swap3A_882 = arith.index_cast %add3A_841 : i32 to index
      %swap3A_883 = arith.constant 0 : index
      %swap3A_884 = tpu.vector_load %arg13[%swap3A_882, %swap3A_883] {strides = array<i32>} : memref<512x64xf32, #tpu.memory_space<vmem>>, vector<1x16xf32>,
      %swap3A_885 = vector.shape_cast %swap3A_884 : vector<1x16xf32> to vector<16xf32>
      %swap3A_886 = vector.shape_cast %get3A_857 : vector<16xf32> to vector<1x16xf32>
      tpu.vector_store %arg13[%swap3A_882, %swap3A_883], %swap3A_886 {strides = array<i32>} : memref<512x64xf32, #tpu.memory_space<vmem>>, vector<1x16xf32>,
      %swap3A_887 = arith.index_cast %add3A_841 : i32 to index
      %swap3A_888 = arith.constant 16 : index
      %swap3A_889 = tpu.vector_load %arg13[%swap3A_887, %swap3A_888] {strides = array<i32>} : memref<512x64xf32, #tpu.memory_space<vmem>>, vector<1x16xf32>,
      %swap3A_890 = vector.shape_cast %swap3A_889 : vector<1x16xf32> to vector<16xf32>
      %swap3A_891 = vector.shape_cast %get3A_861 : vector<16xf32> to vector<1x16xf32>
      tpu.vector_store %arg13[%swap3A_887, %swap3A_888], %swap3A_891 {strides = array<i32>} : memref<512x64xf32, #tpu.memory_space<vmem>>, vector<1x16xf32>,
      %swap3A_892 = arith.index_cast %add3A_841 : i32 to index
      %swap3A_893 = arith.constant 32 : index
      %swap3A_894 = tpu.vector_load %arg13[%swap3A_892, %swap3A_893] {strides = array<i32>} : memref<512x64xf32, #tpu.memory_space<vmem>>, vector<1x16xf32>,
      %swap3A_895 = vector.shape_cast %swap3A_894 : vector<1x16xf32> to vector<16xf32>
      %swap3A_896 = vector.shape_cast %get3A_857 : vector<16xf32> to vector<1x16xf32>
      tpu.vector_store %arg13[%swap3A_892, %swap3A_893], %swap3A_896 {strides = array<i32>} : memref<512x64xf32, #tpu.memory_space<vmem>>, vector<1x16xf32>,
      %swap3A_897 = arith.index_cast %add3A_841 : i32 to index
      %swap3A_898 = arith.constant 48 : index
      %swap3A_899 = tpu.vector_load %arg13[%swap3A_897, %swap3A_898] {strides = array<i32>} : memref<512x64xf32, #tpu.memory_space<vmem>>, vector<1x16xf32>,
      %swap3A_900 = vector.shape_cast %swap3A_899 : vector<1x16xf32> to vector<16xf32>
      %swap3A_901 = vector.shape_cast %get3A_861 : vector<16xf32> to vector<1x16xf32>
      tpu.vector_store %arg13[%swap3A_897, %swap3A_898], %swap3A_901 {strides = array<i32>} : memref<512x64xf32, #tpu.memory_space<vmem>>, vector<1x16xf32>,
      %add3A_902 = arith.constant 10 : i32
      %add3A_903 = arith.addi %mul3A_277, %add3A_902 : i32
      %slice3A_904 = vector.extract_strided_slice %shift_right_logical3A_282 {offsets = [10], sizes = [1], strides = [1]} : vector<16xi32> to vector<1xi32>
      %squeeze3A_905 = vector.extract %slice3A_904[0] : i32 from vector<1xi32>
      %slice3A_906 = vector.extract_strided_slice %and3A_284 {offsets = [10], sizes = [1], strides = [1]} : vector<16xi32> to vector<1xi32>
      %squeeze3A_907 = vector.extract %slice3A_906[0] : i32 from vector<1xi32>
      %get3A_908 = arith.index_cast %squeeze3A_905 : i32 to index
      %get3A_909 = arith.constant 0 : index
      %get3A_910 = tpu.vector_load %arg8[%get3A_908, %get3A_909] {strides = array<i32>} : memref<64x16xf32, #tpu.memory_space<vmem>>, vector<1x16xf32>,
      %get3A_911 = vector.shape_cast %get3A_910 : vector<1x16xf32> to vector<16xf32>
      %get3A_912 = arith.index_cast %squeeze3A_907 : i32 to index
      %get3A_913 = arith.constant 0 : index
      %get3A_914 = tpu.vector_load %arg10[%get3A_912, %get3A_913] {strides = array<i32>} : memref<64x16xf32, #tpu.memory_space<vmem>>, vector<1x16xf32>,
      %get3A_915 = vector.shape_cast %get3A_914 : vector<1x16xf32> to vector<16xf32>
      %get3A_916 = arith.index_cast %squeeze3A_905 : i32 to index
      %get3A_917 = arith.constant 0 : index
      %get3A_918 = tpu.vector_load %arg9[%get3A_916, %get3A_917] {strides = array<i32>} : memref<64x16xf32, #tpu.memory_space<vmem>>, vector<1x16xf32>,
      %get3A_919 = vector.shape_cast %get3A_918 : vector<1x16xf32> to vector<16xf32>
      %get3A_920 = arith.index_cast %squeeze3A_907 : i32 to index
      %get3A_921 = arith.constant 0 : index
      %get3A_922 = tpu.vector_load %arg11[%get3A_920, %get3A_921] {strides = array<i32>} : memref<64x16xf32, #tpu.memory_space<vmem>>, vector<1x16xf32>,
      %get3A_923 = vector.shape_cast %get3A_922 : vector<1x16xf32> to vector<16xf32>
      %swap3A_924 = arith.index_cast %add3A_903 : i32 to index
      %swap3A_925 = arith.constant 0 : index
      %swap3A_926 = tpu.vector_load %arg12[%swap3A_924, %swap3A_925] {strides = array<i32>} : memref<512x64xf32, #tpu.memory_space<vmem>>, vector<1x16xf32>,
      %swap3A_927 = vector.shape_cast %swap3A_926 : vector<1x16xf32> to vector<16xf32>
      %swap3A_928 = vector.shape_cast %get3A_911 : vector<16xf32> to vector<1x16xf32>
      tpu.vector_store %arg12[%swap3A_924, %swap3A_925], %swap3A_928 {strides = array<i32>} : memref<512x64xf32, #tpu.memory_space<vmem>>, vector<1x16xf32>,
      %swap3A_929 = arith.index_cast %add3A_903 : i32 to index
      %swap3A_930 = arith.constant 16 : index
      %swap3A_931 = tpu.vector_load %arg12[%swap3A_929, %swap3A_930] {strides = array<i32>} : memref<512x64xf32, #tpu.memory_space<vmem>>, vector<1x16xf32>,
      %swap3A_932 = vector.shape_cast %swap3A_931 : vector<1x16xf32> to vector<16xf32>
      %swap3A_933 = vector.shape_cast %get3A_915 : vector<16xf32> to vector<1x16xf32>
      tpu.vector_store %arg12[%swap3A_929, %swap3A_930], %swap3A_933 {strides = array<i32>} : memref<512x64xf32, #tpu.memory_space<vmem>>, vector<1x16xf32>,
      %swap3A_934 = arith.index_cast %add3A_903 : i32 to index
      %swap3A_935 = arith.constant 32 : index
      %swap3A_936 = tpu.vector_load %arg12[%swap3A_934, %swap3A_935] {strides = array<i32>} : memref<512x64xf32, #tpu.memory_space<vmem>>, vector<1x16xf32>,
      %swap3A_937 = vector.shape_cast %swap3A_936 : vector<1x16xf32> to vector<16xf32>
      %swap3A_938 = vector.shape_cast %get3A_911 : vector<16xf32> to vector<1x16xf32>
      tpu.vector_store %arg12[%swap3A_934, %swap3A_935], %swap3A_938 {strides = array<i32>} : memref<512x64xf32, #tpu.memory_space<vmem>>, vector<1x16xf32>,
      %swap3A_939 = arith.index_cast %add3A_903 : i32 to index
      %swap3A_940 = arith.constant 48 : index
      %swap3A_941 = tpu.vector_load %arg12[%swap3A_939, %swap3A_940] {strides = array<i32>} : memref<512x64xf32, #tpu.memory_space<vmem>>, vector<1x16xf32>,
      %swap3A_942 = vector.shape_cast %swap3A_941 : vector<1x16xf32> to vector<16xf32>
      %swap3A_943 = vector.shape_cast %get3A_915 : vector<16xf32> to vector<1x16xf32>
      tpu.vector_store %arg12[%swap3A_939, %swap3A_940], %swap3A_943 {strides = array<i32>} : memref<512x64xf32, #tpu.memory_space<vmem>>, vector<1x16xf32>,
      %swap3A_944 = arith.index_cast %add3A_903 : i32 to index
      %swap3A_945 = arith.constant 0 : index
      %swap3A_946 = tpu.vector_load %arg13[%swap3A_944, %swap3A_945] {strides = array<i32>} : memref<512x64xf32, #tpu.memory_space<vmem>>, vector<1x16xf32>,
      %swap3A_947 = vector.shape_cast %swap3A_946 : vector<1x16xf32> to vector<16xf32>
      %swap3A_948 = vector.shape_cast %get3A_919 : vector<16xf32> to vector<1x16xf32>
      tpu.vector_store %arg13[%swap3A_944, %swap3A_945], %swap3A_948 {strides = array<i32>} : memref<512x64xf32, #tpu.memory_space<vmem>>, vector<1x16xf32>,
      %swap3A_949 = arith.index_cast %add3A_903 : i32 to index
      %swap3A_950 = arith.constant 16 : index
      %swap3A_951 = tpu.vector_load %arg13[%swap3A_949, %swap3A_950] {strides = array<i32>} : memref<512x64xf32, #tpu.memory_space<vmem>>, vector<1x16xf32>,
      %swap3A_952 = vector.shape_cast %swap3A_951 : vector<1x16xf32> to vector<16xf32>
      %swap3A_953 = vector.shape_cast %get3A_923 : vector<16xf32> to vector<1x16xf32>
      tpu.vector_store %arg13[%swap3A_949, %swap3A_950], %swap3A_953 {strides = array<i32>} : memref<512x64xf32, #tpu.memory_space<vmem>>, vector<1x16xf32>,
      %swap3A_954 = arith.index_cast %add3A_903 : i32 to index
      %swap3A_955 = arith.constant 32 : index
      %swap3A_956 = tpu.vector_load %arg13[%swap3A_954, %swap3A_955] {strides = array<i32>} : memref<512x64xf32, #tpu.memory_space<vmem>>, vector<1x16xf32>,
      %swap3A_957 = vector.shape_cast %swap3A_956 : vector<1x16xf32> to vector<16xf32>
      %swap3A_958 = vector.shape_cast %get3A_919 : vector<16xf32> to vector<1x16xf32>
      tpu.vector_store %arg13[%swap3A_954, %swap3A_955], %swap3A_958 {strides = array<i32>} : memref<512x64xf32, #tpu.memory_space<vmem>>, vector<1x16xf32>,
      %swap3A_959 = arith.index_cast %add3A_903 : i32 to index
      %swap3A_960 = arith.constant 48 : index
      %swap3A_961 = tpu.vector_load %arg13[%swap3A_959, %swap3A_960] {strides = array<i32>} : memref<512x64xf32, #tpu.memory_space<vmem>>, vector<1x16xf32>,
      %swap3A_962 = vector.shape_cast %swap3A_961 : vector<1x16xf32> to vector<16xf32>
      %swap3A_963 = vector.shape_cast %get3A_923 : vector<16xf32> to vector<1x16xf32>
      tpu.vector_store %arg13[%swap3A_959, %swap3A_960], %swap3A_963 {strides = array<i32>} : memref<512x64xf32, #tpu.memory_space<vmem>>, vector<1x16xf32>,
      %add3A_964 = arith.constant 11 : i32
      %add3A_965 = arith.addi %mul3A_277, %add3A_964 : i32
      %slice3A_966 = vector.extract_strided_slice %shift_right_logical3A_282 {offsets = [11], sizes = [1], strides = [1]} : vector<16xi32> to vector<1xi32>
      %squeeze3A_967 = vector.extract %slice3A_966[0] : i32 from vector<1xi32>
      %slice3A_968 = vector.extract_strided_slice %and3A_284 {offsets = [11], sizes = [1], strides = [1]} : vector<16xi32> to vector<1xi32>
      %squeeze3A_969 = vector.extract %slice3A_968[0] : i32 from vector<1xi32>
      %get3A_970 = arith.index_cast %squeeze3A_967 : i32 to index
      %get3A_971 = arith.constant 0 : index
      %get3A_972 = tpu.vector_load %arg8[%get3A_970, %get3A_971] {strides = array<i32>} : memref<64x16xf32, #tpu.memory_space<vmem>>, vector<1x16xf32>,
      %get3A_973 = vector.shape_cast %get3A_972 : vector<1x16xf32> to vector<16xf32>
      %get3A_974 = arith.index_cast %squeeze3A_969 : i32 to index
      %get3A_975 = arith.constant 0 : index
      %get3A_976 = tpu.vector_load %arg10[%get3A_974, %get3A_975] {strides = array<i32>} : memref<64x16xf32, #tpu.memory_space<vmem>>, vector<1x16xf32>,
      %get3A_977 = vector.shape_cast %get3A_976 : vector<1x16xf32> to vector<16xf32>
      %get3A_978 = arith.index_cast %squeeze3A_967 : i32 to index
      %get3A_979 = arith.constant 0 : index
      %get3A_980 = tpu.vector_load %arg9[%get3A_978, %get3A_979] {strides = array<i32>} : memref<64x16xf32, #tpu.memory_space<vmem>>, vector<1x16xf32>,
      %get3A_981 = vector.shape_cast %get3A_980 : vector<1x16xf32> to vector<16xf32>
      %get3A_982 = arith.index_cast %squeeze3A_969 : i32 to index
      %get3A_983 = arith.constant 0 : index
      %get3A_984 = tpu.vector_load %arg11[%get3A_982, %get3A_983] {strides = array<i32>} : memref<64x16xf32, #tpu.memory_space<vmem>>, vector<1x16xf32>,
      %get3A_985 = vector.shape_cast %get3A_984 : vector<1x16xf32> to vector<16xf32>
      %swap3A_986 = arith.index_cast %add3A_965 : i32 to index
      %swap3A_987 = arith.constant 0 : index
      %swap3A_988 = tpu.vector_load %arg12[%swap3A_986, %swap3A_987] {strides = array<i32>} : memref<512x64xf32, #tpu.memory_space<vmem>>, vector<1x16xf32>,
      %swap3A_989 = vector.shape_cast %swap3A_988 : vector<1x16xf32> to vector<16xf32>
      %swap3A_990 = vector.shape_cast %get3A_973 : vector<16xf32> to vector<1x16xf32>
      tpu.vector_store %arg12[%swap3A_986, %swap3A_987], %swap3A_990 {strides = array<i32>} : memref<512x64xf32, #tpu.memory_space<vmem>>, vector<1x16xf32>,
      %swap3A_991 = arith.index_cast %add3A_965 : i32 to index
      %swap3A_992 = arith.constant 16 : index
      %swap3A_993 = tpu.vector_load %arg12[%swap3A_991, %swap3A_992] {strides = array<i32>} : memref<512x64xf32, #tpu.memory_space<vmem>>, vector<1x16xf32>,
      %swap3A_994 = vector.shape_cast %swap3A_993 : vector<1x16xf32> to vector<16xf32>
      %swap3A_995 = vector.shape_cast %get3A_977 : vector<16xf32> to vector<1x16xf32>
      tpu.vector_store %arg12[%swap3A_991, %swap3A_992], %swap3A_995 {strides = array<i32>} : memref<512x64xf32, #tpu.memory_space<vmem>>, vector<1x16xf32>,
      %swap3A_996 = arith.index_cast %add3A_965 : i32 to index
      %swap3A_997 = arith.constant 32 : index
      %swap3A_998 = tpu.vector_load %arg12[%swap3A_996, %swap3A_997] {strides = array<i32>} : memref<512x64xf32, #tpu.memory_space<vmem>>, vector<1x16xf32>,
      %swap3A_999 = vector.shape_cast %swap3A_998 : vector<1x16xf32> to vector<16xf32>
      %swap3A_1000 = vector.shape_cast %get3A_973 : vector<16xf32> to vector<1x16xf32>
      tpu.vector_store %arg12[%swap3A_996, %swap3A_997], %swap3A_1000 {strides = array<i32>} : memref<512x64xf32, #tpu.memory_space<vmem>>, vector<1x16xf32>,
      %swap3A_1001 = arith.index_cast %add3A_965 : i32 to index
      %swap3A_1002 = arith.constant 48 : index
      %swap3A_1003 = tpu.vector_load %arg12[%swap3A_1001, %swap3A_1002] {strides = array<i32>} : memref<512x64xf32, #tpu.memory_space<vmem>>, vector<1x16xf32>,
      %swap3A_1004 = vector.shape_cast %swap3A_1003 : vector<1x16xf32> to vector<16xf32>
      %swap3A_1005 = vector.shape_cast %get3A_977 : vector<16xf32> to vector<1x16xf32>
      tpu.vector_store %arg12[%swap3A_1001, %swap3A_1002], %swap3A_1005 {strides = array<i32>} : memref<512x64xf32, #tpu.memory_space<vmem>>, vector<1x16xf32>,
      %swap3A_1006 = arith.index_cast %add3A_965 : i32 to index
      %swap3A_1007 = arith.constant 0 : index
      %swap3A_1008 = tpu.vector_load %arg13[%swap3A_1006, %swap3A_1007] {strides = array<i32>} : memref<512x64xf32, #tpu.memory_space<vmem>>, vector<1x16xf32>,
      %swap3A_1009 = vector.shape_cast %swap3A_1008 : vector<1x16xf32> to vector<16xf32>
      %swap3A_1010 = vector.shape_cast %get3A_981 : vector<16xf32> to vector<1x16xf32>
      tpu.vector_store %arg13[%swap3A_1006, %swap3A_1007], %swap3A_1010 {strides = array<i32>} : memref<512x64xf32, #tpu.memory_space<vmem>>, vector<1x16xf32>,
      %swap3A_1011 = arith.index_cast %add3A_965 : i32 to index
      %swap3A_1012 = arith.constant 16 : index
      %swap3A_1013 = tpu.vector_load %arg13[%swap3A_1011, %swap3A_1012] {strides = array<i32>} : memref<512x64xf32, #tpu.memory_space<vmem>>, vector<1x16xf32>,
      %swap3A_1014 = vector.shape_cast %swap3A_1013 : vector<1x16xf32> to vector<16xf32>
      %swap3A_1015 = vector.shape_cast %get3A_985 : vector<16xf32> to vector<1x16xf32>
      tpu.vector_store %arg13[%swap3A_1011, %swap3A_1012], %swap3A_1015 {strides = array<i32>} : memref<512x64xf32, #tpu.memory_space<vmem>>, vector<1x16xf32>,
      %swap3A_1016 = arith.index_cast %add3A_965 : i32 to index
      %swap3A_1017 = arith.constant 32 : index
      %swap3A_1018 = tpu.vector_load %arg13[%swap3A_1016, %swap3A_1017] {strides = array<i32>} : memref<512x64xf32, #tpu.memory_space<vmem>>, vector<1x16xf32>,
      %swap3A_1019 = vector.shape_cast %swap3A_1018 : vector<1x16xf32> to vector<16xf32>
      %swap3A_1020 = vector.shape_cast %get3A_981 : vector<16xf32> to vector<1x16xf32>
      tpu.vector_store %arg13[%swap3A_1016, %swap3A_1017], %swap3A_1020 {strides = array<i32>} : memref<512x64xf32, #tpu.memory_space<vmem>>, vector<1x16xf32>,
      %swap3A_1021 = arith.index_cast %add3A_965 : i32 to index
      %swap3A_1022 = arith.constant 48 : index
      %swap3A_1023 = tpu.vector_load %arg13[%swap3A_1021, %swap3A_1022] {strides = array<i32>} : memref<512x64xf32, #tpu.memory_space<vmem>>, vector<1x16xf32>,
      %swap3A_1024 = vector.shape_cast %swap3A_1023 : vector<1x16xf32> to vector<16xf32>
      %swap3A_1025 = vector.shape_cast %get3A_985 : vector<16xf32> to vector<1x16xf32>
      tpu.vector_store %arg13[%swap3A_1021, %swap3A_1022], %swap3A_1025 {strides = array<i32>} : memref<512x64xf32, #tpu.memory_space<vmem>>, vector<1x16xf32>,
      %add3A_1026 = arith.constant 12 : i32
      %add3A_1027 = arith.addi %mul3A_277, %add3A_1026 : i32
      %slice3A_1028 = vector.extract_strided_slice %shift_right_logical3A_282 {offsets = [12], sizes = [1], strides = [1]} : vector<16xi32> to vector<1xi32>
      %squeeze3A_1029 = vector.extract %slice3A_1028[0] : i32 from vector<1xi32>
      %slice3A_1030 = vector.extract_strided_slice %and3A_284 {offsets = [12], sizes = [1], strides = [1]} : vector<16xi32> to vector<1xi32>
      %squeeze3A_1031 = vector.extract %slice3A_1030[0] : i32 from vector<1xi32>
      %get3A_1032 = arith.index_cast %squeeze3A_1029 : i32 to index
      %get3A_1033 = arith.constant 0 : index
      %get3A_1034 = tpu.vector_load %arg8[%get3A_1032, %get3A_1033] {strides = array<i32>} : memref<64x16xf32, #tpu.memory_space<vmem>>, vector<1x16xf32>,
      %get3A_1035 = vector.shape_cast %get3A_1034 : vector<1x16xf32> to vector<16xf32>
      %get3A_1036 = arith.index_cast %squeeze3A_1031 : i32 to index
      %get3A_1037 = arith.constant 0 : index
      %get3A_1038 = tpu.vector_load %arg10[%get3A_1036, %get3A_1037] {strides = array<i32>} : memref<64x16xf32, #tpu.memory_space<vmem>>, vector<1x16xf32>,
      %get3A_1039 = vector.shape_cast %get3A_1038 : vector<1x16xf32> to vector<16xf32>
      %get3A_1040 = arith.index_cast %squeeze3A_1029 : i32 to index
      %get3A_1041 = arith.constant 0 : index
      %get3A_1042 = tpu.vector_load %arg9[%get3A_1040, %get3A_1041] {strides = array<i32>} : memref<64x16xf32, #tpu.memory_space<vmem>>, vector<1x16xf32>,
      %get3A_1043 = vector.shape_cast %get3A_1042 : vector<1x16xf32> to vector<16xf32>
      %get3A_1044 = arith.index_cast %squeeze3A_1031 : i32 to index
      %get3A_1045 = arith.constant 0 : index
      %get3A_1046 = tpu.vector_load %arg11[%get3A_1044, %get3A_1045] {strides = array<i32>} : memref<64x16xf32, #tpu.memory_space<vmem>>, vector<1x16xf32>,
      %get3A_1047 = vector.shape_cast %get3A_1046 : vector<1x16xf32> to vector<16xf32>
      %swap3A_1048 = arith.index_cast %add3A_1027 : i32 to index
      %swap3A_1049 = arith.constant 0 : index
      %swap3A_1050 = tpu.vector_load %arg12[%swap3A_1048, %swap3A_1049] {strides = array<i32>} : memref<512x64xf32, #tpu.memory_space<vmem>>, vector<1x16xf32>,
      %swap3A_1051 = vector.shape_cast %swap3A_1050 : vector<1x16xf32> to vector<16xf32>
      %swap3A_1052 = vector.shape_cast %get3A_1035 : vector<16xf32> to vector<1x16xf32>
      tpu.vector_store %arg12[%swap3A_1048, %swap3A_1049], %swap3A_1052 {strides = array<i32>} : memref<512x64xf32, #tpu.memory_space<vmem>>, vector<1x16xf32>,
      %swap3A_1053 = arith.index_cast %add3A_1027 : i32 to index
      %swap3A_1054 = arith.constant 16 : index
      %swap3A_1055 = tpu.vector_load %arg12[%swap3A_1053, %swap3A_1054] {strides = array<i32>} : memref<512x64xf32, #tpu.memory_space<vmem>>, vector<1x16xf32>,
      %swap3A_1056 = vector.shape_cast %swap3A_1055 : vector<1x16xf32> to vector<16xf32>
      %swap3A_1057 = vector.shape_cast %get3A_1039 : vector<16xf32> to vector<1x16xf32>
      tpu.vector_store %arg12[%swap3A_1053, %swap3A_1054], %swap3A_1057 {strides = array<i32>} : memref<512x64xf32, #tpu.memory_space<vmem>>, vector<1x16xf32>,
      %swap3A_1058 = arith.index_cast %add3A_1027 : i32 to index
      %swap3A_1059 = arith.constant 32 : index
      %swap3A_1060 = tpu.vector_load %arg12[%swap3A_1058, %swap3A_1059] {strides = array<i32>} : memref<512x64xf32, #tpu.memory_space<vmem>>, vector<1x16xf32>,
      %swap3A_1061 = vector.shape_cast %swap3A_1060 : vector<1x16xf32> to vector<16xf32>
      %swap3A_1062 = vector.shape_cast %get3A_1035 : vector<16xf32> to vector<1x16xf32>
      tpu.vector_store %arg12[%swap3A_1058, %swap3A_1059], %swap3A_1062 {strides = array<i32>} : memref<512x64xf32, #tpu.memory_space<vmem>>, vector<1x16xf32>,
      %swap3A_1063 = arith.index_cast %add3A_1027 : i32 to index
      %swap3A_1064 = arith.constant 48 : index
      %swap3A_1065 = tpu.vector_load %arg12[%swap3A_1063, %swap3A_1064] {strides = array<i32>} : memref<512x64xf32, #tpu.memory_space<vmem>>, vector<1x16xf32>,
      %swap3A_1066 = vector.shape_cast %swap3A_1065 : vector<1x16xf32> to vector<16xf32>
      %swap3A_1067 = vector.shape_cast %get3A_1039 : vector<16xf32> to vector<1x16xf32>
      tpu.vector_store %arg12[%swap3A_1063, %swap3A_1064], %swap3A_1067 {strides = array<i32>} : memref<512x64xf32, #tpu.memory_space<vmem>>, vector<1x16xf32>,
      %swap3A_1068 = arith.index_cast %add3A_1027 : i32 to index
      %swap3A_1069 = arith.constant 0 : index
      %swap3A_1070 = tpu.vector_load %arg13[%swap3A_1068, %swap3A_1069] {strides = array<i32>} : memref<512x64xf32, #tpu.memory_space<vmem>>, vector<1x16xf32>,
      %swap3A_1071 = vector.shape_cast %swap3A_1070 : vector<1x16xf32> to vector<16xf32>
      %swap3A_1072 = vector.shape_cast %get3A_1043 : vector<16xf32> to vector<1x16xf32>
      tpu.vector_store %arg13[%swap3A_1068, %swap3A_1069], %swap3A_1072 {strides = array<i32>} : memref<512x64xf32, #tpu.memory_space<vmem>>, vector<1x16xf32>,
      %swap3A_1073 = arith.index_cast %add3A_1027 : i32 to index
      %swap3A_1074 = arith.constant 16 : index
      %swap3A_1075 = tpu.vector_load %arg13[%swap3A_1073, %swap3A_1074] {strides = array<i32>} : memref<512x64xf32, #tpu.memory_space<vmem>>, vector<1x16xf32>,
      %swap3A_1076 = vector.shape_cast %swap3A_1075 : vector<1x16xf32> to vector<16xf32>
      %swap3A_1077 = vector.shape_cast %get3A_1047 : vector<16xf32> to vector<1x16xf32>
      tpu.vector_store %arg13[%swap3A_1073, %swap3A_1074], %swap3A_1077 {strides = array<i32>} : memref<512x64xf32, #tpu.memory_space<vmem>>, vector<1x16xf32>,
      %swap3A_1078 = arith.index_cast %add3A_1027 : i32 to index
      %swap3A_1079 = arith.constant 32 : index
      %swap3A_1080 = tpu.vector_load %arg13[%swap3A_1078, %swap3A_1079] {strides = array<i32>} : memref<512x64xf32, #tpu.memory_space<vmem>>, vector<1x16xf32>,
      %swap3A_1081 = vector.shape_cast %swap3A_1080 : vector<1x16xf32> to vector<16xf32>
      %swap3A_1082 = vector.shape_cast %get3A_1043 : vector<16xf32> to vector<1x16xf32>
      tpu.vector_store %arg13[%swap3A_1078, %swap3A_1079], %swap3A_1082 {strides = array<i32>} : memref<512x64xf32, #tpu.memory_space<vmem>>, vector<1x16xf32>,
      %swap3A_1083 = arith.index_cast %add3A_1027 : i32 to index
      %swap3A_1084 = arith.constant 48 : index
      %swap3A_1085 = tpu.vector_load %arg13[%swap3A_1083, %swap3A_1084] {strides = array<i32>} : memref<512x64xf32, #tpu.memory_space<vmem>>, vector<1x16xf32>,
      %swap3A_1086 = vector.shape_cast %swap3A_1085 : vector<1x16xf32> to vector<16xf32>
      %swap3A_1087 = vector.shape_cast %get3A_1047 : vector<16xf32> to vector<1x16xf32>
      tpu.vector_store %arg13[%swap3A_1083, %swap3A_1084], %swap3A_1087 {strides = array<i32>} : memref<512x64xf32, #tpu.memory_space<vmem>>, vector<1x16xf32>,
      %add3A_1088 = arith.constant 13 : i32
      %add3A_1089 = arith.addi %mul3A_277, %add3A_1088 : i32
      %slice3A_1090 = vector.extract_strided_slice %shift_right_logical3A_282 {offsets = [13], sizes = [1], strides = [1]} : vector<16xi32> to vector<1xi32>
      %squeeze3A_1091 = vector.extract %slice3A_1090[0] : i32 from vector<1xi32>
      %slice3A_1092 = vector.extract_strided_slice %and3A_284 {offsets = [13], sizes = [1], strides = [1]} : vector<16xi32> to vector<1xi32>
      %squeeze3A_1093 = vector.extract %slice3A_1092[0] : i32 from vector<1xi32>
      %get3A_1094 = arith.index_cast %squeeze3A_1091 : i32 to index
      %get3A_1095 = arith.constant 0 : index
      %get3A_1096 = tpu.vector_load %arg8[%get3A_1094, %get3A_1095] {strides = array<i32>} : memref<64x16xf32, #tpu.memory_space<vmem>>, vector<1x16xf32>,
      %get3A_1097 = vector.shape_cast %get3A_1096 : vector<1x16xf32> to vector<16xf32>
      %get3A_1098 = arith.index_cast %squeeze3A_1093 : i32 to index
      %get3A_1099 = arith.constant 0 : index
      %get3A_1100 = tpu.vector_load %arg10[%get3A_1098, %get3A_1099] {strides = array<i32>} : memref<64x16xf32, #tpu.memory_space<vmem>>, vector<1x16xf32>,
      %get3A_1101 = vector.shape_cast %get3A_1100 : vector<1x16xf32> to vector<16xf32>
      %get3A_1102 = arith.index_cast %squeeze3A_1091 : i32 to index
      %get3A_1103 = arith.constant 0 : index
      %get3A_1104 = tpu.vector_load %arg9[%get3A_1102, %get3A_1103] {strides = array<i32>} : memref<64x16xf32, #tpu.memory_space<vmem>>, vector<1x16xf32>,
      %get3A_1105 = vector.shape_cast %get3A_1104 : vector<1x16xf32> to vector<16xf32>
      %get3A_1106 = arith.index_cast %squeeze3A_1093 : i32 to index
      %get3A_1107 = arith.constant 0 : index
      %get3A_1108 = tpu.vector_load %arg11[%get3A_1106, %get3A_1107] {strides = array<i32>} : memref<64x16xf32, #tpu.memory_space<vmem>>, vector<1x16xf32>,
      %get3A_1109 = vector.shape_cast %get3A_1108 : vector<1x16xf32> to vector<16xf32>
      %swap3A_1110 = arith.index_cast %add3A_1089 : i32 to index
      %swap3A_1111 = arith.constant 0 : index
      %swap3A_1112 = tpu.vector_load %arg12[%swap3A_1110, %swap3A_1111] {strides = array<i32>} : memref<512x64xf32, #tpu.memory_space<vmem>>, vector<1x16xf32>,
      %swap3A_1113 = vector.shape_cast %swap3A_1112 : vector<1x16xf32> to vector<16xf32>
      %swap3A_1114 = vector.shape_cast %get3A_1097 : vector<16xf32> to vector<1x16xf32>
      tpu.vector_store %arg12[%swap3A_1110, %swap3A_1111], %swap3A_1114 {strides = array<i32>} : memref<512x64xf32, #tpu.memory_space<vmem>>, vector<1x16xf32>,
      %swap3A_1115 = arith.index_cast %add3A_1089 : i32 to index
      %swap3A_1116 = arith.constant 16 : index
      %swap3A_1117 = tpu.vector_load %arg12[%swap3A_1115, %swap3A_1116] {strides = array<i32>} : memref<512x64xf32, #tpu.memory_space<vmem>>, vector<1x16xf32>,
      %swap3A_1118 = vector.shape_cast %swap3A_1117 : vector<1x16xf32> to vector<16xf32>
      %swap3A_1119 = vector.shape_cast %get3A_1101 : vector<16xf32> to vector<1x16xf32>
      tpu.vector_store %arg12[%swap3A_1115, %swap3A_1116], %swap3A_1119 {strides = array<i32>} : memref<512x64xf32, #tpu.memory_space<vmem>>, vector<1x16xf32>,
      %swap3A_1120 = arith.index_cast %add3A_1089 : i32 to index
      %swap3A_1121 = arith.constant 32 : index
      %swap3A_1122 = tpu.vector_load %arg12[%swap3A_1120, %swap3A_1121] {strides = array<i32>} : memref<512x64xf32, #tpu.memory_space<vmem>>, vector<1x16xf32>,
      %swap3A_1123 = vector.shape_cast %swap3A_1122 : vector<1x16xf32> to vector<16xf32>
      %swap3A_1124 = vector.shape_cast %get3A_1097 : vector<16xf32> to vector<1x16xf32>
      tpu.vector_store %arg12[%swap3A_1120, %swap3A_1121], %swap3A_1124 {strides = array<i32>} : memref<512x64xf32, #tpu.memory_space<vmem>>, vector<1x16xf32>,
      %swap3A_1125 = arith.index_cast %add3A_1089 : i32 to index
      %swap3A_1126 = arith.constant 48 : index
      %swap3A_1127 = tpu.vector_load %arg12[%swap3A_1125, %swap3A_1126] {strides = array<i32>} : memref<512x64xf32, #tpu.memory_space<vmem>>, vector<1x16xf32>,
      %swap3A_1128 = vector.shape_cast %swap3A_1127 : vector<1x16xf32> to vector<16xf32>
      %swap3A_1129 = vector.shape_cast %get3A_1101 : vector<16xf32> to vector<1x16xf32>
      tpu.vector_store %arg12[%swap3A_1125, %swap3A_1126], %swap3A_1129 {strides = array<i32>} : memref<512x64xf32, #tpu.memory_space<vmem>>, vector<1x16xf32>,
      %swap3A_1130 = arith.index_cast %add3A_1089 : i32 to index
      %swap3A_1131 = arith.constant 0 : index
      %swap3A_1132 = tpu.vector_load %arg13[%swap3A_1130, %swap3A_1131] {strides = array<i32>} : memref<512x64xf32, #tpu.memory_space<vmem>>, vector<1x16xf32>,
      %swap3A_1133 = vector.shape_cast %swap3A_1132 : vector<1x16xf32> to vector<16xf32>
      %swap3A_1134 = vector.shape_cast %get3A_1105 : vector<16xf32> to vector<1x16xf32>
      tpu.vector_store %arg13[%swap3A_1130, %swap3A_1131], %swap3A_1134 {strides = array<i32>} : memref<512x64xf32, #tpu.memory_space<vmem>>, vector<1x16xf32>,
      %swap3A_1135 = arith.index_cast %add3A_1089 : i32 to index
      %swap3A_1136 = arith.constant 16 : index
      %swap3A_1137 = tpu.vector_load %arg13[%swap3A_1135, %swap3A_1136] {strides = array<i32>} : memref<512x64xf32, #tpu.memory_space<vmem>>, vector<1x16xf32>,
      %swap3A_1138 = vector.shape_cast %swap3A_1137 : vector<1x16xf32> to vector<16xf32>
      %swap3A_1139 = vector.shape_cast %get3A_1109 : vector<16xf32> to vector<1x16xf32>
      tpu.vector_store %arg13[%swap3A_1135, %swap3A_1136], %swap3A_1139 {strides = array<i32>} : memref<512x64xf32, #tpu.memory_space<vmem>>, vector<1x16xf32>,
      %swap3A_1140 = arith.index_cast %add3A_1089 : i32 to index
      %swap3A_1141 = arith.constant 32 : index
      %swap3A_1142 = tpu.vector_load %arg13[%swap3A_1140, %swap3A_1141] {strides = array<i32>} : memref<512x64xf32, #tpu.memory_space<vmem>>, vector<1x16xf32>,
      %swap3A_1143 = vector.shape_cast %swap3A_1142 : vector<1x16xf32> to vector<16xf32>
      %swap3A_1144 = vector.shape_cast %get3A_1105 : vector<16xf32> to vector<1x16xf32>
      tpu.vector_store %arg13[%swap3A_1140, %swap3A_1141], %swap3A_1144 {strides = array<i32>} : memref<512x64xf32, #tpu.memory_space<vmem>>, vector<1x16xf32>,
      %swap3A_1145 = arith.index_cast %add3A_1089 : i32 to index
      %swap3A_1146 = arith.constant 48 : index
      %swap3A_1147 = tpu.vector_load %arg13[%swap3A_1145, %swap3A_1146] {strides = array<i32>} : memref<512x64xf32, #tpu.memory_space<vmem>>, vector<1x16xf32>,
      %swap3A_1148 = vector.shape_cast %swap3A_1147 : vector<1x16xf32> to vector<16xf32>
      %swap3A_1149 = vector.shape_cast %get3A_1109 : vector<16xf32> to vector<1x16xf32>
      tpu.vector_store %arg13[%swap3A_1145, %swap3A_1146], %swap3A_1149 {strides = array<i32>} : memref<512x64xf32, #tpu.memory_space<vmem>>, vector<1x16xf32>,
      %add3A_1150 = arith.constant 14 : i32
      %add3A_1151 = arith.addi %mul3A_277, %add3A_1150 : i32
      %slice3A_1152 = vector.extract_strided_slice %shift_right_logical3A_282 {offsets = [14], sizes = [1], strides = [1]} : vector<16xi32> to vector<1xi32>
      %squeeze3A_1153 = vector.extract %slice3A_1152[0] : i32 from vector<1xi32>
      %slice3A_1154 = vector.extract_strided_slice %and3A_284 {offsets = [14], sizes = [1], strides = [1]} : vector<16xi32> to vector<1xi32>
      %squeeze3A_1155 = vector.extract %slice3A_1154[0] : i32 from vector<1xi32>
      %get3A_1156 = arith.index_cast %squeeze3A_1153 : i32 to index
      %get3A_1157 = arith.constant 0 : index
      %get3A_1158 = tpu.vector_load %arg8[%get3A_1156, %get3A_1157] {strides = array<i32>} : memref<64x16xf32, #tpu.memory_space<vmem>>, vector<1x16xf32>,
      %get3A_1159 = vector.shape_cast %get3A_1158 : vector<1x16xf32> to vector<16xf32>
      %get3A_1160 = arith.index_cast %squeeze3A_1155 : i32 to index
      %get3A_1161 = arith.constant 0 : index
      %get3A_1162 = tpu.vector_load %arg10[%get3A_1160, %get3A_1161] {strides = array<i32>} : memref<64x16xf32, #tpu.memory_space<vmem>>, vector<1x16xf32>,
      %get3A_1163 = vector.shape_cast %get3A_1162 : vector<1x16xf32> to vector<16xf32>
      %get3A_1164 = arith.index_cast %squeeze3A_1153 : i32 to index
      %get3A_1165 = arith.constant 0 : index
      %get3A_1166 = tpu.vector_load %arg9[%get3A_1164, %get3A_1165] {strides = array<i32>} : memref<64x16xf32, #tpu.memory_space<vmem>>, vector<1x16xf32>,
      %get3A_1167 = vector.shape_cast %get3A_1166 : vector<1x16xf32> to vector<16xf32>
      %get3A_1168 = arith.index_cast %squeeze3A_1155 : i32 to index
      %get3A_1169 = arith.constant 0 : index
      %get3A_1170 = tpu.vector_load %arg11[%get3A_1168, %get3A_1169] {strides = array<i32>} : memref<64x16xf32, #tpu.memory_space<vmem>>, vector<1x16xf32>,
      %get3A_1171 = vector.shape_cast %get3A_1170 : vector<1x16xf32> to vector<16xf32>
      %swap3A_1172 = arith.index_cast %add3A_1151 : i32 to index
      %swap3A_1173 = arith.constant 0 : index
      %swap3A_1174 = tpu.vector_load %arg12[%swap3A_1172, %swap3A_1173] {strides = array<i32>} : memref<512x64xf32, #tpu.memory_space<vmem>>, vector<1x16xf32>,
      %swap3A_1175 = vector.shape_cast %swap3A_1174 : vector<1x16xf32> to vector<16xf32>
      %swap3A_1176 = vector.shape_cast %get3A_1159 : vector<16xf32> to vector<1x16xf32>
      tpu.vector_store %arg12[%swap3A_1172, %swap3A_1173], %swap3A_1176 {strides = array<i32>} : memref<512x64xf32, #tpu.memory_space<vmem>>, vector<1x16xf32>,
      %swap3A_1177 = arith.index_cast %add3A_1151 : i32 to index
      %swap3A_1178 = arith.constant 16 : index
      %swap3A_1179 = tpu.vector_load %arg12[%swap3A_1177, %swap3A_1178] {strides = array<i32>} : memref<512x64xf32, #tpu.memory_space<vmem>>, vector<1x16xf32>,
      %swap3A_1180 = vector.shape_cast %swap3A_1179 : vector<1x16xf32> to vector<16xf32>
      %swap3A_1181 = vector.shape_cast %get3A_1163 : vector<16xf32> to vector<1x16xf32>
      tpu.vector_store %arg12[%swap3A_1177, %swap3A_1178], %swap3A_1181 {strides = array<i32>} : memref<512x64xf32, #tpu.memory_space<vmem>>, vector<1x16xf32>,
      %swap3A_1182 = arith.index_cast %add3A_1151 : i32 to index
      %swap3A_1183 = arith.constant 32 : index
      %swap3A_1184 = tpu.vector_load %arg12[%swap3A_1182, %swap3A_1183] {strides = array<i32>} : memref<512x64xf32, #tpu.memory_space<vmem>>, vector<1x16xf32>,
      %swap3A_1185 = vector.shape_cast %swap3A_1184 : vector<1x16xf32> to vector<16xf32>
      %swap3A_1186 = vector.shape_cast %get3A_1159 : vector<16xf32> to vector<1x16xf32>
      tpu.vector_store %arg12[%swap3A_1182, %swap3A_1183], %swap3A_1186 {strides = array<i32>} : memref<512x64xf32, #tpu.memory_space<vmem>>, vector<1x16xf32>,
      %swap3A_1187 = arith.index_cast %add3A_1151 : i32 to index
      %swap3A_1188 = arith.constant 48 : index
      %swap3A_1189 = tpu.vector_load %arg12[%swap3A_1187, %swap3A_1188] {strides = array<i32>} : memref<512x64xf32, #tpu.memory_space<vmem>>, vector<1x16xf32>,
      %swap3A_1190 = vector.shape_cast %swap3A_1189 : vector<1x16xf32> to vector<16xf32>
      %swap3A_1191 = vector.shape_cast %get3A_1163 : vector<16xf32> to vector<1x16xf32>
      tpu.vector_store %arg12[%swap3A_1187, %swap3A_1188], %swap3A_1191 {strides = array<i32>} : memref<512x64xf32, #tpu.memory_space<vmem>>, vector<1x16xf32>,
      %swap3A_1192 = arith.index_cast %add3A_1151 : i32 to index
      %swap3A_1193 = arith.constant 0 : index
      %swap3A_1194 = tpu.vector_load %arg13[%swap3A_1192, %swap3A_1193] {strides = array<i32>} : memref<512x64xf32, #tpu.memory_space<vmem>>, vector<1x16xf32>,
      %swap3A_1195 = vector.shape_cast %swap3A_1194 : vector<1x16xf32> to vector<16xf32>
      %swap3A_1196 = vector.shape_cast %get3A_1167 : vector<16xf32> to vector<1x16xf32>
      tpu.vector_store %arg13[%swap3A_1192, %swap3A_1193], %swap3A_1196 {strides = array<i32>} : memref<512x64xf32, #tpu.memory_space<vmem>>, vector<1x16xf32>,
      %swap3A_1197 = arith.index_cast %add3A_1151 : i32 to index
      %swap3A_1198 = arith.constant 16 : index
      %swap3A_1199 = tpu.vector_load %arg13[%swap3A_1197, %swap3A_1198] {strides = array<i32>} : memref<512x64xf32, #tpu.memory_space<vmem>>, vector<1x16xf32>,
      %swap3A_1200 = vector.shape_cast %swap3A_1199 : vector<1x16xf32> to vector<16xf32>
      %swap3A_1201 = vector.shape_cast %get3A_1171 : vector<16xf32> to vector<1x16xf32>
      tpu.vector_store %arg13[%swap3A_1197, %swap3A_1198], %swap3A_1201 {strides = array<i32>} : memref<512x64xf32, #tpu.memory_space<vmem>>, vector<1x16xf32>,
      %swap3A_1202 = arith.index_cast %add3A_1151 : i32 to index
      %swap3A_1203 = arith.constant 32 : index
      %swap3A_1204 = tpu.vector_load %arg13[%swap3A_1202, %swap3A_1203] {strides = array<i32>} : memref<512x64xf32, #tpu.memory_space<vmem>>, vector<1x16xf32>,
      %swap3A_1205 = vector.shape_cast %swap3A_1204 : vector<1x16xf32> to vector<16xf32>
      %swap3A_1206 = vector.shape_cast %get3A_1167 : vector<16xf32> to vector<1x16xf32>
      tpu.vector_store %arg13[%swap3A_1202, %swap3A_1203], %swap3A_1206 {strides = array<i32>} : memref<512x64xf32, #tpu.memory_space<vmem>>, vector<1x16xf32>,
      %swap3A_1207 = arith.index_cast %add3A_1151 : i32 to index
      %swap3A_1208 = arith.constant 48 : index
      %swap3A_1209 = tpu.vector_load %arg13[%swap3A_1207, %swap3A_1208] {strides = array<i32>} : memref<512x64xf32, #tpu.memory_space<vmem>>, vector<1x16xf32>,
      %swap3A_1210 = vector.shape_cast %swap3A_1209 : vector<1x16xf32> to vector<16xf32>
      %swap3A_1211 = vector.shape_cast %get3A_1171 : vector<16xf32> to vector<1x16xf32>
      tpu.vector_store %arg13[%swap3A_1207, %swap3A_1208], %swap3A_1211 {strides = array<i32>} : memref<512x64xf32, #tpu.memory_space<vmem>>, vector<1x16xf32>,
      %add3A_1212 = arith.constant 15 : i32
      %add3A_1213 = arith.addi %mul3A_277, %add3A_1212 : i32
      %slice3A_1214 = vector.extract_strided_slice %shift_right_logical3A_282 {offsets = [15], sizes = [1], strides = [1]} : vector<16xi32> to vector<1xi32>
      %squeeze3A_1215 = vector.extract %slice3A_1214[0] : i32 from vector<1xi32>
      %slice3A_1216 = vector.extract_strided_slice %and3A_284 {offsets = [15], sizes = [1], strides = [1]} : vector<16xi32> to vector<1xi32>
      %squeeze3A_1217 = vector.extract %slice3A_1216[0] : i32 from vector<1xi32>
      %get3A_1218 = arith.index_cast %squeeze3A_1215 : i32 to index
      %get3A_1219 = arith.constant 0 : index
      %get3A_1220 = tpu.vector_load %arg8[%get3A_1218, %get3A_1219] {strides = array<i32>} : memref<64x16xf32, #tpu.memory_space<vmem>>, vector<1x16xf32>,
      %get3A_1221 = vector.shape_cast %get3A_1220 : vector<1x16xf32> to vector<16xf32>
      %get3A_1222 = arith.index_cast %squeeze3A_1217 : i32 to index
      %get3A_1223 = arith.constant 0 : index
      %get3A_1224 = tpu.vector_load %arg10[%get3A_1222, %get3A_1223] {strides = array<i32>} : memref<64x16xf32, #tpu.memory_space<vmem>>, vector<1x16xf32>,
      %get3A_1225 = vector.shape_cast %get3A_1224 : vector<1x16xf32> to vector<16xf32>
      %get3A_1226 = arith.index_cast %squeeze3A_1215 : i32 to index
      %get3A_1227 = arith.constant 0 : index
      %get3A_1228 = tpu.vector_load %arg9[%get3A_1226, %get3A_1227] {strides = array<i32>} : memref<64x16xf32, #tpu.memory_space<vmem>>, vector<1x16xf32>,
      %get3A_1229 = vector.shape_cast %get3A_1228 : vector<1x16xf32> to vector<16xf32>
      %get3A_1230 = arith.index_cast %squeeze3A_1217 : i32 to index
      %get3A_1231 = arith.constant 0 : index
      %get3A_1232 = tpu.vector_load %arg11[%get3A_1230, %get3A_1231] {strides = array<i32>} : memref<64x16xf32, #tpu.memory_space<vmem>>, vector<1x16xf32>,
      %get3A_1233 = vector.shape_cast %get3A_1232 : vector<1x16xf32> to vector<16xf32>
      %swap3A_1234 = arith.index_cast %add3A_1213 : i32 to index
      %swap3A_1235 = arith.constant 0 : index
      %swap3A_1236 = tpu.vector_load %arg12[%swap3A_1234, %swap3A_1235] {strides = array<i32>} : memref<512x64xf32, #tpu.memory_space<vmem>>, vector<1x16xf32>,
      %swap3A_1237 = vector.shape_cast %swap3A_1236 : vector<1x16xf32> to vector<16xf32>
      %swap3A_1238 = vector.shape_cast %get3A_1221 : vector<16xf32> to vector<1x16xf32>
      tpu.vector_store %arg12[%swap3A_1234, %swap3A_1235], %swap3A_1238 {strides = array<i32>} : memref<512x64xf32, #tpu.memory_space<vmem>>, vector<1x16xf32>,
      %swap3A_1239 = arith.index_cast %add3A_1213 : i32 to index
      %swap3A_1240 = arith.constant 16 : index
      %swap3A_1241 = tpu.vector_load %arg12[%swap3A_1239, %swap3A_1240] {strides = array<i32>} : memref<512x64xf32, #tpu.memory_space<vmem>>, vector<1x16xf32>,
      %swap3A_1242 = vector.shape_cast %swap3A_1241 : vector<1x16xf32> to vector<16xf32>
      %swap3A_1243 = vector.shape_cast %get3A_1225 : vector<16xf32> to vector<1x16xf32>
      tpu.vector_store %arg12[%swap3A_1239, %swap3A_1240], %swap3A_1243 {strides = array<i32>} : memref<512x64xf32, #tpu.memory_space<vmem>>, vector<1x16xf32>,
      %swap3A_1244 = arith.index_cast %add3A_1213 : i32 to index
      %swap3A_1245 = arith.constant 32 : index
      %swap3A_1246 = tpu.vector_load %arg12[%swap3A_1244, %swap3A_1245] {strides = array<i32>} : memref<512x64xf32, #tpu.memory_space<vmem>>, vector<1x16xf32>,
      %swap3A_1247 = vector.shape_cast %swap3A_1246 : vector<1x16xf32> to vector<16xf32>
      %swap3A_1248 = vector.shape_cast %get3A_1221 : vector<16xf32> to vector<1x16xf32>
      tpu.vector_store %arg12[%swap3A_1244, %swap3A_1245], %swap3A_1248 {strides = array<i32>} : memref<512x64xf32, #tpu.memory_space<vmem>>, vector<1x16xf32>,
      %swap3A_1249 = arith.index_cast %add3A_1213 : i32 to index
      %swap3A_1250 = arith.constant 48 : index
      %swap3A_1251 = tpu.vector_load %arg12[%swap3A_1249, %swap3A_1250] {strides = array<i32>} : memref<512x64xf32, #tpu.memory_space<vmem>>, vector<1x16xf32>,
      %swap3A_1252 = vector.shape_cast %swap3A_1251 : vector<1x16xf32> to vector<16xf32>
      %swap3A_1253 = vector.shape_cast %get3A_1225 : vector<16xf32> to vector<1x16xf32>
      tpu.vector_store %arg12[%swap3A_1249, %swap3A_1250], %swap3A_1253 {strides = array<i32>} : memref<512x64xf32, #tpu.memory_space<vmem>>, vector<1x16xf32>,
      %swap3A_1254 = arith.index_cast %add3A_1213 : i32 to index
      %swap3A_1255 = arith.constant 0 : index
      %swap3A_1256 = tpu.vector_load %arg13[%swap3A_1254, %swap3A_1255] {strides = array<i32>} : memref<512x64xf32, #tpu.memory_space<vmem>>, vector<1x16xf32>,
      %swap3A_1257 = vector.shape_cast %swap3A_1256 : vector<1x16xf32> to vector<16xf32>
      %swap3A_1258 = vector.shape_cast %get3A_1229 : vector<16xf32> to vector<1x16xf32>
      tpu.vector_store %arg13[%swap3A_1254, %swap3A_1255], %swap3A_1258 {strides = array<i32>} : memref<512x64xf32, #tpu.memory_space<vmem>>, vector<1x16xf32>,
      %swap3A_1259 = arith.index_cast %add3A_1213 : i32 to index
      %swap3A_1260 = arith.constant 16 : index
      %swap3A_1261 = tpu.vector_load %arg13[%swap3A_1259, %swap3A_1260] {strides = array<i32>} : memref<512x64xf32, #tpu.memory_space<vmem>>, vector<1x16xf32>,
      %swap3A_1262 = vector.shape_cast %swap3A_1261 : vector<1x16xf32> to vector<16xf32>
      %swap3A_1263 = vector.shape_cast %get3A_1233 : vector<16xf32> to vector<1x16xf32>
      tpu.vector_store %arg13[%swap3A_1259, %swap3A_1260], %swap3A_1263 {strides = array<i32>} : memref<512x64xf32, #tpu.memory_space<vmem>>, vector<1x16xf32>,
      %swap3A_1264 = arith.index_cast %add3A_1213 : i32 to index
      %swap3A_1265 = arith.constant 32 : index
      %swap3A_1266 = tpu.vector_load %arg13[%swap3A_1264, %swap3A_1265] {strides = array<i32>} : memref<512x64xf32, #tpu.memory_space<vmem>>, vector<1x16xf32>,
      %swap3A_1267 = vector.shape_cast %swap3A_1266 : vector<1x16xf32> to vector<16xf32>
      %swap3A_1268 = vector.shape_cast %get3A_1229 : vector<16xf32> to vector<1x16xf32>
      tpu.vector_store %arg13[%swap3A_1264, %swap3A_1265], %swap3A_1268 {strides = array<i32>} : memref<512x64xf32, #tpu.memory_space<vmem>>, vector<1x16xf32>,
      %swap3A_1269 = arith.index_cast %add3A_1213 : i32 to index
      %swap3A_1270 = arith.constant 48 : index
      %swap3A_1271 = tpu.vector_load %arg13[%swap3A_1269, %swap3A_1270] {strides = array<i32>} : memref<512x64xf32, #tpu.memory_space<vmem>>, vector<1x16xf32>,
      %swap3A_1272 = vector.shape_cast %swap3A_1271 : vector<1x16xf32> to vector<16xf32>
      %swap3A_1273 = vector.shape_cast %get3A_1233 : vector<16xf32> to vector<1x16xf32>
      tpu.vector_store %arg13[%swap3A_1269, %swap3A_1270], %swap3A_1273 {strides = array<i32>} : memref<512x64xf32, #tpu.memory_space<vmem>>, vector<1x16xf32>,
      %scan3A_1274 = arith.constant 0 : i32
      scf.yield %scan3A_1274 : i32
    }
    %scan3A_63 = arith.constant 8 : i32
    %dma_start3A_64 = arith.constant 128 : i32
    %dma_start3A_65 = arith.constant 0 : i32
    %dma_start3A_66 = tpu.memref_slice %arg12[%dma_start3A_64, %dma_start3A_65] : memref<512x64xf32, #tpu.memory_space<vmem>> -> memref<128x64xf32, #tpu.memory_space<vmem>>
    %dma_start3A_67 = arith.constant 128 : i32
    %dma_start3A_68 = arith.constant 0 : i32
    %dma_start3A_69 = tpu.memref_slice %arg4[%add3A, %dma_start3A_67, %dma_start3A_68] : memref<32x512x64xf32, #tpu.memory_space<hbm>> -> memref<1x128x64xf32, #tpu.memory_space<hbm>>
    %dma_start3A_70 = tpu.memref_squeeze %dma_start3A_69 : memref<1x128x64xf32, #tpu.memory_space<hbm>> -> memref<128x64xf32, #tpu.memory_space<hbm>>
    %dma_start3A_71 = arith.constant 128 : i32
    %dma_start3A_72 = arith.constant 0 : i32
    %dma_start3A_73 = tpu.memref_slice %arg4[%add3A, %dma_start3A_71, %dma_start3A_72] : memref<32x512x64xf32, #tpu.memory_space<hbm>> -> memref<1x128x64xf32, #tpu.memory_space<hbm>>
    %dma_start3A_74 = tpu.memref_squeeze %dma_start3A_73 : memref<1x128x64xf32, #tpu.memory_space<hbm>> -> memref<128x64xf32, #tpu.memory_space<hbm>>
    %dma_start3A_75 = arith.constant 128 : i32
    %dma_start3A_76 = arith.constant 0 : i32
    %dma_start3A_77 = tpu.memref_slice %arg12[%dma_start3A_75, %dma_start3A_76] : memref<512x64xf32, #tpu.memory_space<vmem>> -> memref<128x64xf32, #tpu.memory_space<vmem>>
    tpu.enqueue_dma source(%dma_start3A_77 : memref<128x64xf32, #tpu.memory_space<vmem>>) target(%dma_start3A_74 : memref<128x64xf32, #tpu.memory_space<hbm>>) target_semaphore(%arg14 : memref<!tpu.dma_semaphore, #tpu.memory_space<semaphore_mem>>)
    %dma_start3A_78 = arith.constant 128 : i32
    %dma_start3A_79 = arith.constant 0 : i32
    %dma_start3A_80 = tpu.memref_slice %arg13[%dma_start3A_78, %dma_start3A_79] : memref<512x64xf32, #tpu.memory_space<vmem>> -> memref<128x64xf32, #tpu.memory_space<vmem>>
    %dma_start3A_81 = arith.constant 128 : i32
    %dma_start3A_82 = arith.constant 0 : i32
    %dma_start3A_83 = tpu.memref_slice %arg5[%add3A, %dma_start3A_81, %dma_start3A_82] : memref<32x512x64xf32, #tpu.memory_space<hbm>> -> memref<1x128x64xf32, #tpu.memory_space<hbm>>
    %dma_start3A_84 = tpu.memref_squeeze %dma_start3A_83 : memref<1x128x64xf32, #tpu.memory_space<hbm>> -> memref<128x64xf32, #tpu.memory_space<hbm>>
    %dma_start3A_85 = arith.constant 128 : i32
    %dma_start3A_86 = arith.constant 0 : i32
    %dma_start3A_87 = tpu.memref_slice %arg5[%add3A, %dma_start3A_85, %dma_start3A_86] : memref<32x512x64xf32, #tpu.memory_space<hbm>> -> memref<1x128x64xf32, #tpu.memory_space<hbm>>
    %dma_start3A_88 = tpu.memref_squeeze %dma_start3A_87 : memref<1x128x64xf32, #tpu.memory_space<hbm>> -> memref<128x64xf32, #tpu.memory_space<hbm>>
    %dma_start3A_89 = arith.constant 128 : i32
    %dma_start3A_90 = arith.constant 0 : i32
    %dma_start3A_91 = tpu.memref_slice %arg13[%dma_start3A_89, %dma_start3A_90] : memref<512x64xf32, #tpu.memory_space<vmem>> -> memref<128x64xf32, #tpu.memory_space<vmem>>
    tpu.enqueue_dma source(%dma_start3A_91 : memref<128x64xf32, #tpu.memory_space<vmem>>) target(%dma_start3A_88 : memref<128x64xf32, #tpu.memory_space<hbm>>) target_semaphore(%arg14 : memref<!tpu.dma_semaphore, #tpu.memory_space<semaphore_mem>>)
    %scan3A_92 = arith.constant 0 : i32
    %scan3A_93 = arith.constant 16 : i32
    %scan3A_94 = arith.constant 8 : i32
    %scan3A_95 = arith.addi %scan3A_93, %scan3A_94 : i32
    %scan3A_96 = arith.constant 1 : i32
    %scan3A_97 = scf.for %scan3A_274 = %scan3A_93 to %scan3A_95 step %scan3A_96 iter_args(%scan3A_275 = %scan3A_92) -> (i32)  : i32 {
      %mul3A_276 = arith.constant 16 : i32
      %mul3A_277 = arith.muli %scan3A_274, %mul3A_276 : i32
      %get3A_278 = arith.index_cast %mul3A_277 : i32 to index
      %get3A_279 = tpu.vector_load %arg6[%get3A_278] {strides = array<i32>} : memref<512xi32, #tpu.memory_space<vmem>>, vector<16xi32>,
      %get3A_280 = vector.shape_cast %get3A_279 : vector<16xi32> to vector<16xi32>
      %shift_right_logical3A = arith.constant 6 : i32
      %shift_right_logical3A_281 = vector.broadcast %shift_right_logical3A : i32 to vector<16xi32>
      %shift_right_logical3A_282 = arith.shrui %get3A_280, %shift_right_logical3A_281 : vector<16xi32>
      %and3A = arith.constant 63 : i32
      %and3A_283 = vector.broadcast %and3A : i32 to vector<16xi32>
      %and3A_284 = arith.andi %get3A_280, %and3A_283 : vector<16xi32>
      %add3A_285 = arith.constant 0 : i32
      %add3A_286 = arith.addi %mul3A_277, %add3A_285 : i32
      %slice3A = vector.extract_strided_slice %shift_right_logical3A_282 {offsets = [0], sizes = [1], strides = [1]} : vector<16xi32> to vector<1xi32>
      %squeeze3A = vector.extract %slice3A[0] : i32 from vector<1xi32>
      %slice3A_287 = vector.extract_strided_slice %and3A_284 {offsets = [0], sizes = [1], strides = [1]} : vector<16xi32> to vector<1xi32>
      %squeeze3A_288 = vector.extract %slice3A_287[0] : i32 from vector<1xi32>
      %get3A_289 = arith.index_cast %squeeze3A : i32 to index
      %get3A_290 = arith.constant 0 : index
      %get3A_291 = tpu.vector_load %arg8[%get3A_289, %get3A_290] {strides = array<i32>} : memref<64x16xf32, #tpu.memory_space<vmem>>, vector<1x16xf32>,
      %get3A_292 = vector.shape_cast %get3A_291 : vector<1x16xf32> to vector<16xf32>
      %get3A_293 = arith.index_cast %squeeze3A_288 : i32 to index
      %get3A_294 = arith.constant 0 : index
      %get3A_295 = tpu.vector_load %arg10[%get3A_293, %get3A_294] {strides = array<i32>} : memref<64x16xf32, #tpu.memory_space<vmem>>, vector<1x16xf32>,
      %get3A_296 = vector.shape_cast %get3A_295 : vector<1x16xf32> to vector<16xf32>
      %get3A_297 = arith.index_cast %squeeze3A : i32 to index
      %get3A_298 = arith.constant 0 : index
      %get3A_299 = tpu.vector_load %arg9[%get3A_297, %get3A_298] {strides = array<i32>} : memref<64x16xf32, #tpu.memory_space<vmem>>, vector<1x16xf32>,
      %get3A_300 = vector.shape_cast %get3A_299 : vector<1x16xf32> to vector<16xf32>
      %get3A_301 = arith.index_cast %squeeze3A_288 : i32 to index
      %get3A_302 = arith.constant 0 : index
      %get3A_303 = tpu.vector_load %arg11[%get3A_301, %get3A_302] {strides = array<i32>} : memref<64x16xf32, #tpu.memory_space<vmem>>, vector<1x16xf32>,
      %get3A_304 = vector.shape_cast %get3A_303 : vector<1x16xf32> to vector<16xf32>
      %swap3A = arith.index_cast %add3A_286 : i32 to index
      %swap3A_305 = arith.constant 0 : index
      %swap3A_306 = tpu.vector_load %arg12[%swap3A, %swap3A_305] {strides = array<i32>} : memref<512x64xf32, #tpu.memory_space<vmem>>, vector<1x16xf32>,
      %swap3A_307 = vector.shape_cast %swap3A_306 : vector<1x16xf32> to vector<16xf32>
      %swap3A_308 = vector.shape_cast %get3A_292 : vector<16xf32> to vector<1x16xf32>
      tpu.vector_store %arg12[%swap3A, %swap3A_305], %swap3A_308 {strides = array<i32>} : memref<512x64xf32, #tpu.memory_space<vmem>>, vector<1x16xf32>,
      %swap3A_309 = arith.index_cast %add3A_286 : i32 to index
      %swap3A_310 = arith.constant 16 : index
      %swap3A_311 = tpu.vector_load %arg12[%swap3A_309, %swap3A_310] {strides = array<i32>} : memref<512x64xf32, #tpu.memory_space<vmem>>, vector<1x16xf32>,
      %swap3A_312 = vector.shape_cast %swap3A_311 : vector<1x16xf32> to vector<16xf32>
      %swap3A_313 = vector.shape_cast %get3A_296 : vector<16xf32> to vector<1x16xf32>
      tpu.vector_store %arg12[%swap3A_309, %swap3A_310], %swap3A_313 {strides = array<i32>} : memref<512x64xf32, #tpu.memory_space<vmem>>, vector<1x16xf32>,
      %swap3A_314 = arith.index_cast %add3A_286 : i32 to index
      %swap3A_315 = arith.constant 32 : index
      %swap3A_316 = tpu.vector_load %arg12[%swap3A_314, %swap3A_315] {strides = array<i32>} : memref<512x64xf32, #tpu.memory_space<vmem>>, vector<1x16xf32>,
      %swap3A_317 = vector.shape_cast %swap3A_316 : vector<1x16xf32> to vector<16xf32>
      %swap3A_318 = vector.shape_cast %get3A_292 : vector<16xf32> to vector<1x16xf32>
      tpu.vector_store %arg12[%swap3A_314, %swap3A_315], %swap3A_318 {strides = array<i32>} : memref<512x64xf32, #tpu.memory_space<vmem>>, vector<1x16xf32>,
      %swap3A_319 = arith.index_cast %add3A_286 : i32 to index
      %swap3A_320 = arith.constant 48 : index
      %swap3A_321 = tpu.vector_load %arg12[%swap3A_319, %swap3A_320] {strides = array<i32>} : memref<512x64xf32, #tpu.memory_space<vmem>>, vector<1x16xf32>,
      %swap3A_322 = vector.shape_cast %swap3A_321 : vector<1x16xf32> to vector<16xf32>
      %swap3A_323 = vector.shape_cast %get3A_296 : vector<16xf32> to vector<1x16xf32>
      tpu.vector_store %arg12[%swap3A_319, %swap3A_320], %swap3A_323 {strides = array<i32>} : memref<512x64xf32, #tpu.memory_space<vmem>>, vector<1x16xf32>,
      %swap3A_324 = arith.index_cast %add3A_286 : i32 to index
      %swap3A_325 = arith.constant 0 : index
      %swap3A_326 = tpu.vector_load %arg13[%swap3A_324, %swap3A_325] {strides = array<i32>} : memref<512x64xf32, #tpu.memory_space<vmem>>, vector<1x16xf32>,
      %swap3A_327 = vector.shape_cast %swap3A_326 : vector<1x16xf32> to vector<16xf32>
      %swap3A_328 = vector.shape_cast %get3A_300 : vector<16xf32> to vector<1x16xf32>
      tpu.vector_store %arg13[%swap3A_324, %swap3A_325], %swap3A_328 {strides = array<i32>} : memref<512x64xf32, #tpu.memory_space<vmem>>, vector<1x16xf32>,
      %swap3A_329 = arith.index_cast %add3A_286 : i32 to index
      %swap3A_330 = arith.constant 16 : index
      %swap3A_331 = tpu.vector_load %arg13[%swap3A_329, %swap3A_330] {strides = array<i32>} : memref<512x64xf32, #tpu.memory_space<vmem>>, vector<1x16xf32>,
      %swap3A_332 = vector.shape_cast %swap3A_331 : vector<1x16xf32> to vector<16xf32>
      %swap3A_333 = vector.shape_cast %get3A_304 : vector<16xf32> to vector<1x16xf32>
      tpu.vector_store %arg13[%swap3A_329, %swap3A_330], %swap3A_333 {strides = array<i32>} : memref<512x64xf32, #tpu.memory_space<vmem>>, vector<1x16xf32>,
      %swap3A_334 = arith.index_cast %add3A_286 : i32 to index
      %swap3A_335 = arith.constant 32 : index
      %swap3A_336 = tpu.vector_load %arg13[%swap3A_334, %swap3A_335] {strides = array<i32>} : memref<512x64xf32, #tpu.memory_space<vmem>>, vector<1x16xf32>,
      %swap3A_337 = vector.shape_cast %swap3A_336 : vector<1x16xf32> to vector<16xf32>
      %swap3A_338 = vector.shape_cast %get3A_300 : vector<16xf32> to vector<1x16xf32>
      tpu.vector_store %arg13[%swap3A_334, %swap3A_335], %swap3A_338 {strides = array<i32>} : memref<512x64xf32, #tpu.memory_space<vmem>>, vector<1x16xf32>,
      %swap3A_339 = arith.index_cast %add3A_286 : i32 to index
      %swap3A_340 = arith.constant 48 : index
      %swap3A_341 = tpu.vector_load %arg13[%swap3A_339, %swap3A_340] {strides = array<i32>} : memref<512x64xf32, #tpu.memory_space<vmem>>, vector<1x16xf32>,
      %swap3A_342 = vector.shape_cast %swap3A_341 : vector<1x16xf32> to vector<16xf32>
      %swap3A_343 = vector.shape_cast %get3A_304 : vector<16xf32> to vector<1x16xf32>
      tpu.vector_store %arg13[%swap3A_339, %swap3A_340], %swap3A_343 {strides = array<i32>} : memref<512x64xf32, #tpu.memory_space<vmem>>, vector<1x16xf32>,
      %add3A_344 = arith.constant 1 : i32
      %add3A_345 = arith.addi %mul3A_277, %add3A_344 : i32
      %slice3A_346 = vector.extract_strided_slice %shift_right_logical3A_282 {offsets = [1], sizes = [1], strides = [1]} : vector<16xi32> to vector<1xi32>
      %squeeze3A_347 = vector.extract %slice3A_346[0] : i32 from vector<1xi32>
      %slice3A_348 = vector.extract_strided_slice %and3A_284 {offsets = [1], sizes = [1], strides = [1]} : vector<16xi32> to vector<1xi32>
      %squeeze3A_349 = vector.extract %slice3A_348[0] : i32 from vector<1xi32>
      %get3A_350 = arith.index_cast %squeeze3A_347 : i32 to index
      %get3A_351 = arith.constant 0 : index
      %get3A_352 = tpu.vector_load %arg8[%get3A_350, %get3A_351] {strides = array<i32>} : memref<64x16xf32, #tpu.memory_space<vmem>>, vector<1x16xf32>,
      %get3A_353 = vector.shape_cast %get3A_352 : vector<1x16xf32> to vector<16xf32>
      %get3A_354 = arith.index_cast %squeeze3A_349 : i32 to index
      %get3A_355 = arith.constant 0 : index
      %get3A_356 = tpu.vector_load %arg10[%get3A_354, %get3A_355] {strides = array<i32>} : memref<64x16xf32, #tpu.memory_space<vmem>>, vector<1x16xf32>,
      %get3A_357 = vector.shape_cast %get3A_356 : vector<1x16xf32> to vector<16xf32>
      %get3A_358 = arith.index_cast %squeeze3A_347 : i32 to index
      %get3A_359 = arith.constant 0 : index
      %get3A_360 = tpu.vector_load %arg9[%get3A_358, %get3A_359] {strides = array<i32>} : memref<64x16xf32, #tpu.memory_space<vmem>>, vector<1x16xf32>,
      %get3A_361 = vector.shape_cast %get3A_360 : vector<1x16xf32> to vector<16xf32>
      %get3A_362 = arith.index_cast %squeeze3A_349 : i32 to index
      %get3A_363 = arith.constant 0 : index
      %get3A_364 = tpu.vector_load %arg11[%get3A_362, %get3A_363] {strides = array<i32>} : memref<64x16xf32, #tpu.memory_space<vmem>>, vector<1x16xf32>,
      %get3A_365 = vector.shape_cast %get3A_364 : vector<1x16xf32> to vector<16xf32>
      %swap3A_366 = arith.index_cast %add3A_345 : i32 to index
      %swap3A_367 = arith.constant 0 : index
      %swap3A_368 = tpu.vector_load %arg12[%swap3A_366, %swap3A_367] {strides = array<i32>} : memref<512x64xf32, #tpu.memory_space<vmem>>, vector<1x16xf32>,
      %swap3A_369 = vector.shape_cast %swap3A_368 : vector<1x16xf32> to vector<16xf32>
      %swap3A_370 = vector.shape_cast %get3A_353 : vector<16xf32> to vector<1x16xf32>
      tpu.vector_store %arg12[%swap3A_366, %swap3A_367], %swap3A_370 {strides = array<i32>} : memref<512x64xf32, #tpu.memory_space<vmem>>, vector<1x16xf32>,
      %swap3A_371 = arith.index_cast %add3A_345 : i32 to index
      %swap3A_372 = arith.constant 16 : index
      %swap3A_373 = tpu.vector_load %arg12[%swap3A_371, %swap3A_372] {strides = array<i32>} : memref<512x64xf32, #tpu.memory_space<vmem>>, vector<1x16xf32>,
      %swap3A_374 = vector.shape_cast %swap3A_373 : vector<1x16xf32> to vector<16xf32>
      %swap3A_375 = vector.shape_cast %get3A_357 : vector<16xf32> to vector<1x16xf32>
      tpu.vector_store %arg12[%swap3A_371, %swap3A_372], %swap3A_375 {strides = array<i32>} : memref<512x64xf32, #tpu.memory_space<vmem>>, vector<1x16xf32>,
      %swap3A_376 = arith.index_cast %add3A_345 : i32 to index
      %swap3A_377 = arith.constant 32 : index
      %swap3A_378 = tpu.vector_load %arg12[%swap3A_376, %swap3A_377] {strides = array<i32>} : memref<512x64xf32, #tpu.memory_space<vmem>>, vector<1x16xf32>,
      %swap3A_379 = vector.shape_cast %swap3A_378 : vector<1x16xf32> to vector<16xf32>
      %swap3A_380 = vector.shape_cast %get3A_353 : vector<16xf32> to vector<1x16xf32>
      tpu.vector_store %arg12[%swap3A_376, %swap3A_377], %swap3A_380 {strides = array<i32>} : memref<512x64xf32, #tpu.memory_space<vmem>>, vector<1x16xf32>,
      %swap3A_381 = arith.index_cast %add3A_345 : i32 to index
      %swap3A_382 = arith.constant 48 : index
      %swap3A_383 = tpu.vector_load %arg12[%swap3A_381, %swap3A_382] {strides = array<i32>} : memref<512x64xf32, #tpu.memory_space<vmem>>, vector<1x16xf32>,
      %swap3A_384 = vector.shape_cast %swap3A_383 : vector<1x16xf32> to vector<16xf32>
      %swap3A_385 = vector.shape_cast %get3A_357 : vector<16xf32> to vector<1x16xf32>
      tpu.vector_store %arg12[%swap3A_381, %swap3A_382], %swap3A_385 {strides = array<i32>} : memref<512x64xf32, #tpu.memory_space<vmem>>, vector<1x16xf32>,
      %swap3A_386 = arith.index_cast %add3A_345 : i32 to index
      %swap3A_387 = arith.constant 0 : index
      %swap3A_388 = tpu.vector_load %arg13[%swap3A_386, %swap3A_387] {strides = array<i32>} : memref<512x64xf32, #tpu.memory_space<vmem>>, vector<1x16xf32>,
      %swap3A_389 = vector.shape_cast %swap3A_388 : vector<1x16xf32> to vector<16xf32>
      %swap3A_390 = vector.shape_cast %get3A_361 : vector<16xf32> to vector<1x16xf32>
      tpu.vector_store %arg13[%swap3A_386, %swap3A_387], %swap3A_390 {strides = array<i32>} : memref<512x64xf32, #tpu.memory_space<vmem>>, vector<1x16xf32>,
      %swap3A_391 = arith.index_cast %add3A_345 : i32 to index
      %swap3A_392 = arith.constant 16 : index
      %swap3A_393 = tpu.vector_load %arg13[%swap3A_391, %swap3A_392] {strides = array<i32>} : memref<512x64xf32, #tpu.memory_space<vmem>>, vector<1x16xf32>,
      %swap3A_394 = vector.shape_cast %swap3A_393 : vector<1x16xf32> to vector<16xf32>
      %swap3A_395 = vector.shape_cast %get3A_365 : vector<16xf32> to vector<1x16xf32>
      tpu.vector_store %arg13[%swap3A_391, %swap3A_392], %swap3A_395 {strides = array<i32>} : memref<512x64xf32, #tpu.memory_space<vmem>>, vector<1x16xf32>,
      %swap3A_396 = arith.index_cast %add3A_345 : i32 to index
      %swap3A_397 = arith.constant 32 : index
      %swap3A_398 = tpu.vector_load %arg13[%swap3A_396, %swap3A_397] {strides = array<i32>} : memref<512x64xf32, #tpu.memory_space<vmem>>, vector<1x16xf32>,
      %swap3A_399 = vector.shape_cast %swap3A_398 : vector<1x16xf32> to vector<16xf32>
      %swap3A_400 = vector.shape_cast %get3A_361 : vector<16xf32> to vector<1x16xf32>
      tpu.vector_store %arg13[%swap3A_396, %swap3A_397], %swap3A_400 {strides = array<i32>} : memref<512x64xf32, #tpu.memory_space<vmem>>, vector<1x16xf32>,
      %swap3A_401 = arith.index_cast %add3A_345 : i32 to index
      %swap3A_402 = arith.constant 48 : index
      %swap3A_403 = tpu.vector_load %arg13[%swap3A_401, %swap3A_402] {strides = array<i32>} : memref<512x64xf32, #tpu.memory_space<vmem>>, vector<1x16xf32>,
      %swap3A_404 = vector.shape_cast %swap3A_403 : vector<1x16xf32> to vector<16xf32>
      %swap3A_405 = vector.shape_cast %get3A_365 : vector<16xf32> to vector<1x16xf32>
      tpu.vector_store %arg13[%swap3A_401, %swap3A_402], %swap3A_405 {strides = array<i32>} : memref<512x64xf32, #tpu.memory_space<vmem>>, vector<1x16xf32>,
      %add3A_406 = arith.constant 2 : i32
      %add3A_407 = arith.addi %mul3A_277, %add3A_406 : i32
      %slice3A_408 = vector.extract_strided_slice %shift_right_logical3A_282 {offsets = [2], sizes = [1], strides = [1]} : vector<16xi32> to vector<1xi32>
      %squeeze3A_409 = vector.extract %slice3A_408[0] : i32 from vector<1xi32>
      %slice3A_410 = vector.extract_strided_slice %and3A_284 {offsets = [2], sizes = [1], strides = [1]} : vector<16xi32> to vector<1xi32>
      %squeeze3A_411 = vector.extract %slice3A_410[0] : i32 from vector<1xi32>
      %get3A_412 = arith.index_cast %squeeze3A_409 : i32 to index
      %get3A_413 = arith.constant 0 : index
      %get3A_414 = tpu.vector_load %arg8[%get3A_412, %get3A_413] {strides = array<i32>} : memref<64x16xf32, #tpu.memory_space<vmem>>, vector<1x16xf32>,
      %get3A_415 = vector.shape_cast %get3A_414 : vector<1x16xf32> to vector<16xf32>
      %get3A_416 = arith.index_cast %squeeze3A_411 : i32 to index
      %get3A_417 = arith.constant 0 : index
      %get3A_418 = tpu.vector_load %arg10[%get3A_416, %get3A_417] {strides = array<i32>} : memref<64x16xf32, #tpu.memory_space<vmem>>, vector<1x16xf32>,
      %get3A_419 = vector.shape_cast %get3A_418 : vector<1x16xf32> to vector<16xf32>
      %get3A_420 = arith.index_cast %squeeze3A_409 : i32 to index
      %get3A_421 = arith.constant 0 : index
      %get3A_422 = tpu.vector_load %arg9[%get3A_420, %get3A_421] {strides = array<i32>} : memref<64x16xf32, #tpu.memory_space<vmem>>, vector<1x16xf32>,
      %get3A_423 = vector.shape_cast %get3A_422 : vector<1x16xf32> to vector<16xf32>
      %get3A_424 = arith.index_cast %squeeze3A_411 : i32 to index
      %get3A_425 = arith.constant 0 : index
      %get3A_426 = tpu.vector_load %arg11[%get3A_424, %get3A_425] {strides = array<i32>} : memref<64x16xf32, #tpu.memory_space<vmem>>, vector<1x16xf32>,
      %get3A_427 = vector.shape_cast %get3A_426 : vector<1x16xf32> to vector<16xf32>
      %swap3A_428 = arith.index_cast %add3A_407 : i32 to index
      %swap3A_429 = arith.constant 0 : index
      %swap3A_430 = tpu.vector_load %arg12[%swap3A_428, %swap3A_429] {strides = array<i32>} : memref<512x64xf32, #tpu.memory_space<vmem>>, vector<1x16xf32>,
      %swap3A_431 = vector.shape_cast %swap3A_430 : vector<1x16xf32> to vector<16xf32>
      %swap3A_432 = vector.shape_cast %get3A_415 : vector<16xf32> to vector<1x16xf32>
      tpu.vector_store %arg12[%swap3A_428, %swap3A_429], %swap3A_432 {strides = array<i32>} : memref<512x64xf32, #tpu.memory_space<vmem>>, vector<1x16xf32>,
      %swap3A_433 = arith.index_cast %add3A_407 : i32 to index
      %swap3A_434 = arith.constant 16 : index
      %swap3A_435 = tpu.vector_load %arg12[%swap3A_433, %swap3A_434] {strides = array<i32>} : memref<512x64xf32, #tpu.memory_space<vmem>>, vector<1x16xf32>,
      %swap3A_436 = vector.shape_cast %swap3A_435 : vector<1x16xf32> to vector<16xf32>
      %swap3A_437 = vector.shape_cast %get3A_419 : vector<16xf32> to vector<1x16xf32>
      tpu.vector_store %arg12[%swap3A_433, %swap3A_434], %swap3A_437 {strides = array<i32>} : memref<512x64xf32, #tpu.memory_space<vmem>>, vector<1x16xf32>,
      %swap3A_438 = arith.index_cast %add3A_407 : i32 to index
      %swap3A_439 = arith.constant 32 : index
      %swap3A_440 = tpu.vector_load %arg12[%swap3A_438, %swap3A_439] {strides = array<i32>} : memref<512x64xf32, #tpu.memory_space<vmem>>, vector<1x16xf32>,
      %swap3A_441 = vector.shape_cast %swap3A_440 : vector<1x16xf32> to vector<16xf32>
      %swap3A_442 = vector.shape_cast %get3A_415 : vector<16xf32> to vector<1x16xf32>
      tpu.vector_store %arg12[%swap3A_438, %swap3A_439], %swap3A_442 {strides = array<i32>} : memref<512x64xf32, #tpu.memory_space<vmem>>, vector<1x16xf32>,
      %swap3A_443 = arith.index_cast %add3A_407 : i32 to index
      %swap3A_444 = arith.constant 48 : index
      %swap3A_445 = tpu.vector_load %arg12[%swap3A_443, %swap3A_444] {strides = array<i32>} : memref<512x64xf32, #tpu.memory_space<vmem>>, vector<1x16xf32>,
      %swap3A_446 = vector.shape_cast %swap3A_445 : vector<1x16xf32> to vector<16xf32>
      %swap3A_447 = vector.shape_cast %get3A_419 : vector<16xf32> to vector<1x16xf32>
      tpu.vector_store %arg12[%swap3A_443, %swap3A_444], %swap3A_447 {strides = array<i32>} : memref<512x64xf32, #tpu.memory_space<vmem>>, vector<1x16xf32>,
      %swap3A_448 = arith.index_cast %add3A_407 : i32 to index
      %swap3A_449 = arith.constant 0 : index
      %swap3A_450 = tpu.vector_load %arg13[%swap3A_448, %swap3A_449] {strides = array<i32>} : memref<512x64xf32, #tpu.memory_space<vmem>>, vector<1x16xf32>,
      %swap3A_451 = vector.shape_cast %swap3A_450 : vector<1x16xf32> to vector<16xf32>
      %swap3A_452 = vector.shape_cast %get3A_423 : vector<16xf32> to vector<1x16xf32>
      tpu.vector_store %arg13[%swap3A_448, %swap3A_449], %swap3A_452 {strides = array<i32>} : memref<512x64xf32, #tpu.memory_space<vmem>>, vector<1x16xf32>,
      %swap3A_453 = arith.index_cast %add3A_407 : i32 to index
      %swap3A_454 = arith.constant 16 : index
      %swap3A_455 = tpu.vector_load %arg13[%swap3A_453, %swap3A_454] {strides = array<i32>} : memref<512x64xf32, #tpu.memory_space<vmem>>, vector<1x16xf32>,
      %swap3A_456 = vector.shape_cast %swap3A_455 : vector<1x16xf32> to vector<16xf32>
      %swap3A_457 = vector.shape_cast %get3A_427 : vector<16xf32> to vector<1x16xf32>
      tpu.vector_store %arg13[%swap3A_453, %swap3A_454], %swap3A_457 {strides = array<i32>} : memref<512x64xf32, #tpu.memory_space<vmem>>, vector<1x16xf32>,
      %swap3A_458 = arith.index_cast %add3A_407 : i32 to index
      %swap3A_459 = arith.constant 32 : index
      %swap3A_460 = tpu.vector_load %arg13[%swap3A_458, %swap3A_459] {strides = array<i32>} : memref<512x64xf32, #tpu.memory_space<vmem>>, vector<1x16xf32>,
      %swap3A_461 = vector.shape_cast %swap3A_460 : vector<1x16xf32> to vector<16xf32>
      %swap3A_462 = vector.shape_cast %get3A_423 : vector<16xf32> to vector<1x16xf32>
      tpu.vector_store %arg13[%swap3A_458, %swap3A_459], %swap3A_462 {strides = array<i32>} : memref<512x64xf32, #tpu.memory_space<vmem>>, vector<1x16xf32>,
      %swap3A_463 = arith.index_cast %add3A_407 : i32 to index
      %swap3A_464 = arith.constant 48 : index
      %swap3A_465 = tpu.vector_load %arg13[%swap3A_463, %swap3A_464] {strides = array<i32>} : memref<512x64xf32, #tpu.memory_space<vmem>>, vector<1x16xf32>,
      %swap3A_466 = vector.shape_cast %swap3A_465 : vector<1x16xf32> to vector<16xf32>
      %swap3A_467 = vector.shape_cast %get3A_427 : vector<16xf32> to vector<1x16xf32>
      tpu.vector_store %arg13[%swap3A_463, %swap3A_464], %swap3A_467 {strides = array<i32>} : memref<512x64xf32, #tpu.memory_space<vmem>>, vector<1x16xf32>,
      %add3A_468 = arith.constant 3 : i32
      %add3A_469 = arith.addi %mul3A_277, %add3A_468 : i32
      %slice3A_470 = vector.extract_strided_slice %shift_right_logical3A_282 {offsets = [3], sizes = [1], strides = [1]} : vector<16xi32> to vector<1xi32>
      %squeeze3A_471 = vector.extract %slice3A_470[0] : i32 from vector<1xi32>
      %slice3A_472 = vector.extract_strided_slice %and3A_284 {offsets = [3], sizes = [1], strides = [1]} : vector<16xi32> to vector<1xi32>
      %squeeze3A_473 = vector.extract %slice3A_472[0] : i32 from vector<1xi32>
      %get3A_474 = arith.index_cast %squeeze3A_471 : i32 to index
      %get3A_475 = arith.constant 0 : index
      %get3A_476 = tpu.vector_load %arg8[%get3A_474, %get3A_475] {strides = array<i32>} : memref<64x16xf32, #tpu.memory_space<vmem>>, vector<1x16xf32>,
      %get3A_477 = vector.shape_cast %get3A_476 : vector<1x16xf32> to vector<16xf32>
      %get3A_478 = arith.index_cast %squeeze3A_473 : i32 to index
      %get3A_479 = arith.constant 0 : index
      %get3A_480 = tpu.vector_load %arg10[%get3A_478, %get3A_479] {strides = array<i32>} : memref<64x16xf32, #tpu.memory_space<vmem>>, vector<1x16xf32>,
      %get3A_481 = vector.shape_cast %get3A_480 : vector<1x16xf32> to vector<16xf32>
      %get3A_482 = arith.index_cast %squeeze3A_471 : i32 to index
      %get3A_483 = arith.constant 0 : index
      %get3A_484 = tpu.vector_load %arg9[%get3A_482, %get3A_483] {strides = array<i32>} : memref<64x16xf32, #tpu.memory_space<vmem>>, vector<1x16xf32>,
      %get3A_485 = vector.shape_cast %get3A_484 : vector<1x16xf32> to vector<16xf32>
      %get3A_486 = arith.index_cast %squeeze3A_473 : i32 to index
      %get3A_487 = arith.constant 0 : index
      %get3A_488 = tpu.vector_load %arg11[%get3A_486, %get3A_487] {strides = array<i32>} : memref<64x16xf32, #tpu.memory_space<vmem>>, vector<1x16xf32>,
      %get3A_489 = vector.shape_cast %get3A_488 : vector<1x16xf32> to vector<16xf32>
      %swap3A_490 = arith.index_cast %add3A_469 : i32 to index
      %swap3A_491 = arith.constant 0 : index
      %swap3A_492 = tpu.vector_load %arg12[%swap3A_490, %swap3A_491] {strides = array<i32>} : memref<512x64xf32, #tpu.memory_space<vmem>>, vector<1x16xf32>,
      %swap3A_493 = vector.shape_cast %swap3A_492 : vector<1x16xf32> to vector<16xf32>
      %swap3A_494 = vector.shape_cast %get3A_477 : vector<16xf32> to vector<1x16xf32>
      tpu.vector_store %arg12[%swap3A_490, %swap3A_491], %swap3A_494 {strides = array<i32>} : memref<512x64xf32, #tpu.memory_space<vmem>>, vector<1x16xf32>,
      %swap3A_495 = arith.index_cast %add3A_469 : i32 to index
      %swap3A_496 = arith.constant 16 : index
      %swap3A_497 = tpu.vector_load %arg12[%swap3A_495, %swap3A_496] {strides = array<i32>} : memref<512x64xf32, #tpu.memory_space<vmem>>, vector<1x16xf32>,
      %swap3A_498 = vector.shape_cast %swap3A_497 : vector<1x16xf32> to vector<16xf32>
      %swap3A_499 = vector.shape_cast %get3A_481 : vector<16xf32> to vector<1x16xf32>
      tpu.vector_store %arg12[%swap3A_495, %swap3A_496], %swap3A_499 {strides = array<i32>} : memref<512x64xf32, #tpu.memory_space<vmem>>, vector<1x16xf32>,
      %swap3A_500 = arith.index_cast %add3A_469 : i32 to index
      %swap3A_501 = arith.constant 32 : index
      %swap3A_502 = tpu.vector_load %arg12[%swap3A_500, %swap3A_501] {strides = array<i32>} : memref<512x64xf32, #tpu.memory_space<vmem>>, vector<1x16xf32>,
      %swap3A_503 = vector.shape_cast %swap3A_502 : vector<1x16xf32> to vector<16xf32>
      %swap3A_504 = vector.shape_cast %get3A_477 : vector<16xf32> to vector<1x16xf32>
      tpu.vector_store %arg12[%swap3A_500, %swap3A_501], %swap3A_504 {strides = array<i32>} : memref<512x64xf32, #tpu.memory_space<vmem>>, vector<1x16xf32>,
      %swap3A_505 = arith.index_cast %add3A_469 : i32 to index
      %swap3A_506 = arith.constant 48 : index
      %swap3A_507 = tpu.vector_load %arg12[%swap3A_505, %swap3A_506] {strides = array<i32>} : memref<512x64xf32, #tpu.memory_space<vmem>>, vector<1x16xf32>,
      %swap3A_508 = vector.shape_cast %swap3A_507 : vector<1x16xf32> to vector<16xf32>
      %swap3A_509 = vector.shape_cast %get3A_481 : vector<16xf32> to vector<1x16xf32>
      tpu.vector_store %arg12[%swap3A_505, %swap3A_506], %swap3A_509 {strides = array<i32>} : memref<512x64xf32, #tpu.memory_space<vmem>>, vector<1x16xf32>,
      %swap3A_510 = arith.index_cast %add3A_469 : i32 to index
      %swap3A_511 = arith.constant 0 : index
      %swap3A_512 = tpu.vector_load %arg13[%swap3A_510, %swap3A_511] {strides = array<i32>} : memref<512x64xf32, #tpu.memory_space<vmem>>, vector<1x16xf32>,
      %swap3A_513 = vector.shape_cast %swap3A_512 : vector<1x16xf32> to vector<16xf32>
      %swap3A_514 = vector.shape_cast %get3A_485 : vector<16xf32> to vector<1x16xf32>
      tpu.vector_store %arg13[%swap3A_510, %swap3A_511], %swap3A_514 {strides = array<i32>} : memref<512x64xf32, #tpu.memory_space<vmem>>, vector<1x16xf32>,
      %swap3A_515 = arith.index_cast %add3A_469 : i32 to index
      %swap3A_516 = arith.constant 16 : index
      %swap3A_517 = tpu.vector_load %arg13[%swap3A_515, %swap3A_516] {strides = array<i32>} : memref<512x64xf32, #tpu.memory_space<vmem>>, vector<1x16xf32>,
      %swap3A_518 = vector.shape_cast %swap3A_517 : vector<1x16xf32> to vector<16xf32>
      %swap3A_519 = vector.shape_cast %get3A_489 : vector<16xf32> to vector<1x16xf32>
      tpu.vector_store %arg13[%swap3A_515, %swap3A_516], %swap3A_519 {strides = array<i32>} : memref<512x64xf32, #tpu.memory_space<vmem>>, vector<1x16xf32>,
      %swap3A_520 = arith.index_cast %add3A_469 : i32 to index
      %swap3A_521 = arith.constant 32 : index
      %swap3A_522 = tpu.vector_load %arg13[%swap3A_520, %swap3A_521] {strides = array<i32>} : memref<512x64xf32, #tpu.memory_space<vmem>>, vector<1x16xf32>,
      %swap3A_523 = vector.shape_cast %swap3A_522 : vector<1x16xf32> to vector<16xf32>
      %swap3A_524 = vector.shape_cast %get3A_485 : vector<16xf32> to vector<1x16xf32>
      tpu.vector_store %arg13[%swap3A_520, %swap3A_521], %swap3A_524 {strides = array<i32>} : memref<512x64xf32, #tpu.memory_space<vmem>>, vector<1x16xf32>,
      %swap3A_525 = arith.index_cast %add3A_469 : i32 to index
      %swap3A_526 = arith.constant 48 : index
      %swap3A_527 = tpu.vector_load %arg13[%swap3A_525, %swap3A_526] {strides = array<i32>} : memref<512x64xf32, #tpu.memory_space<vmem>>, vector<1x16xf32>,
      %swap3A_528 = vector.shape_cast %swap3A_527 : vector<1x16xf32> to vector<16xf32>
      %swap3A_529 = vector.shape_cast %get3A_489 : vector<16xf32> to vector<1x16xf32>
      tpu.vector_store %arg13[%swap3A_525, %swap3A_526], %swap3A_529 {strides = array<i32>} : memref<512x64xf32, #tpu.memory_space<vmem>>, vector<1x16xf32>,
      %add3A_530 = arith.constant 4 : i32
      %add3A_531 = arith.addi %mul3A_277, %add3A_530 : i32
      %slice3A_532 = vector.extract_strided_slice %shift_right_logical3A_282 {offsets = [4], sizes = [1], strides = [1]} : vector<16xi32> to vector<1xi32>
      %squeeze3A_533 = vector.extract %slice3A_532[0] : i32 from vector<1xi32>
      %slice3A_534 = vector.extract_strided_slice %and3A_284 {offsets = [4], sizes = [1], strides = [1]} : vector<16xi32> to vector<1xi32>
      %squeeze3A_535 = vector.extract %slice3A_534[0] : i32 from vector<1xi32>
      %get3A_536 = arith.index_cast %squeeze3A_533 : i32 to index
      %get3A_537 = arith.constant 0 : index
      %get3A_538 = tpu.vector_load %arg8[%get3A_536, %get3A_537] {strides = array<i32>} : memref<64x16xf32, #tpu.memory_space<vmem>>, vector<1x16xf32>,
      %get3A_539 = vector.shape_cast %get3A_538 : vector<1x16xf32> to vector<16xf32>
      %get3A_540 = arith.index_cast %squeeze3A_535 : i32 to index
      %get3A_541 = arith.constant 0 : index
      %get3A_542 = tpu.vector_load %arg10[%get3A_540, %get3A_541] {strides = array<i32>} : memref<64x16xf32, #tpu.memory_space<vmem>>, vector<1x16xf32>,
      %get3A_543 = vector.shape_cast %get3A_542 : vector<1x16xf32> to vector<16xf32>
      %get3A_544 = arith.index_cast %squeeze3A_533 : i32 to index
      %get3A_545 = arith.constant 0 : index
      %get3A_546 = tpu.vector_load %arg9[%get3A_544, %get3A_545] {strides = array<i32>} : memref<64x16xf32, #tpu.memory_space<vmem>>, vector<1x16xf32>,
      %get3A_547 = vector.shape_cast %get3A_546 : vector<1x16xf32> to vector<16xf32>
      %get3A_548 = arith.index_cast %squeeze3A_535 : i32 to index
      %get3A_549 = arith.constant 0 : index
      %get3A_550 = tpu.vector_load %arg11[%get3A_548, %get3A_549] {strides = array<i32>} : memref<64x16xf32, #tpu.memory_space<vmem>>, vector<1x16xf32>,
      %get3A_551 = vector.shape_cast %get3A_550 : vector<1x16xf32> to vector<16xf32>
      %swap3A_552 = arith.index_cast %add3A_531 : i32 to index
      %swap3A_553 = arith.constant 0 : index
      %swap3A_554 = tpu.vector_load %arg12[%swap3A_552, %swap3A_553] {strides = array<i32>} : memref<512x64xf32, #tpu.memory_space<vmem>>, vector<1x16xf32>,
      %swap3A_555 = vector.shape_cast %swap3A_554 : vector<1x16xf32> to vector<16xf32>
      %swap3A_556 = vector.shape_cast %get3A_539 : vector<16xf32> to vector<1x16xf32>
      tpu.vector_store %arg12[%swap3A_552, %swap3A_553], %swap3A_556 {strides = array<i32>} : memref<512x64xf32, #tpu.memory_space<vmem>>, vector<1x16xf32>,
      %swap3A_557 = arith.index_cast %add3A_531 : i32 to index
      %swap3A_558 = arith.constant 16 : index
      %swap3A_559 = tpu.vector_load %arg12[%swap3A_557, %swap3A_558] {strides = array<i32>} : memref<512x64xf32, #tpu.memory_space<vmem>>, vector<1x16xf32>,
      %swap3A_560 = vector.shape_cast %swap3A_559 : vector<1x16xf32> to vector<16xf32>
      %swap3A_561 = vector.shape_cast %get3A_543 : vector<16xf32> to vector<1x16xf32>
      tpu.vector_store %arg12[%swap3A_557, %swap3A_558], %swap3A_561 {strides = array<i32>} : memref<512x64xf32, #tpu.memory_space<vmem>>, vector<1x16xf32>,
      %swap3A_562 = arith.index_cast %add3A_531 : i32 to index
      %swap3A_563 = arith.constant 32 : index
      %swap3A_564 = tpu.vector_load %arg12[%swap3A_562, %swap3A_563] {strides = array<i32>} : memref<512x64xf32, #tpu.memory_space<vmem>>, vector<1x16xf32>,
      %swap3A_565 = vector.shape_cast %swap3A_564 : vector<1x16xf32> to vector<16xf32>
      %swap3A_566 = vector.shape_cast %get3A_539 : vector<16xf32> to vector<1x16xf32>
      tpu.vector_store %arg12[%swap3A_562, %swap3A_563], %swap3A_566 {strides = array<i32>} : memref<512x64xf32, #tpu.memory_space<vmem>>, vector<1x16xf32>,
      %swap3A_567 = arith.index_cast %add3A_531 : i32 to index
      %swap3A_568 = arith.constant 48 : index
      %swap3A_569 = tpu.vector_load %arg12[%swap3A_567, %swap3A_568] {strides = array<i32>} : memref<512x64xf32, #tpu.memory_space<vmem>>, vector<1x16xf32>,
      %swap3A_570 = vector.shape_cast %swap3A_569 : vector<1x16xf32> to vector<16xf32>
      %swap3A_571 = vector.shape_cast %get3A_543 : vector<16xf32> to vector<1x16xf32>
      tpu.vector_store %arg12[%swap3A_567, %swap3A_568], %swap3A_571 {strides = array<i32>} : memref<512x64xf32, #tpu.memory_space<vmem>>, vector<1x16xf32>,
      %swap3A_572 = arith.index_cast %add3A_531 : i32 to index
      %swap3A_573 = arith.constant 0 : index
      %swap3A_574 = tpu.vector_load %arg13[%swap3A_572, %swap3A_573] {strides = array<i32>} : memref<512x64xf32, #tpu.memory_space<vmem>>, vector<1x16xf32>,
      %swap3A_575 = vector.shape_cast %swap3A_574 : vector<1x16xf32> to vector<16xf32>
      %swap3A_576 = vector.shape_cast %get3A_547 : vector<16xf32> to vector<1x16xf32>
      tpu.vector_store %arg13[%swap3A_572, %swap3A_573], %swap3A_576 {strides = array<i32>} : memref<512x64xf32, #tpu.memory_space<vmem>>, vector<1x16xf32>,
      %swap3A_577 = arith.index_cast %add3A_531 : i32 to index
      %swap3A_578 = arith.constant 16 : index
      %swap3A_579 = tpu.vector_load %arg13[%swap3A_577, %swap3A_578] {strides = array<i32>} : memref<512x64xf32, #tpu.memory_space<vmem>>, vector<1x16xf32>,
      %swap3A_580 = vector.shape_cast %swap3A_579 : vector<1x16xf32> to vector<16xf32>
      %swap3A_581 = vector.shape_cast %get3A_551 : vector<16xf32> to vector<1x16xf32>
      tpu.vector_store %arg13[%swap3A_577, %swap3A_578], %swap3A_581 {strides = array<i32>} : memref<512x64xf32, #tpu.memory_space<vmem>>, vector<1x16xf32>,
      %swap3A_582 = arith.index_cast %add3A_531 : i32 to index
      %swap3A_583 = arith.constant 32 : index
      %swap3A_584 = tpu.vector_load %arg13[%swap3A_582, %swap3A_583] {strides = array<i32>} : memref<512x64xf32, #tpu.memory_space<vmem>>, vector<1x16xf32>,
      %swap3A_585 = vector.shape_cast %swap3A_584 : vector<1x16xf32> to vector<16xf32>
      %swap3A_586 = vector.shape_cast %get3A_547 : vector<16xf32> to vector<1x16xf32>
      tpu.vector_store %arg13[%swap3A_582, %swap3A_583], %swap3A_586 {strides = array<i32>} : memref<512x64xf32, #tpu.memory_space<vmem>>, vector<1x16xf32>,
      %swap3A_587 = arith.index_cast %add3A_531 : i32 to index
      %swap3A_588 = arith.constant 48 : index
      %swap3A_589 = tpu.vector_load %arg13[%swap3A_587, %swap3A_588] {strides = array<i32>} : memref<512x64xf32, #tpu.memory_space<vmem>>, vector<1x16xf32>,
      %swap3A_590 = vector.shape_cast %swap3A_589 : vector<1x16xf32> to vector<16xf32>
      %swap3A_591 = vector.shape_cast %get3A_551 : vector<16xf32> to vector<1x16xf32>
      tpu.vector_store %arg13[%swap3A_587, %swap3A_588], %swap3A_591 {strides = array<i32>} : memref<512x64xf32, #tpu.memory_space<vmem>>, vector<1x16xf32>,
      %add3A_592 = arith.constant 5 : i32
      %add3A_593 = arith.addi %mul3A_277, %add3A_592 : i32
      %slice3A_594 = vector.extract_strided_slice %shift_right_logical3A_282 {offsets = [5], sizes = [1], strides = [1]} : vector<16xi32> to vector<1xi32>
      %squeeze3A_595 = vector.extract %slice3A_594[0] : i32 from vector<1xi32>
      %slice3A_596 = vector.extract_strided_slice %and3A_284 {offsets = [5], sizes = [1], strides = [1]} : vector<16xi32> to vector<1xi32>
      %squeeze3A_597 = vector.extract %slice3A_596[0] : i32 from vector<1xi32>
      %get3A_598 = arith.index_cast %squeeze3A_595 : i32 to index
      %get3A_599 = arith.constant 0 : index
      %get3A_600 = tpu.vector_load %arg8[%get3A_598, %get3A_599] {strides = array<i32>} : memref<64x16xf32, #tpu.memory_space<vmem>>, vector<1x16xf32>,
      %get3A_601 = vector.shape_cast %get3A_600 : vector<1x16xf32> to vector<16xf32>
      %get3A_602 = arith.index_cast %squeeze3A_597 : i32 to index
      %get3A_603 = arith.constant 0 : index
      %get3A_604 = tpu.vector_load %arg10[%get3A_602, %get3A_603] {strides = array<i32>} : memref<64x16xf32, #tpu.memory_space<vmem>>, vector<1x16xf32>,
      %get3A_605 = vector.shape_cast %get3A_604 : vector<1x16xf32> to vector<16xf32>
      %get3A_606 = arith.index_cast %squeeze3A_595 : i32 to index
      %get3A_607 = arith.constant 0 : index
      %get3A_608 = tpu.vector_load %arg9[%get3A_606, %get3A_607] {strides = array<i32>} : memref<64x16xf32, #tpu.memory_space<vmem>>, vector<1x16xf32>,
      %get3A_609 = vector.shape_cast %get3A_608 : vector<1x16xf32> to vector<16xf32>
      %get3A_610 = arith.index_cast %squeeze3A_597 : i32 to index
      %get3A_611 = arith.constant 0 : index
      %get3A_612 = tpu.vector_load %arg11[%get3A_610, %get3A_611] {strides = array<i32>} : memref<64x16xf32, #tpu.memory_space<vmem>>, vector<1x16xf32>,
      %get3A_613 = vector.shape_cast %get3A_612 : vector<1x16xf32> to vector<16xf32>
      %swap3A_614 = arith.index_cast %add3A_593 : i32 to index
      %swap3A_615 = arith.constant 0 : index
      %swap3A_616 = tpu.vector_load %arg12[%swap3A_614, %swap3A_615] {strides = array<i32>} : memref<512x64xf32, #tpu.memory_space<vmem>>, vector<1x16xf32>,
      %swap3A_617 = vector.shape_cast %swap3A_616 : vector<1x16xf32> to vector<16xf32>
      %swap3A_618 = vector.shape_cast %get3A_601 : vector<16xf32> to vector<1x16xf32>
      tpu.vector_store %arg12[%swap3A_614, %swap3A_615], %swap3A_618 {strides = array<i32>} : memref<512x64xf32, #tpu.memory_space<vmem>>, vector<1x16xf32>,
      %swap3A_619 = arith.index_cast %add3A_593 : i32 to index
      %swap3A_620 = arith.constant 16 : index
      %swap3A_621 = tpu.vector_load %arg12[%swap3A_619, %swap3A_620] {strides = array<i32>} : memref<512x64xf32, #tpu.memory_space<vmem>>, vector<1x16xf32>,
      %swap3A_622 = vector.shape_cast %swap3A_621 : vector<1x16xf32> to vector<16xf32>
      %swap3A_623 = vector.shape_cast %get3A_605 : vector<16xf32> to vector<1x16xf32>
      tpu.vector_store %arg12[%swap3A_619, %swap3A_620], %swap3A_623 {strides = array<i32>} : memref<512x64xf32, #tpu.memory_space<vmem>>, vector<1x16xf32>,
      %swap3A_624 = arith.index_cast %add3A_593 : i32 to index
      %swap3A_625 = arith.constant 32 : index
      %swap3A_626 = tpu.vector_load %arg12[%swap3A_624, %swap3A_625] {strides = array<i32>} : memref<512x64xf32, #tpu.memory_space<vmem>>, vector<1x16xf32>,
      %swap3A_627 = vector.shape_cast %swap3A_626 : vector<1x16xf32> to vector<16xf32>
      %swap3A_628 = vector.shape_cast %get3A_601 : vector<16xf32> to vector<1x16xf32>
      tpu.vector_store %arg12[%swap3A_624, %swap3A_625], %swap3A_628 {strides = array<i32>} : memref<512x64xf32, #tpu.memory_space<vmem>>, vector<1x16xf32>,
      %swap3A_629 = arith.index_cast %add3A_593 : i32 to index
      %swap3A_630 = arith.constant 48 : index
      %swap3A_631 = tpu.vector_load %arg12[%swap3A_629, %swap3A_630] {strides = array<i32>} : memref<512x64xf32, #tpu.memory_space<vmem>>, vector<1x16xf32>,
      %swap3A_632 = vector.shape_cast %swap3A_631 : vector<1x16xf32> to vector<16xf32>
      %swap3A_633 = vector.shape_cast %get3A_605 : vector<16xf32> to vector<1x16xf32>
      tpu.vector_store %arg12[%swap3A_629, %swap3A_630], %swap3A_633 {strides = array<i32>} : memref<512x64xf32, #tpu.memory_space<vmem>>, vector<1x16xf32>,
      %swap3A_634 = arith.index_cast %add3A_593 : i32 to index
      %swap3A_635 = arith.constant 0 : index
      %swap3A_636 = tpu.vector_load %arg13[%swap3A_634, %swap3A_635] {strides = array<i32>} : memref<512x64xf32, #tpu.memory_space<vmem>>, vector<1x16xf32>,
      %swap3A_637 = vector.shape_cast %swap3A_636 : vector<1x16xf32> to vector<16xf32>
      %swap3A_638 = vector.shape_cast %get3A_609 : vector<16xf32> to vector<1x16xf32>
      tpu.vector_store %arg13[%swap3A_634, %swap3A_635], %swap3A_638 {strides = array<i32>} : memref<512x64xf32, #tpu.memory_space<vmem>>, vector<1x16xf32>,
      %swap3A_639 = arith.index_cast %add3A_593 : i32 to index
      %swap3A_640 = arith.constant 16 : index
      %swap3A_641 = tpu.vector_load %arg13[%swap3A_639, %swap3A_640] {strides = array<i32>} : memref<512x64xf32, #tpu.memory_space<vmem>>, vector<1x16xf32>,
      %swap3A_642 = vector.shape_cast %swap3A_641 : vector<1x16xf32> to vector<16xf32>
      %swap3A_643 = vector.shape_cast %get3A_613 : vector<16xf32> to vector<1x16xf32>
      tpu.vector_store %arg13[%swap3A_639, %swap3A_640], %swap3A_643 {strides = array<i32>} : memref<512x64xf32, #tpu.memory_space<vmem>>, vector<1x16xf32>,
      %swap3A_644 = arith.index_cast %add3A_593 : i32 to index
      %swap3A_645 = arith.constant 32 : index
      %swap3A_646 = tpu.vector_load %arg13[%swap3A_644, %swap3A_645] {strides = array<i32>} : memref<512x64xf32, #tpu.memory_space<vmem>>, vector<1x16xf32>,
      %swap3A_647 = vector.shape_cast %swap3A_646 : vector<1x16xf32> to vector<16xf32>
      %swap3A_648 = vector.shape_cast %get3A_609 : vector<16xf32> to vector<1x16xf32>
      tpu.vector_store %arg13[%swap3A_644, %swap3A_645], %swap3A_648 {strides = array<i32>} : memref<512x64xf32, #tpu.memory_space<vmem>>, vector<1x16xf32>,
      %swap3A_649 = arith.index_cast %add3A_593 : i32 to index
      %swap3A_650 = arith.constant 48 : index
      %swap3A_651 = tpu.vector_load %arg13[%swap3A_649, %swap3A_650] {strides = array<i32>} : memref<512x64xf32, #tpu.memory_space<vmem>>, vector<1x16xf32>,
      %swap3A_652 = vector.shape_cast %swap3A_651 : vector<1x16xf32> to vector<16xf32>
      %swap3A_653 = vector.shape_cast %get3A_613 : vector<16xf32> to vector<1x16xf32>
      tpu.vector_store %arg13[%swap3A_649, %swap3A_650], %swap3A_653 {strides = array<i32>} : memref<512x64xf32, #tpu.memory_space<vmem>>, vector<1x16xf32>,
      %add3A_654 = arith.constant 6 : i32
      %add3A_655 = arith.addi %mul3A_277, %add3A_654 : i32
      %slice3A_656 = vector.extract_strided_slice %shift_right_logical3A_282 {offsets = [6], sizes = [1], strides = [1]} : vector<16xi32> to vector<1xi32>
      %squeeze3A_657 = vector.extract %slice3A_656[0] : i32 from vector<1xi32>
      %slice3A_658 = vector.extract_strided_slice %and3A_284 {offsets = [6], sizes = [1], strides = [1]} : vector<16xi32> to vector<1xi32>
      %squeeze3A_659 = vector.extract %slice3A_658[0] : i32 from vector<1xi32>
      %get3A_660 = arith.index_cast %squeeze3A_657 : i32 to index
      %get3A_661 = arith.constant 0 : index
      %get3A_662 = tpu.vector_load %arg8[%get3A_660, %get3A_661] {strides = array<i32>} : memref<64x16xf32, #tpu.memory_space<vmem>>, vector<1x16xf32>,
      %get3A_663 = vector.shape_cast %get3A_662 : vector<1x16xf32> to vector<16xf32>
      %get3A_664 = arith.index_cast %squeeze3A_659 : i32 to index
      %get3A_665 = arith.constant 0 : index
      %get3A_666 = tpu.vector_load %arg10[%get3A_664, %get3A_665] {strides = array<i32>} : memref<64x16xf32, #tpu.memory_space<vmem>>, vector<1x16xf32>,
      %get3A_667 = vector.shape_cast %get3A_666 : vector<1x16xf32> to vector<16xf32>
      %get3A_668 = arith.index_cast %squeeze3A_657 : i32 to index
      %get3A_669 = arith.constant 0 : index
      %get3A_670 = tpu.vector_load %arg9[%get3A_668, %get3A_669] {strides = array<i32>} : memref<64x16xf32, #tpu.memory_space<vmem>>, vector<1x16xf32>,
      %get3A_671 = vector.shape_cast %get3A_670 : vector<1x16xf32> to vector<16xf32>
      %get3A_672 = arith.index_cast %squeeze3A_659 : i32 to index
      %get3A_673 = arith.constant 0 : index
      %get3A_674 = tpu.vector_load %arg11[%get3A_672, %get3A_673] {strides = array<i32>} : memref<64x16xf32, #tpu.memory_space<vmem>>, vector<1x16xf32>,
      %get3A_675 = vector.shape_cast %get3A_674 : vector<1x16xf32> to vector<16xf32>
      %swap3A_676 = arith.index_cast %add3A_655 : i32 to index
      %swap3A_677 = arith.constant 0 : index
      %swap3A_678 = tpu.vector_load %arg12[%swap3A_676, %swap3A_677] {strides = array<i32>} : memref<512x64xf32, #tpu.memory_space<vmem>>, vector<1x16xf32>,
      %swap3A_679 = vector.shape_cast %swap3A_678 : vector<1x16xf32> to vector<16xf32>
      %swap3A_680 = vector.shape_cast %get3A_663 : vector<16xf32> to vector<1x16xf32>
      tpu.vector_store %arg12[%swap3A_676, %swap3A_677], %swap3A_680 {strides = array<i32>} : memref<512x64xf32, #tpu.memory_space<vmem>>, vector<1x16xf32>,
      %swap3A_681 = arith.index_cast %add3A_655 : i32 to index
      %swap3A_682 = arith.constant 16 : index
      %swap3A_683 = tpu.vector_load %arg12[%swap3A_681, %swap3A_682] {strides = array<i32>} : memref<512x64xf32, #tpu.memory_space<vmem>>, vector<1x16xf32>,
      %swap3A_684 = vector.shape_cast %swap3A_683 : vector<1x16xf32> to vector<16xf32>
      %swap3A_685 = vector.shape_cast %get3A_667 : vector<16xf32> to vector<1x16xf32>
      tpu.vector_store %arg12[%swap3A_681, %swap3A_682], %swap3A_685 {strides = array<i32>} : memref<512x64xf32, #tpu.memory_space<vmem>>, vector<1x16xf32>,
      %swap3A_686 = arith.index_cast %add3A_655 : i32 to index
      %swap3A_687 = arith.constant 32 : index
      %swap3A_688 = tpu.vector_load %arg12[%swap3A_686, %swap3A_687] {strides = array<i32>} : memref<512x64xf32, #tpu.memory_space<vmem>>, vector<1x16xf32>,
      %swap3A_689 = vector.shape_cast %swap3A_688 : vector<1x16xf32> to vector<16xf32>
      %swap3A_690 = vector.shape_cast %get3A_663 : vector<16xf32> to vector<1x16xf32>
      tpu.vector_store %arg12[%swap3A_686, %swap3A_687], %swap3A_690 {strides = array<i32>} : memref<512x64xf32, #tpu.memory_space<vmem>>, vector<1x16xf32>,
      %swap3A_691 = arith.index_cast %add3A_655 : i32 to index
      %swap3A_692 = arith.constant 48 : index
      %swap3A_693 = tpu.vector_load %arg12[%swap3A_691, %swap3A_692] {strides = array<i32>} : memref<512x64xf32, #tpu.memory_space<vmem>>, vector<1x16xf32>,
      %swap3A_694 = vector.shape_cast %swap3A_693 : vector<1x16xf32> to vector<16xf32>
      %swap3A_695 = vector.shape_cast %get3A_667 : vector<16xf32> to vector<1x16xf32>
      tpu.vector_store %arg12[%swap3A_691, %swap3A_692], %swap3A_695 {strides = array<i32>} : memref<512x64xf32, #tpu.memory_space<vmem>>, vector<1x16xf32>,
      %swap3A_696 = arith.index_cast %add3A_655 : i32 to index
      %swap3A_697 = arith.constant 0 : index
      %swap3A_698 = tpu.vector_load %arg13[%swap3A_696, %swap3A_697] {strides = array<i32>} : memref<512x64xf32, #tpu.memory_space<vmem>>, vector<1x16xf32>,
      %swap3A_699 = vector.shape_cast %swap3A_698 : vector<1x16xf32> to vector<16xf32>
      %swap3A_700 = vector.shape_cast %get3A_671 : vector<16xf32> to vector<1x16xf32>
      tpu.vector_store %arg13[%swap3A_696, %swap3A_697], %swap3A_700 {strides = array<i32>} : memref<512x64xf32, #tpu.memory_space<vmem>>, vector<1x16xf32>,
      %swap3A_701 = arith.index_cast %add3A_655 : i32 to index
      %swap3A_702 = arith.constant 16 : index
      %swap3A_703 = tpu.vector_load %arg13[%swap3A_701, %swap3A_702] {strides = array<i32>} : memref<512x64xf32, #tpu.memory_space<vmem>>, vector<1x16xf32>,
      %swap3A_704 = vector.shape_cast %swap3A_703 : vector<1x16xf32> to vector<16xf32>
      %swap3A_705 = vector.shape_cast %get3A_675 : vector<16xf32> to vector<1x16xf32>
      tpu.vector_store %arg13[%swap3A_701, %swap3A_702], %swap3A_705 {strides = array<i32>} : memref<512x64xf32, #tpu.memory_space<vmem>>, vector<1x16xf32>,
      %swap3A_706 = arith.index_cast %add3A_655 : i32 to index
      %swap3A_707 = arith.constant 32 : index
      %swap3A_708 = tpu.vector_load %arg13[%swap3A_706, %swap3A_707] {strides = array<i32>} : memref<512x64xf32, #tpu.memory_space<vmem>>, vector<1x16xf32>,
      %swap3A_709 = vector.shape_cast %swap3A_708 : vector<1x16xf32> to vector<16xf32>
      %swap3A_710 = vector.shape_cast %get3A_671 : vector<16xf32> to vector<1x16xf32>
      tpu.vector_store %arg13[%swap3A_706, %swap3A_707], %swap3A_710 {strides = array<i32>} : memref<512x64xf32, #tpu.memory_space<vmem>>, vector<1x16xf32>,
      %swap3A_711 = arith.index_cast %add3A_655 : i32 to index
      %swap3A_712 = arith.constant 48 : index
      %swap3A_713 = tpu.vector_load %arg13[%swap3A_711, %swap3A_712] {strides = array<i32>} : memref<512x64xf32, #tpu.memory_space<vmem>>, vector<1x16xf32>,
      %swap3A_714 = vector.shape_cast %swap3A_713 : vector<1x16xf32> to vector<16xf32>
      %swap3A_715 = vector.shape_cast %get3A_675 : vector<16xf32> to vector<1x16xf32>
      tpu.vector_store %arg13[%swap3A_711, %swap3A_712], %swap3A_715 {strides = array<i32>} : memref<512x64xf32, #tpu.memory_space<vmem>>, vector<1x16xf32>,
      %add3A_716 = arith.constant 7 : i32
      %add3A_717 = arith.addi %mul3A_277, %add3A_716 : i32
      %slice3A_718 = vector.extract_strided_slice %shift_right_logical3A_282 {offsets = [7], sizes = [1], strides = [1]} : vector<16xi32> to vector<1xi32>
      %squeeze3A_719 = vector.extract %slice3A_718[0] : i32 from vector<1xi32>
      %slice3A_720 = vector.extract_strided_slice %and3A_284 {offsets = [7], sizes = [1], strides = [1]} : vector<16xi32> to vector<1xi32>
      %squeeze3A_721 = vector.extract %slice3A_720[0] : i32 from vector<1xi32>
      %get3A_722 = arith.index_cast %squeeze3A_719 : i32 to index
      %get3A_723 = arith.constant 0 : index
      %get3A_724 = tpu.vector_load %arg8[%get3A_722, %get3A_723] {strides = array<i32>} : memref<64x16xf32, #tpu.memory_space<vmem>>, vector<1x16xf32>,
      %get3A_725 = vector.shape_cast %get3A_724 : vector<1x16xf32> to vector<16xf32>
      %get3A_726 = arith.index_cast %squeeze3A_721 : i32 to index
      %get3A_727 = arith.constant 0 : index
      %get3A_728 = tpu.vector_load %arg10[%get3A_726, %get3A_727] {strides = array<i32>} : memref<64x16xf32, #tpu.memory_space<vmem>>, vector<1x16xf32>,
      %get3A_729 = vector.shape_cast %get3A_728 : vector<1x16xf32> to vector<16xf32>
      %get3A_730 = arith.index_cast %squeeze3A_719 : i32 to index
      %get3A_731 = arith.constant 0 : index
      %get3A_732 = tpu.vector_load %arg9[%get3A_730, %get3A_731] {strides = array<i32>} : memref<64x16xf32, #tpu.memory_space<vmem>>, vector<1x16xf32>,
      %get3A_733 = vector.shape_cast %get3A_732 : vector<1x16xf32> to vector<16xf32>
      %get3A_734 = arith.index_cast %squeeze3A_721 : i32 to index
      %get3A_735 = arith.constant 0 : index
      %get3A_736 = tpu.vector_load %arg11[%get3A_734, %get3A_735] {strides = array<i32>} : memref<64x16xf32, #tpu.memory_space<vmem>>, vector<1x16xf32>,
      %get3A_737 = vector.shape_cast %get3A_736 : vector<1x16xf32> to vector<16xf32>
      %swap3A_738 = arith.index_cast %add3A_717 : i32 to index
      %swap3A_739 = arith.constant 0 : index
      %swap3A_740 = tpu.vector_load %arg12[%swap3A_738, %swap3A_739] {strides = array<i32>} : memref<512x64xf32, #tpu.memory_space<vmem>>, vector<1x16xf32>,
      %swap3A_741 = vector.shape_cast %swap3A_740 : vector<1x16xf32> to vector<16xf32>
      %swap3A_742 = vector.shape_cast %get3A_725 : vector<16xf32> to vector<1x16xf32>
      tpu.vector_store %arg12[%swap3A_738, %swap3A_739], %swap3A_742 {strides = array<i32>} : memref<512x64xf32, #tpu.memory_space<vmem>>, vector<1x16xf32>,
      %swap3A_743 = arith.index_cast %add3A_717 : i32 to index
      %swap3A_744 = arith.constant 16 : index
      %swap3A_745 = tpu.vector_load %arg12[%swap3A_743, %swap3A_744] {strides = array<i32>} : memref<512x64xf32, #tpu.memory_space<vmem>>, vector<1x16xf32>,
      %swap3A_746 = vector.shape_cast %swap3A_745 : vector<1x16xf32> to vector<16xf32>
      %swap3A_747 = vector.shape_cast %get3A_729 : vector<16xf32> to vector<1x16xf32>
      tpu.vector_store %arg12[%swap3A_743, %swap3A_744], %swap3A_747 {strides = array<i32>} : memref<512x64xf32, #tpu.memory_space<vmem>>, vector<1x16xf32>,
      %swap3A_748 = arith.index_cast %add3A_717 : i32 to index
      %swap3A_749 = arith.constant 32 : index
      %swap3A_750 = tpu.vector_load %arg12[%swap3A_748, %swap3A_749] {strides = array<i32>} : memref<512x64xf32, #tpu.memory_space<vmem>>, vector<1x16xf32>,
      %swap3A_751 = vector.shape_cast %swap3A_750 : vector<1x16xf32> to vector<16xf32>
      %swap3A_752 = vector.shape_cast %get3A_725 : vector<16xf32> to vector<1x16xf32>
      tpu.vector_store %arg12[%swap3A_748, %swap3A_749], %swap3A_752 {strides = array<i32>} : memref<512x64xf32, #tpu.memory_space<vmem>>, vector<1x16xf32>,
      %swap3A_753 = arith.index_cast %add3A_717 : i32 to index
      %swap3A_754 = arith.constant 48 : index
      %swap3A_755 = tpu.vector_load %arg12[%swap3A_753, %swap3A_754] {strides = array<i32>} : memref<512x64xf32, #tpu.memory_space<vmem>>, vector<1x16xf32>,
      %swap3A_756 = vector.shape_cast %swap3A_755 : vector<1x16xf32> to vector<16xf32>
      %swap3A_757 = vector.shape_cast %get3A_729 : vector<16xf32> to vector<1x16xf32>
      tpu.vector_store %arg12[%swap3A_753, %swap3A_754], %swap3A_757 {strides = array<i32>} : memref<512x64xf32, #tpu.memory_space<vmem>>, vector<1x16xf32>,
      %swap3A_758 = arith.index_cast %add3A_717 : i32 to index
      %swap3A_759 = arith.constant 0 : index
      %swap3A_760 = tpu.vector_load %arg13[%swap3A_758, %swap3A_759] {strides = array<i32>} : memref<512x64xf32, #tpu.memory_space<vmem>>, vector<1x16xf32>,
      %swap3A_761 = vector.shape_cast %swap3A_760 : vector<1x16xf32> to vector<16xf32>
      %swap3A_762 = vector.shape_cast %get3A_733 : vector<16xf32> to vector<1x16xf32>
      tpu.vector_store %arg13[%swap3A_758, %swap3A_759], %swap3A_762 {strides = array<i32>} : memref<512x64xf32, #tpu.memory_space<vmem>>, vector<1x16xf32>,
      %swap3A_763 = arith.index_cast %add3A_717 : i32 to index
      %swap3A_764 = arith.constant 16 : index
      %swap3A_765 = tpu.vector_load %arg13[%swap3A_763, %swap3A_764] {strides = array<i32>} : memref<512x64xf32, #tpu.memory_space<vmem>>, vector<1x16xf32>,
      %swap3A_766 = vector.shape_cast %swap3A_765 : vector<1x16xf32> to vector<16xf32>
      %swap3A_767 = vector.shape_cast %get3A_737 : vector<16xf32> to vector<1x16xf32>
      tpu.vector_store %arg13[%swap3A_763, %swap3A_764], %swap3A_767 {strides = array<i32>} : memref<512x64xf32, #tpu.memory_space<vmem>>, vector<1x16xf32>,
      %swap3A_768 = arith.index_cast %add3A_717 : i32 to index
      %swap3A_769 = arith.constant 32 : index
      %swap3A_770 = tpu.vector_load %arg13[%swap3A_768, %swap3A_769] {strides = array<i32>} : memref<512x64xf32, #tpu.memory_space<vmem>>, vector<1x16xf32>,
      %swap3A_771 = vector.shape_cast %swap3A_770 : vector<1x16xf32> to vector<16xf32>
      %swap3A_772 = vector.shape_cast %get3A_733 : vector<16xf32> to vector<1x16xf32>
      tpu.vector_store %arg13[%swap3A_768, %swap3A_769], %swap3A_772 {strides = array<i32>} : memref<512x64xf32, #tpu.memory_space<vmem>>, vector<1x16xf32>,
      %swap3A_773 = arith.index_cast %add3A_717 : i32 to index
      %swap3A_774 = arith.constant 48 : index
      %swap3A_775 = tpu.vector_load %arg13[%swap3A_773, %swap3A_774] {strides = array<i32>} : memref<512x64xf32, #tpu.memory_space<vmem>>, vector<1x16xf32>,
      %swap3A_776 = vector.shape_cast %swap3A_775 : vector<1x16xf32> to vector<16xf32>
      %swap3A_777 = vector.shape_cast %get3A_737 : vector<16xf32> to vector<1x16xf32>
      tpu.vector_store %arg13[%swap3A_773, %swap3A_774], %swap3A_777 {strides = array<i32>} : memref<512x64xf32, #tpu.memory_space<vmem>>, vector<1x16xf32>,
      %add3A_778 = arith.constant 8 : i32
      %add3A_779 = arith.addi %mul3A_277, %add3A_778 : i32
      %slice3A_780 = vector.extract_strided_slice %shift_right_logical3A_282 {offsets = [8], sizes = [1], strides = [1]} : vector<16xi32> to vector<1xi32>
      %squeeze3A_781 = vector.extract %slice3A_780[0] : i32 from vector<1xi32>
      %slice3A_782 = vector.extract_strided_slice %and3A_284 {offsets = [8], sizes = [1], strides = [1]} : vector<16xi32> to vector<1xi32>
      %squeeze3A_783 = vector.extract %slice3A_782[0] : i32 from vector<1xi32>
      %get3A_784 = arith.index_cast %squeeze3A_781 : i32 to index
      %get3A_785 = arith.constant 0 : index
      %get3A_786 = tpu.vector_load %arg8[%get3A_784, %get3A_785] {strides = array<i32>} : memref<64x16xf32, #tpu.memory_space<vmem>>, vector<1x16xf32>,
      %get3A_787 = vector.shape_cast %get3A_786 : vector<1x16xf32> to vector<16xf32>
      %get3A_788 = arith.index_cast %squeeze3A_783 : i32 to index
      %get3A_789 = arith.constant 0 : index
      %get3A_790 = tpu.vector_load %arg10[%get3A_788, %get3A_789] {strides = array<i32>} : memref<64x16xf32, #tpu.memory_space<vmem>>, vector<1x16xf32>,
      %get3A_791 = vector.shape_cast %get3A_790 : vector<1x16xf32> to vector<16xf32>
      %get3A_792 = arith.index_cast %squeeze3A_781 : i32 to index
      %get3A_793 = arith.constant 0 : index
      %get3A_794 = tpu.vector_load %arg9[%get3A_792, %get3A_793] {strides = array<i32>} : memref<64x16xf32, #tpu.memory_space<vmem>>, vector<1x16xf32>,
      %get3A_795 = vector.shape_cast %get3A_794 : vector<1x16xf32> to vector<16xf32>
      %get3A_796 = arith.index_cast %squeeze3A_783 : i32 to index
      %get3A_797 = arith.constant 0 : index
      %get3A_798 = tpu.vector_load %arg11[%get3A_796, %get3A_797] {strides = array<i32>} : memref<64x16xf32, #tpu.memory_space<vmem>>, vector<1x16xf32>,
      %get3A_799 = vector.shape_cast %get3A_798 : vector<1x16xf32> to vector<16xf32>
      %swap3A_800 = arith.index_cast %add3A_779 : i32 to index
      %swap3A_801 = arith.constant 0 : index
      %swap3A_802 = tpu.vector_load %arg12[%swap3A_800, %swap3A_801] {strides = array<i32>} : memref<512x64xf32, #tpu.memory_space<vmem>>, vector<1x16xf32>,
      %swap3A_803 = vector.shape_cast %swap3A_802 : vector<1x16xf32> to vector<16xf32>
      %swap3A_804 = vector.shape_cast %get3A_787 : vector<16xf32> to vector<1x16xf32>
      tpu.vector_store %arg12[%swap3A_800, %swap3A_801], %swap3A_804 {strides = array<i32>} : memref<512x64xf32, #tpu.memory_space<vmem>>, vector<1x16xf32>,
      %swap3A_805 = arith.index_cast %add3A_779 : i32 to index
      %swap3A_806 = arith.constant 16 : index
      %swap3A_807 = tpu.vector_load %arg12[%swap3A_805, %swap3A_806] {strides = array<i32>} : memref<512x64xf32, #tpu.memory_space<vmem>>, vector<1x16xf32>,
      %swap3A_808 = vector.shape_cast %swap3A_807 : vector<1x16xf32> to vector<16xf32>
      %swap3A_809 = vector.shape_cast %get3A_791 : vector<16xf32> to vector<1x16xf32>
      tpu.vector_store %arg12[%swap3A_805, %swap3A_806], %swap3A_809 {strides = array<i32>} : memref<512x64xf32, #tpu.memory_space<vmem>>, vector<1x16xf32>,
      %swap3A_810 = arith.index_cast %add3A_779 : i32 to index
      %swap3A_811 = arith.constant 32 : index
      %swap3A_812 = tpu.vector_load %arg12[%swap3A_810, %swap3A_811] {strides = array<i32>} : memref<512x64xf32, #tpu.memory_space<vmem>>, vector<1x16xf32>,
      %swap3A_813 = vector.shape_cast %swap3A_812 : vector<1x16xf32> to vector<16xf32>
      %swap3A_814 = vector.shape_cast %get3A_787 : vector<16xf32> to vector<1x16xf32>
      tpu.vector_store %arg12[%swap3A_810, %swap3A_811], %swap3A_814 {strides = array<i32>} : memref<512x64xf32, #tpu.memory_space<vmem>>, vector<1x16xf32>,
      %swap3A_815 = arith.index_cast %add3A_779 : i32 to index
      %swap3A_816 = arith.constant 48 : index
      %swap3A_817 = tpu.vector_load %arg12[%swap3A_815, %swap3A_816] {strides = array<i32>} : memref<512x64xf32, #tpu.memory_space<vmem>>, vector<1x16xf32>,
      %swap3A_818 = vector.shape_cast %swap3A_817 : vector<1x16xf32> to vector<16xf32>
      %swap3A_819 = vector.shape_cast %get3A_791 : vector<16xf32> to vector<1x16xf32>
      tpu.vector_store %arg12[%swap3A_815, %swap3A_816], %swap3A_819 {strides = array<i32>} : memref<512x64xf32, #tpu.memory_space<vmem>>, vector<1x16xf32>,
      %swap3A_820 = arith.index_cast %add3A_779 : i32 to index
      %swap3A_821 = arith.constant 0 : index
      %swap3A_822 = tpu.vector_load %arg13[%swap3A_820, %swap3A_821] {strides = array<i32>} : memref<512x64xf32, #tpu.memory_space<vmem>>, vector<1x16xf32>,
      %swap3A_823 = vector.shape_cast %swap3A_822 : vector<1x16xf32> to vector<16xf32>
      %swap3A_824 = vector.shape_cast %get3A_795 : vector<16xf32> to vector<1x16xf32>
      tpu.vector_store %arg13[%swap3A_820, %swap3A_821], %swap3A_824 {strides = array<i32>} : memref<512x64xf32, #tpu.memory_space<vmem>>, vector<1x16xf32>,
      %swap3A_825 = arith.index_cast %add3A_779 : i32 to index
      %swap3A_826 = arith.constant 16 : index
      %swap3A_827 = tpu.vector_load %arg13[%swap3A_825, %swap3A_826] {strides = array<i32>} : memref<512x64xf32, #tpu.memory_space<vmem>>, vector<1x16xf32>,
      %swap3A_828 = vector.shape_cast %swap3A_827 : vector<1x16xf32> to vector<16xf32>
      %swap3A_829 = vector.shape_cast %get3A_799 : vector<16xf32> to vector<1x16xf32>
      tpu.vector_store %arg13[%swap3A_825, %swap3A_826], %swap3A_829 {strides = array<i32>} : memref<512x64xf32, #tpu.memory_space<vmem>>, vector<1x16xf32>,
      %swap3A_830 = arith.index_cast %add3A_779 : i32 to index
      %swap3A_831 = arith.constant 32 : index
      %swap3A_832 = tpu.vector_load %arg13[%swap3A_830, %swap3A_831] {strides = array<i32>} : memref<512x64xf32, #tpu.memory_space<vmem>>, vector<1x16xf32>,
      %swap3A_833 = vector.shape_cast %swap3A_832 : vector<1x16xf32> to vector<16xf32>
      %swap3A_834 = vector.shape_cast %get3A_795 : vector<16xf32> to vector<1x16xf32>
      tpu.vector_store %arg13[%swap3A_830, %swap3A_831], %swap3A_834 {strides = array<i32>} : memref<512x64xf32, #tpu.memory_space<vmem>>, vector<1x16xf32>,
      %swap3A_835 = arith.index_cast %add3A_779 : i32 to index
      %swap3A_836 = arith.constant 48 : index
      %swap3A_837 = tpu.vector_load %arg13[%swap3A_835, %swap3A_836] {strides = array<i32>} : memref<512x64xf32, #tpu.memory_space<vmem>>, vector<1x16xf32>,
      %swap3A_838 = vector.shape_cast %swap3A_837 : vector<1x16xf32> to vector<16xf32>
      %swap3A_839 = vector.shape_cast %get3A_799 : vector<16xf32> to vector<1x16xf32>
      tpu.vector_store %arg13[%swap3A_835, %swap3A_836], %swap3A_839 {strides = array<i32>} : memref<512x64xf32, #tpu.memory_space<vmem>>, vector<1x16xf32>,
      %add3A_840 = arith.constant 9 : i32
      %add3A_841 = arith.addi %mul3A_277, %add3A_840 : i32
      %slice3A_842 = vector.extract_strided_slice %shift_right_logical3A_282 {offsets = [9], sizes = [1], strides = [1]} : vector<16xi32> to vector<1xi32>
      %squeeze3A_843 = vector.extract %slice3A_842[0] : i32 from vector<1xi32>
      %slice3A_844 = vector.extract_strided_slice %and3A_284 {offsets = [9], sizes = [1], strides = [1]} : vector<16xi32> to vector<1xi32>
      %squeeze3A_845 = vector.extract %slice3A_844[0] : i32 from vector<1xi32>
      %get3A_846 = arith.index_cast %squeeze3A_843 : i32 to index
      %get3A_847 = arith.constant 0 : index
      %get3A_848 = tpu.vector_load %arg8[%get3A_846, %get3A_847] {strides = array<i32>} : memref<64x16xf32, #tpu.memory_space<vmem>>, vector<1x16xf32>,
      %get3A_849 = vector.shape_cast %get3A_848 : vector<1x16xf32> to vector<16xf32>
      %get3A_850 = arith.index_cast %squeeze3A_845 : i32 to index
      %get3A_851 = arith.constant 0 : index
      %get3A_852 = tpu.vector_load %arg10[%get3A_850, %get3A_851] {strides = array<i32>} : memref<64x16xf32, #tpu.memory_space<vmem>>, vector<1x16xf32>,
      %get3A_853 = vector.shape_cast %get3A_852 : vector<1x16xf32> to vector<16xf32>
      %get3A_854 = arith.index_cast %squeeze3A_843 : i32 to index
      %get3A_855 = arith.constant 0 : index
      %get3A_856 = tpu.vector_load %arg9[%get3A_854, %get3A_855] {strides = array<i32>} : memref<64x16xf32, #tpu.memory_space<vmem>>, vector<1x16xf32>,
      %get3A_857 = vector.shape_cast %get3A_856 : vector<1x16xf32> to vector<16xf32>
      %get3A_858 = arith.index_cast %squeeze3A_845 : i32 to index
      %get3A_859 = arith.constant 0 : index
      %get3A_860 = tpu.vector_load %arg11[%get3A_858, %get3A_859] {strides = array<i32>} : memref<64x16xf32, #tpu.memory_space<vmem>>, vector<1x16xf32>,
      %get3A_861 = vector.shape_cast %get3A_860 : vector<1x16xf32> to vector<16xf32>
      %swap3A_862 = arith.index_cast %add3A_841 : i32 to index
      %swap3A_863 = arith.constant 0 : index
      %swap3A_864 = tpu.vector_load %arg12[%swap3A_862, %swap3A_863] {strides = array<i32>} : memref<512x64xf32, #tpu.memory_space<vmem>>, vector<1x16xf32>,
      %swap3A_865 = vector.shape_cast %swap3A_864 : vector<1x16xf32> to vector<16xf32>
      %swap3A_866 = vector.shape_cast %get3A_849 : vector<16xf32> to vector<1x16xf32>
      tpu.vector_store %arg12[%swap3A_862, %swap3A_863], %swap3A_866 {strides = array<i32>} : memref<512x64xf32, #tpu.memory_space<vmem>>, vector<1x16xf32>,
      %swap3A_867 = arith.index_cast %add3A_841 : i32 to index
      %swap3A_868 = arith.constant 16 : index
      %swap3A_869 = tpu.vector_load %arg12[%swap3A_867, %swap3A_868] {strides = array<i32>} : memref<512x64xf32, #tpu.memory_space<vmem>>, vector<1x16xf32>,
      %swap3A_870 = vector.shape_cast %swap3A_869 : vector<1x16xf32> to vector<16xf32>
      %swap3A_871 = vector.shape_cast %get3A_853 : vector<16xf32> to vector<1x16xf32>
      tpu.vector_store %arg12[%swap3A_867, %swap3A_868], %swap3A_871 {strides = array<i32>} : memref<512x64xf32, #tpu.memory_space<vmem>>, vector<1x16xf32>,
      %swap3A_872 = arith.index_cast %add3A_841 : i32 to index
      %swap3A_873 = arith.constant 32 : index
      %swap3A_874 = tpu.vector_load %arg12[%swap3A_872, %swap3A_873] {strides = array<i32>} : memref<512x64xf32, #tpu.memory_space<vmem>>, vector<1x16xf32>,
      %swap3A_875 = vector.shape_cast %swap3A_874 : vector<1x16xf32> to vector<16xf32>
      %swap3A_876 = vector.shape_cast %get3A_849 : vector<16xf32> to vector<1x16xf32>
      tpu.vector_store %arg12[%swap3A_872, %swap3A_873], %swap3A_876 {strides = array<i32>} : memref<512x64xf32, #tpu.memory_space<vmem>>, vector<1x16xf32>,
      %swap3A_877 = arith.index_cast %add3A_841 : i32 to index
      %swap3A_878 = arith.constant 48 : index
      %swap3A_879 = tpu.vector_load %arg12[%swap3A_877, %swap3A_878] {strides = array<i32>} : memref<512x64xf32, #tpu.memory_space<vmem>>, vector<1x16xf32>,
      %swap3A_880 = vector.shape_cast %swap3A_879 : vector<1x16xf32> to vector<16xf32>
      %swap3A_881 = vector.shape_cast %get3A_853 : vector<16xf32> to vector<1x16xf32>
      tpu.vector_store %arg12[%swap3A_877, %swap3A_878], %swap3A_881 {strides = array<i32>} : memref<512x64xf32, #tpu.memory_space<vmem>>, vector<1x16xf32>,
      %swap3A_882 = arith.index_cast %add3A_841 : i32 to index
      %swap3A_883 = arith.constant 0 : index
      %swap3A_884 = tpu.vector_load %arg13[%swap3A_882, %swap3A_883] {strides = array<i32>} : memref<512x64xf32, #tpu.memory_space<vmem>>, vector<1x16xf32>,
      %swap3A_885 = vector.shape_cast %swap3A_884 : vector<1x16xf32> to vector<16xf32>
      %swap3A_886 = vector.shape_cast %get3A_857 : vector<16xf32> to vector<1x16xf32>
      tpu.vector_store %arg13[%swap3A_882, %swap3A_883], %swap3A_886 {strides = array<i32>} : memref<512x64xf32, #tpu.memory_space<vmem>>, vector<1x16xf32>,
      %swap3A_887 = arith.index_cast %add3A_841 : i32 to index
      %swap3A_888 = arith.constant 16 : index
      %swap3A_889 = tpu.vector_load %arg13[%swap3A_887, %swap3A_888] {strides = array<i32>} : memref<512x64xf32, #tpu.memory_space<vmem>>, vector<1x16xf32>,
      %swap3A_890 = vector.shape_cast %swap3A_889 : vector<1x16xf32> to vector<16xf32>
      %swap3A_891 = vector.shape_cast %get3A_861 : vector<16xf32> to vector<1x16xf32>
      tpu.vector_store %arg13[%swap3A_887, %swap3A_888], %swap3A_891 {strides = array<i32>} : memref<512x64xf32, #tpu.memory_space<vmem>>, vector<1x16xf32>,
      %swap3A_892 = arith.index_cast %add3A_841 : i32 to index
      %swap3A_893 = arith.constant 32 : index
      %swap3A_894 = tpu.vector_load %arg13[%swap3A_892, %swap3A_893] {strides = array<i32>} : memref<512x64xf32, #tpu.memory_space<vmem>>, vector<1x16xf32>,
      %swap3A_895 = vector.shape_cast %swap3A_894 : vector<1x16xf32> to vector<16xf32>
      %swap3A_896 = vector.shape_cast %get3A_857 : vector<16xf32> to vector<1x16xf32>
      tpu.vector_store %arg13[%swap3A_892, %swap3A_893], %swap3A_896 {strides = array<i32>} : memref<512x64xf32, #tpu.memory_space<vmem>>, vector<1x16xf32>,
      %swap3A_897 = arith.index_cast %add3A_841 : i32 to index
      %swap3A_898 = arith.constant 48 : index
      %swap3A_899 = tpu.vector_load %arg13[%swap3A_897, %swap3A_898] {strides = array<i32>} : memref<512x64xf32, #tpu.memory_space<vmem>>, vector<1x16xf32>,
      %swap3A_900 = vector.shape_cast %swap3A_899 : vector<1x16xf32> to vector<16xf32>
      %swap3A_901 = vector.shape_cast %get3A_861 : vector<16xf32> to vector<1x16xf32>
      tpu.vector_store %arg13[%swap3A_897, %swap3A_898], %swap3A_901 {strides = array<i32>} : memref<512x64xf32, #tpu.memory_space<vmem>>, vector<1x16xf32>,
      %add3A_902 = arith.constant 10 : i32
      %add3A_903 = arith.addi %mul3A_277, %add3A_902 : i32
      %slice3A_904 = vector.extract_strided_slice %shift_right_logical3A_282 {offsets = [10], sizes = [1], strides = [1]} : vector<16xi32> to vector<1xi32>
      %squeeze3A_905 = vector.extract %slice3A_904[0] : i32 from vector<1xi32>
      %slice3A_906 = vector.extract_strided_slice %and3A_284 {offsets = [10], sizes = [1], strides = [1]} : vector<16xi32> to vector<1xi32>
      %squeeze3A_907 = vector.extract %slice3A_906[0] : i32 from vector<1xi32>
      %get3A_908 = arith.index_cast %squeeze3A_905 : i32 to index
      %get3A_909 = arith.constant 0 : index
      %get3A_910 = tpu.vector_load %arg8[%get3A_908, %get3A_909] {strides = array<i32>} : memref<64x16xf32, #tpu.memory_space<vmem>>, vector<1x16xf32>,
      %get3A_911 = vector.shape_cast %get3A_910 : vector<1x16xf32> to vector<16xf32>
      %get3A_912 = arith.index_cast %squeeze3A_907 : i32 to index
      %get3A_913 = arith.constant 0 : index
      %get3A_914 = tpu.vector_load %arg10[%get3A_912, %get3A_913] {strides = array<i32>} : memref<64x16xf32, #tpu.memory_space<vmem>>, vector<1x16xf32>,
      %get3A_915 = vector.shape_cast %get3A_914 : vector<1x16xf32> to vector<16xf32>
      %get3A_916 = arith.index_cast %squeeze3A_905 : i32 to index
      %get3A_917 = arith.constant 0 : index
      %get3A_918 = tpu.vector_load %arg9[%get3A_916, %get3A_917] {strides = array<i32>} : memref<64x16xf32, #tpu.memory_space<vmem>>, vector<1x16xf32>,
      %get3A_919 = vector.shape_cast %get3A_918 : vector<1x16xf32> to vector<16xf32>
      %get3A_920 = arith.index_cast %squeeze3A_907 : i32 to index
      %get3A_921 = arith.constant 0 : index
      %get3A_922 = tpu.vector_load %arg11[%get3A_920, %get3A_921] {strides = array<i32>} : memref<64x16xf32, #tpu.memory_space<vmem>>, vector<1x16xf32>,
      %get3A_923 = vector.shape_cast %get3A_922 : vector<1x16xf32> to vector<16xf32>
      %swap3A_924 = arith.index_cast %add3A_903 : i32 to index
      %swap3A_925 = arith.constant 0 : index
      %swap3A_926 = tpu.vector_load %arg12[%swap3A_924, %swap3A_925] {strides = array<i32>} : memref<512x64xf32, #tpu.memory_space<vmem>>, vector<1x16xf32>,
      %swap3A_927 = vector.shape_cast %swap3A_926 : vector<1x16xf32> to vector<16xf32>
      %swap3A_928 = vector.shape_cast %get3A_911 : vector<16xf32> to vector<1x16xf32>
      tpu.vector_store %arg12[%swap3A_924, %swap3A_925], %swap3A_928 {strides = array<i32>} : memref<512x64xf32, #tpu.memory_space<vmem>>, vector<1x16xf32>,
      %swap3A_929 = arith.index_cast %add3A_903 : i32 to index
      %swap3A_930 = arith.constant 16 : index
      %swap3A_931 = tpu.vector_load %arg12[%swap3A_929, %swap3A_930] {strides = array<i32>} : memref<512x64xf32, #tpu.memory_space<vmem>>, vector<1x16xf32>,
      %swap3A_932 = vector.shape_cast %swap3A_931 : vector<1x16xf32> to vector<16xf32>
      %swap3A_933 = vector.shape_cast %get3A_915 : vector<16xf32> to vector<1x16xf32>
      tpu.vector_store %arg12[%swap3A_929, %swap3A_930], %swap3A_933 {strides = array<i32>} : memref<512x64xf32, #tpu.memory_space<vmem>>, vector<1x16xf32>,
      %swap3A_934 = arith.index_cast %add3A_903 : i32 to index
      %swap3A_935 = arith.constant 32 : index
      %swap3A_936 = tpu.vector_load %arg12[%swap3A_934, %swap3A_935] {strides = array<i32>} : memref<512x64xf32, #tpu.memory_space<vmem>>, vector<1x16xf32>,
      %swap3A_937 = vector.shape_cast %swap3A_936 : vector<1x16xf32> to vector<16xf32>
      %swap3A_938 = vector.shape_cast %get3A_911 : vector<16xf32> to vector<1x16xf32>
      tpu.vector_store %arg12[%swap3A_934, %swap3A_935], %swap3A_938 {strides = array<i32>} : memref<512x64xf32, #tpu.memory_space<vmem>>, vector<1x16xf32>,
      %swap3A_939 = arith.index_cast %add3A_903 : i32 to index
      %swap3A_940 = arith.constant 48 : index
      %swap3A_941 = tpu.vector_load %arg12[%swap3A_939, %swap3A_940] {strides = array<i32>} : memref<512x64xf32, #tpu.memory_space<vmem>>, vector<1x16xf32>,
      %swap3A_942 = vector.shape_cast %swap3A_941 : vector<1x16xf32> to vector<16xf32>
      %swap3A_943 = vector.shape_cast %get3A_915 : vector<16xf32> to vector<1x16xf32>
      tpu.vector_store %arg12[%swap3A_939, %swap3A_940], %swap3A_943 {strides = array<i32>} : memref<512x64xf32, #tpu.memory_space<vmem>>, vector<1x16xf32>,
      %swap3A_944 = arith.index_cast %add3A_903 : i32 to index
      %swap3A_945 = arith.constant 0 : index
      %swap3A_946 = tpu.vector_load %arg13[%swap3A_944, %swap3A_945] {strides = array<i32>} : memref<512x64xf32, #tpu.memory_space<vmem>>, vector<1x16xf32>,
      %swap3A_947 = vector.shape_cast %swap3A_946 : vector<1x16xf32> to vector<16xf32>
      %swap3A_948 = vector.shape_cast %get3A_919 : vector<16xf32> to vector<1x16xf32>
      tpu.vector_store %arg13[%swap3A_944, %swap3A_945], %swap3A_948 {strides = array<i32>} : memref<512x64xf32, #tpu.memory_space<vmem>>, vector<1x16xf32>,
      %swap3A_949 = arith.index_cast %add3A_903 : i32 to index
      %swap3A_950 = arith.constant 16 : index
      %swap3A_951 = tpu.vector_load %arg13[%swap3A_949, %swap3A_950] {strides = array<i32>} : memref<512x64xf32, #tpu.memory_space<vmem>>, vector<1x16xf32>,
      %swap3A_952 = vector.shape_cast %swap3A_951 : vector<1x16xf32> to vector<16xf32>
      %swap3A_953 = vector.shape_cast %get3A_923 : vector<16xf32> to vector<1x16xf32>
      tpu.vector_store %arg13[%swap3A_949, %swap3A_950], %swap3A_953 {strides = array<i32>} : memref<512x64xf32, #tpu.memory_space<vmem>>, vector<1x16xf32>,
      %swap3A_954 = arith.index_cast %add3A_903 : i32 to index
      %swap3A_955 = arith.constant 32 : index
      %swap3A_956 = tpu.vector_load %arg13[%swap3A_954, %swap3A_955] {strides = array<i32>} : memref<512x64xf32, #tpu.memory_space<vmem>>, vector<1x16xf32>,
      %swap3A_957 = vector.shape_cast %swap3A_956 : vector<1x16xf32> to vector<16xf32>
      %swap3A_958 = vector.shape_cast %get3A_919 : vector<16xf32> to vector<1x16xf32>
      tpu.vector_store %arg13[%swap3A_954, %swap3A_955], %swap3A_958 {strides = array<i32>} : memref<512x64xf32, #tpu.memory_space<vmem>>, vector<1x16xf32>,
      %swap3A_959 = arith.index_cast %add3A_903 : i32 to index
      %swap3A_960 = arith.constant 48 : index
      %swap3A_961 = tpu.vector_load %arg13[%swap3A_959, %swap3A_960] {strides = array<i32>} : memref<512x64xf32, #tpu.memory_space<vmem>>, vector<1x16xf32>,
      %swap3A_962 = vector.shape_cast %swap3A_961 : vector<1x16xf32> to vector<16xf32>
      %swap3A_963 = vector.shape_cast %get3A_923 : vector<16xf32> to vector<1x16xf32>
      tpu.vector_store %arg13[%swap3A_959, %swap3A_960], %swap3A_963 {strides = array<i32>} : memref<512x64xf32, #tpu.memory_space<vmem>>, vector<1x16xf32>,
      %add3A_964 = arith.constant 11 : i32
      %add3A_965 = arith.addi %mul3A_277, %add3A_964 : i32
      %slice3A_966 = vector.extract_strided_slice %shift_right_logical3A_282 {offsets = [11], sizes = [1], strides = [1]} : vector<16xi32> to vector<1xi32>
      %squeeze3A_967 = vector.extract %slice3A_966[0] : i32 from vector<1xi32>
      %slice3A_968 = vector.extract_strided_slice %and3A_284 {offsets = [11], sizes = [1], strides = [1]} : vector<16xi32> to vector<1xi32>
      %squeeze3A_969 = vector.extract %slice3A_968[0] : i32 from vector<1xi32>
      %get3A_970 = arith.index_cast %squeeze3A_967 : i32 to index
      %get3A_971 = arith.constant 0 : index
      %get3A_972 = tpu.vector_load %arg8[%get3A_970, %get3A_971] {strides = array<i32>} : memref<64x16xf32, #tpu.memory_space<vmem>>, vector<1x16xf32>,
      %get3A_973 = vector.shape_cast %get3A_972 : vector<1x16xf32> to vector<16xf32>
      %get3A_974 = arith.index_cast %squeeze3A_969 : i32 to index
      %get3A_975 = arith.constant 0 : index
      %get3A_976 = tpu.vector_load %arg10[%get3A_974, %get3A_975] {strides = array<i32>} : memref<64x16xf32, #tpu.memory_space<vmem>>, vector<1x16xf32>,
      %get3A_977 = vector.shape_cast %get3A_976 : vector<1x16xf32> to vector<16xf32>
      %get3A_978 = arith.index_cast %squeeze3A_967 : i32 to index
      %get3A_979 = arith.constant 0 : index
      %get3A_980 = tpu.vector_load %arg9[%get3A_978, %get3A_979] {strides = array<i32>} : memref<64x16xf32, #tpu.memory_space<vmem>>, vector<1x16xf32>,
      %get3A_981 = vector.shape_cast %get3A_980 : vector<1x16xf32> to vector<16xf32>
      %get3A_982 = arith.index_cast %squeeze3A_969 : i32 to index
      %get3A_983 = arith.constant 0 : index
      %get3A_984 = tpu.vector_load %arg11[%get3A_982, %get3A_983] {strides = array<i32>} : memref<64x16xf32, #tpu.memory_space<vmem>>, vector<1x16xf32>,
      %get3A_985 = vector.shape_cast %get3A_984 : vector<1x16xf32> to vector<16xf32>
      %swap3A_986 = arith.index_cast %add3A_965 : i32 to index
      %swap3A_987 = arith.constant 0 : index
      %swap3A_988 = tpu.vector_load %arg12[%swap3A_986, %swap3A_987] {strides = array<i32>} : memref<512x64xf32, #tpu.memory_space<vmem>>, vector<1x16xf32>,
      %swap3A_989 = vector.shape_cast %swap3A_988 : vector<1x16xf32> to vector<16xf32>
      %swap3A_990 = vector.shape_cast %get3A_973 : vector<16xf32> to vector<1x16xf32>
      tpu.vector_store %arg12[%swap3A_986, %swap3A_987], %swap3A_990 {strides = array<i32>} : memref<512x64xf32, #tpu.memory_space<vmem>>, vector<1x16xf32>,
      %swap3A_991 = arith.index_cast %add3A_965 : i32 to index
      %swap3A_992 = arith.constant 16 : index
      %swap3A_993 = tpu.vector_load %arg12[%swap3A_991, %swap3A_992] {strides = array<i32>} : memref<512x64xf32, #tpu.memory_space<vmem>>, vector<1x16xf32>,
      %swap3A_994 = vector.shape_cast %swap3A_993 : vector<1x16xf32> to vector<16xf32>
      %swap3A_995 = vector.shape_cast %get3A_977 : vector<16xf32> to vector<1x16xf32>
      tpu.vector_store %arg12[%swap3A_991, %swap3A_992], %swap3A_995 {strides = array<i32>} : memref<512x64xf32, #tpu.memory_space<vmem>>, vector<1x16xf32>,
      %swap3A_996 = arith.index_cast %add3A_965 : i32 to index
      %swap3A_997 = arith.constant 32 : index
      %swap3A_998 = tpu.vector_load %arg12[%swap3A_996, %swap3A_997] {strides = array<i32>} : memref<512x64xf32, #tpu.memory_space<vmem>>, vector<1x16xf32>,
      %swap3A_999 = vector.shape_cast %swap3A_998 : vector<1x16xf32> to vector<16xf32>
      %swap3A_1000 = vector.shape_cast %get3A_973 : vector<16xf32> to vector<1x16xf32>
      tpu.vector_store %arg12[%swap3A_996, %swap3A_997], %swap3A_1000 {strides = array<i32>} : memref<512x64xf32, #tpu.memory_space<vmem>>, vector<1x16xf32>,
      %swap3A_1001 = arith.index_cast %add3A_965 : i32 to index
      %swap3A_1002 = arith.constant 48 : index
      %swap3A_1003 = tpu.vector_load %arg12[%swap3A_1001, %swap3A_1002] {strides = array<i32>} : memref<512x64xf32, #tpu.memory_space<vmem>>, vector<1x16xf32>,
      %swap3A_1004 = vector.shape_cast %swap3A_1003 : vector<1x16xf32> to vector<16xf32>
      %swap3A_1005 = vector.shape_cast %get3A_977 : vector<16xf32> to vector<1x16xf32>
      tpu.vector_store %arg12[%swap3A_1001, %swap3A_1002], %swap3A_1005 {strides = array<i32>} : memref<512x64xf32, #tpu.memory_space<vmem>>, vector<1x16xf32>,
      %swap3A_1006 = arith.index_cast %add3A_965 : i32 to index
      %swap3A_1007 = arith.constant 0 : index
      %swap3A_1008 = tpu.vector_load %arg13[%swap3A_1006, %swap3A_1007] {strides = array<i32>} : memref<512x64xf32, #tpu.memory_space<vmem>>, vector<1x16xf32>,
      %swap3A_1009 = vector.shape_cast %swap3A_1008 : vector<1x16xf32> to vector<16xf32>
      %swap3A_1010 = vector.shape_cast %get3A_981 : vector<16xf32> to vector<1x16xf32>
      tpu.vector_store %arg13[%swap3A_1006, %swap3A_1007], %swap3A_1010 {strides = array<i32>} : memref<512x64xf32, #tpu.memory_space<vmem>>, vector<1x16xf32>,
      %swap3A_1011 = arith.index_cast %add3A_965 : i32 to index
      %swap3A_1012 = arith.constant 16 : index
      %swap3A_1013 = tpu.vector_load %arg13[%swap3A_1011, %swap3A_1012] {strides = array<i32>} : memref<512x64xf32, #tpu.memory_space<vmem>>, vector<1x16xf32>,
      %swap3A_1014 = vector.shape_cast %swap3A_1013 : vector<1x16xf32> to vector<16xf32>
      %swap3A_1015 = vector.shape_cast %get3A_985 : vector<16xf32> to vector<1x16xf32>
      tpu.vector_store %arg13[%swap3A_1011, %swap3A_1012], %swap3A_1015 {strides = array<i32>} : memref<512x64xf32, #tpu.memory_space<vmem>>, vector<1x16xf32>,
      %swap3A_1016 = arith.index_cast %add3A_965 : i32 to index
      %swap3A_1017 = arith.constant 32 : index
      %swap3A_1018 = tpu.vector_load %arg13[%swap3A_1016, %swap3A_1017] {strides = array<i32>} : memref<512x64xf32, #tpu.memory_space<vmem>>, vector<1x16xf32>,
      %swap3A_1019 = vector.shape_cast %swap3A_1018 : vector<1x16xf32> to vector<16xf32>
      %swap3A_1020 = vector.shape_cast %get3A_981 : vector<16xf32> to vector<1x16xf32>
      tpu.vector_store %arg13[%swap3A_1016, %swap3A_1017], %swap3A_1020 {strides = array<i32>} : memref<512x64xf32, #tpu.memory_space<vmem>>, vector<1x16xf32>,
      %swap3A_1021 = arith.index_cast %add3A_965 : i32 to index
      %swap3A_1022 = arith.constant 48 : index
      %swap3A_1023 = tpu.vector_load %arg13[%swap3A_1021, %swap3A_1022] {strides = array<i32>} : memref<512x64xf32, #tpu.memory_space<vmem>>, vector<1x16xf32>,
      %swap3A_1024 = vector.shape_cast %swap3A_1023 : vector<1x16xf32> to vector<16xf32>
      %swap3A_1025 = vector.shape_cast %get3A_985 : vector<16xf32> to vector<1x16xf32>
      tpu.vector_store %arg13[%swap3A_1021, %swap3A_1022], %swap3A_1025 {strides = array<i32>} : memref<512x64xf32, #tpu.memory_space<vmem>>, vector<1x16xf32>,
      %add3A_1026 = arith.constant 12 : i32
      %add3A_1027 = arith.addi %mul3A_277, %add3A_1026 : i32
      %slice3A_1028 = vector.extract_strided_slice %shift_right_logical3A_282 {offsets = [12], sizes = [1], strides = [1]} : vector<16xi32> to vector<1xi32>
      %squeeze3A_1029 = vector.extract %slice3A_1028[0] : i32 from vector<1xi32>
      %slice3A_1030 = vector.extract_strided_slice %and3A_284 {offsets = [12], sizes = [1], strides = [1]} : vector<16xi32> to vector<1xi32>
      %squeeze3A_1031 = vector.extract %slice3A_1030[0] : i32 from vector<1xi32>
      %get3A_1032 = arith.index_cast %squeeze3A_1029 : i32 to index
      %get3A_1033 = arith.constant 0 : index
      %get3A_1034 = tpu.vector_load %arg8[%get3A_1032, %get3A_1033] {strides = array<i32>} : memref<64x16xf32, #tpu.memory_space<vmem>>, vector<1x16xf32>,
      %get3A_1035 = vector.shape_cast %get3A_1034 : vector<1x16xf32> to vector<16xf32>
      %get3A_1036 = arith.index_cast %squeeze3A_1031 : i32 to index
      %get3A_1037 = arith.constant 0 : index
      %get3A_1038 = tpu.vector_load %arg10[%get3A_1036, %get3A_1037] {strides = array<i32>} : memref<64x16xf32, #tpu.memory_space<vmem>>, vector<1x16xf32>,
      %get3A_1039 = vector.shape_cast %get3A_1038 : vector<1x16xf32> to vector<16xf32>
      %get3A_1040 = arith.index_cast %squeeze3A_1029 : i32 to index
      %get3A_1041 = arith.constant 0 : index
      %get3A_1042 = tpu.vector_load %arg9[%get3A_1040, %get3A_1041] {strides = array<i32>} : memref<64x16xf32, #tpu.memory_space<vmem>>, vector<1x16xf32>,
      %get3A_1043 = vector.shape_cast %get3A_1042 : vector<1x16xf32> to vector<16xf32>
      %get3A_1044 = arith.index_cast %squeeze3A_1031 : i32 to index
      %get3A_1045 = arith.constant 0 : index
      %get3A_1046 = tpu.vector_load %arg11[%get3A_1044, %get3A_1045] {strides = array<i32>} : memref<64x16xf32, #tpu.memory_space<vmem>>, vector<1x16xf32>,
      %get3A_1047 = vector.shape_cast %get3A_1046 : vector<1x16xf32> to vector<16xf32>
      %swap3A_1048 = arith.index_cast %add3A_1027 : i32 to index
      %swap3A_1049 = arith.constant 0 : index
      %swap3A_1050 = tpu.vector_load %arg12[%swap3A_1048, %swap3A_1049] {strides = array<i32>} : memref<512x64xf32, #tpu.memory_space<vmem>>, vector<1x16xf32>,
      %swap3A_1051 = vector.shape_cast %swap3A_1050 : vector<1x16xf32> to vector<16xf32>
      %swap3A_1052 = vector.shape_cast %get3A_1035 : vector<16xf32> to vector<1x16xf32>
      tpu.vector_store %arg12[%swap3A_1048, %swap3A_1049], %swap3A_1052 {strides = array<i32>} : memref<512x64xf32, #tpu.memory_space<vmem>>, vector<1x16xf32>,
      %swap3A_1053 = arith.index_cast %add3A_1027 : i32 to index
      %swap3A_1054 = arith.constant 16 : index
      %swap3A_1055 = tpu.vector_load %arg12[%swap3A_1053, %swap3A_1054] {strides = array<i32>} : memref<512x64xf32, #tpu.memory_space<vmem>>, vector<1x16xf32>,
      %swap3A_1056 = vector.shape_cast %swap3A_1055 : vector<1x16xf32> to vector<16xf32>
      %swap3A_1057 = vector.shape_cast %get3A_1039 : vector<16xf32> to vector<1x16xf32>
      tpu.vector_store %arg12[%swap3A_1053, %swap3A_1054], %swap3A_1057 {strides = array<i32>} : memref<512x64xf32, #tpu.memory_space<vmem>>, vector<1x16xf32>,
      %swap3A_1058 = arith.index_cast %add3A_1027 : i32 to index
      %swap3A_1059 = arith.constant 32 : index
      %swap3A_1060 = tpu.vector_load %arg12[%swap3A_1058, %swap3A_1059] {strides = array<i32>} : memref<512x64xf32, #tpu.memory_space<vmem>>, vector<1x16xf32>,
      %swap3A_1061 = vector.shape_cast %swap3A_1060 : vector<1x16xf32> to vector<16xf32>
      %swap3A_1062 = vector.shape_cast %get3A_1035 : vector<16xf32> to vector<1x16xf32>
      tpu.vector_store %arg12[%swap3A_1058, %swap3A_1059], %swap3A_1062 {strides = array<i32>} : memref<512x64xf32, #tpu.memory_space<vmem>>, vector<1x16xf32>,
      %swap3A_1063 = arith.index_cast %add3A_1027 : i32 to index
      %swap3A_1064 = arith.constant 48 : index
      %swap3A_1065 = tpu.vector_load %arg12[%swap3A_1063, %swap3A_1064] {strides = array<i32>} : memref<512x64xf32, #tpu.memory_space<vmem>>, vector<1x16xf32>,
      %swap3A_1066 = vector.shape_cast %swap3A_1065 : vector<1x16xf32> to vector<16xf32>
      %swap3A_1067 = vector.shape_cast %get3A_1039 : vector<16xf32> to vector<1x16xf32>
      tpu.vector_store %arg12[%swap3A_1063, %swap3A_1064], %swap3A_1067 {strides = array<i32>} : memref<512x64xf32, #tpu.memory_space<vmem>>, vector<1x16xf32>,
      %swap3A_1068 = arith.index_cast %add3A_1027 : i32 to index
      %swap3A_1069 = arith.constant 0 : index
      %swap3A_1070 = tpu.vector_load %arg13[%swap3A_1068, %swap3A_1069] {strides = array<i32>} : memref<512x64xf32, #tpu.memory_space<vmem>>, vector<1x16xf32>,
      %swap3A_1071 = vector.shape_cast %swap3A_1070 : vector<1x16xf32> to vector<16xf32>
      %swap3A_1072 = vector.shape_cast %get3A_1043 : vector<16xf32> to vector<1x16xf32>
      tpu.vector_store %arg13[%swap3A_1068, %swap3A_1069], %swap3A_1072 {strides = array<i32>} : memref<512x64xf32, #tpu.memory_space<vmem>>, vector<1x16xf32>,
      %swap3A_1073 = arith.index_cast %add3A_1027 : i32 to index
      %swap3A_1074 = arith.constant 16 : index
      %swap3A_1075 = tpu.vector_load %arg13[%swap3A_1073, %swap3A_1074] {strides = array<i32>} : memref<512x64xf32, #tpu.memory_space<vmem>>, vector<1x16xf32>,
      %swap3A_1076 = vector.shape_cast %swap3A_1075 : vector<1x16xf32> to vector<16xf32>
      %swap3A_1077 = vector.shape_cast %get3A_1047 : vector<16xf32> to vector<1x16xf32>
      tpu.vector_store %arg13[%swap3A_1073, %swap3A_1074], %swap3A_1077 {strides = array<i32>} : memref<512x64xf32, #tpu.memory_space<vmem>>, vector<1x16xf32>,
      %swap3A_1078 = arith.index_cast %add3A_1027 : i32 to index
      %swap3A_1079 = arith.constant 32 : index
      %swap3A_1080 = tpu.vector_load %arg13[%swap3A_1078, %swap3A_1079] {strides = array<i32>} : memref<512x64xf32, #tpu.memory_space<vmem>>, vector<1x16xf32>,
      %swap3A_1081 = vector.shape_cast %swap3A_1080 : vector<1x16xf32> to vector<16xf32>
      %swap3A_1082 = vector.shape_cast %get3A_1043 : vector<16xf32> to vector<1x16xf32>
      tpu.vector_store %arg13[%swap3A_1078, %swap3A_1079], %swap3A_1082 {strides = array<i32>} : memref<512x64xf32, #tpu.memory_space<vmem>>, vector<1x16xf32>,
      %swap3A_1083 = arith.index_cast %add3A_1027 : i32 to index
      %swap3A_1084 = arith.constant 48 : index
      %swap3A_1085 = tpu.vector_load %arg13[%swap3A_1083, %swap3A_1084] {strides = array<i32>} : memref<512x64xf32, #tpu.memory_space<vmem>>, vector<1x16xf32>,
      %swap3A_1086 = vector.shape_cast %swap3A_1085 : vector<1x16xf32> to vector<16xf32>
      %swap3A_1087 = vector.shape_cast %get3A_1047 : vector<16xf32> to vector<1x16xf32>
      tpu.vector_store %arg13[%swap3A_1083, %swap3A_1084], %swap3A_1087 {strides = array<i32>} : memref<512x64xf32, #tpu.memory_space<vmem>>, vector<1x16xf32>,
      %add3A_1088 = arith.constant 13 : i32
      %add3A_1089 = arith.addi %mul3A_277, %add3A_1088 : i32
      %slice3A_1090 = vector.extract_strided_slice %shift_right_logical3A_282 {offsets = [13], sizes = [1], strides = [1]} : vector<16xi32> to vector<1xi32>
      %squeeze3A_1091 = vector.extract %slice3A_1090[0] : i32 from vector<1xi32>
      %slice3A_1092 = vector.extract_strided_slice %and3A_284 {offsets = [13], sizes = [1], strides = [1]} : vector<16xi32> to vector<1xi32>
      %squeeze3A_1093 = vector.extract %slice3A_1092[0] : i32 from vector<1xi32>
      %get3A_1094 = arith.index_cast %squeeze3A_1091 : i32 to index
      %get3A_1095 = arith.constant 0 : index
      %get3A_1096 = tpu.vector_load %arg8[%get3A_1094, %get3A_1095] {strides = array<i32>} : memref<64x16xf32, #tpu.memory_space<vmem>>, vector<1x16xf32>,
      %get3A_1097 = vector.shape_cast %get3A_1096 : vector<1x16xf32> to vector<16xf32>
      %get3A_1098 = arith.index_cast %squeeze3A_1093 : i32 to index
      %get3A_1099 = arith.constant 0 : index
      %get3A_1100 = tpu.vector_load %arg10[%get3A_1098, %get3A_1099] {strides = array<i32>} : memref<64x16xf32, #tpu.memory_space<vmem>>, vector<1x16xf32>,
      %get3A_1101 = vector.shape_cast %get3A_1100 : vector<1x16xf32> to vector<16xf32>
      %get3A_1102 = arith.index_cast %squeeze3A_1091 : i32 to index
      %get3A_1103 = arith.constant 0 : index
      %get3A_1104 = tpu.vector_load %arg9[%get3A_1102, %get3A_1103] {strides = array<i32>} : memref<64x16xf32, #tpu.memory_space<vmem>>, vector<1x16xf32>,
      %get3A_1105 = vector.shape_cast %get3A_1104 : vector<1x16xf32> to vector<16xf32>
      %get3A_1106 = arith.index_cast %squeeze3A_1093 : i32 to index
      %get3A_1107 = arith.constant 0 : index
      %get3A_1108 = tpu.vector_load %arg11[%get3A_1106, %get3A_1107] {strides = array<i32>} : memref<64x16xf32, #tpu.memory_space<vmem>>, vector<1x16xf32>,
      %get3A_1109 = vector.shape_cast %get3A_1108 : vector<1x16xf32> to vector<16xf32>
      %swap3A_1110 = arith.index_cast %add3A_1089 : i32 to index
      %swap3A_1111 = arith.constant 0 : index
      %swap3A_1112 = tpu.vector_load %arg12[%swap3A_1110, %swap3A_1111] {strides = array<i32>} : memref<512x64xf32, #tpu.memory_space<vmem>>, vector<1x16xf32>,
      %swap3A_1113 = vector.shape_cast %swap3A_1112 : vector<1x16xf32> to vector<16xf32>
      %swap3A_1114 = vector.shape_cast %get3A_1097 : vector<16xf32> to vector<1x16xf32>
      tpu.vector_store %arg12[%swap3A_1110, %swap3A_1111], %swap3A_1114 {strides = array<i32>} : memref<512x64xf32, #tpu.memory_space<vmem>>, vector<1x16xf32>,
      %swap3A_1115 = arith.index_cast %add3A_1089 : i32 to index
      %swap3A_1116 = arith.constant 16 : index
      %swap3A_1117 = tpu.vector_load %arg12[%swap3A_1115, %swap3A_1116] {strides = array<i32>} : memref<512x64xf32, #tpu.memory_space<vmem>>, vector<1x16xf32>,
      %swap3A_1118 = vector.shape_cast %swap3A_1117 : vector<1x16xf32> to vector<16xf32>
      %swap3A_1119 = vector.shape_cast %get3A_1101 : vector<16xf32> to vector<1x16xf32>
      tpu.vector_store %arg12[%swap3A_1115, %swap3A_1116], %swap3A_1119 {strides = array<i32>} : memref<512x64xf32, #tpu.memory_space<vmem>>, vector<1x16xf32>,
      %swap3A_1120 = arith.index_cast %add3A_1089 : i32 to index
      %swap3A_1121 = arith.constant 32 : index
      %swap3A_1122 = tpu.vector_load %arg12[%swap3A_1120, %swap3A_1121] {strides = array<i32>} : memref<512x64xf32, #tpu.memory_space<vmem>>, vector<1x16xf32>,
      %swap3A_1123 = vector.shape_cast %swap3A_1122 : vector<1x16xf32> to vector<16xf32>
      %swap3A_1124 = vector.shape_cast %get3A_1097 : vector<16xf32> to vector<1x16xf32>
      tpu.vector_store %arg12[%swap3A_1120, %swap3A_1121], %swap3A_1124 {strides = array<i32>} : memref<512x64xf32, #tpu.memory_space<vmem>>, vector<1x16xf32>,
      %swap3A_1125 = arith.index_cast %add3A_1089 : i32 to index
      %swap3A_1126 = arith.constant 48 : index
      %swap3A_1127 = tpu.vector_load %arg12[%swap3A_1125, %swap3A_1126] {strides = array<i32>} : memref<512x64xf32, #tpu.memory_space<vmem>>, vector<1x16xf32>,
      %swap3A_1128 = vector.shape_cast %swap3A_1127 : vector<1x16xf32> to vector<16xf32>
      %swap3A_1129 = vector.shape_cast %get3A_1101 : vector<16xf32> to vector<1x16xf32>
      tpu.vector_store %arg12[%swap3A_1125, %swap3A_1126], %swap3A_1129 {strides = array<i32>} : memref<512x64xf32, #tpu.memory_space<vmem>>, vector<1x16xf32>,
      %swap3A_1130 = arith.index_cast %add3A_1089 : i32 to index
      %swap3A_1131 = arith.constant 0 : index
      %swap3A_1132 = tpu.vector_load %arg13[%swap3A_1130, %swap3A_1131] {strides = array<i32>} : memref<512x64xf32, #tpu.memory_space<vmem>>, vector<1x16xf32>,
      %swap3A_1133 = vector.shape_cast %swap3A_1132 : vector<1x16xf32> to vector<16xf32>
      %swap3A_1134 = vector.shape_cast %get3A_1105 : vector<16xf32> to vector<1x16xf32>
      tpu.vector_store %arg13[%swap3A_1130, %swap3A_1131], %swap3A_1134 {strides = array<i32>} : memref<512x64xf32, #tpu.memory_space<vmem>>, vector<1x16xf32>,
      %swap3A_1135 = arith.index_cast %add3A_1089 : i32 to index
      %swap3A_1136 = arith.constant 16 : index
      %swap3A_1137 = tpu.vector_load %arg13[%swap3A_1135, %swap3A_1136] {strides = array<i32>} : memref<512x64xf32, #tpu.memory_space<vmem>>, vector<1x16xf32>,
      %swap3A_1138 = vector.shape_cast %swap3A_1137 : vector<1x16xf32> to vector<16xf32>
      %swap3A_1139 = vector.shape_cast %get3A_1109 : vector<16xf32> to vector<1x16xf32>
      tpu.vector_store %arg13[%swap3A_1135, %swap3A_1136], %swap3A_1139 {strides = array<i32>} : memref<512x64xf32, #tpu.memory_space<vmem>>, vector<1x16xf32>,
      %swap3A_1140 = arith.index_cast %add3A_1089 : i32 to index
      %swap3A_1141 = arith.constant 32 : index
      %swap3A_1142 = tpu.vector_load %arg13[%swap3A_1140, %swap3A_1141] {strides = array<i32>} : memref<512x64xf32, #tpu.memory_space<vmem>>, vector<1x16xf32>,
      %swap3A_1143 = vector.shape_cast %swap3A_1142 : vector<1x16xf32> to vector<16xf32>
      %swap3A_1144 = vector.shape_cast %get3A_1105 : vector<16xf32> to vector<1x16xf32>
      tpu.vector_store %arg13[%swap3A_1140, %swap3A_1141], %swap3A_1144 {strides = array<i32>} : memref<512x64xf32, #tpu.memory_space<vmem>>, vector<1x16xf32>,
      %swap3A_1145 = arith.index_cast %add3A_1089 : i32 to index
      %swap3A_1146 = arith.constant 48 : index
      %swap3A_1147 = tpu.vector_load %arg13[%swap3A_1145, %swap3A_1146] {strides = array<i32>} : memref<512x64xf32, #tpu.memory_space<vmem>>, vector<1x16xf32>,
      %swap3A_1148 = vector.shape_cast %swap3A_1147 : vector<1x16xf32> to vector<16xf32>
      %swap3A_1149 = vector.shape_cast %get3A_1109 : vector<16xf32> to vector<1x16xf32>
      tpu.vector_store %arg13[%swap3A_1145, %swap3A_1146], %swap3A_1149 {strides = array<i32>} : memref<512x64xf32, #tpu.memory_space<vmem>>, vector<1x16xf32>,
      %add3A_1150 = arith.constant 14 : i32
      %add3A_1151 = arith.addi %mul3A_277, %add3A_1150 : i32
      %slice3A_1152 = vector.extract_strided_slice %shift_right_logical3A_282 {offsets = [14], sizes = [1], strides = [1]} : vector<16xi32> to vector<1xi32>
      %squeeze3A_1153 = vector.extract %slice3A_1152[0] : i32 from vector<1xi32>
      %slice3A_1154 = vector.extract_strided_slice %and3A_284 {offsets = [14], sizes = [1], strides = [1]} : vector<16xi32> to vector<1xi32>
      %squeeze3A_1155 = vector.extract %slice3A_1154[0] : i32 from vector<1xi32>
      %get3A_1156 = arith.index_cast %squeeze3A_1153 : i32 to index
      %get3A_1157 = arith.constant 0 : index
      %get3A_1158 = tpu.vector_load %arg8[%get3A_1156, %get3A_1157] {strides = array<i32>} : memref<64x16xf32, #tpu.memory_space<vmem>>, vector<1x16xf32>,
      %get3A_1159 = vector.shape_cast %get3A_1158 : vector<1x16xf32> to vector<16xf32>
      %get3A_1160 = arith.index_cast %squeeze3A_1155 : i32 to index
      %get3A_1161 = arith.constant 0 : index
      %get3A_1162 = tpu.vector_load %arg10[%get3A_1160, %get3A_1161] {strides = array<i32>} : memref<64x16xf32, #tpu.memory_space<vmem>>, vector<1x16xf32>,
      %get3A_1163 = vector.shape_cast %get3A_1162 : vector<1x16xf32> to vector<16xf32>
      %get3A_1164 = arith.index_cast %squeeze3A_1153 : i32 to index
      %get3A_1165 = arith.constant 0 : index
      %get3A_1166 = tpu.vector_load %arg9[%get3A_1164, %get3A_1165] {strides = array<i32>} : memref<64x16xf32, #tpu.memory_space<vmem>>, vector<1x16xf32>,
      %get3A_1167 = vector.shape_cast %get3A_1166 : vector<1x16xf32> to vector<16xf32>
      %get3A_1168 = arith.index_cast %squeeze3A_1155 : i32 to index
      %get3A_1169 = arith.constant 0 : index
      %get3A_1170 = tpu.vector_load %arg11[%get3A_1168, %get3A_1169] {strides = array<i32>} : memref<64x16xf32, #tpu.memory_space<vmem>>, vector<1x16xf32>,
      %get3A_1171 = vector.shape_cast %get3A_1170 : vector<1x16xf32> to vector<16xf32>
      %swap3A_1172 = arith.index_cast %add3A_1151 : i32 to index
      %swap3A_1173 = arith.constant 0 : index
      %swap3A_1174 = tpu.vector_load %arg12[%swap3A_1172, %swap3A_1173] {strides = array<i32>} : memref<512x64xf32, #tpu.memory_space<vmem>>, vector<1x16xf32>,
      %swap3A_1175 = vector.shape_cast %swap3A_1174 : vector<1x16xf32> to vector<16xf32>
      %swap3A_1176 = vector.shape_cast %get3A_1159 : vector<16xf32> to vector<1x16xf32>
      tpu.vector_store %arg12[%swap3A_1172, %swap3A_1173], %swap3A_1176 {strides = array<i32>} : memref<512x64xf32, #tpu.memory_space<vmem>>, vector<1x16xf32>,
      %swap3A_1177 = arith.index_cast %add3A_1151 : i32 to index
      %swap3A_1178 = arith.constant 16 : index
      %swap3A_1179 = tpu.vector_load %arg12[%swap3A_1177, %swap3A_1178] {strides = array<i32>} : memref<512x64xf32, #tpu.memory_space<vmem>>, vector<1x16xf32>,
      %swap3A_1180 = vector.shape_cast %swap3A_1179 : vector<1x16xf32> to vector<16xf32>
      %swap3A_1181 = vector.shape_cast %get3A_1163 : vector<16xf32> to vector<1x16xf32>
      tpu.vector_store %arg12[%swap3A_1177, %swap3A_1178], %swap3A_1181 {strides = array<i32>} : memref<512x64xf32, #tpu.memory_space<vmem>>, vector<1x16xf32>,
      %swap3A_1182 = arith.index_cast %add3A_1151 : i32 to index
      %swap3A_1183 = arith.constant 32 : index
      %swap3A_1184 = tpu.vector_load %arg12[%swap3A_1182, %swap3A_1183] {strides = array<i32>} : memref<512x64xf32, #tpu.memory_space<vmem>>, vector<1x16xf32>,
      %swap3A_1185 = vector.shape_cast %swap3A_1184 : vector<1x16xf32> to vector<16xf32>
      %swap3A_1186 = vector.shape_cast %get3A_1159 : vector<16xf32> to vector<1x16xf32>
      tpu.vector_store %arg12[%swap3A_1182, %swap3A_1183], %swap3A_1186 {strides = array<i32>} : memref<512x64xf32, #tpu.memory_space<vmem>>, vector<1x16xf32>,
      %swap3A_1187 = arith.index_cast %add3A_1151 : i32 to index
      %swap3A_1188 = arith.constant 48 : index
      %swap3A_1189 = tpu.vector_load %arg12[%swap3A_1187, %swap3A_1188] {strides = array<i32>} : memref<512x64xf32, #tpu.memory_space<vmem>>, vector<1x16xf32>,
      %swap3A_1190 = vector.shape_cast %swap3A_1189 : vector<1x16xf32> to vector<16xf32>
      %swap3A_1191 = vector.shape_cast %get3A_1163 : vector<16xf32> to vector<1x16xf32>
      tpu.vector_store %arg12[%swap3A_1187, %swap3A_1188], %swap3A_1191 {strides = array<i32>} : memref<512x64xf32, #tpu.memory_space<vmem>>, vector<1x16xf32>,
      %swap3A_1192 = arith.index_cast %add3A_1151 : i32 to index
      %swap3A_1193 = arith.constant 0 : index
      %swap3A_1194 = tpu.vector_load %arg13[%swap3A_1192, %swap3A_1193] {strides = array<i32>} : memref<512x64xf32, #tpu.memory_space<vmem>>, vector<1x16xf32>,
      %swap3A_1195 = vector.shape_cast %swap3A_1194 : vector<1x16xf32> to vector<16xf32>
      %swap3A_1196 = vector.shape_cast %get3A_1167 : vector<16xf32> to vector<1x16xf32>
      tpu.vector_store %arg13[%swap3A_1192, %swap3A_1193], %swap3A_1196 {strides = array<i32>} : memref<512x64xf32, #tpu.memory_space<vmem>>, vector<1x16xf32>,
      %swap3A_1197 = arith.index_cast %add3A_1151 : i32 to index
      %swap3A_1198 = arith.constant 16 : index
      %swap3A_1199 = tpu.vector_load %arg13[%swap3A_1197, %swap3A_1198] {strides = array<i32>} : memref<512x64xf32, #tpu.memory_space<vmem>>, vector<1x16xf32>,
      %swap3A_1200 = vector.shape_cast %swap3A_1199 : vector<1x16xf32> to vector<16xf32>
      %swap3A_1201 = vector.shape_cast %get3A_1171 : vector<16xf32> to vector<1x16xf32>
      tpu.vector_store %arg13[%swap3A_1197, %swap3A_1198], %swap3A_1201 {strides = array<i32>} : memref<512x64xf32, #tpu.memory_space<vmem>>, vector<1x16xf32>,
      %swap3A_1202 = arith.index_cast %add3A_1151 : i32 to index
      %swap3A_1203 = arith.constant 32 : index
      %swap3A_1204 = tpu.vector_load %arg13[%swap3A_1202, %swap3A_1203] {strides = array<i32>} : memref<512x64xf32, #tpu.memory_space<vmem>>, vector<1x16xf32>,
      %swap3A_1205 = vector.shape_cast %swap3A_1204 : vector<1x16xf32> to vector<16xf32>
      %swap3A_1206 = vector.shape_cast %get3A_1167 : vector<16xf32> to vector<1x16xf32>
      tpu.vector_store %arg13[%swap3A_1202, %swap3A_1203], %swap3A_1206 {strides = array<i32>} : memref<512x64xf32, #tpu.memory_space<vmem>>, vector<1x16xf32>,
      %swap3A_1207 = arith.index_cast %add3A_1151 : i32 to index
      %swap3A_1208 = arith.constant 48 : index
      %swap3A_1209 = tpu.vector_load %arg13[%swap3A_1207, %swap3A_1208] {strides = array<i32>} : memref<512x64xf32, #tpu.memory_space<vmem>>, vector<1x16xf32>,
      %swap3A_1210 = vector.shape_cast %swap3A_1209 : vector<1x16xf32> to vector<16xf32>
      %swap3A_1211 = vector.shape_cast %get3A_1171 : vector<16xf32> to vector<1x16xf32>
      tpu.vector_store %arg13[%swap3A_1207, %swap3A_1208], %swap3A_1211 {strides = array<i32>} : memref<512x64xf32, #tpu.memory_space<vmem>>, vector<1x16xf32>,
      %add3A_1212 = arith.constant 15 : i32
      %add3A_1213 = arith.addi %mul3A_277, %add3A_1212 : i32
      %slice3A_1214 = vector.extract_strided_slice %shift_right_logical3A_282 {offsets = [15], sizes = [1], strides = [1]} : vector<16xi32> to vector<1xi32>
      %squeeze3A_1215 = vector.extract %slice3A_1214[0] : i32 from vector<1xi32>
      %slice3A_1216 = vector.extract_strided_slice %and3A_284 {offsets = [15], sizes = [1], strides = [1]} : vector<16xi32> to vector<1xi32>
      %squeeze3A_1217 = vector.extract %slice3A_1216[0] : i32 from vector<1xi32>
      %get3A_1218 = arith.index_cast %squeeze3A_1215 : i32 to index
      %get3A_1219 = arith.constant 0 : index
      %get3A_1220 = tpu.vector_load %arg8[%get3A_1218, %get3A_1219] {strides = array<i32>} : memref<64x16xf32, #tpu.memory_space<vmem>>, vector<1x16xf32>,
      %get3A_1221 = vector.shape_cast %get3A_1220 : vector<1x16xf32> to vector<16xf32>
      %get3A_1222 = arith.index_cast %squeeze3A_1217 : i32 to index
      %get3A_1223 = arith.constant 0 : index
      %get3A_1224 = tpu.vector_load %arg10[%get3A_1222, %get3A_1223] {strides = array<i32>} : memref<64x16xf32, #tpu.memory_space<vmem>>, vector<1x16xf32>,
      %get3A_1225 = vector.shape_cast %get3A_1224 : vector<1x16xf32> to vector<16xf32>
      %get3A_1226 = arith.index_cast %squeeze3A_1215 : i32 to index
      %get3A_1227 = arith.constant 0 : index
      %get3A_1228 = tpu.vector_load %arg9[%get3A_1226, %get3A_1227] {strides = array<i32>} : memref<64x16xf32, #tpu.memory_space<vmem>>, vector<1x16xf32>,
      %get3A_1229 = vector.shape_cast %get3A_1228 : vector<1x16xf32> to vector<16xf32>
      %get3A_1230 = arith.index_cast %squeeze3A_1217 : i32 to index
      %get3A_1231 = arith.constant 0 : index
      %get3A_1232 = tpu.vector_load %arg11[%get3A_1230, %get3A_1231] {strides = array<i32>} : memref<64x16xf32, #tpu.memory_space<vmem>>, vector<1x16xf32>,
      %get3A_1233 = vector.shape_cast %get3A_1232 : vector<1x16xf32> to vector<16xf32>
      %swap3A_1234 = arith.index_cast %add3A_1213 : i32 to index
      %swap3A_1235 = arith.constant 0 : index
      %swap3A_1236 = tpu.vector_load %arg12[%swap3A_1234, %swap3A_1235] {strides = array<i32>} : memref<512x64xf32, #tpu.memory_space<vmem>>, vector<1x16xf32>,
      %swap3A_1237 = vector.shape_cast %swap3A_1236 : vector<1x16xf32> to vector<16xf32>
      %swap3A_1238 = vector.shape_cast %get3A_1221 : vector<16xf32> to vector<1x16xf32>
      tpu.vector_store %arg12[%swap3A_1234, %swap3A_1235], %swap3A_1238 {strides = array<i32>} : memref<512x64xf32, #tpu.memory_space<vmem>>, vector<1x16xf32>,
      %swap3A_1239 = arith.index_cast %add3A_1213 : i32 to index
      %swap3A_1240 = arith.constant 16 : index
      %swap3A_1241 = tpu.vector_load %arg12[%swap3A_1239, %swap3A_1240] {strides = array<i32>} : memref<512x64xf32, #tpu.memory_space<vmem>>, vector<1x16xf32>,
      %swap3A_1242 = vector.shape_cast %swap3A_1241 : vector<1x16xf32> to vector<16xf32>
      %swap3A_1243 = vector.shape_cast %get3A_1225 : vector<16xf32> to vector<1x16xf32>
      tpu.vector_store %arg12[%swap3A_1239, %swap3A_1240], %swap3A_1243 {strides = array<i32>} : memref<512x64xf32, #tpu.memory_space<vmem>>, vector<1x16xf32>,
      %swap3A_1244 = arith.index_cast %add3A_1213 : i32 to index
      %swap3A_1245 = arith.constant 32 : index
      %swap3A_1246 = tpu.vector_load %arg12[%swap3A_1244, %swap3A_1245] {strides = array<i32>} : memref<512x64xf32, #tpu.memory_space<vmem>>, vector<1x16xf32>,
      %swap3A_1247 = vector.shape_cast %swap3A_1246 : vector<1x16xf32> to vector<16xf32>
      %swap3A_1248 = vector.shape_cast %get3A_1221 : vector<16xf32> to vector<1x16xf32>
      tpu.vector_store %arg12[%swap3A_1244, %swap3A_1245], %swap3A_1248 {strides = array<i32>} : memref<512x64xf32, #tpu.memory_space<vmem>>, vector<1x16xf32>,
      %swap3A_1249 = arith.index_cast %add3A_1213 : i32 to index
      %swap3A_1250 = arith.constant 48 : index
      %swap3A_1251 = tpu.vector_load %arg12[%swap3A_1249, %swap3A_1250] {strides = array<i32>} : memref<512x64xf32, #tpu.memory_space<vmem>>, vector<1x16xf32>,
      %swap3A_1252 = vector.shape_cast %swap3A_1251 : vector<1x16xf32> to vector<16xf32>
      %swap3A_1253 = vector.shape_cast %get3A_1225 : vector<16xf32> to vector<1x16xf32>
      tpu.vector_store %arg12[%swap3A_1249, %swap3A_1250], %swap3A_1253 {strides = array<i32>} : memref<512x64xf32, #tpu.memory_space<vmem>>, vector<1x16xf32>,
      %swap3A_1254 = arith.index_cast %add3A_1213 : i32 to index
      %swap3A_1255 = arith.constant 0 : index
      %swap3A_1256 = tpu.vector_load %arg13[%swap3A_1254, %swap3A_1255] {strides = array<i32>} : memref<512x64xf32, #tpu.memory_space<vmem>>, vector<1x16xf32>,
      %swap3A_1257 = vector.shape_cast %swap3A_1256 : vector<1x16xf32> to vector<16xf32>
      %swap3A_1258 = vector.shape_cast %get3A_1229 : vector<16xf32> to vector<1x16xf32>
      tpu.vector_store %arg13[%swap3A_1254, %swap3A_1255], %swap3A_1258 {strides = array<i32>} : memref<512x64xf32, #tpu.memory_space<vmem>>, vector<1x16xf32>,
      %swap3A_1259 = arith.index_cast %add3A_1213 : i32 to index
      %swap3A_1260 = arith.constant 16 : index
      %swap3A_1261 = tpu.vector_load %arg13[%swap3A_1259, %swap3A_1260] {strides = array<i32>} : memref<512x64xf32, #tpu.memory_space<vmem>>, vector<1x16xf32>,
      %swap3A_1262 = vector.shape_cast %swap3A_1261 : vector<1x16xf32> to vector<16xf32>
      %swap3A_1263 = vector.shape_cast %get3A_1233 : vector<16xf32> to vector<1x16xf32>
      tpu.vector_store %arg13[%swap3A_1259, %swap3A_1260], %swap3A_1263 {strides = array<i32>} : memref<512x64xf32, #tpu.memory_space<vmem>>, vector<1x16xf32>,
      %swap3A_1264 = arith.index_cast %add3A_1213 : i32 to index
      %swap3A_1265 = arith.constant 32 : index
      %swap3A_1266 = tpu.vector_load %arg13[%swap3A_1264, %swap3A_1265] {strides = array<i32>} : memref<512x64xf32, #tpu.memory_space<vmem>>, vector<1x16xf32>,
      %swap3A_1267 = vector.shape_cast %swap3A_1266 : vector<1x16xf32> to vector<16xf32>
      %swap3A_1268 = vector.shape_cast %get3A_1229 : vector<16xf32> to vector<1x16xf32>
      tpu.vector_store %arg13[%swap3A_1264, %swap3A_1265], %swap3A_1268 {strides = array<i32>} : memref<512x64xf32, #tpu.memory_space<vmem>>, vector<1x16xf32>,
      %swap3A_1269 = arith.index_cast %add3A_1213 : i32 to index
      %swap3A_1270 = arith.constant 48 : index
      %swap3A_1271 = tpu.vector_load %arg13[%swap3A_1269, %swap3A_1270] {strides = array<i32>} : memref<512x64xf32, #tpu.memory_space<vmem>>, vector<1x16xf32>,
      %swap3A_1272 = vector.shape_cast %swap3A_1271 : vector<1x16xf32> to vector<16xf32>
      %swap3A_1273 = vector.shape_cast %get3A_1233 : vector<16xf32> to vector<1x16xf32>
      tpu.vector_store %arg13[%swap3A_1269, %swap3A_1270], %swap3A_1273 {strides = array<i32>} : memref<512x64xf32, #tpu.memory_space<vmem>>, vector<1x16xf32>,
      %scan3A_1274 = arith.constant 0 : i32
      scf.yield %scan3A_1274 : i32
    }
    %scan3A_98 = arith.constant 8 : i32
    %dma_start3A_99 = arith.constant 256 : i32
    %dma_start3A_100 = arith.constant 0 : i32
    %dma_start3A_101 = tpu.memref_slice %arg12[%dma_start3A_99, %dma_start3A_100] : memref<512x64xf32, #tpu.memory_space<vmem>> -> memref<128x64xf32, #tpu.memory_space<vmem>>
    %dma_start3A_102 = arith.constant 256 : i32
    %dma_start3A_103 = arith.constant 0 : i32
    %dma_start3A_104 = tpu.memref_slice %arg4[%add3A, %dma_start3A_102, %dma_start3A_103] : memref<32x512x64xf32, #tpu.memory_space<hbm>> -> memref<1x128x64xf32, #tpu.memory_space<hbm>>
    %dma_start3A_105 = tpu.memref_squeeze %dma_start3A_104 : memref<1x128x64xf32, #tpu.memory_space<hbm>> -> memref<128x64xf32, #tpu.memory_space<hbm>>
    %dma_start3A_106 = arith.constant 256 : i32
    %dma_start3A_107 = arith.constant 0 : i32
    %dma_start3A_108 = tpu.memref_slice %arg4[%add3A, %dma_start3A_106, %dma_start3A_107] : memref<32x512x64xf32, #tpu.memory_space<hbm>> -> memref<1x128x64xf32, #tpu.memory_space<hbm>>
    %dma_start3A_109 = tpu.memref_squeeze %dma_start3A_108 : memref<1x128x64xf32, #tpu.memory_space<hbm>> -> memref<128x64xf32, #tpu.memory_space<hbm>>
    %dma_start3A_110 = arith.constant 256 : i32
    %dma_start3A_111 = arith.constant 0 : i32
    %dma_start3A_112 = tpu.memref_slice %arg12[%dma_start3A_110, %dma_start3A_111] : memref<512x64xf32, #tpu.memory_space<vmem>> -> memref<128x64xf32, #tpu.memory_space<vmem>>
    tpu.enqueue_dma source(%dma_start3A_112 : memref<128x64xf32, #tpu.memory_space<vmem>>) target(%dma_start3A_109 : memref<128x64xf32, #tpu.memory_space<hbm>>) target_semaphore(%arg14 : memref<!tpu.dma_semaphore, #tpu.memory_space<semaphore_mem>>)
    %dma_start3A_113 = arith.constant 256 : i32
    %dma_start3A_114 = arith.constant 0 : i32
    %dma_start3A_115 = tpu.memref_slice %arg13[%dma_start3A_113, %dma_start3A_114] : memref<512x64xf32, #tpu.memory_space<vmem>> -> memref<128x64xf32, #tpu.memory_space<vmem>>
    %dma_start3A_116 = arith.constant 256 : i32
    %dma_start3A_117 = arith.constant 0 : i32
    %dma_start3A_118 = tpu.memref_slice %arg5[%add3A, %dma_start3A_116, %dma_start3A_117] : memref<32x512x64xf32, #tpu.memory_space<hbm>> -> memref<1x128x64xf32, #tpu.memory_space<hbm>>
    %dma_start3A_119 = tpu.memref_squeeze %dma_start3A_118 : memref<1x128x64xf32, #tpu.memory_space<hbm>> -> memref<128x64xf32, #tpu.memory_space<hbm>>
    %dma_start3A_120 = arith.constant 256 : i32
    %dma_start3A_121 = arith.constant 0 : i32
    %dma_start3A_122 = tpu.memref_slice %arg5[%add3A, %dma_start3A_120, %dma_start3A_121] : memref<32x512x64xf32, #tpu.memory_space<hbm>> -> memref<1x128x64xf32, #tpu.memory_space<hbm>>
    %dma_start3A_123 = tpu.memref_squeeze %dma_start3A_122 : memref<1x128x64xf32, #tpu.memory_space<hbm>> -> memref<128x64xf32, #tpu.memory_space<hbm>>
    %dma_start3A_124 = arith.constant 256 : i32
    %dma_start3A_125 = arith.constant 0 : i32
    %dma_start3A_126 = tpu.memref_slice %arg13[%dma_start3A_124, %dma_start3A_125] : memref<512x64xf32, #tpu.memory_space<vmem>> -> memref<128x64xf32, #tpu.memory_space<vmem>>
    tpu.enqueue_dma source(%dma_start3A_126 : memref<128x64xf32, #tpu.memory_space<vmem>>) target(%dma_start3A_123 : memref<128x64xf32, #tpu.memory_space<hbm>>) target_semaphore(%arg14 : memref<!tpu.dma_semaphore, #tpu.memory_space<semaphore_mem>>)
    %scan3A_127 = arith.constant 0 : i32
    %scan3A_128 = arith.constant 24 : i32
    %scan3A_129 = arith.constant 8 : i32
    %scan3A_130 = arith.addi %scan3A_128, %scan3A_129 : i32
    %scan3A_131 = arith.constant 1 : i32
    %scan3A_132 = scf.for %scan3A_274 = %scan3A_128 to %scan3A_130 step %scan3A_131 iter_args(%scan3A_275 = %scan3A_127) -> (i32)  : i32 {
      %mul3A_276 = arith.constant 16 : i32
      %mul3A_277 = arith.muli %scan3A_274, %mul3A_276 : i32
      %get3A_278 = arith.index_cast %mul3A_277 : i32 to index
      %get3A_279 = tpu.vector_load %arg6[%get3A_278] {strides = array<i32>} : memref<512xi32, #tpu.memory_space<vmem>>, vector<16xi32>,
      %get3A_280 = vector.shape_cast %get3A_279 : vector<16xi32> to vector<16xi32>
      %shift_right_logical3A = arith.constant 6 : i32
      %shift_right_logical3A_281 = vector.broadcast %shift_right_logical3A : i32 to vector<16xi32>
      %shift_right_logical3A_282 = arith.shrui %get3A_280, %shift_right_logical3A_281 : vector<16xi32>
      %and3A = arith.constant 63 : i32
      %and3A_283 = vector.broadcast %and3A : i32 to vector<16xi32>
      %and3A_284 = arith.andi %get3A_280, %and3A_283 : vector<16xi32>
      %add3A_285 = arith.constant 0 : i32
      %add3A_286 = arith.addi %mul3A_277, %add3A_285 : i32
      %slice3A = vector.extract_strided_slice %shift_right_logical3A_282 {offsets = [0], sizes = [1], strides = [1]} : vector<16xi32> to vector<1xi32>
      %squeeze3A = vector.extract %slice3A[0] : i32 from vector<1xi32>
      %slice3A_287 = vector.extract_strided_slice %and3A_284 {offsets = [0], sizes = [1], strides = [1]} : vector<16xi32> to vector<1xi32>
      %squeeze3A_288 = vector.extract %slice3A_287[0] : i32 from vector<1xi32>
      %get3A_289 = arith.index_cast %squeeze3A : i32 to index
      %get3A_290 = arith.constant 0 : index
      %get3A_291 = tpu.vector_load %arg8[%get3A_289, %get3A_290] {strides = array<i32>} : memref<64x16xf32, #tpu.memory_space<vmem>>, vector<1x16xf32>,
      %get3A_292 = vector.shape_cast %get3A_291 : vector<1x16xf32> to vector<16xf32>
      %get3A_293 = arith.index_cast %squeeze3A_288 : i32 to index
      %get3A_294 = arith.constant 0 : index
      %get3A_295 = tpu.vector_load %arg10[%get3A_293, %get3A_294] {strides = array<i32>} : memref<64x16xf32, #tpu.memory_space<vmem>>, vector<1x16xf32>,
      %get3A_296 = vector.shape_cast %get3A_295 : vector<1x16xf32> to vector<16xf32>
      %get3A_297 = arith.index_cast %squeeze3A : i32 to index
      %get3A_298 = arith.constant 0 : index
      %get3A_299 = tpu.vector_load %arg9[%get3A_297, %get3A_298] {strides = array<i32>} : memref<64x16xf32, #tpu.memory_space<vmem>>, vector<1x16xf32>,
      %get3A_300 = vector.shape_cast %get3A_299 : vector<1x16xf32> to vector<16xf32>
      %get3A_301 = arith.index_cast %squeeze3A_288 : i32 to index
      %get3A_302 = arith.constant 0 : index
      %get3A_303 = tpu.vector_load %arg11[%get3A_301, %get3A_302] {strides = array<i32>} : memref<64x16xf32, #tpu.memory_space<vmem>>, vector<1x16xf32>,
      %get3A_304 = vector.shape_cast %get3A_303 : vector<1x16xf32> to vector<16xf32>
      %swap3A = arith.index_cast %add3A_286 : i32 to index
      %swap3A_305 = arith.constant 0 : index
      %swap3A_306 = tpu.vector_load %arg12[%swap3A, %swap3A_305] {strides = array<i32>} : memref<512x64xf32, #tpu.memory_space<vmem>>, vector<1x16xf32>,
      %swap3A_307 = vector.shape_cast %swap3A_306 : vector<1x16xf32> to vector<16xf32>
      %swap3A_308 = vector.shape_cast %get3A_292 : vector<16xf32> to vector<1x16xf32>
      tpu.vector_store %arg12[%swap3A, %swap3A_305], %swap3A_308 {strides = array<i32>} : memref<512x64xf32, #tpu.memory_space<vmem>>, vector<1x16xf32>,
      %swap3A_309 = arith.index_cast %add3A_286 : i32 to index
      %swap3A_310 = arith.constant 16 : index
      %swap3A_311 = tpu.vector_load %arg12[%swap3A_309, %swap3A_310] {strides = array<i32>} : memref<512x64xf32, #tpu.memory_space<vmem>>, vector<1x16xf32>,
      %swap3A_312 = vector.shape_cast %swap3A_311 : vector<1x16xf32> to vector<16xf32>
      %swap3A_313 = vector.shape_cast %get3A_296 : vector<16xf32> to vector<1x16xf32>
      tpu.vector_store %arg12[%swap3A_309, %swap3A_310], %swap3A_313 {strides = array<i32>} : memref<512x64xf32, #tpu.memory_space<vmem>>, vector<1x16xf32>,
      %swap3A_314 = arith.index_cast %add3A_286 : i32 to index
      %swap3A_315 = arith.constant 32 : index
      %swap3A_316 = tpu.vector_load %arg12[%swap3A_314, %swap3A_315] {strides = array<i32>} : memref<512x64xf32, #tpu.memory_space<vmem>>, vector<1x16xf32>,
      %swap3A_317 = vector.shape_cast %swap3A_316 : vector<1x16xf32> to vector<16xf32>
      %swap3A_318 = vector.shape_cast %get3A_292 : vector<16xf32> to vector<1x16xf32>
      tpu.vector_store %arg12[%swap3A_314, %swap3A_315], %swap3A_318 {strides = array<i32>} : memref<512x64xf32, #tpu.memory_space<vmem>>, vector<1x16xf32>,
      %swap3A_319 = arith.index_cast %add3A_286 : i32 to index
      %swap3A_320 = arith.constant 48 : index
      %swap3A_321 = tpu.vector_load %arg12[%swap3A_319, %swap3A_320] {strides = array<i32>} : memref<512x64xf32, #tpu.memory_space<vmem>>, vector<1x16xf32>,
      %swap3A_322 = vector.shape_cast %swap3A_321 : vector<1x16xf32> to vector<16xf32>
      %swap3A_323 = vector.shape_cast %get3A_296 : vector<16xf32> to vector<1x16xf32>
      tpu.vector_store %arg12[%swap3A_319, %swap3A_320], %swap3A_323 {strides = array<i32>} : memref<512x64xf32, #tpu.memory_space<vmem>>, vector<1x16xf32>,
      %swap3A_324 = arith.index_cast %add3A_286 : i32 to index
      %swap3A_325 = arith.constant 0 : index
      %swap3A_326 = tpu.vector_load %arg13[%swap3A_324, %swap3A_325] {strides = array<i32>} : memref<512x64xf32, #tpu.memory_space<vmem>>, vector<1x16xf32>,
      %swap3A_327 = vector.shape_cast %swap3A_326 : vector<1x16xf32> to vector<16xf32>
      %swap3A_328 = vector.shape_cast %get3A_300 : vector<16xf32> to vector<1x16xf32>
      tpu.vector_store %arg13[%swap3A_324, %swap3A_325], %swap3A_328 {strides = array<i32>} : memref<512x64xf32, #tpu.memory_space<vmem>>, vector<1x16xf32>,
      %swap3A_329 = arith.index_cast %add3A_286 : i32 to index
      %swap3A_330 = arith.constant 16 : index
      %swap3A_331 = tpu.vector_load %arg13[%swap3A_329, %swap3A_330] {strides = array<i32>} : memref<512x64xf32, #tpu.memory_space<vmem>>, vector<1x16xf32>,
      %swap3A_332 = vector.shape_cast %swap3A_331 : vector<1x16xf32> to vector<16xf32>
      %swap3A_333 = vector.shape_cast %get3A_304 : vector<16xf32> to vector<1x16xf32>
      tpu.vector_store %arg13[%swap3A_329, %swap3A_330], %swap3A_333 {strides = array<i32>} : memref<512x64xf32, #tpu.memory_space<vmem>>, vector<1x16xf32>,
      %swap3A_334 = arith.index_cast %add3A_286 : i32 to index
      %swap3A_335 = arith.constant 32 : index
      %swap3A_336 = tpu.vector_load %arg13[%swap3A_334, %swap3A_335] {strides = array<i32>} : memref<512x64xf32, #tpu.memory_space<vmem>>, vector<1x16xf32>,
      %swap3A_337 = vector.shape_cast %swap3A_336 : vector<1x16xf32> to vector<16xf32>
      %swap3A_338 = vector.shape_cast %get3A_300 : vector<16xf32> to vector<1x16xf32>
      tpu.vector_store %arg13[%swap3A_334, %swap3A_335], %swap3A_338 {strides = array<i32>} : memref<512x64xf32, #tpu.memory_space<vmem>>, vector<1x16xf32>,
      %swap3A_339 = arith.index_cast %add3A_286 : i32 to index
      %swap3A_340 = arith.constant 48 : index
      %swap3A_341 = tpu.vector_load %arg13[%swap3A_339, %swap3A_340] {strides = array<i32>} : memref<512x64xf32, #tpu.memory_space<vmem>>, vector<1x16xf32>,
      %swap3A_342 = vector.shape_cast %swap3A_341 : vector<1x16xf32> to vector<16xf32>
      %swap3A_343 = vector.shape_cast %get3A_304 : vector<16xf32> to vector<1x16xf32>
      tpu.vector_store %arg13[%swap3A_339, %swap3A_340], %swap3A_343 {strides = array<i32>} : memref<512x64xf32, #tpu.memory_space<vmem>>, vector<1x16xf32>,
      %add3A_344 = arith.constant 1 : i32
      %add3A_345 = arith.addi %mul3A_277, %add3A_344 : i32
      %slice3A_346 = vector.extract_strided_slice %shift_right_logical3A_282 {offsets = [1], sizes = [1], strides = [1]} : vector<16xi32> to vector<1xi32>
      %squeeze3A_347 = vector.extract %slice3A_346[0] : i32 from vector<1xi32>
      %slice3A_348 = vector.extract_strided_slice %and3A_284 {offsets = [1], sizes = [1], strides = [1]} : vector<16xi32> to vector<1xi32>
      %squeeze3A_349 = vector.extract %slice3A_348[0] : i32 from vector<1xi32>
      %get3A_350 = arith.index_cast %squeeze3A_347 : i32 to index
      %get3A_351 = arith.constant 0 : index
      %get3A_352 = tpu.vector_load %arg8[%get3A_350, %get3A_351] {strides = array<i32>} : memref<64x16xf32, #tpu.memory_space<vmem>>, vector<1x16xf32>,
      %get3A_353 = vector.shape_cast %get3A_352 : vector<1x16xf32> to vector<16xf32>
      %get3A_354 = arith.index_cast %squeeze3A_349 : i32 to index
      %get3A_355 = arith.constant 0 : index
      %get3A_356 = tpu.vector_load %arg10[%get3A_354, %get3A_355] {strides = array<i32>} : memref<64x16xf32, #tpu.memory_space<vmem>>, vector<1x16xf32>,
      %get3A_357 = vector.shape_cast %get3A_356 : vector<1x16xf32> to vector<16xf32>
      %get3A_358 = arith.index_cast %squeeze3A_347 : i32 to index
      %get3A_359 = arith.constant 0 : index
      %get3A_360 = tpu.vector_load %arg9[%get3A_358, %get3A_359] {strides = array<i32>} : memref<64x16xf32, #tpu.memory_space<vmem>>, vector<1x16xf32>,
      %get3A_361 = vector.shape_cast %get3A_360 : vector<1x16xf32> to vector<16xf32>
      %get3A_362 = arith.index_cast %squeeze3A_349 : i32 to index
      %get3A_363 = arith.constant 0 : index
      %get3A_364 = tpu.vector_load %arg11[%get3A_362, %get3A_363] {strides = array<i32>} : memref<64x16xf32, #tpu.memory_space<vmem>>, vector<1x16xf32>,
      %get3A_365 = vector.shape_cast %get3A_364 : vector<1x16xf32> to vector<16xf32>
      %swap3A_366 = arith.index_cast %add3A_345 : i32 to index
      %swap3A_367 = arith.constant 0 : index
      %swap3A_368 = tpu.vector_load %arg12[%swap3A_366, %swap3A_367] {strides = array<i32>} : memref<512x64xf32, #tpu.memory_space<vmem>>, vector<1x16xf32>,
      %swap3A_369 = vector.shape_cast %swap3A_368 : vector<1x16xf32> to vector<16xf32>
      %swap3A_370 = vector.shape_cast %get3A_353 : vector<16xf32> to vector<1x16xf32>
      tpu.vector_store %arg12[%swap3A_366, %swap3A_367], %swap3A_370 {strides = array<i32>} : memref<512x64xf32, #tpu.memory_space<vmem>>, vector<1x16xf32>,
      %swap3A_371 = arith.index_cast %add3A_345 : i32 to index
      %swap3A_372 = arith.constant 16 : index
      %swap3A_373 = tpu.vector_load %arg12[%swap3A_371, %swap3A_372] {strides = array<i32>} : memref<512x64xf32, #tpu.memory_space<vmem>>, vector<1x16xf32>,
      %swap3A_374 = vector.shape_cast %swap3A_373 : vector<1x16xf32> to vector<16xf32>
      %swap3A_375 = vector.shape_cast %get3A_357 : vector<16xf32> to vector<1x16xf32>
      tpu.vector_store %arg12[%swap3A_371, %swap3A_372], %swap3A_375 {strides = array<i32>} : memref<512x64xf32, #tpu.memory_space<vmem>>, vector<1x16xf32>,
      %swap3A_376 = arith.index_cast %add3A_345 : i32 to index
      %swap3A_377 = arith.constant 32 : index
      %swap3A_378 = tpu.vector_load %arg12[%swap3A_376, %swap3A_377] {strides = array<i32>} : memref<512x64xf32, #tpu.memory_space<vmem>>, vector<1x16xf32>,
      %swap3A_379 = vector.shape_cast %swap3A_378 : vector<1x16xf32> to vector<16xf32>
      %swap3A_380 = vector.shape_cast %get3A_353 : vector<16xf32> to vector<1x16xf32>
      tpu.vector_store %arg12[%swap3A_376, %swap3A_377], %swap3A_380 {strides = array<i32>} : memref<512x64xf32, #tpu.memory_space<vmem>>, vector<1x16xf32>,
      %swap3A_381 = arith.index_cast %add3A_345 : i32 to index
      %swap3A_382 = arith.constant 48 : index
      %swap3A_383 = tpu.vector_load %arg12[%swap3A_381, %swap3A_382] {strides = array<i32>} : memref<512x64xf32, #tpu.memory_space<vmem>>, vector<1x16xf32>,
      %swap3A_384 = vector.shape_cast %swap3A_383 : vector<1x16xf32> to vector<16xf32>
      %swap3A_385 = vector.shape_cast %get3A_357 : vector<16xf32> to vector<1x16xf32>
      tpu.vector_store %arg12[%swap3A_381, %swap3A_382], %swap3A_385 {strides = array<i32>} : memref<512x64xf32, #tpu.memory_space<vmem>>, vector<1x16xf32>,
      %swap3A_386 = arith.index_cast %add3A_345 : i32 to index
      %swap3A_387 = arith.constant 0 : index
      %swap3A_388 = tpu.vector_load %arg13[%swap3A_386, %swap3A_387] {strides = array<i32>} : memref<512x64xf32, #tpu.memory_space<vmem>>, vector<1x16xf32>,
      %swap3A_389 = vector.shape_cast %swap3A_388 : vector<1x16xf32> to vector<16xf32>
      %swap3A_390 = vector.shape_cast %get3A_361 : vector<16xf32> to vector<1x16xf32>
      tpu.vector_store %arg13[%swap3A_386, %swap3A_387], %swap3A_390 {strides = array<i32>} : memref<512x64xf32, #tpu.memory_space<vmem>>, vector<1x16xf32>,
      %swap3A_391 = arith.index_cast %add3A_345 : i32 to index
      %swap3A_392 = arith.constant 16 : index
      %swap3A_393 = tpu.vector_load %arg13[%swap3A_391, %swap3A_392] {strides = array<i32>} : memref<512x64xf32, #tpu.memory_space<vmem>>, vector<1x16xf32>,
      %swap3A_394 = vector.shape_cast %swap3A_393 : vector<1x16xf32> to vector<16xf32>
      %swap3A_395 = vector.shape_cast %get3A_365 : vector<16xf32> to vector<1x16xf32>
      tpu.vector_store %arg13[%swap3A_391, %swap3A_392], %swap3A_395 {strides = array<i32>} : memref<512x64xf32, #tpu.memory_space<vmem>>, vector<1x16xf32>,
      %swap3A_396 = arith.index_cast %add3A_345 : i32 to index
      %swap3A_397 = arith.constant 32 : index
      %swap3A_398 = tpu.vector_load %arg13[%swap3A_396, %swap3A_397] {strides = array<i32>} : memref<512x64xf32, #tpu.memory_space<vmem>>, vector<1x16xf32>,
      %swap3A_399 = vector.shape_cast %swap3A_398 : vector<1x16xf32> to vector<16xf32>
      %swap3A_400 = vector.shape_cast %get3A_361 : vector<16xf32> to vector<1x16xf32>
      tpu.vector_store %arg13[%swap3A_396, %swap3A_397], %swap3A_400 {strides = array<i32>} : memref<512x64xf32, #tpu.memory_space<vmem>>, vector<1x16xf32>,
      %swap3A_401 = arith.index_cast %add3A_345 : i32 to index
      %swap3A_402 = arith.constant 48 : index
      %swap3A_403 = tpu.vector_load %arg13[%swap3A_401, %swap3A_402] {strides = array<i32>} : memref<512x64xf32, #tpu.memory_space<vmem>>, vector<1x16xf32>,
      %swap3A_404 = vector.shape_cast %swap3A_403 : vector<1x16xf32> to vector<16xf32>
      %swap3A_405 = vector.shape_cast %get3A_365 : vector<16xf32> to vector<1x16xf32>
      tpu.vector_store %arg13[%swap3A_401, %swap3A_402], %swap3A_405 {strides = array<i32>} : memref<512x64xf32, #tpu.memory_space<vmem>>, vector<1x16xf32>,
      %add3A_406 = arith.constant 2 : i32
      %add3A_407 = arith.addi %mul3A_277, %add3A_406 : i32
      %slice3A_408 = vector.extract_strided_slice %shift_right_logical3A_282 {offsets = [2], sizes = [1], strides = [1]} : vector<16xi32> to vector<1xi32>
      %squeeze3A_409 = vector.extract %slice3A_408[0] : i32 from vector<1xi32>
      %slice3A_410 = vector.extract_strided_slice %and3A_284 {offsets = [2], sizes = [1], strides = [1]} : vector<16xi32> to vector<1xi32>
      %squeeze3A_411 = vector.extract %slice3A_410[0] : i32 from vector<1xi32>
      %get3A_412 = arith.index_cast %squeeze3A_409 : i32 to index
      %get3A_413 = arith.constant 0 : index
      %get3A_414 = tpu.vector_load %arg8[%get3A_412, %get3A_413] {strides = array<i32>} : memref<64x16xf32, #tpu.memory_space<vmem>>, vector<1x16xf32>,
      %get3A_415 = vector.shape_cast %get3A_414 : vector<1x16xf32> to vector<16xf32>
      %get3A_416 = arith.index_cast %squeeze3A_411 : i32 to index
      %get3A_417 = arith.constant 0 : index
      %get3A_418 = tpu.vector_load %arg10[%get3A_416, %get3A_417] {strides = array<i32>} : memref<64x16xf32, #tpu.memory_space<vmem>>, vector<1x16xf32>,
      %get3A_419 = vector.shape_cast %get3A_418 : vector<1x16xf32> to vector<16xf32>
      %get3A_420 = arith.index_cast %squeeze3A_409 : i32 to index
      %get3A_421 = arith.constant 0 : index
      %get3A_422 = tpu.vector_load %arg9[%get3A_420, %get3A_421] {strides = array<i32>} : memref<64x16xf32, #tpu.memory_space<vmem>>, vector<1x16xf32>,
      %get3A_423 = vector.shape_cast %get3A_422 : vector<1x16xf32> to vector<16xf32>
      %get3A_424 = arith.index_cast %squeeze3A_411 : i32 to index
      %get3A_425 = arith.constant 0 : index
      %get3A_426 = tpu.vector_load %arg11[%get3A_424, %get3A_425] {strides = array<i32>} : memref<64x16xf32, #tpu.memory_space<vmem>>, vector<1x16xf32>,
      %get3A_427 = vector.shape_cast %get3A_426 : vector<1x16xf32> to vector<16xf32>
      %swap3A_428 = arith.index_cast %add3A_407 : i32 to index
      %swap3A_429 = arith.constant 0 : index
      %swap3A_430 = tpu.vector_load %arg12[%swap3A_428, %swap3A_429] {strides = array<i32>} : memref<512x64xf32, #tpu.memory_space<vmem>>, vector<1x16xf32>,
      %swap3A_431 = vector.shape_cast %swap3A_430 : vector<1x16xf32> to vector<16xf32>
      %swap3A_432 = vector.shape_cast %get3A_415 : vector<16xf32> to vector<1x16xf32>
      tpu.vector_store %arg12[%swap3A_428, %swap3A_429], %swap3A_432 {strides = array<i32>} : memref<512x64xf32, #tpu.memory_space<vmem>>, vector<1x16xf32>,
      %swap3A_433 = arith.index_cast %add3A_407 : i32 to index
      %swap3A_434 = arith.constant 16 : index
      %swap3A_435 = tpu.vector_load %arg12[%swap3A_433, %swap3A_434] {strides = array<i32>} : memref<512x64xf32, #tpu.memory_space<vmem>>, vector<1x16xf32>,
      %swap3A_436 = vector.shape_cast %swap3A_435 : vector<1x16xf32> to vector<16xf32>
      %swap3A_437 = vector.shape_cast %get3A_419 : vector<16xf32> to vector<1x16xf32>
      tpu.vector_store %arg12[%swap3A_433, %swap3A_434], %swap3A_437 {strides = array<i32>} : memref<512x64xf32, #tpu.memory_space<vmem>>, vector<1x16xf32>,
      %swap3A_438 = arith.index_cast %add3A_407 : i32 to index
      %swap3A_439 = arith.constant 32 : index
      %swap3A_440 = tpu.vector_load %arg12[%swap3A_438, %swap3A_439] {strides = array<i32>} : memref<512x64xf32, #tpu.memory_space<vmem>>, vector<1x16xf32>,
      %swap3A_441 = vector.shape_cast %swap3A_440 : vector<1x16xf32> to vector<16xf32>
      %swap3A_442 = vector.shape_cast %get3A_415 : vector<16xf32> to vector<1x16xf32>
      tpu.vector_store %arg12[%swap3A_438, %swap3A_439], %swap3A_442 {strides = array<i32>} : memref<512x64xf32, #tpu.memory_space<vmem>>, vector<1x16xf32>,
      %swap3A_443 = arith.index_cast %add3A_407 : i32 to index
      %swap3A_444 = arith.constant 48 : index
      %swap3A_445 = tpu.vector_load %arg12[%swap3A_443, %swap3A_444] {strides = array<i32>} : memref<512x64xf32, #tpu.memory_space<vmem>>, vector<1x16xf32>,
      %swap3A_446 = vector.shape_cast %swap3A_445 : vector<1x16xf32> to vector<16xf32>
      %swap3A_447 = vector.shape_cast %get3A_419 : vector<16xf32> to vector<1x16xf32>
      tpu.vector_store %arg12[%swap3A_443, %swap3A_444], %swap3A_447 {strides = array<i32>} : memref<512x64xf32, #tpu.memory_space<vmem>>, vector<1x16xf32>,
      %swap3A_448 = arith.index_cast %add3A_407 : i32 to index
      %swap3A_449 = arith.constant 0 : index
      %swap3A_450 = tpu.vector_load %arg13[%swap3A_448, %swap3A_449] {strides = array<i32>} : memref<512x64xf32, #tpu.memory_space<vmem>>, vector<1x16xf32>,
      %swap3A_451 = vector.shape_cast %swap3A_450 : vector<1x16xf32> to vector<16xf32>
      %swap3A_452 = vector.shape_cast %get3A_423 : vector<16xf32> to vector<1x16xf32>
      tpu.vector_store %arg13[%swap3A_448, %swap3A_449], %swap3A_452 {strides = array<i32>} : memref<512x64xf32, #tpu.memory_space<vmem>>, vector<1x16xf32>,
      %swap3A_453 = arith.index_cast %add3A_407 : i32 to index
      %swap3A_454 = arith.constant 16 : index
      %swap3A_455 = tpu.vector_load %arg13[%swap3A_453, %swap3A_454] {strides = array<i32>} : memref<512x64xf32, #tpu.memory_space<vmem>>, vector<1x16xf32>,
      %swap3A_456 = vector.shape_cast %swap3A_455 : vector<1x16xf32> to vector<16xf32>
      %swap3A_457 = vector.shape_cast %get3A_427 : vector<16xf32> to vector<1x16xf32>
      tpu.vector_store %arg13[%swap3A_453, %swap3A_454], %swap3A_457 {strides = array<i32>} : memref<512x64xf32, #tpu.memory_space<vmem>>, vector<1x16xf32>,
      %swap3A_458 = arith.index_cast %add3A_407 : i32 to index
      %swap3A_459 = arith.constant 32 : index
      %swap3A_460 = tpu.vector_load %arg13[%swap3A_458, %swap3A_459] {strides = array<i32>} : memref<512x64xf32, #tpu.memory_space<vmem>>, vector<1x16xf32>,
      %swap3A_461 = vector.shape_cast %swap3A_460 : vector<1x16xf32> to vector<16xf32>
      %swap3A_462 = vector.shape_cast %get3A_423 : vector<16xf32> to vector<1x16xf32>
      tpu.vector_store %arg13[%swap3A_458, %swap3A_459], %swap3A_462 {strides = array<i32>} : memref<512x64xf32, #tpu.memory_space<vmem>>, vector<1x16xf32>,
      %swap3A_463 = arith.index_cast %add3A_407 : i32 to index
      %swap3A_464 = arith.constant 48 : index
      %swap3A_465 = tpu.vector_load %arg13[%swap3A_463, %swap3A_464] {strides = array<i32>} : memref<512x64xf32, #tpu.memory_space<vmem>>, vector<1x16xf32>,
      %swap3A_466 = vector.shape_cast %swap3A_465 : vector<1x16xf32> to vector<16xf32>
      %swap3A_467 = vector.shape_cast %get3A_427 : vector<16xf32> to vector<1x16xf32>
      tpu.vector_store %arg13[%swap3A_463, %swap3A_464], %swap3A_467 {strides = array<i32>} : memref<512x64xf32, #tpu.memory_space<vmem>>, vector<1x16xf32>,
      %add3A_468 = arith.constant 3 : i32
      %add3A_469 = arith.addi %mul3A_277, %add3A_468 : i32
      %slice3A_470 = vector.extract_strided_slice %shift_right_logical3A_282 {offsets = [3], sizes = [1], strides = [1]} : vector<16xi32> to vector<1xi32>
      %squeeze3A_471 = vector.extract %slice3A_470[0] : i32 from vector<1xi32>
      %slice3A_472 = vector.extract_strided_slice %and3A_284 {offsets = [3], sizes = [1], strides = [1]} : vector<16xi32> to vector<1xi32>
      %squeeze3A_473 = vector.extract %slice3A_472[0] : i32 from vector<1xi32>
      %get3A_474 = arith.index_cast %squeeze3A_471 : i32 to index
      %get3A_475 = arith.constant 0 : index
      %get3A_476 = tpu.vector_load %arg8[%get3A_474, %get3A_475] {strides = array<i32>} : memref<64x16xf32, #tpu.memory_space<vmem>>, vector<1x16xf32>,
      %get3A_477 = vector.shape_cast %get3A_476 : vector<1x16xf32> to vector<16xf32>
      %get3A_478 = arith.index_cast %squeeze3A_473 : i32 to index
      %get3A_479 = arith.constant 0 : index
      %get3A_480 = tpu.vector_load %arg10[%get3A_478, %get3A_479] {strides = array<i32>} : memref<64x16xf32, #tpu.memory_space<vmem>>, vector<1x16xf32>,
      %get3A_481 = vector.shape_cast %get3A_480 : vector<1x16xf32> to vector<16xf32>
      %get3A_482 = arith.index_cast %squeeze3A_471 : i32 to index
      %get3A_483 = arith.constant 0 : index
      %get3A_484 = tpu.vector_load %arg9[%get3A_482, %get3A_483] {strides = array<i32>} : memref<64x16xf32, #tpu.memory_space<vmem>>, vector<1x16xf32>,
      %get3A_485 = vector.shape_cast %get3A_484 : vector<1x16xf32> to vector<16xf32>
      %get3A_486 = arith.index_cast %squeeze3A_473 : i32 to index
      %get3A_487 = arith.constant 0 : index
      %get3A_488 = tpu.vector_load %arg11[%get3A_486, %get3A_487] {strides = array<i32>} : memref<64x16xf32, #tpu.memory_space<vmem>>, vector<1x16xf32>,
      %get3A_489 = vector.shape_cast %get3A_488 : vector<1x16xf32> to vector<16xf32>
      %swap3A_490 = arith.index_cast %add3A_469 : i32 to index
      %swap3A_491 = arith.constant 0 : index
      %swap3A_492 = tpu.vector_load %arg12[%swap3A_490, %swap3A_491] {strides = array<i32>} : memref<512x64xf32, #tpu.memory_space<vmem>>, vector<1x16xf32>,
      %swap3A_493 = vector.shape_cast %swap3A_492 : vector<1x16xf32> to vector<16xf32>
      %swap3A_494 = vector.shape_cast %get3A_477 : vector<16xf32> to vector<1x16xf32>
      tpu.vector_store %arg12[%swap3A_490, %swap3A_491], %swap3A_494 {strides = array<i32>} : memref<512x64xf32, #tpu.memory_space<vmem>>, vector<1x16xf32>,
      %swap3A_495 = arith.index_cast %add3A_469 : i32 to index
      %swap3A_496 = arith.constant 16 : index
      %swap3A_497 = tpu.vector_load %arg12[%swap3A_495, %swap3A_496] {strides = array<i32>} : memref<512x64xf32, #tpu.memory_space<vmem>>, vector<1x16xf32>,
      %swap3A_498 = vector.shape_cast %swap3A_497 : vector<1x16xf32> to vector<16xf32>
      %swap3A_499 = vector.shape_cast %get3A_481 : vector<16xf32> to vector<1x16xf32>
      tpu.vector_store %arg12[%swap3A_495, %swap3A_496], %swap3A_499 {strides = array<i32>} : memref<512x64xf32, #tpu.memory_space<vmem>>, vector<1x16xf32>,
      %swap3A_500 = arith.index_cast %add3A_469 : i32 to index
      %swap3A_501 = arith.constant 32 : index
      %swap3A_502 = tpu.vector_load %arg12[%swap3A_500, %swap3A_501] {strides = array<i32>} : memref<512x64xf32, #tpu.memory_space<vmem>>, vector<1x16xf32>,
      %swap3A_503 = vector.shape_cast %swap3A_502 : vector<1x16xf32> to vector<16xf32>
      %swap3A_504 = vector.shape_cast %get3A_477 : vector<16xf32> to vector<1x16xf32>
      tpu.vector_store %arg12[%swap3A_500, %swap3A_501], %swap3A_504 {strides = array<i32>} : memref<512x64xf32, #tpu.memory_space<vmem>>, vector<1x16xf32>,
      %swap3A_505 = arith.index_cast %add3A_469 : i32 to index
      %swap3A_506 = arith.constant 48 : index
      %swap3A_507 = tpu.vector_load %arg12[%swap3A_505, %swap3A_506] {strides = array<i32>} : memref<512x64xf32, #tpu.memory_space<vmem>>, vector<1x16xf32>,
      %swap3A_508 = vector.shape_cast %swap3A_507 : vector<1x16xf32> to vector<16xf32>
      %swap3A_509 = vector.shape_cast %get3A_481 : vector<16xf32> to vector<1x16xf32>
      tpu.vector_store %arg12[%swap3A_505, %swap3A_506], %swap3A_509 {strides = array<i32>} : memref<512x64xf32, #tpu.memory_space<vmem>>, vector<1x16xf32>,
      %swap3A_510 = arith.index_cast %add3A_469 : i32 to index
      %swap3A_511 = arith.constant 0 : index
      %swap3A_512 = tpu.vector_load %arg13[%swap3A_510, %swap3A_511] {strides = array<i32>} : memref<512x64xf32, #tpu.memory_space<vmem>>, vector<1x16xf32>,
      %swap3A_513 = vector.shape_cast %swap3A_512 : vector<1x16xf32> to vector<16xf32>
      %swap3A_514 = vector.shape_cast %get3A_485 : vector<16xf32> to vector<1x16xf32>
      tpu.vector_store %arg13[%swap3A_510, %swap3A_511], %swap3A_514 {strides = array<i32>} : memref<512x64xf32, #tpu.memory_space<vmem>>, vector<1x16xf32>,
      %swap3A_515 = arith.index_cast %add3A_469 : i32 to index
      %swap3A_516 = arith.constant 16 : index
      %swap3A_517 = tpu.vector_load %arg13[%swap3A_515, %swap3A_516] {strides = array<i32>} : memref<512x64xf32, #tpu.memory_space<vmem>>, vector<1x16xf32>,
      %swap3A_518 = vector.shape_cast %swap3A_517 : vector<1x16xf32> to vector<16xf32>
      %swap3A_519 = vector.shape_cast %get3A_489 : vector<16xf32> to vector<1x16xf32>
      tpu.vector_store %arg13[%swap3A_515, %swap3A_516], %swap3A_519 {strides = array<i32>} : memref<512x64xf32, #tpu.memory_space<vmem>>, vector<1x16xf32>,
      %swap3A_520 = arith.index_cast %add3A_469 : i32 to index
      %swap3A_521 = arith.constant 32 : index
      %swap3A_522 = tpu.vector_load %arg13[%swap3A_520, %swap3A_521] {strides = array<i32>} : memref<512x64xf32, #tpu.memory_space<vmem>>, vector<1x16xf32>,
      %swap3A_523 = vector.shape_cast %swap3A_522 : vector<1x16xf32> to vector<16xf32>
      %swap3A_524 = vector.shape_cast %get3A_485 : vector<16xf32> to vector<1x16xf32>
      tpu.vector_store %arg13[%swap3A_520, %swap3A_521], %swap3A_524 {strides = array<i32>} : memref<512x64xf32, #tpu.memory_space<vmem>>, vector<1x16xf32>,
      %swap3A_525 = arith.index_cast %add3A_469 : i32 to index
      %swap3A_526 = arith.constant 48 : index
      %swap3A_527 = tpu.vector_load %arg13[%swap3A_525, %swap3A_526] {strides = array<i32>} : memref<512x64xf32, #tpu.memory_space<vmem>>, vector<1x16xf32>,
      %swap3A_528 = vector.shape_cast %swap3A_527 : vector<1x16xf32> to vector<16xf32>
      %swap3A_529 = vector.shape_cast %get3A_489 : vector<16xf32> to vector<1x16xf32>
      tpu.vector_store %arg13[%swap3A_525, %swap3A_526], %swap3A_529 {strides = array<i32>} : memref<512x64xf32, #tpu.memory_space<vmem>>, vector<1x16xf32>,
      %add3A_530 = arith.constant 4 : i32
      %add3A_531 = arith.addi %mul3A_277, %add3A_530 : i32
      %slice3A_532 = vector.extract_strided_slice %shift_right_logical3A_282 {offsets = [4], sizes = [1], strides = [1]} : vector<16xi32> to vector<1xi32>
      %squeeze3A_533 = vector.extract %slice3A_532[0] : i32 from vector<1xi32>
      %slice3A_534 = vector.extract_strided_slice %and3A_284 {offsets = [4], sizes = [1], strides = [1]} : vector<16xi32> to vector<1xi32>
      %squeeze3A_535 = vector.extract %slice3A_534[0] : i32 from vector<1xi32>
      %get3A_536 = arith.index_cast %squeeze3A_533 : i32 to index
      %get3A_537 = arith.constant 0 : index
      %get3A_538 = tpu.vector_load %arg8[%get3A_536, %get3A_537] {strides = array<i32>} : memref<64x16xf32, #tpu.memory_space<vmem>>, vector<1x16xf32>,
      %get3A_539 = vector.shape_cast %get3A_538 : vector<1x16xf32> to vector<16xf32>
      %get3A_540 = arith.index_cast %squeeze3A_535 : i32 to index
      %get3A_541 = arith.constant 0 : index
      %get3A_542 = tpu.vector_load %arg10[%get3A_540, %get3A_541] {strides = array<i32>} : memref<64x16xf32, #tpu.memory_space<vmem>>, vector<1x16xf32>,
      %get3A_543 = vector.shape_cast %get3A_542 : vector<1x16xf32> to vector<16xf32>
      %get3A_544 = arith.index_cast %squeeze3A_533 : i32 to index
      %get3A_545 = arith.constant 0 : index
      %get3A_546 = tpu.vector_load %arg9[%get3A_544, %get3A_545] {strides = array<i32>} : memref<64x16xf32, #tpu.memory_space<vmem>>, vector<1x16xf32>,
      %get3A_547 = vector.shape_cast %get3A_546 : vector<1x16xf32> to vector<16xf32>
      %get3A_548 = arith.index_cast %squeeze3A_535 : i32 to index
      %get3A_549 = arith.constant 0 : index
      %get3A_550 = tpu.vector_load %arg11[%get3A_548, %get3A_549] {strides = array<i32>} : memref<64x16xf32, #tpu.memory_space<vmem>>, vector<1x16xf32>,
      %get3A_551 = vector.shape_cast %get3A_550 : vector<1x16xf32> to vector<16xf32>
      %swap3A_552 = arith.index_cast %add3A_531 : i32 to index
      %swap3A_553 = arith.constant 0 : index
      %swap3A_554 = tpu.vector_load %arg12[%swap3A_552, %swap3A_553] {strides = array<i32>} : memref<512x64xf32, #tpu.memory_space<vmem>>, vector<1x16xf32>,
      %swap3A_555 = vector.shape_cast %swap3A_554 : vector<1x16xf32> to vector<16xf32>
      %swap3A_556 = vector.shape_cast %get3A_539 : vector<16xf32> to vector<1x16xf32>
      tpu.vector_store %arg12[%swap3A_552, %swap3A_553], %swap3A_556 {strides = array<i32>} : memref<512x64xf32, #tpu.memory_space<vmem>>, vector<1x16xf32>,
      %swap3A_557 = arith.index_cast %add3A_531 : i32 to index
      %swap3A_558 = arith.constant 16 : index
      %swap3A_559 = tpu.vector_load %arg12[%swap3A_557, %swap3A_558] {strides = array<i32>} : memref<512x64xf32, #tpu.memory_space<vmem>>, vector<1x16xf32>,
      %swap3A_560 = vector.shape_cast %swap3A_559 : vector<1x16xf32> to vector<16xf32>
      %swap3A_561 = vector.shape_cast %get3A_543 : vector<16xf32> to vector<1x16xf32>
      tpu.vector_store %arg12[%swap3A_557, %swap3A_558], %swap3A_561 {strides = array<i32>} : memref<512x64xf32, #tpu.memory_space<vmem>>, vector<1x16xf32>,
      %swap3A_562 = arith.index_cast %add3A_531 : i32 to index
      %swap3A_563 = arith.constant 32 : index
      %swap3A_564 = tpu.vector_load %arg12[%swap3A_562, %swap3A_563] {strides = array<i32>} : memref<512x64xf32, #tpu.memory_space<vmem>>, vector<1x16xf32>,
      %swap3A_565 = vector.shape_cast %swap3A_564 : vector<1x16xf32> to vector<16xf32>
      %swap3A_566 = vector.shape_cast %get3A_539 : vector<16xf32> to vector<1x16xf32>
      tpu.vector_store %arg12[%swap3A_562, %swap3A_563], %swap3A_566 {strides = array<i32>} : memref<512x64xf32, #tpu.memory_space<vmem>>, vector<1x16xf32>,
      %swap3A_567 = arith.index_cast %add3A_531 : i32 to index
      %swap3A_568 = arith.constant 48 : index
      %swap3A_569 = tpu.vector_load %arg12[%swap3A_567, %swap3A_568] {strides = array<i32>} : memref<512x64xf32, #tpu.memory_space<vmem>>, vector<1x16xf32>,
      %swap3A_570 = vector.shape_cast %swap3A_569 : vector<1x16xf32> to vector<16xf32>
      %swap3A_571 = vector.shape_cast %get3A_543 : vector<16xf32> to vector<1x16xf32>
      tpu.vector_store %arg12[%swap3A_567, %swap3A_568], %swap3A_571 {strides = array<i32>} : memref<512x64xf32, #tpu.memory_space<vmem>>, vector<1x16xf32>,
      %swap3A_572 = arith.index_cast %add3A_531 : i32 to index
      %swap3A_573 = arith.constant 0 : index
      %swap3A_574 = tpu.vector_load %arg13[%swap3A_572, %swap3A_573] {strides = array<i32>} : memref<512x64xf32, #tpu.memory_space<vmem>>, vector<1x16xf32>,
      %swap3A_575 = vector.shape_cast %swap3A_574 : vector<1x16xf32> to vector<16xf32>
      %swap3A_576 = vector.shape_cast %get3A_547 : vector<16xf32> to vector<1x16xf32>
      tpu.vector_store %arg13[%swap3A_572, %swap3A_573], %swap3A_576 {strides = array<i32>} : memref<512x64xf32, #tpu.memory_space<vmem>>, vector<1x16xf32>,
      %swap3A_577 = arith.index_cast %add3A_531 : i32 to index
      %swap3A_578 = arith.constant 16 : index
      %swap3A_579 = tpu.vector_load %arg13[%swap3A_577, %swap3A_578] {strides = array<i32>} : memref<512x64xf32, #tpu.memory_space<vmem>>, vector<1x16xf32>,
      %swap3A_580 = vector.shape_cast %swap3A_579 : vector<1x16xf32> to vector<16xf32>
      %swap3A_581 = vector.shape_cast %get3A_551 : vector<16xf32> to vector<1x16xf32>
      tpu.vector_store %arg13[%swap3A_577, %swap3A_578], %swap3A_581 {strides = array<i32>} : memref<512x64xf32, #tpu.memory_space<vmem>>, vector<1x16xf32>,
      %swap3A_582 = arith.index_cast %add3A_531 : i32 to index
      %swap3A_583 = arith.constant 32 : index
      %swap3A_584 = tpu.vector_load %arg13[%swap3A_582, %swap3A_583] {strides = array<i32>} : memref<512x64xf32, #tpu.memory_space<vmem>>, vector<1x16xf32>,
      %swap3A_585 = vector.shape_cast %swap3A_584 : vector<1x16xf32> to vector<16xf32>
      %swap3A_586 = vector.shape_cast %get3A_547 : vector<16xf32> to vector<1x16xf32>
      tpu.vector_store %arg13[%swap3A_582, %swap3A_583], %swap3A_586 {strides = array<i32>} : memref<512x64xf32, #tpu.memory_space<vmem>>, vector<1x16xf32>,
      %swap3A_587 = arith.index_cast %add3A_531 : i32 to index
      %swap3A_588 = arith.constant 48 : index
      %swap3A_589 = tpu.vector_load %arg13[%swap3A_587, %swap3A_588] {strides = array<i32>} : memref<512x64xf32, #tpu.memory_space<vmem>>, vector<1x16xf32>,
      %swap3A_590 = vector.shape_cast %swap3A_589 : vector<1x16xf32> to vector<16xf32>
      %swap3A_591 = vector.shape_cast %get3A_551 : vector<16xf32> to vector<1x16xf32>
      tpu.vector_store %arg13[%swap3A_587, %swap3A_588], %swap3A_591 {strides = array<i32>} : memref<512x64xf32, #tpu.memory_space<vmem>>, vector<1x16xf32>,
      %add3A_592 = arith.constant 5 : i32
      %add3A_593 = arith.addi %mul3A_277, %add3A_592 : i32
      %slice3A_594 = vector.extract_strided_slice %shift_right_logical3A_282 {offsets = [5], sizes = [1], strides = [1]} : vector<16xi32> to vector<1xi32>
      %squeeze3A_595 = vector.extract %slice3A_594[0] : i32 from vector<1xi32>
      %slice3A_596 = vector.extract_strided_slice %and3A_284 {offsets = [5], sizes = [1], strides = [1]} : vector<16xi32> to vector<1xi32>
      %squeeze3A_597 = vector.extract %slice3A_596[0] : i32 from vector<1xi32>
      %get3A_598 = arith.index_cast %squeeze3A_595 : i32 to index
      %get3A_599 = arith.constant 0 : index
      %get3A_600 = tpu.vector_load %arg8[%get3A_598, %get3A_599] {strides = array<i32>} : memref<64x16xf32, #tpu.memory_space<vmem>>, vector<1x16xf32>,
      %get3A_601 = vector.shape_cast %get3A_600 : vector<1x16xf32> to vector<16xf32>
      %get3A_602 = arith.index_cast %squeeze3A_597 : i32 to index
      %get3A_603 = arith.constant 0 : index
      %get3A_604 = tpu.vector_load %arg10[%get3A_602, %get3A_603] {strides = array<i32>} : memref<64x16xf32, #tpu.memory_space<vmem>>, vector<1x16xf32>,
      %get3A_605 = vector.shape_cast %get3A_604 : vector<1x16xf32> to vector<16xf32>
      %get3A_606 = arith.index_cast %squeeze3A_595 : i32 to index
      %get3A_607 = arith.constant 0 : index
      %get3A_608 = tpu.vector_load %arg9[%get3A_606, %get3A_607] {strides = array<i32>} : memref<64x16xf32, #tpu.memory_space<vmem>>, vector<1x16xf32>,
      %get3A_609 = vector.shape_cast %get3A_608 : vector<1x16xf32> to vector<16xf32>
      %get3A_610 = arith.index_cast %squeeze3A_597 : i32 to index
      %get3A_611 = arith.constant 0 : index
      %get3A_612 = tpu.vector_load %arg11[%get3A_610, %get3A_611] {strides = array<i32>} : memref<64x16xf32, #tpu.memory_space<vmem>>, vector<1x16xf32>,
      %get3A_613 = vector.shape_cast %get3A_612 : vector<1x16xf32> to vector<16xf32>
      %swap3A_614 = arith.index_cast %add3A_593 : i32 to index
      %swap3A_615 = arith.constant 0 : index
      %swap3A_616 = tpu.vector_load %arg12[%swap3A_614, %swap3A_615] {strides = array<i32>} : memref<512x64xf32, #tpu.memory_space<vmem>>, vector<1x16xf32>,
      %swap3A_617 = vector.shape_cast %swap3A_616 : vector<1x16xf32> to vector<16xf32>
      %swap3A_618 = vector.shape_cast %get3A_601 : vector<16xf32> to vector<1x16xf32>
      tpu.vector_store %arg12[%swap3A_614, %swap3A_615], %swap3A_618 {strides = array<i32>} : memref<512x64xf32, #tpu.memory_space<vmem>>, vector<1x16xf32>,
      %swap3A_619 = arith.index_cast %add3A_593 : i32 to index
      %swap3A_620 = arith.constant 16 : index
      %swap3A_621 = tpu.vector_load %arg12[%swap3A_619, %swap3A_620] {strides = array<i32>} : memref<512x64xf32, #tpu.memory_space<vmem>>, vector<1x16xf32>,
      %swap3A_622 = vector.shape_cast %swap3A_621 : vector<1x16xf32> to vector<16xf32>
      %swap3A_623 = vector.shape_cast %get3A_605 : vector<16xf32> to vector<1x16xf32>
      tpu.vector_store %arg12[%swap3A_619, %swap3A_620], %swap3A_623 {strides = array<i32>} : memref<512x64xf32, #tpu.memory_space<vmem>>, vector<1x16xf32>,
      %swap3A_624 = arith.index_cast %add3A_593 : i32 to index
      %swap3A_625 = arith.constant 32 : index
      %swap3A_626 = tpu.vector_load %arg12[%swap3A_624, %swap3A_625] {strides = array<i32>} : memref<512x64xf32, #tpu.memory_space<vmem>>, vector<1x16xf32>,
      %swap3A_627 = vector.shape_cast %swap3A_626 : vector<1x16xf32> to vector<16xf32>
      %swap3A_628 = vector.shape_cast %get3A_601 : vector<16xf32> to vector<1x16xf32>
      tpu.vector_store %arg12[%swap3A_624, %swap3A_625], %swap3A_628 {strides = array<i32>} : memref<512x64xf32, #tpu.memory_space<vmem>>, vector<1x16xf32>,
      %swap3A_629 = arith.index_cast %add3A_593 : i32 to index
      %swap3A_630 = arith.constant 48 : index
      %swap3A_631 = tpu.vector_load %arg12[%swap3A_629, %swap3A_630] {strides = array<i32>} : memref<512x64xf32, #tpu.memory_space<vmem>>, vector<1x16xf32>,
      %swap3A_632 = vector.shape_cast %swap3A_631 : vector<1x16xf32> to vector<16xf32>
      %swap3A_633 = vector.shape_cast %get3A_605 : vector<16xf32> to vector<1x16xf32>
      tpu.vector_store %arg12[%swap3A_629, %swap3A_630], %swap3A_633 {strides = array<i32>} : memref<512x64xf32, #tpu.memory_space<vmem>>, vector<1x16xf32>,
      %swap3A_634 = arith.index_cast %add3A_593 : i32 to index
      %swap3A_635 = arith.constant 0 : index
      %swap3A_636 = tpu.vector_load %arg13[%swap3A_634, %swap3A_635] {strides = array<i32>} : memref<512x64xf32, #tpu.memory_space<vmem>>, vector<1x16xf32>,
      %swap3A_637 = vector.shape_cast %swap3A_636 : vector<1x16xf32> to vector<16xf32>
      %swap3A_638 = vector.shape_cast %get3A_609 : vector<16xf32> to vector<1x16xf32>
      tpu.vector_store %arg13[%swap3A_634, %swap3A_635], %swap3A_638 {strides = array<i32>} : memref<512x64xf32, #tpu.memory_space<vmem>>, vector<1x16xf32>,
      %swap3A_639 = arith.index_cast %add3A_593 : i32 to index
      %swap3A_640 = arith.constant 16 : index
      %swap3A_641 = tpu.vector_load %arg13[%swap3A_639, %swap3A_640] {strides = array<i32>} : memref<512x64xf32, #tpu.memory_space<vmem>>, vector<1x16xf32>,
      %swap3A_642 = vector.shape_cast %swap3A_641 : vector<1x16xf32> to vector<16xf32>
      %swap3A_643 = vector.shape_cast %get3A_613 : vector<16xf32> to vector<1x16xf32>
      tpu.vector_store %arg13[%swap3A_639, %swap3A_640], %swap3A_643 {strides = array<i32>} : memref<512x64xf32, #tpu.memory_space<vmem>>, vector<1x16xf32>,
      %swap3A_644 = arith.index_cast %add3A_593 : i32 to index
      %swap3A_645 = arith.constant 32 : index
      %swap3A_646 = tpu.vector_load %arg13[%swap3A_644, %swap3A_645] {strides = array<i32>} : memref<512x64xf32, #tpu.memory_space<vmem>>, vector<1x16xf32>,
      %swap3A_647 = vector.shape_cast %swap3A_646 : vector<1x16xf32> to vector<16xf32>
      %swap3A_648 = vector.shape_cast %get3A_609 : vector<16xf32> to vector<1x16xf32>
      tpu.vector_store %arg13[%swap3A_644, %swap3A_645], %swap3A_648 {strides = array<i32>} : memref<512x64xf32, #tpu.memory_space<vmem>>, vector<1x16xf32>,
      %swap3A_649 = arith.index_cast %add3A_593 : i32 to index
      %swap3A_650 = arith.constant 48 : index
      %swap3A_651 = tpu.vector_load %arg13[%swap3A_649, %swap3A_650] {strides = array<i32>} : memref<512x64xf32, #tpu.memory_space<vmem>>, vector<1x16xf32>,
      %swap3A_652 = vector.shape_cast %swap3A_651 : vector<1x16xf32> to vector<16xf32>
      %swap3A_653 = vector.shape_cast %get3A_613 : vector<16xf32> to vector<1x16xf32>
      tpu.vector_store %arg13[%swap3A_649, %swap3A_650], %swap3A_653 {strides = array<i32>} : memref<512x64xf32, #tpu.memory_space<vmem>>, vector<1x16xf32>,
      %add3A_654 = arith.constant 6 : i32
      %add3A_655 = arith.addi %mul3A_277, %add3A_654 : i32
      %slice3A_656 = vector.extract_strided_slice %shift_right_logical3A_282 {offsets = [6], sizes = [1], strides = [1]} : vector<16xi32> to vector<1xi32>
      %squeeze3A_657 = vector.extract %slice3A_656[0] : i32 from vector<1xi32>
      %slice3A_658 = vector.extract_strided_slice %and3A_284 {offsets = [6], sizes = [1], strides = [1]} : vector<16xi32> to vector<1xi32>
      %squeeze3A_659 = vector.extract %slice3A_658[0] : i32 from vector<1xi32>
      %get3A_660 = arith.index_cast %squeeze3A_657 : i32 to index
      %get3A_661 = arith.constant 0 : index
      %get3A_662 = tpu.vector_load %arg8[%get3A_660, %get3A_661] {strides = array<i32>} : memref<64x16xf32, #tpu.memory_space<vmem>>, vector<1x16xf32>,
      %get3A_663 = vector.shape_cast %get3A_662 : vector<1x16xf32> to vector<16xf32>
      %get3A_664 = arith.index_cast %squeeze3A_659 : i32 to index
      %get3A_665 = arith.constant 0 : index
      %get3A_666 = tpu.vector_load %arg10[%get3A_664, %get3A_665] {strides = array<i32>} : memref<64x16xf32, #tpu.memory_space<vmem>>, vector<1x16xf32>,
      %get3A_667 = vector.shape_cast %get3A_666 : vector<1x16xf32> to vector<16xf32>
      %get3A_668 = arith.index_cast %squeeze3A_657 : i32 to index
      %get3A_669 = arith.constant 0 : index
      %get3A_670 = tpu.vector_load %arg9[%get3A_668, %get3A_669] {strides = array<i32>} : memref<64x16xf32, #tpu.memory_space<vmem>>, vector<1x16xf32>,
      %get3A_671 = vector.shape_cast %get3A_670 : vector<1x16xf32> to vector<16xf32>
      %get3A_672 = arith.index_cast %squeeze3A_659 : i32 to index
      %get3A_673 = arith.constant 0 : index
      %get3A_674 = tpu.vector_load %arg11[%get3A_672, %get3A_673] {strides = array<i32>} : memref<64x16xf32, #tpu.memory_space<vmem>>, vector<1x16xf32>,
      %get3A_675 = vector.shape_cast %get3A_674 : vector<1x16xf32> to vector<16xf32>
      %swap3A_676 = arith.index_cast %add3A_655 : i32 to index
      %swap3A_677 = arith.constant 0 : index
      %swap3A_678 = tpu.vector_load %arg12[%swap3A_676, %swap3A_677] {strides = array<i32>} : memref<512x64xf32, #tpu.memory_space<vmem>>, vector<1x16xf32>,
      %swap3A_679 = vector.shape_cast %swap3A_678 : vector<1x16xf32> to vector<16xf32>
      %swap3A_680 = vector.shape_cast %get3A_663 : vector<16xf32> to vector<1x16xf32>
      tpu.vector_store %arg12[%swap3A_676, %swap3A_677], %swap3A_680 {strides = array<i32>} : memref<512x64xf32, #tpu.memory_space<vmem>>, vector<1x16xf32>,
      %swap3A_681 = arith.index_cast %add3A_655 : i32 to index
      %swap3A_682 = arith.constant 16 : index
      %swap3A_683 = tpu.vector_load %arg12[%swap3A_681, %swap3A_682] {strides = array<i32>} : memref<512x64xf32, #tpu.memory_space<vmem>>, vector<1x16xf32>,
      %swap3A_684 = vector.shape_cast %swap3A_683 : vector<1x16xf32> to vector<16xf32>
      %swap3A_685 = vector.shape_cast %get3A_667 : vector<16xf32> to vector<1x16xf32>
      tpu.vector_store %arg12[%swap3A_681, %swap3A_682], %swap3A_685 {strides = array<i32>} : memref<512x64xf32, #tpu.memory_space<vmem>>, vector<1x16xf32>,
      %swap3A_686 = arith.index_cast %add3A_655 : i32 to index
      %swap3A_687 = arith.constant 32 : index
      %swap3A_688 = tpu.vector_load %arg12[%swap3A_686, %swap3A_687] {strides = array<i32>} : memref<512x64xf32, #tpu.memory_space<vmem>>, vector<1x16xf32>,
      %swap3A_689 = vector.shape_cast %swap3A_688 : vector<1x16xf32> to vector<16xf32>
      %swap3A_690 = vector.shape_cast %get3A_663 : vector<16xf32> to vector<1x16xf32>
      tpu.vector_store %arg12[%swap3A_686, %swap3A_687], %swap3A_690 {strides = array<i32>} : memref<512x64xf32, #tpu.memory_space<vmem>>, vector<1x16xf32>,
      %swap3A_691 = arith.index_cast %add3A_655 : i32 to index
      %swap3A_692 = arith.constant 48 : index
      %swap3A_693 = tpu.vector_load %arg12[%swap3A_691, %swap3A_692] {strides = array<i32>} : memref<512x64xf32, #tpu.memory_space<vmem>>, vector<1x16xf32>,
      %swap3A_694 = vector.shape_cast %swap3A_693 : vector<1x16xf32> to vector<16xf32>
      %swap3A_695 = vector.shape_cast %get3A_667 : vector<16xf32> to vector<1x16xf32>
      tpu.vector_store %arg12[%swap3A_691, %swap3A_692], %swap3A_695 {strides = array<i32>} : memref<512x64xf32, #tpu.memory_space<vmem>>, vector<1x16xf32>,
      %swap3A_696 = arith.index_cast %add3A_655 : i32 to index
      %swap3A_697 = arith.constant 0 : index
      %swap3A_698 = tpu.vector_load %arg13[%swap3A_696, %swap3A_697] {strides = array<i32>} : memref<512x64xf32, #tpu.memory_space<vmem>>, vector<1x16xf32>,
      %swap3A_699 = vector.shape_cast %swap3A_698 : vector<1x16xf32> to vector<16xf32>
      %swap3A_700 = vector.shape_cast %get3A_671 : vector<16xf32> to vector<1x16xf32>
      tpu.vector_store %arg13[%swap3A_696, %swap3A_697], %swap3A_700 {strides = array<i32>} : memref<512x64xf32, #tpu.memory_space<vmem>>, vector<1x16xf32>,
      %swap3A_701 = arith.index_cast %add3A_655 : i32 to index
      %swap3A_702 = arith.constant 16 : index
      %swap3A_703 = tpu.vector_load %arg13[%swap3A_701, %swap3A_702] {strides = array<i32>} : memref<512x64xf32, #tpu.memory_space<vmem>>, vector<1x16xf32>,
      %swap3A_704 = vector.shape_cast %swap3A_703 : vector<1x16xf32> to vector<16xf32>
      %swap3A_705 = vector.shape_cast %get3A_675 : vector<16xf32> to vector<1x16xf32>
      tpu.vector_store %arg13[%swap3A_701, %swap3A_702], %swap3A_705 {strides = array<i32>} : memref<512x64xf32, #tpu.memory_space<vmem>>, vector<1x16xf32>,
      %swap3A_706 = arith.index_cast %add3A_655 : i32 to index
      %swap3A_707 = arith.constant 32 : index
      %swap3A_708 = tpu.vector_load %arg13[%swap3A_706, %swap3A_707] {strides = array<i32>} : memref<512x64xf32, #tpu.memory_space<vmem>>, vector<1x16xf32>,
      %swap3A_709 = vector.shape_cast %swap3A_708 : vector<1x16xf32> to vector<16xf32>
      %swap3A_710 = vector.shape_cast %get3A_671 : vector<16xf32> to vector<1x16xf32>
      tpu.vector_store %arg13[%swap3A_706, %swap3A_707], %swap3A_710 {strides = array<i32>} : memref<512x64xf32, #tpu.memory_space<vmem>>, vector<1x16xf32>,
      %swap3A_711 = arith.index_cast %add3A_655 : i32 to index
      %swap3A_712 = arith.constant 48 : index
      %swap3A_713 = tpu.vector_load %arg13[%swap3A_711, %swap3A_712] {strides = array<i32>} : memref<512x64xf32, #tpu.memory_space<vmem>>, vector<1x16xf32>,
      %swap3A_714 = vector.shape_cast %swap3A_713 : vector<1x16xf32> to vector<16xf32>
      %swap3A_715 = vector.shape_cast %get3A_675 : vector<16xf32> to vector<1x16xf32>
      tpu.vector_store %arg13[%swap3A_711, %swap3A_712], %swap3A_715 {strides = array<i32>} : memref<512x64xf32, #tpu.memory_space<vmem>>, vector<1x16xf32>,
      %add3A_716 = arith.constant 7 : i32
      %add3A_717 = arith.addi %mul3A_277, %add3A_716 : i32
      %slice3A_718 = vector.extract_strided_slice %shift_right_logical3A_282 {offsets = [7], sizes = [1], strides = [1]} : vector<16xi32> to vector<1xi32>
      %squeeze3A_719 = vector.extract %slice3A_718[0] : i32 from vector<1xi32>
      %slice3A_720 = vector.extract_strided_slice %and3A_284 {offsets = [7], sizes = [1], strides = [1]} : vector<16xi32> to vector<1xi32>
      %squeeze3A_721 = vector.extract %slice3A_720[0] : i32 from vector<1xi32>
      %get3A_722 = arith.index_cast %squeeze3A_719 : i32 to index
      %get3A_723 = arith.constant 0 : index
      %get3A_724 = tpu.vector_load %arg8[%get3A_722, %get3A_723] {strides = array<i32>} : memref<64x16xf32, #tpu.memory_space<vmem>>, vector<1x16xf32>,
      %get3A_725 = vector.shape_cast %get3A_724 : vector<1x16xf32> to vector<16xf32>
      %get3A_726 = arith.index_cast %squeeze3A_721 : i32 to index
      %get3A_727 = arith.constant 0 : index
      %get3A_728 = tpu.vector_load %arg10[%get3A_726, %get3A_727] {strides = array<i32>} : memref<64x16xf32, #tpu.memory_space<vmem>>, vector<1x16xf32>,
      %get3A_729 = vector.shape_cast %get3A_728 : vector<1x16xf32> to vector<16xf32>
      %get3A_730 = arith.index_cast %squeeze3A_719 : i32 to index
      %get3A_731 = arith.constant 0 : index
      %get3A_732 = tpu.vector_load %arg9[%get3A_730, %get3A_731] {strides = array<i32>} : memref<64x16xf32, #tpu.memory_space<vmem>>, vector<1x16xf32>,
      %get3A_733 = vector.shape_cast %get3A_732 : vector<1x16xf32> to vector<16xf32>
      %get3A_734 = arith.index_cast %squeeze3A_721 : i32 to index
      %get3A_735 = arith.constant 0 : index
      %get3A_736 = tpu.vector_load %arg11[%get3A_734, %get3A_735] {strides = array<i32>} : memref<64x16xf32, #tpu.memory_space<vmem>>, vector<1x16xf32>,
      %get3A_737 = vector.shape_cast %get3A_736 : vector<1x16xf32> to vector<16xf32>
      %swap3A_738 = arith.index_cast %add3A_717 : i32 to index
      %swap3A_739 = arith.constant 0 : index
      %swap3A_740 = tpu.vector_load %arg12[%swap3A_738, %swap3A_739] {strides = array<i32>} : memref<512x64xf32, #tpu.memory_space<vmem>>, vector<1x16xf32>,
      %swap3A_741 = vector.shape_cast %swap3A_740 : vector<1x16xf32> to vector<16xf32>
      %swap3A_742 = vector.shape_cast %get3A_725 : vector<16xf32> to vector<1x16xf32>
      tpu.vector_store %arg12[%swap3A_738, %swap3A_739], %swap3A_742 {strides = array<i32>} : memref<512x64xf32, #tpu.memory_space<vmem>>, vector<1x16xf32>,
      %swap3A_743 = arith.index_cast %add3A_717 : i32 to index
      %swap3A_744 = arith.constant 16 : index
      %swap3A_745 = tpu.vector_load %arg12[%swap3A_743, %swap3A_744] {strides = array<i32>} : memref<512x64xf32, #tpu.memory_space<vmem>>, vector<1x16xf32>,
      %swap3A_746 = vector.shape_cast %swap3A_745 : vector<1x16xf32> to vector<16xf32>
      %swap3A_747 = vector.shape_cast %get3A_729 : vector<16xf32> to vector<1x16xf32>
      tpu.vector_store %arg12[%swap3A_743, %swap3A_744], %swap3A_747 {strides = array<i32>} : memref<512x64xf32, #tpu.memory_space<vmem>>, vector<1x16xf32>,
      %swap3A_748 = arith.index_cast %add3A_717 : i32 to index
      %swap3A_749 = arith.constant 32 : index
      %swap3A_750 = tpu.vector_load %arg12[%swap3A_748, %swap3A_749] {strides = array<i32>} : memref<512x64xf32, #tpu.memory_space<vmem>>, vector<1x16xf32>,
      %swap3A_751 = vector.shape_cast %swap3A_750 : vector<1x16xf32> to vector<16xf32>
      %swap3A_752 = vector.shape_cast %get3A_725 : vector<16xf32> to vector<1x16xf32>
      tpu.vector_store %arg12[%swap3A_748, %swap3A_749], %swap3A_752 {strides = array<i32>} : memref<512x64xf32, #tpu.memory_space<vmem>>, vector<1x16xf32>,
      %swap3A_753 = arith.index_cast %add3A_717 : i32 to index
      %swap3A_754 = arith.constant 48 : index
      %swap3A_755 = tpu.vector_load %arg12[%swap3A_753, %swap3A_754] {strides = array<i32>} : memref<512x64xf32, #tpu.memory_space<vmem>>, vector<1x16xf32>,
      %swap3A_756 = vector.shape_cast %swap3A_755 : vector<1x16xf32> to vector<16xf32>
      %swap3A_757 = vector.shape_cast %get3A_729 : vector<16xf32> to vector<1x16xf32>
      tpu.vector_store %arg12[%swap3A_753, %swap3A_754], %swap3A_757 {strides = array<i32>} : memref<512x64xf32, #tpu.memory_space<vmem>>, vector<1x16xf32>,
      %swap3A_758 = arith.index_cast %add3A_717 : i32 to index
      %swap3A_759 = arith.constant 0 : index
      %swap3A_760 = tpu.vector_load %arg13[%swap3A_758, %swap3A_759] {strides = array<i32>} : memref<512x64xf32, #tpu.memory_space<vmem>>, vector<1x16xf32>,
      %swap3A_761 = vector.shape_cast %swap3A_760 : vector<1x16xf32> to vector<16xf32>
      %swap3A_762 = vector.shape_cast %get3A_733 : vector<16xf32> to vector<1x16xf32>
      tpu.vector_store %arg13[%swap3A_758, %swap3A_759], %swap3A_762 {strides = array<i32>} : memref<512x64xf32, #tpu.memory_space<vmem>>, vector<1x16xf32>,
      %swap3A_763 = arith.index_cast %add3A_717 : i32 to index
      %swap3A_764 = arith.constant 16 : index
      %swap3A_765 = tpu.vector_load %arg13[%swap3A_763, %swap3A_764] {strides = array<i32>} : memref<512x64xf32, #tpu.memory_space<vmem>>, vector<1x16xf32>,
      %swap3A_766 = vector.shape_cast %swap3A_765 : vector<1x16xf32> to vector<16xf32>
      %swap3A_767 = vector.shape_cast %get3A_737 : vector<16xf32> to vector<1x16xf32>
      tpu.vector_store %arg13[%swap3A_763, %swap3A_764], %swap3A_767 {strides = array<i32>} : memref<512x64xf32, #tpu.memory_space<vmem>>, vector<1x16xf32>,
      %swap3A_768 = arith.index_cast %add3A_717 : i32 to index
      %swap3A_769 = arith.constant 32 : index
      %swap3A_770 = tpu.vector_load %arg13[%swap3A_768, %swap3A_769] {strides = array<i32>} : memref<512x64xf32, #tpu.memory_space<vmem>>, vector<1x16xf32>,
      %swap3A_771 = vector.shape_cast %swap3A_770 : vector<1x16xf32> to vector<16xf32>
      %swap3A_772 = vector.shape_cast %get3A_733 : vector<16xf32> to vector<1x16xf32>
      tpu.vector_store %arg13[%swap3A_768, %swap3A_769], %swap3A_772 {strides = array<i32>} : memref<512x64xf32, #tpu.memory_space<vmem>>, vector<1x16xf32>,
      %swap3A_773 = arith.index_cast %add3A_717 : i32 to index
      %swap3A_774 = arith.constant 48 : index
      %swap3A_775 = tpu.vector_load %arg13[%swap3A_773, %swap3A_774] {strides = array<i32>} : memref<512x64xf32, #tpu.memory_space<vmem>>, vector<1x16xf32>,
      %swap3A_776 = vector.shape_cast %swap3A_775 : vector<1x16xf32> to vector<16xf32>
      %swap3A_777 = vector.shape_cast %get3A_737 : vector<16xf32> to vector<1x16xf32>
      tpu.vector_store %arg13[%swap3A_773, %swap3A_774], %swap3A_777 {strides = array<i32>} : memref<512x64xf32, #tpu.memory_space<vmem>>, vector<1x16xf32>,
      %add3A_778 = arith.constant 8 : i32
      %add3A_779 = arith.addi %mul3A_277, %add3A_778 : i32
      %slice3A_780 = vector.extract_strided_slice %shift_right_logical3A_282 {offsets = [8], sizes = [1], strides = [1]} : vector<16xi32> to vector<1xi32>
      %squeeze3A_781 = vector.extract %slice3A_780[0] : i32 from vector<1xi32>
      %slice3A_782 = vector.extract_strided_slice %and3A_284 {offsets = [8], sizes = [1], strides = [1]} : vector<16xi32> to vector<1xi32>
      %squeeze3A_783 = vector.extract %slice3A_782[0] : i32 from vector<1xi32>
      %get3A_784 = arith.index_cast %squeeze3A_781 : i32 to index
      %get3A_785 = arith.constant 0 : index
      %get3A_786 = tpu.vector_load %arg8[%get3A_784, %get3A_785] {strides = array<i32>} : memref<64x16xf32, #tpu.memory_space<vmem>>, vector<1x16xf32>,
      %get3A_787 = vector.shape_cast %get3A_786 : vector<1x16xf32> to vector<16xf32>
      %get3A_788 = arith.index_cast %squeeze3A_783 : i32 to index
      %get3A_789 = arith.constant 0 : index
      %get3A_790 = tpu.vector_load %arg10[%get3A_788, %get3A_789] {strides = array<i32>} : memref<64x16xf32, #tpu.memory_space<vmem>>, vector<1x16xf32>,
      %get3A_791 = vector.shape_cast %get3A_790 : vector<1x16xf32> to vector<16xf32>
      %get3A_792 = arith.index_cast %squeeze3A_781 : i32 to index
      %get3A_793 = arith.constant 0 : index
      %get3A_794 = tpu.vector_load %arg9[%get3A_792, %get3A_793] {strides = array<i32>} : memref<64x16xf32, #tpu.memory_space<vmem>>, vector<1x16xf32>,
      %get3A_795 = vector.shape_cast %get3A_794 : vector<1x16xf32> to vector<16xf32>
      %get3A_796 = arith.index_cast %squeeze3A_783 : i32 to index
      %get3A_797 = arith.constant 0 : index
      %get3A_798 = tpu.vector_load %arg11[%get3A_796, %get3A_797] {strides = array<i32>} : memref<64x16xf32, #tpu.memory_space<vmem>>, vector<1x16xf32>,
      %get3A_799 = vector.shape_cast %get3A_798 : vector<1x16xf32> to vector<16xf32>
      %swap3A_800 = arith.index_cast %add3A_779 : i32 to index
      %swap3A_801 = arith.constant 0 : index
      %swap3A_802 = tpu.vector_load %arg12[%swap3A_800, %swap3A_801] {strides = array<i32>} : memref<512x64xf32, #tpu.memory_space<vmem>>, vector<1x16xf32>,
      %swap3A_803 = vector.shape_cast %swap3A_802 : vector<1x16xf32> to vector<16xf32>
      %swap3A_804 = vector.shape_cast %get3A_787 : vector<16xf32> to vector<1x16xf32>
      tpu.vector_store %arg12[%swap3A_800, %swap3A_801], %swap3A_804 {strides = array<i32>} : memref<512x64xf32, #tpu.memory_space<vmem>>, vector<1x16xf32>,
      %swap3A_805 = arith.index_cast %add3A_779 : i32 to index
      %swap3A_806 = arith.constant 16 : index
      %swap3A_807 = tpu.vector_load %arg12[%swap3A_805, %swap3A_806] {strides = array<i32>} : memref<512x64xf32, #tpu.memory_space<vmem>>, vector<1x16xf32>,
      %swap3A_808 = vector.shape_cast %swap3A_807 : vector<1x16xf32> to vector<16xf32>
      %swap3A_809 = vector.shape_cast %get3A_791 : vector<16xf32> to vector<1x16xf32>
      tpu.vector_store %arg12[%swap3A_805, %swap3A_806], %swap3A_809 {strides = array<i32>} : memref<512x64xf32, #tpu.memory_space<vmem>>, vector<1x16xf32>,
      %swap3A_810 = arith.index_cast %add3A_779 : i32 to index
      %swap3A_811 = arith.constant 32 : index
      %swap3A_812 = tpu.vector_load %arg12[%swap3A_810, %swap3A_811] {strides = array<i32>} : memref<512x64xf32, #tpu.memory_space<vmem>>, vector<1x16xf32>,
      %swap3A_813 = vector.shape_cast %swap3A_812 : vector<1x16xf32> to vector<16xf32>
      %swap3A_814 = vector.shape_cast %get3A_787 : vector<16xf32> to vector<1x16xf32>
      tpu.vector_store %arg12[%swap3A_810, %swap3A_811], %swap3A_814 {strides = array<i32>} : memref<512x64xf32, #tpu.memory_space<vmem>>, vector<1x16xf32>,
      %swap3A_815 = arith.index_cast %add3A_779 : i32 to index
      %swap3A_816 = arith.constant 48 : index
      %swap3A_817 = tpu.vector_load %arg12[%swap3A_815, %swap3A_816] {strides = array<i32>} : memref<512x64xf32, #tpu.memory_space<vmem>>, vector<1x16xf32>,
      %swap3A_818 = vector.shape_cast %swap3A_817 : vector<1x16xf32> to vector<16xf32>
      %swap3A_819 = vector.shape_cast %get3A_791 : vector<16xf32> to vector<1x16xf32>
      tpu.vector_store %arg12[%swap3A_815, %swap3A_816], %swap3A_819 {strides = array<i32>} : memref<512x64xf32, #tpu.memory_space<vmem>>, vector<1x16xf32>,
      %swap3A_820 = arith.index_cast %add3A_779 : i32 to index
      %swap3A_821 = arith.constant 0 : index
      %swap3A_822 = tpu.vector_load %arg13[%swap3A_820, %swap3A_821] {strides = array<i32>} : memref<512x64xf32, #tpu.memory_space<vmem>>, vector<1x16xf32>,
      %swap3A_823 = vector.shape_cast %swap3A_822 : vector<1x16xf32> to vector<16xf32>
      %swap3A_824 = vector.shape_cast %get3A_795 : vector<16xf32> to vector<1x16xf32>
      tpu.vector_store %arg13[%swap3A_820, %swap3A_821], %swap3A_824 {strides = array<i32>} : memref<512x64xf32, #tpu.memory_space<vmem>>, vector<1x16xf32>,
      %swap3A_825 = arith.index_cast %add3A_779 : i32 to index
      %swap3A_826 = arith.constant 16 : index
      %swap3A_827 = tpu.vector_load %arg13[%swap3A_825, %swap3A_826] {strides = array<i32>} : memref<512x64xf32, #tpu.memory_space<vmem>>, vector<1x16xf32>,
      %swap3A_828 = vector.shape_cast %swap3A_827 : vector<1x16xf32> to vector<16xf32>
      %swap3A_829 = vector.shape_cast %get3A_799 : vector<16xf32> to vector<1x16xf32>
      tpu.vector_store %arg13[%swap3A_825, %swap3A_826], %swap3A_829 {strides = array<i32>} : memref<512x64xf32, #tpu.memory_space<vmem>>, vector<1x16xf32>,
      %swap3A_830 = arith.index_cast %add3A_779 : i32 to index
      %swap3A_831 = arith.constant 32 : index
      %swap3A_832 = tpu.vector_load %arg13[%swap3A_830, %swap3A_831] {strides = array<i32>} : memref<512x64xf32, #tpu.memory_space<vmem>>, vector<1x16xf32>,
      %swap3A_833 = vector.shape_cast %swap3A_832 : vector<1x16xf32> to vector<16xf32>
      %swap3A_834 = vector.shape_cast %get3A_795 : vector<16xf32> to vector<1x16xf32>
      tpu.vector_store %arg13[%swap3A_830, %swap3A_831], %swap3A_834 {strides = array<i32>} : memref<512x64xf32, #tpu.memory_space<vmem>>, vector<1x16xf32>,
      %swap3A_835 = arith.index_cast %add3A_779 : i32 to index
      %swap3A_836 = arith.constant 48 : index
      %swap3A_837 = tpu.vector_load %arg13[%swap3A_835, %swap3A_836] {strides = array<i32>} : memref<512x64xf32, #tpu.memory_space<vmem>>, vector<1x16xf32>,
      %swap3A_838 = vector.shape_cast %swap3A_837 : vector<1x16xf32> to vector<16xf32>
      %swap3A_839 = vector.shape_cast %get3A_799 : vector<16xf32> to vector<1x16xf32>
      tpu.vector_store %arg13[%swap3A_835, %swap3A_836], %swap3A_839 {strides = array<i32>} : memref<512x64xf32, #tpu.memory_space<vmem>>, vector<1x16xf32>,
      %add3A_840 = arith.constant 9 : i32
      %add3A_841 = arith.addi %mul3A_277, %add3A_840 : i32
      %slice3A_842 = vector.extract_strided_slice %shift_right_logical3A_282 {offsets = [9], sizes = [1], strides = [1]} : vector<16xi32> to vector<1xi32>
      %squeeze3A_843 = vector.extract %slice3A_842[0] : i32 from vector<1xi32>
      %slice3A_844 = vector.extract_strided_slice %and3A_284 {offsets = [9], sizes = [1], strides = [1]} : vector<16xi32> to vector<1xi32>
      %squeeze3A_845 = vector.extract %slice3A_844[0] : i32 from vector<1xi32>
      %get3A_846 = arith.index_cast %squeeze3A_843 : i32 to index
      %get3A_847 = arith.constant 0 : index
      %get3A_848 = tpu.vector_load %arg8[%get3A_846, %get3A_847] {strides = array<i32>} : memref<64x16xf32, #tpu.memory_space<vmem>>, vector<1x16xf32>,
      %get3A_849 = vector.shape_cast %get3A_848 : vector<1x16xf32> to vector<16xf32>
      %get3A_850 = arith.index_cast %squeeze3A_845 : i32 to index
      %get3A_851 = arith.constant 0 : index
      %get3A_852 = tpu.vector_load %arg10[%get3A_850, %get3A_851] {strides = array<i32>} : memref<64x16xf32, #tpu.memory_space<vmem>>, vector<1x16xf32>,
      %get3A_853 = vector.shape_cast %get3A_852 : vector<1x16xf32> to vector<16xf32>
      %get3A_854 = arith.index_cast %squeeze3A_843 : i32 to index
      %get3A_855 = arith.constant 0 : index
      %get3A_856 = tpu.vector_load %arg9[%get3A_854, %get3A_855] {strides = array<i32>} : memref<64x16xf32, #tpu.memory_space<vmem>>, vector<1x16xf32>,
      %get3A_857 = vector.shape_cast %get3A_856 : vector<1x16xf32> to vector<16xf32>
      %get3A_858 = arith.index_cast %squeeze3A_845 : i32 to index
      %get3A_859 = arith.constant 0 : index
      %get3A_860 = tpu.vector_load %arg11[%get3A_858, %get3A_859] {strides = array<i32>} : memref<64x16xf32, #tpu.memory_space<vmem>>, vector<1x16xf32>,
      %get3A_861 = vector.shape_cast %get3A_860 : vector<1x16xf32> to vector<16xf32>
      %swap3A_862 = arith.index_cast %add3A_841 : i32 to index
      %swap3A_863 = arith.constant 0 : index
      %swap3A_864 = tpu.vector_load %arg12[%swap3A_862, %swap3A_863] {strides = array<i32>} : memref<512x64xf32, #tpu.memory_space<vmem>>, vector<1x16xf32>,
      %swap3A_865 = vector.shape_cast %swap3A_864 : vector<1x16xf32> to vector<16xf32>
      %swap3A_866 = vector.shape_cast %get3A_849 : vector<16xf32> to vector<1x16xf32>
      tpu.vector_store %arg12[%swap3A_862, %swap3A_863], %swap3A_866 {strides = array<i32>} : memref<512x64xf32, #tpu.memory_space<vmem>>, vector<1x16xf32>,
      %swap3A_867 = arith.index_cast %add3A_841 : i32 to index
      %swap3A_868 = arith.constant 16 : index
      %swap3A_869 = tpu.vector_load %arg12[%swap3A_867, %swap3A_868] {strides = array<i32>} : memref<512x64xf32, #tpu.memory_space<vmem>>, vector<1x16xf32>,
      %swap3A_870 = vector.shape_cast %swap3A_869 : vector<1x16xf32> to vector<16xf32>
      %swap3A_871 = vector.shape_cast %get3A_853 : vector<16xf32> to vector<1x16xf32>
      tpu.vector_store %arg12[%swap3A_867, %swap3A_868], %swap3A_871 {strides = array<i32>} : memref<512x64xf32, #tpu.memory_space<vmem>>, vector<1x16xf32>,
      %swap3A_872 = arith.index_cast %add3A_841 : i32 to index
      %swap3A_873 = arith.constant 32 : index
      %swap3A_874 = tpu.vector_load %arg12[%swap3A_872, %swap3A_873] {strides = array<i32>} : memref<512x64xf32, #tpu.memory_space<vmem>>, vector<1x16xf32>,
      %swap3A_875 = vector.shape_cast %swap3A_874 : vector<1x16xf32> to vector<16xf32>
      %swap3A_876 = vector.shape_cast %get3A_849 : vector<16xf32> to vector<1x16xf32>
      tpu.vector_store %arg12[%swap3A_872, %swap3A_873], %swap3A_876 {strides = array<i32>} : memref<512x64xf32, #tpu.memory_space<vmem>>, vector<1x16xf32>,
      %swap3A_877 = arith.index_cast %add3A_841 : i32 to index
      %swap3A_878 = arith.constant 48 : index
      %swap3A_879 = tpu.vector_load %arg12[%swap3A_877, %swap3A_878] {strides = array<i32>} : memref<512x64xf32, #tpu.memory_space<vmem>>, vector<1x16xf32>,
      %swap3A_880 = vector.shape_cast %swap3A_879 : vector<1x16xf32> to vector<16xf32>
      %swap3A_881 = vector.shape_cast %get3A_853 : vector<16xf32> to vector<1x16xf32>
      tpu.vector_store %arg12[%swap3A_877, %swap3A_878], %swap3A_881 {strides = array<i32>} : memref<512x64xf32, #tpu.memory_space<vmem>>, vector<1x16xf32>,
      %swap3A_882 = arith.index_cast %add3A_841 : i32 to index
      %swap3A_883 = arith.constant 0 : index
      %swap3A_884 = tpu.vector_load %arg13[%swap3A_882, %swap3A_883] {strides = array<i32>} : memref<512x64xf32, #tpu.memory_space<vmem>>, vector<1x16xf32>,
      %swap3A_885 = vector.shape_cast %swap3A_884 : vector<1x16xf32> to vector<16xf32>
      %swap3A_886 = vector.shape_cast %get3A_857 : vector<16xf32> to vector<1x16xf32>
      tpu.vector_store %arg13[%swap3A_882, %swap3A_883], %swap3A_886 {strides = array<i32>} : memref<512x64xf32, #tpu.memory_space<vmem>>, vector<1x16xf32>,
      %swap3A_887 = arith.index_cast %add3A_841 : i32 to index
      %swap3A_888 = arith.constant 16 : index
      %swap3A_889 = tpu.vector_load %arg13[%swap3A_887, %swap3A_888] {strides = array<i32>} : memref<512x64xf32, #tpu.memory_space<vmem>>, vector<1x16xf32>,
      %swap3A_890 = vector.shape_cast %swap3A_889 : vector<1x16xf32> to vector<16xf32>
      %swap3A_891 = vector.shape_cast %get3A_861 : vector<16xf32> to vector<1x16xf32>
      tpu.vector_store %arg13[%swap3A_887, %swap3A_888], %swap3A_891 {strides = array<i32>} : memref<512x64xf32, #tpu.memory_space<vmem>>, vector<1x16xf32>,
      %swap3A_892 = arith.index_cast %add3A_841 : i32 to index
      %swap3A_893 = arith.constant 32 : index
      %swap3A_894 = tpu.vector_load %arg13[%swap3A_892, %swap3A_893] {strides = array<i32>} : memref<512x64xf32, #tpu.memory_space<vmem>>, vector<1x16xf32>,
      %swap3A_895 = vector.shape_cast %swap3A_894 : vector<1x16xf32> to vector<16xf32>
      %swap3A_896 = vector.shape_cast %get3A_857 : vector<16xf32> to vector<1x16xf32>
      tpu.vector_store %arg13[%swap3A_892, %swap3A_893], %swap3A_896 {strides = array<i32>} : memref<512x64xf32, #tpu.memory_space<vmem>>, vector<1x16xf32>,
      %swap3A_897 = arith.index_cast %add3A_841 : i32 to index
      %swap3A_898 = arith.constant 48 : index
      %swap3A_899 = tpu.vector_load %arg13[%swap3A_897, %swap3A_898] {strides = array<i32>} : memref<512x64xf32, #tpu.memory_space<vmem>>, vector<1x16xf32>,
      %swap3A_900 = vector.shape_cast %swap3A_899 : vector<1x16xf32> to vector<16xf32>
      %swap3A_901 = vector.shape_cast %get3A_861 : vector<16xf32> to vector<1x16xf32>
      tpu.vector_store %arg13[%swap3A_897, %swap3A_898], %swap3A_901 {strides = array<i32>} : memref<512x64xf32, #tpu.memory_space<vmem>>, vector<1x16xf32>,
      %add3A_902 = arith.constant 10 : i32
      %add3A_903 = arith.addi %mul3A_277, %add3A_902 : i32
      %slice3A_904 = vector.extract_strided_slice %shift_right_logical3A_282 {offsets = [10], sizes = [1], strides = [1]} : vector<16xi32> to vector<1xi32>
      %squeeze3A_905 = vector.extract %slice3A_904[0] : i32 from vector<1xi32>
      %slice3A_906 = vector.extract_strided_slice %and3A_284 {offsets = [10], sizes = [1], strides = [1]} : vector<16xi32> to vector<1xi32>
      %squeeze3A_907 = vector.extract %slice3A_906[0] : i32 from vector<1xi32>
      %get3A_908 = arith.index_cast %squeeze3A_905 : i32 to index
      %get3A_909 = arith.constant 0 : index
      %get3A_910 = tpu.vector_load %arg8[%get3A_908, %get3A_909] {strides = array<i32>} : memref<64x16xf32, #tpu.memory_space<vmem>>, vector<1x16xf32>,
      %get3A_911 = vector.shape_cast %get3A_910 : vector<1x16xf32> to vector<16xf32>
      %get3A_912 = arith.index_cast %squeeze3A_907 : i32 to index
      %get3A_913 = arith.constant 0 : index
      %get3A_914 = tpu.vector_load %arg10[%get3A_912, %get3A_913] {strides = array<i32>} : memref<64x16xf32, #tpu.memory_space<vmem>>, vector<1x16xf32>,
      %get3A_915 = vector.shape_cast %get3A_914 : vector<1x16xf32> to vector<16xf32>
      %get3A_916 = arith.index_cast %squeeze3A_905 : i32 to index
      %get3A_917 = arith.constant 0 : index
      %get3A_918 = tpu.vector_load %arg9[%get3A_916, %get3A_917] {strides = array<i32>} : memref<64x16xf32, #tpu.memory_space<vmem>>, vector<1x16xf32>,
      %get3A_919 = vector.shape_cast %get3A_918 : vector<1x16xf32> to vector<16xf32>
      %get3A_920 = arith.index_cast %squeeze3A_907 : i32 to index
      %get3A_921 = arith.constant 0 : index
      %get3A_922 = tpu.vector_load %arg11[%get3A_920, %get3A_921] {strides = array<i32>} : memref<64x16xf32, #tpu.memory_space<vmem>>, vector<1x16xf32>,
      %get3A_923 = vector.shape_cast %get3A_922 : vector<1x16xf32> to vector<16xf32>
      %swap3A_924 = arith.index_cast %add3A_903 : i32 to index
      %swap3A_925 = arith.constant 0 : index
      %swap3A_926 = tpu.vector_load %arg12[%swap3A_924, %swap3A_925] {strides = array<i32>} : memref<512x64xf32, #tpu.memory_space<vmem>>, vector<1x16xf32>,
      %swap3A_927 = vector.shape_cast %swap3A_926 : vector<1x16xf32> to vector<16xf32>
      %swap3A_928 = vector.shape_cast %get3A_911 : vector<16xf32> to vector<1x16xf32>
      tpu.vector_store %arg12[%swap3A_924, %swap3A_925], %swap3A_928 {strides = array<i32>} : memref<512x64xf32, #tpu.memory_space<vmem>>, vector<1x16xf32>,
      %swap3A_929 = arith.index_cast %add3A_903 : i32 to index
      %swap3A_930 = arith.constant 16 : index
      %swap3A_931 = tpu.vector_load %arg12[%swap3A_929, %swap3A_930] {strides = array<i32>} : memref<512x64xf32, #tpu.memory_space<vmem>>, vector<1x16xf32>,
      %swap3A_932 = vector.shape_cast %swap3A_931 : vector<1x16xf32> to vector<16xf32>
      %swap3A_933 = vector.shape_cast %get3A_915 : vector<16xf32> to vector<1x16xf32>
      tpu.vector_store %arg12[%swap3A_929, %swap3A_930], %swap3A_933 {strides = array<i32>} : memref<512x64xf32, #tpu.memory_space<vmem>>, vector<1x16xf32>,
      %swap3A_934 = arith.index_cast %add3A_903 : i32 to index
      %swap3A_935 = arith.constant 32 : index
      %swap3A_936 = tpu.vector_load %arg12[%swap3A_934, %swap3A_935] {strides = array<i32>} : memref<512x64xf32, #tpu.memory_space<vmem>>, vector<1x16xf32>,
      %swap3A_937 = vector.shape_cast %swap3A_936 : vector<1x16xf32> to vector<16xf32>
      %swap3A_938 = vector.shape_cast %get3A_911 : vector<16xf32> to vector<1x16xf32>
      tpu.vector_store %arg12[%swap3A_934, %swap3A_935], %swap3A_938 {strides = array<i32>} : memref<512x64xf32, #tpu.memory_space<vmem>>, vector<1x16xf32>,
      %swap3A_939 = arith.index_cast %add3A_903 : i32 to index
      %swap3A_940 = arith.constant 48 : index
      %swap3A_941 = tpu.vector_load %arg12[%swap3A_939, %swap3A_940] {strides = array<i32>} : memref<512x64xf32, #tpu.memory_space<vmem>>, vector<1x16xf32>,
      %swap3A_942 = vector.shape_cast %swap3A_941 : vector<1x16xf32> to vector<16xf32>
      %swap3A_943 = vector.shape_cast %get3A_915 : vector<16xf32> to vector<1x16xf32>
      tpu.vector_store %arg12[%swap3A_939, %swap3A_940], %swap3A_943 {strides = array<i32>} : memref<512x64xf32, #tpu.memory_space<vmem>>, vector<1x16xf32>,
      %swap3A_944 = arith.index_cast %add3A_903 : i32 to index
      %swap3A_945 = arith.constant 0 : index
      %swap3A_946 = tpu.vector_load %arg13[%swap3A_944, %swap3A_945] {strides = array<i32>} : memref<512x64xf32, #tpu.memory_space<vmem>>, vector<1x16xf32>,
      %swap3A_947 = vector.shape_cast %swap3A_946 : vector<1x16xf32> to vector<16xf32>
      %swap3A_948 = vector.shape_cast %get3A_919 : vector<16xf32> to vector<1x16xf32>
      tpu.vector_store %arg13[%swap3A_944, %swap3A_945], %swap3A_948 {strides = array<i32>} : memref<512x64xf32, #tpu.memory_space<vmem>>, vector<1x16xf32>,
      %swap3A_949 = arith.index_cast %add3A_903 : i32 to index
      %swap3A_950 = arith.constant 16 : index
      %swap3A_951 = tpu.vector_load %arg13[%swap3A_949, %swap3A_950] {strides = array<i32>} : memref<512x64xf32, #tpu.memory_space<vmem>>, vector<1x16xf32>,
      %swap3A_952 = vector.shape_cast %swap3A_951 : vector<1x16xf32> to vector<16xf32>
      %swap3A_953 = vector.shape_cast %get3A_923 : vector<16xf32> to vector<1x16xf32>
      tpu.vector_store %arg13[%swap3A_949, %swap3A_950], %swap3A_953 {strides = array<i32>} : memref<512x64xf32, #tpu.memory_space<vmem>>, vector<1x16xf32>,
      %swap3A_954 = arith.index_cast %add3A_903 : i32 to index
      %swap3A_955 = arith.constant 32 : index
      %swap3A_956 = tpu.vector_load %arg13[%swap3A_954, %swap3A_955] {strides = array<i32>} : memref<512x64xf32, #tpu.memory_space<vmem>>, vector<1x16xf32>,
      %swap3A_957 = vector.shape_cast %swap3A_956 : vector<1x16xf32> to vector<16xf32>
      %swap3A_958 = vector.shape_cast %get3A_919 : vector<16xf32> to vector<1x16xf32>
      tpu.vector_store %arg13[%swap3A_954, %swap3A_955], %swap3A_958 {strides = array<i32>} : memref<512x64xf32, #tpu.memory_space<vmem>>, vector<1x16xf32>,
      %swap3A_959 = arith.index_cast %add3A_903 : i32 to index
      %swap3A_960 = arith.constant 48 : index
      %swap3A_961 = tpu.vector_load %arg13[%swap3A_959, %swap3A_960] {strides = array<i32>} : memref<512x64xf32, #tpu.memory_space<vmem>>, vector<1x16xf32>,
      %swap3A_962 = vector.shape_cast %swap3A_961 : vector<1x16xf32> to vector<16xf32>
      %swap3A_963 = vector.shape_cast %get3A_923 : vector<16xf32> to vector<1x16xf32>
      tpu.vector_store %arg13[%swap3A_959, %swap3A_960], %swap3A_963 {strides = array<i32>} : memref<512x64xf32, #tpu.memory_space<vmem>>, vector<1x16xf32>,
      %add3A_964 = arith.constant 11 : i32
      %add3A_965 = arith.addi %mul3A_277, %add3A_964 : i32
      %slice3A_966 = vector.extract_strided_slice %shift_right_logical3A_282 {offsets = [11], sizes = [1], strides = [1]} : vector<16xi32> to vector<1xi32>
      %squeeze3A_967 = vector.extract %slice3A_966[0] : i32 from vector<1xi32>
      %slice3A_968 = vector.extract_strided_slice %and3A_284 {offsets = [11], sizes = [1], strides = [1]} : vector<16xi32> to vector<1xi32>
      %squeeze3A_969 = vector.extract %slice3A_968[0] : i32 from vector<1xi32>
      %get3A_970 = arith.index_cast %squeeze3A_967 : i32 to index
      %get3A_971 = arith.constant 0 : index
      %get3A_972 = tpu.vector_load %arg8[%get3A_970, %get3A_971] {strides = array<i32>} : memref<64x16xf32, #tpu.memory_space<vmem>>, vector<1x16xf32>,
      %get3A_973 = vector.shape_cast %get3A_972 : vector<1x16xf32> to vector<16xf32>
      %get3A_974 = arith.index_cast %squeeze3A_969 : i32 to index
      %get3A_975 = arith.constant 0 : index
      %get3A_976 = tpu.vector_load %arg10[%get3A_974, %get3A_975] {strides = array<i32>} : memref<64x16xf32, #tpu.memory_space<vmem>>, vector<1x16xf32>,
      %get3A_977 = vector.shape_cast %get3A_976 : vector<1x16xf32> to vector<16xf32>
      %get3A_978 = arith.index_cast %squeeze3A_967 : i32 to index
      %get3A_979 = arith.constant 0 : index
      %get3A_980 = tpu.vector_load %arg9[%get3A_978, %get3A_979] {strides = array<i32>} : memref<64x16xf32, #tpu.memory_space<vmem>>, vector<1x16xf32>,
      %get3A_981 = vector.shape_cast %get3A_980 : vector<1x16xf32> to vector<16xf32>
      %get3A_982 = arith.index_cast %squeeze3A_969 : i32 to index
      %get3A_983 = arith.constant 0 : index
      %get3A_984 = tpu.vector_load %arg11[%get3A_982, %get3A_983] {strides = array<i32>} : memref<64x16xf32, #tpu.memory_space<vmem>>, vector<1x16xf32>,
      %get3A_985 = vector.shape_cast %get3A_984 : vector<1x16xf32> to vector<16xf32>
      %swap3A_986 = arith.index_cast %add3A_965 : i32 to index
      %swap3A_987 = arith.constant 0 : index
      %swap3A_988 = tpu.vector_load %arg12[%swap3A_986, %swap3A_987] {strides = array<i32>} : memref<512x64xf32, #tpu.memory_space<vmem>>, vector<1x16xf32>,
      %swap3A_989 = vector.shape_cast %swap3A_988 : vector<1x16xf32> to vector<16xf32>
      %swap3A_990 = vector.shape_cast %get3A_973 : vector<16xf32> to vector<1x16xf32>
      tpu.vector_store %arg12[%swap3A_986, %swap3A_987], %swap3A_990 {strides = array<i32>} : memref<512x64xf32, #tpu.memory_space<vmem>>, vector<1x16xf32>,
      %swap3A_991 = arith.index_cast %add3A_965 : i32 to index
      %swap3A_992 = arith.constant 16 : index
      %swap3A_993 = tpu.vector_load %arg12[%swap3A_991, %swap3A_992] {strides = array<i32>} : memref<512x64xf32, #tpu.memory_space<vmem>>, vector<1x16xf32>,
      %swap3A_994 = vector.shape_cast %swap3A_993 : vector<1x16xf32> to vector<16xf32>
      %swap3A_995 = vector.shape_cast %get3A_977 : vector<16xf32> to vector<1x16xf32>
      tpu.vector_store %arg12[%swap3A_991, %swap3A_992], %swap3A_995 {strides = array<i32>} : memref<512x64xf32, #tpu.memory_space<vmem>>, vector<1x16xf32>,
      %swap3A_996 = arith.index_cast %add3A_965 : i32 to index
      %swap3A_997 = arith.constant 32 : index
      %swap3A_998 = tpu.vector_load %arg12[%swap3A_996, %swap3A_997] {strides = array<i32>} : memref<512x64xf32, #tpu.memory_space<vmem>>, vector<1x16xf32>,
      %swap3A_999 = vector.shape_cast %swap3A_998 : vector<1x16xf32> to vector<16xf32>
      %swap3A_1000 = vector.shape_cast %get3A_973 : vector<16xf32> to vector<1x16xf32>
      tpu.vector_store %arg12[%swap3A_996, %swap3A_997], %swap3A_1000 {strides = array<i32>} : memref<512x64xf32, #tpu.memory_space<vmem>>, vector<1x16xf32>,
      %swap3A_1001 = arith.index_cast %add3A_965 : i32 to index
      %swap3A_1002 = arith.constant 48 : index
      %swap3A_1003 = tpu.vector_load %arg12[%swap3A_1001, %swap3A_1002] {strides = array<i32>} : memref<512x64xf32, #tpu.memory_space<vmem>>, vector<1x16xf32>,
      %swap3A_1004 = vector.shape_cast %swap3A_1003 : vector<1x16xf32> to vector<16xf32>
      %swap3A_1005 = vector.shape_cast %get3A_977 : vector<16xf32> to vector<1x16xf32>
      tpu.vector_store %arg12[%swap3A_1001, %swap3A_1002], %swap3A_1005 {strides = array<i32>} : memref<512x64xf32, #tpu.memory_space<vmem>>, vector<1x16xf32>,
      %swap3A_1006 = arith.index_cast %add3A_965 : i32 to index
      %swap3A_1007 = arith.constant 0 : index
      %swap3A_1008 = tpu.vector_load %arg13[%swap3A_1006, %swap3A_1007] {strides = array<i32>} : memref<512x64xf32, #tpu.memory_space<vmem>>, vector<1x16xf32>,
      %swap3A_1009 = vector.shape_cast %swap3A_1008 : vector<1x16xf32> to vector<16xf32>
      %swap3A_1010 = vector.shape_cast %get3A_981 : vector<16xf32> to vector<1x16xf32>
      tpu.vector_store %arg13[%swap3A_1006, %swap3A_1007], %swap3A_1010 {strides = array<i32>} : memref<512x64xf32, #tpu.memory_space<vmem>>, vector<1x16xf32>,
      %swap3A_1011 = arith.index_cast %add3A_965 : i32 to index
      %swap3A_1012 = arith.constant 16 : index
      %swap3A_1013 = tpu.vector_load %arg13[%swap3A_1011, %swap3A_1012] {strides = array<i32>} : memref<512x64xf32, #tpu.memory_space<vmem>>, vector<1x16xf32>,
      %swap3A_1014 = vector.shape_cast %swap3A_1013 : vector<1x16xf32> to vector<16xf32>
      %swap3A_1015 = vector.shape_cast %get3A_985 : vector<16xf32> to vector<1x16xf32>
      tpu.vector_store %arg13[%swap3A_1011, %swap3A_1012], %swap3A_1015 {strides = array<i32>} : memref<512x64xf32, #tpu.memory_space<vmem>>, vector<1x16xf32>,
      %swap3A_1016 = arith.index_cast %add3A_965 : i32 to index
      %swap3A_1017 = arith.constant 32 : index
      %swap3A_1018 = tpu.vector_load %arg13[%swap3A_1016, %swap3A_1017] {strides = array<i32>} : memref<512x64xf32, #tpu.memory_space<vmem>>, vector<1x16xf32>,
      %swap3A_1019 = vector.shape_cast %swap3A_1018 : vector<1x16xf32> to vector<16xf32>
      %swap3A_1020 = vector.shape_cast %get3A_981 : vector<16xf32> to vector<1x16xf32>
      tpu.vector_store %arg13[%swap3A_1016, %swap3A_1017], %swap3A_1020 {strides = array<i32>} : memref<512x64xf32, #tpu.memory_space<vmem>>, vector<1x16xf32>,
      %swap3A_1021 = arith.index_cast %add3A_965 : i32 to index
      %swap3A_1022 = arith.constant 48 : index
      %swap3A_1023 = tpu.vector_load %arg13[%swap3A_1021, %swap3A_1022] {strides = array<i32>} : memref<512x64xf32, #tpu.memory_space<vmem>>, vector<1x16xf32>,
      %swap3A_1024 = vector.shape_cast %swap3A_1023 : vector<1x16xf32> to vector<16xf32>
      %swap3A_1025 = vector.shape_cast %get3A_985 : vector<16xf32> to vector<1x16xf32>
      tpu.vector_store %arg13[%swap3A_1021, %swap3A_1022], %swap3A_1025 {strides = array<i32>} : memref<512x64xf32, #tpu.memory_space<vmem>>, vector<1x16xf32>,
      %add3A_1026 = arith.constant 12 : i32
      %add3A_1027 = arith.addi %mul3A_277, %add3A_1026 : i32
      %slice3A_1028 = vector.extract_strided_slice %shift_right_logical3A_282 {offsets = [12], sizes = [1], strides = [1]} : vector<16xi32> to vector<1xi32>
      %squeeze3A_1029 = vector.extract %slice3A_1028[0] : i32 from vector<1xi32>
      %slice3A_1030 = vector.extract_strided_slice %and3A_284 {offsets = [12], sizes = [1], strides = [1]} : vector<16xi32> to vector<1xi32>
      %squeeze3A_1031 = vector.extract %slice3A_1030[0] : i32 from vector<1xi32>
      %get3A_1032 = arith.index_cast %squeeze3A_1029 : i32 to index
      %get3A_1033 = arith.constant 0 : index
      %get3A_1034 = tpu.vector_load %arg8[%get3A_1032, %get3A_1033] {strides = array<i32>} : memref<64x16xf32, #tpu.memory_space<vmem>>, vector<1x16xf32>,
      %get3A_1035 = vector.shape_cast %get3A_1034 : vector<1x16xf32> to vector<16xf32>
      %get3A_1036 = arith.index_cast %squeeze3A_1031 : i32 to index
      %get3A_1037 = arith.constant 0 : index
      %get3A_1038 = tpu.vector_load %arg10[%get3A_1036, %get3A_1037] {strides = array<i32>} : memref<64x16xf32, #tpu.memory_space<vmem>>, vector<1x16xf32>,
      %get3A_1039 = vector.shape_cast %get3A_1038 : vector<1x16xf32> to vector<16xf32>
      %get3A_1040 = arith.index_cast %squeeze3A_1029 : i32 to index
      %get3A_1041 = arith.constant 0 : index
      %get3A_1042 = tpu.vector_load %arg9[%get3A_1040, %get3A_1041] {strides = array<i32>} : memref<64x16xf32, #tpu.memory_space<vmem>>, vector<1x16xf32>,
      %get3A_1043 = vector.shape_cast %get3A_1042 : vector<1x16xf32> to vector<16xf32>
      %get3A_1044 = arith.index_cast %squeeze3A_1031 : i32 to index
      %get3A_1045 = arith.constant 0 : index
      %get3A_1046 = tpu.vector_load %arg11[%get3A_1044, %get3A_1045] {strides = array<i32>} : memref<64x16xf32, #tpu.memory_space<vmem>>, vector<1x16xf32>,
      %get3A_1047 = vector.shape_cast %get3A_1046 : vector<1x16xf32> to vector<16xf32>
      %swap3A_1048 = arith.index_cast %add3A_1027 : i32 to index
      %swap3A_1049 = arith.constant 0 : index
      %swap3A_1050 = tpu.vector_load %arg12[%swap3A_1048, %swap3A_1049] {strides = array<i32>} : memref<512x64xf32, #tpu.memory_space<vmem>>, vector<1x16xf32>,
      %swap3A_1051 = vector.shape_cast %swap3A_1050 : vector<1x16xf32> to vector<16xf32>
      %swap3A_1052 = vector.shape_cast %get3A_1035 : vector<16xf32> to vector<1x16xf32>
      tpu.vector_store %arg12[%swap3A_1048, %swap3A_1049], %swap3A_1052 {strides = array<i32>} : memref<512x64xf32, #tpu.memory_space<vmem>>, vector<1x16xf32>,
      %swap3A_1053 = arith.index_cast %add3A_1027 : i32 to index
      %swap3A_1054 = arith.constant 16 : index
      %swap3A_1055 = tpu.vector_load %arg12[%swap3A_1053, %swap3A_1054] {strides = array<i32>} : memref<512x64xf32, #tpu.memory_space<vmem>>, vector<1x16xf32>,
      %swap3A_1056 = vector.shape_cast %swap3A_1055 : vector<1x16xf32> to vector<16xf32>
      %swap3A_1057 = vector.shape_cast %get3A_1039 : vector<16xf32> to vector<1x16xf32>
      tpu.vector_store %arg12[%swap3A_1053, %swap3A_1054], %swap3A_1057 {strides = array<i32>} : memref<512x64xf32, #tpu.memory_space<vmem>>, vector<1x16xf32>,
      %swap3A_1058 = arith.index_cast %add3A_1027 : i32 to index
      %swap3A_1059 = arith.constant 32 : index
      %swap3A_1060 = tpu.vector_load %arg12[%swap3A_1058, %swap3A_1059] {strides = array<i32>} : memref<512x64xf32, #tpu.memory_space<vmem>>, vector<1x16xf32>,
      %swap3A_1061 = vector.shape_cast %swap3A_1060 : vector<1x16xf32> to vector<16xf32>
      %swap3A_1062 = vector.shape_cast %get3A_1035 : vector<16xf32> to vector<1x16xf32>
      tpu.vector_store %arg12[%swap3A_1058, %swap3A_1059], %swap3A_1062 {strides = array<i32>} : memref<512x64xf32, #tpu.memory_space<vmem>>, vector<1x16xf32>,
      %swap3A_1063 = arith.index_cast %add3A_1027 : i32 to index
      %swap3A_1064 = arith.constant 48 : index
      %swap3A_1065 = tpu.vector_load %arg12[%swap3A_1063, %swap3A_1064] {strides = array<i32>} : memref<512x64xf32, #tpu.memory_space<vmem>>, vector<1x16xf32>,
      %swap3A_1066 = vector.shape_cast %swap3A_1065 : vector<1x16xf32> to vector<16xf32>
      %swap3A_1067 = vector.shape_cast %get3A_1039 : vector<16xf32> to vector<1x16xf32>
      tpu.vector_store %arg12[%swap3A_1063, %swap3A_1064], %swap3A_1067 {strides = array<i32>} : memref<512x64xf32, #tpu.memory_space<vmem>>, vector<1x16xf32>,
      %swap3A_1068 = arith.index_cast %add3A_1027 : i32 to index
      %swap3A_1069 = arith.constant 0 : index
      %swap3A_1070 = tpu.vector_load %arg13[%swap3A_1068, %swap3A_1069] {strides = array<i32>} : memref<512x64xf32, #tpu.memory_space<vmem>>, vector<1x16xf32>,
      %swap3A_1071 = vector.shape_cast %swap3A_1070 : vector<1x16xf32> to vector<16xf32>
      %swap3A_1072 = vector.shape_cast %get3A_1043 : vector<16xf32> to vector<1x16xf32>
      tpu.vector_store %arg13[%swap3A_1068, %swap3A_1069], %swap3A_1072 {strides = array<i32>} : memref<512x64xf32, #tpu.memory_space<vmem>>, vector<1x16xf32>,
      %swap3A_1073 = arith.index_cast %add3A_1027 : i32 to index
      %swap3A_1074 = arith.constant 16 : index
      %swap3A_1075 = tpu.vector_load %arg13[%swap3A_1073, %swap3A_1074] {strides = array<i32>} : memref<512x64xf32, #tpu.memory_space<vmem>>, vector<1x16xf32>,
      %swap3A_1076 = vector.shape_cast %swap3A_1075 : vector<1x16xf32> to vector<16xf32>
      %swap3A_1077 = vector.shape_cast %get3A_1047 : vector<16xf32> to vector<1x16xf32>
      tpu.vector_store %arg13[%swap3A_1073, %swap3A_1074], %swap3A_1077 {strides = array<i32>} : memref<512x64xf32, #tpu.memory_space<vmem>>, vector<1x16xf32>,
      %swap3A_1078 = arith.index_cast %add3A_1027 : i32 to index
      %swap3A_1079 = arith.constant 32 : index
      %swap3A_1080 = tpu.vector_load %arg13[%swap3A_1078, %swap3A_1079] {strides = array<i32>} : memref<512x64xf32, #tpu.memory_space<vmem>>, vector<1x16xf32>,
      %swap3A_1081 = vector.shape_cast %swap3A_1080 : vector<1x16xf32> to vector<16xf32>
      %swap3A_1082 = vector.shape_cast %get3A_1043 : vector<16xf32> to vector<1x16xf32>
      tpu.vector_store %arg13[%swap3A_1078, %swap3A_1079], %swap3A_1082 {strides = array<i32>} : memref<512x64xf32, #tpu.memory_space<vmem>>, vector<1x16xf32>,
      %swap3A_1083 = arith.index_cast %add3A_1027 : i32 to index
      %swap3A_1084 = arith.constant 48 : index
      %swap3A_1085 = tpu.vector_load %arg13[%swap3A_1083, %swap3A_1084] {strides = array<i32>} : memref<512x64xf32, #tpu.memory_space<vmem>>, vector<1x16xf32>,
      %swap3A_1086 = vector.shape_cast %swap3A_1085 : vector<1x16xf32> to vector<16xf32>
      %swap3A_1087 = vector.shape_cast %get3A_1047 : vector<16xf32> to vector<1x16xf32>
      tpu.vector_store %arg13[%swap3A_1083, %swap3A_1084], %swap3A_1087 {strides = array<i32>} : memref<512x64xf32, #tpu.memory_space<vmem>>, vector<1x16xf32>,
      %add3A_1088 = arith.constant 13 : i32
      %add3A_1089 = arith.addi %mul3A_277, %add3A_1088 : i32
      %slice3A_1090 = vector.extract_strided_slice %shift_right_logical3A_282 {offsets = [13], sizes = [1], strides = [1]} : vector<16xi32> to vector<1xi32>
      %squeeze3A_1091 = vector.extract %slice3A_1090[0] : i32 from vector<1xi32>
      %slice3A_1092 = vector.extract_strided_slice %and3A_284 {offsets = [13], sizes = [1], strides = [1]} : vector<16xi32> to vector<1xi32>
      %squeeze3A_1093 = vector.extract %slice3A_1092[0] : i32 from vector<1xi32>
      %get3A_1094 = arith.index_cast %squeeze3A_1091 : i32 to index
      %get3A_1095 = arith.constant 0 : index
      %get3A_1096 = tpu.vector_load %arg8[%get3A_1094, %get3A_1095] {strides = array<i32>} : memref<64x16xf32, #tpu.memory_space<vmem>>, vector<1x16xf32>,
      %get3A_1097 = vector.shape_cast %get3A_1096 : vector<1x16xf32> to vector<16xf32>
      %get3A_1098 = arith.index_cast %squeeze3A_1093 : i32 to index
      %get3A_1099 = arith.constant 0 : index
      %get3A_1100 = tpu.vector_load %arg10[%get3A_1098, %get3A_1099] {strides = array<i32>} : memref<64x16xf32, #tpu.memory_space<vmem>>, vector<1x16xf32>,
      %get3A_1101 = vector.shape_cast %get3A_1100 : vector<1x16xf32> to vector<16xf32>
      %get3A_1102 = arith.index_cast %squeeze3A_1091 : i32 to index
      %get3A_1103 = arith.constant 0 : index
      %get3A_1104 = tpu.vector_load %arg9[%get3A_1102, %get3A_1103] {strides = array<i32>} : memref<64x16xf32, #tpu.memory_space<vmem>>, vector<1x16xf32>,
      %get3A_1105 = vector.shape_cast %get3A_1104 : vector<1x16xf32> to vector<16xf32>
      %get3A_1106 = arith.index_cast %squeeze3A_1093 : i32 to index
      %get3A_1107 = arith.constant 0 : index
      %get3A_1108 = tpu.vector_load %arg11[%get3A_1106, %get3A_1107] {strides = array<i32>} : memref<64x16xf32, #tpu.memory_space<vmem>>, vector<1x16xf32>,
      %get3A_1109 = vector.shape_cast %get3A_1108 : vector<1x16xf32> to vector<16xf32>
      %swap3A_1110 = arith.index_cast %add3A_1089 : i32 to index
      %swap3A_1111 = arith.constant 0 : index
      %swap3A_1112 = tpu.vector_load %arg12[%swap3A_1110, %swap3A_1111] {strides = array<i32>} : memref<512x64xf32, #tpu.memory_space<vmem>>, vector<1x16xf32>,
      %swap3A_1113 = vector.shape_cast %swap3A_1112 : vector<1x16xf32> to vector<16xf32>
      %swap3A_1114 = vector.shape_cast %get3A_1097 : vector<16xf32> to vector<1x16xf32>
      tpu.vector_store %arg12[%swap3A_1110, %swap3A_1111], %swap3A_1114 {strides = array<i32>} : memref<512x64xf32, #tpu.memory_space<vmem>>, vector<1x16xf32>,
      %swap3A_1115 = arith.index_cast %add3A_1089 : i32 to index
      %swap3A_1116 = arith.constant 16 : index
      %swap3A_1117 = tpu.vector_load %arg12[%swap3A_1115, %swap3A_1116] {strides = array<i32>} : memref<512x64xf32, #tpu.memory_space<vmem>>, vector<1x16xf32>,
      %swap3A_1118 = vector.shape_cast %swap3A_1117 : vector<1x16xf32> to vector<16xf32>
      %swap3A_1119 = vector.shape_cast %get3A_1101 : vector<16xf32> to vector<1x16xf32>
      tpu.vector_store %arg12[%swap3A_1115, %swap3A_1116], %swap3A_1119 {strides = array<i32>} : memref<512x64xf32, #tpu.memory_space<vmem>>, vector<1x16xf32>,
      %swap3A_1120 = arith.index_cast %add3A_1089 : i32 to index
      %swap3A_1121 = arith.constant 32 : index
      %swap3A_1122 = tpu.vector_load %arg12[%swap3A_1120, %swap3A_1121] {strides = array<i32>} : memref<512x64xf32, #tpu.memory_space<vmem>>, vector<1x16xf32>,
      %swap3A_1123 = vector.shape_cast %swap3A_1122 : vector<1x16xf32> to vector<16xf32>
      %swap3A_1124 = vector.shape_cast %get3A_1097 : vector<16xf32> to vector<1x16xf32>
      tpu.vector_store %arg12[%swap3A_1120, %swap3A_1121], %swap3A_1124 {strides = array<i32>} : memref<512x64xf32, #tpu.memory_space<vmem>>, vector<1x16xf32>,
      %swap3A_1125 = arith.index_cast %add3A_1089 : i32 to index
      %swap3A_1126 = arith.constant 48 : index
      %swap3A_1127 = tpu.vector_load %arg12[%swap3A_1125, %swap3A_1126] {strides = array<i32>} : memref<512x64xf32, #tpu.memory_space<vmem>>, vector<1x16xf32>,
      %swap3A_1128 = vector.shape_cast %swap3A_1127 : vector<1x16xf32> to vector<16xf32>
      %swap3A_1129 = vector.shape_cast %get3A_1101 : vector<16xf32> to vector<1x16xf32>
      tpu.vector_store %arg12[%swap3A_1125, %swap3A_1126], %swap3A_1129 {strides = array<i32>} : memref<512x64xf32, #tpu.memory_space<vmem>>, vector<1x16xf32>,
      %swap3A_1130 = arith.index_cast %add3A_1089 : i32 to index
      %swap3A_1131 = arith.constant 0 : index
      %swap3A_1132 = tpu.vector_load %arg13[%swap3A_1130, %swap3A_1131] {strides = array<i32>} : memref<512x64xf32, #tpu.memory_space<vmem>>, vector<1x16xf32>,
      %swap3A_1133 = vector.shape_cast %swap3A_1132 : vector<1x16xf32> to vector<16xf32>
      %swap3A_1134 = vector.shape_cast %get3A_1105 : vector<16xf32> to vector<1x16xf32>
      tpu.vector_store %arg13[%swap3A_1130, %swap3A_1131], %swap3A_1134 {strides = array<i32>} : memref<512x64xf32, #tpu.memory_space<vmem>>, vector<1x16xf32>,
      %swap3A_1135 = arith.index_cast %add3A_1089 : i32 to index
      %swap3A_1136 = arith.constant 16 : index
      %swap3A_1137 = tpu.vector_load %arg13[%swap3A_1135, %swap3A_1136] {strides = array<i32>} : memref<512x64xf32, #tpu.memory_space<vmem>>, vector<1x16xf32>,
      %swap3A_1138 = vector.shape_cast %swap3A_1137 : vector<1x16xf32> to vector<16xf32>
      %swap3A_1139 = vector.shape_cast %get3A_1109 : vector<16xf32> to vector<1x16xf32>
      tpu.vector_store %arg13[%swap3A_1135, %swap3A_1136], %swap3A_1139 {strides = array<i32>} : memref<512x64xf32, #tpu.memory_space<vmem>>, vector<1x16xf32>,
      %swap3A_1140 = arith.index_cast %add3A_1089 : i32 to index
      %swap3A_1141 = arith.constant 32 : index
      %swap3A_1142 = tpu.vector_load %arg13[%swap3A_1140, %swap3A_1141] {strides = array<i32>} : memref<512x64xf32, #tpu.memory_space<vmem>>, vector<1x16xf32>,
      %swap3A_1143 = vector.shape_cast %swap3A_1142 : vector<1x16xf32> to vector<16xf32>
      %swap3A_1144 = vector.shape_cast %get3A_1105 : vector<16xf32> to vector<1x16xf32>
      tpu.vector_store %arg13[%swap3A_1140, %swap3A_1141], %swap3A_1144 {strides = array<i32>} : memref<512x64xf32, #tpu.memory_space<vmem>>, vector<1x16xf32>,
      %swap3A_1145 = arith.index_cast %add3A_1089 : i32 to index
      %swap3A_1146 = arith.constant 48 : index
      %swap3A_1147 = tpu.vector_load %arg13[%swap3A_1145, %swap3A_1146] {strides = array<i32>} : memref<512x64xf32, #tpu.memory_space<vmem>>, vector<1x16xf32>,
      %swap3A_1148 = vector.shape_cast %swap3A_1147 : vector<1x16xf32> to vector<16xf32>
      %swap3A_1149 = vector.shape_cast %get3A_1109 : vector<16xf32> to vector<1x16xf32>
      tpu.vector_store %arg13[%swap3A_1145, %swap3A_1146], %swap3A_1149 {strides = array<i32>} : memref<512x64xf32, #tpu.memory_space<vmem>>, vector<1x16xf32>,
      %add3A_1150 = arith.constant 14 : i32
      %add3A_1151 = arith.addi %mul3A_277, %add3A_1150 : i32
      %slice3A_1152 = vector.extract_strided_slice %shift_right_logical3A_282 {offsets = [14], sizes = [1], strides = [1]} : vector<16xi32> to vector<1xi32>
      %squeeze3A_1153 = vector.extract %slice3A_1152[0] : i32 from vector<1xi32>
      %slice3A_1154 = vector.extract_strided_slice %and3A_284 {offsets = [14], sizes = [1], strides = [1]} : vector<16xi32> to vector<1xi32>
      %squeeze3A_1155 = vector.extract %slice3A_1154[0] : i32 from vector<1xi32>
      %get3A_1156 = arith.index_cast %squeeze3A_1153 : i32 to index
      %get3A_1157 = arith.constant 0 : index
      %get3A_1158 = tpu.vector_load %arg8[%get3A_1156, %get3A_1157] {strides = array<i32>} : memref<64x16xf32, #tpu.memory_space<vmem>>, vector<1x16xf32>,
      %get3A_1159 = vector.shape_cast %get3A_1158 : vector<1x16xf32> to vector<16xf32>
      %get3A_1160 = arith.index_cast %squeeze3A_1155 : i32 to index
      %get3A_1161 = arith.constant 0 : index
      %get3A_1162 = tpu.vector_load %arg10[%get3A_1160, %get3A_1161] {strides = array<i32>} : memref<64x16xf32, #tpu.memory_space<vmem>>, vector<1x16xf32>,
      %get3A_1163 = vector.shape_cast %get3A_1162 : vector<1x16xf32> to vector<16xf32>
      %get3A_1164 = arith.index_cast %squeeze3A_1153 : i32 to index
      %get3A_1165 = arith.constant 0 : index
      %get3A_1166 = tpu.vector_load %arg9[%get3A_1164, %get3A_1165] {strides = array<i32>} : memref<64x16xf32, #tpu.memory_space<vmem>>, vector<1x16xf32>,
      %get3A_1167 = vector.shape_cast %get3A_1166 : vector<1x16xf32> to vector<16xf32>
      %get3A_1168 = arith.index_cast %squeeze3A_1155 : i32 to index
      %get3A_1169 = arith.constant 0 : index
      %get3A_1170 = tpu.vector_load %arg11[%get3A_1168, %get3A_1169] {strides = array<i32>} : memref<64x16xf32, #tpu.memory_space<vmem>>, vector<1x16xf32>,
      %get3A_1171 = vector.shape_cast %get3A_1170 : vector<1x16xf32> to vector<16xf32>
      %swap3A_1172 = arith.index_cast %add3A_1151 : i32 to index
      %swap3A_1173 = arith.constant 0 : index
      %swap3A_1174 = tpu.vector_load %arg12[%swap3A_1172, %swap3A_1173] {strides = array<i32>} : memref<512x64xf32, #tpu.memory_space<vmem>>, vector<1x16xf32>,
      %swap3A_1175 = vector.shape_cast %swap3A_1174 : vector<1x16xf32> to vector<16xf32>
      %swap3A_1176 = vector.shape_cast %get3A_1159 : vector<16xf32> to vector<1x16xf32>
      tpu.vector_store %arg12[%swap3A_1172, %swap3A_1173], %swap3A_1176 {strides = array<i32>} : memref<512x64xf32, #tpu.memory_space<vmem>>, vector<1x16xf32>,
      %swap3A_1177 = arith.index_cast %add3A_1151 : i32 to index
      %swap3A_1178 = arith.constant 16 : index
      %swap3A_1179 = tpu.vector_load %arg12[%swap3A_1177, %swap3A_1178] {strides = array<i32>} : memref<512x64xf32, #tpu.memory_space<vmem>>, vector<1x16xf32>,
      %swap3A_1180 = vector.shape_cast %swap3A_1179 : vector<1x16xf32> to vector<16xf32>
      %swap3A_1181 = vector.shape_cast %get3A_1163 : vector<16xf32> to vector<1x16xf32>
      tpu.vector_store %arg12[%swap3A_1177, %swap3A_1178], %swap3A_1181 {strides = array<i32>} : memref<512x64xf32, #tpu.memory_space<vmem>>, vector<1x16xf32>,
      %swap3A_1182 = arith.index_cast %add3A_1151 : i32 to index
      %swap3A_1183 = arith.constant 32 : index
      %swap3A_1184 = tpu.vector_load %arg12[%swap3A_1182, %swap3A_1183] {strides = array<i32>} : memref<512x64xf32, #tpu.memory_space<vmem>>, vector<1x16xf32>,
      %swap3A_1185 = vector.shape_cast %swap3A_1184 : vector<1x16xf32> to vector<16xf32>
      %swap3A_1186 = vector.shape_cast %get3A_1159 : vector<16xf32> to vector<1x16xf32>
      tpu.vector_store %arg12[%swap3A_1182, %swap3A_1183], %swap3A_1186 {strides = array<i32>} : memref<512x64xf32, #tpu.memory_space<vmem>>, vector<1x16xf32>,
      %swap3A_1187 = arith.index_cast %add3A_1151 : i32 to index
      %swap3A_1188 = arith.constant 48 : index
      %swap3A_1189 = tpu.vector_load %arg12[%swap3A_1187, %swap3A_1188] {strides = array<i32>} : memref<512x64xf32, #tpu.memory_space<vmem>>, vector<1x16xf32>,
      %swap3A_1190 = vector.shape_cast %swap3A_1189 : vector<1x16xf32> to vector<16xf32>
      %swap3A_1191 = vector.shape_cast %get3A_1163 : vector<16xf32> to vector<1x16xf32>
      tpu.vector_store %arg12[%swap3A_1187, %swap3A_1188], %swap3A_1191 {strides = array<i32>} : memref<512x64xf32, #tpu.memory_space<vmem>>, vector<1x16xf32>,
      %swap3A_1192 = arith.index_cast %add3A_1151 : i32 to index
      %swap3A_1193 = arith.constant 0 : index
      %swap3A_1194 = tpu.vector_load %arg13[%swap3A_1192, %swap3A_1193] {strides = array<i32>} : memref<512x64xf32, #tpu.memory_space<vmem>>, vector<1x16xf32>,
      %swap3A_1195 = vector.shape_cast %swap3A_1194 : vector<1x16xf32> to vector<16xf32>
      %swap3A_1196 = vector.shape_cast %get3A_1167 : vector<16xf32> to vector<1x16xf32>
      tpu.vector_store %arg13[%swap3A_1192, %swap3A_1193], %swap3A_1196 {strides = array<i32>} : memref<512x64xf32, #tpu.memory_space<vmem>>, vector<1x16xf32>,
      %swap3A_1197 = arith.index_cast %add3A_1151 : i32 to index
      %swap3A_1198 = arith.constant 16 : index
      %swap3A_1199 = tpu.vector_load %arg13[%swap3A_1197, %swap3A_1198] {strides = array<i32>} : memref<512x64xf32, #tpu.memory_space<vmem>>, vector<1x16xf32>,
      %swap3A_1200 = vector.shape_cast %swap3A_1199 : vector<1x16xf32> to vector<16xf32>
      %swap3A_1201 = vector.shape_cast %get3A_1171 : vector<16xf32> to vector<1x16xf32>
      tpu.vector_store %arg13[%swap3A_1197, %swap3A_1198], %swap3A_1201 {strides = array<i32>} : memref<512x64xf32, #tpu.memory_space<vmem>>, vector<1x16xf32>,
      %swap3A_1202 = arith.index_cast %add3A_1151 : i32 to index
      %swap3A_1203 = arith.constant 32 : index
      %swap3A_1204 = tpu.vector_load %arg13[%swap3A_1202, %swap3A_1203] {strides = array<i32>} : memref<512x64xf32, #tpu.memory_space<vmem>>, vector<1x16xf32>,
      %swap3A_1205 = vector.shape_cast %swap3A_1204 : vector<1x16xf32> to vector<16xf32>
      %swap3A_1206 = vector.shape_cast %get3A_1167 : vector<16xf32> to vector<1x16xf32>
      tpu.vector_store %arg13[%swap3A_1202, %swap3A_1203], %swap3A_1206 {strides = array<i32>} : memref<512x64xf32, #tpu.memory_space<vmem>>, vector<1x16xf32>,
      %swap3A_1207 = arith.index_cast %add3A_1151 : i32 to index
      %swap3A_1208 = arith.constant 48 : index
      %swap3A_1209 = tpu.vector_load %arg13[%swap3A_1207, %swap3A_1208] {strides = array<i32>} : memref<512x64xf32, #tpu.memory_space<vmem>>, vector<1x16xf32>,
      %swap3A_1210 = vector.shape_cast %swap3A_1209 : vector<1x16xf32> to vector<16xf32>
      %swap3A_1211 = vector.shape_cast %get3A_1171 : vector<16xf32> to vector<1x16xf32>
      tpu.vector_store %arg13[%swap3A_1207, %swap3A_1208], %swap3A_1211 {strides = array<i32>} : memref<512x64xf32, #tpu.memory_space<vmem>>, vector<1x16xf32>,
      %add3A_1212 = arith.constant 15 : i32
      %add3A_1213 = arith.addi %mul3A_277, %add3A_1212 : i32
      %slice3A_1214 = vector.extract_strided_slice %shift_right_logical3A_282 {offsets = [15], sizes = [1], strides = [1]} : vector<16xi32> to vector<1xi32>
      %squeeze3A_1215 = vector.extract %slice3A_1214[0] : i32 from vector<1xi32>
      %slice3A_1216 = vector.extract_strided_slice %and3A_284 {offsets = [15], sizes = [1], strides = [1]} : vector<16xi32> to vector<1xi32>
      %squeeze3A_1217 = vector.extract %slice3A_1216[0] : i32 from vector<1xi32>
      %get3A_1218 = arith.index_cast %squeeze3A_1215 : i32 to index
      %get3A_1219 = arith.constant 0 : index
      %get3A_1220 = tpu.vector_load %arg8[%get3A_1218, %get3A_1219] {strides = array<i32>} : memref<64x16xf32, #tpu.memory_space<vmem>>, vector<1x16xf32>,
      %get3A_1221 = vector.shape_cast %get3A_1220 : vector<1x16xf32> to vector<16xf32>
      %get3A_1222 = arith.index_cast %squeeze3A_1217 : i32 to index
      %get3A_1223 = arith.constant 0 : index
      %get3A_1224 = tpu.vector_load %arg10[%get3A_1222, %get3A_1223] {strides = array<i32>} : memref<64x16xf32, #tpu.memory_space<vmem>>, vector<1x16xf32>,
      %get3A_1225 = vector.shape_cast %get3A_1224 : vector<1x16xf32> to vector<16xf32>
      %get3A_1226 = arith.index_cast %squeeze3A_1215 : i32 to index
      %get3A_1227 = arith.constant 0 : index
      %get3A_1228 = tpu.vector_load %arg9[%get3A_1226, %get3A_1227] {strides = array<i32>} : memref<64x16xf32, #tpu.memory_space<vmem>>, vector<1x16xf32>,
      %get3A_1229 = vector.shape_cast %get3A_1228 : vector<1x16xf32> to vector<16xf32>
      %get3A_1230 = arith.index_cast %squeeze3A_1217 : i32 to index
      %get3A_1231 = arith.constant 0 : index
      %get3A_1232 = tpu.vector_load %arg11[%get3A_1230, %get3A_1231] {strides = array<i32>} : memref<64x16xf32, #tpu.memory_space<vmem>>, vector<1x16xf32>,
      %get3A_1233 = vector.shape_cast %get3A_1232 : vector<1x16xf32> to vector<16xf32>
      %swap3A_1234 = arith.index_cast %add3A_1213 : i32 to index
      %swap3A_1235 = arith.constant 0 : index
      %swap3A_1236 = tpu.vector_load %arg12[%swap3A_1234, %swap3A_1235] {strides = array<i32>} : memref<512x64xf32, #tpu.memory_space<vmem>>, vector<1x16xf32>,
      %swap3A_1237 = vector.shape_cast %swap3A_1236 : vector<1x16xf32> to vector<16xf32>
      %swap3A_1238 = vector.shape_cast %get3A_1221 : vector<16xf32> to vector<1x16xf32>
      tpu.vector_store %arg12[%swap3A_1234, %swap3A_1235], %swap3A_1238 {strides = array<i32>} : memref<512x64xf32, #tpu.memory_space<vmem>>, vector<1x16xf32>,
      %swap3A_1239 = arith.index_cast %add3A_1213 : i32 to index
      %swap3A_1240 = arith.constant 16 : index
      %swap3A_1241 = tpu.vector_load %arg12[%swap3A_1239, %swap3A_1240] {strides = array<i32>} : memref<512x64xf32, #tpu.memory_space<vmem>>, vector<1x16xf32>,
      %swap3A_1242 = vector.shape_cast %swap3A_1241 : vector<1x16xf32> to vector<16xf32>
      %swap3A_1243 = vector.shape_cast %get3A_1225 : vector<16xf32> to vector<1x16xf32>
      tpu.vector_store %arg12[%swap3A_1239, %swap3A_1240], %swap3A_1243 {strides = array<i32>} : memref<512x64xf32, #tpu.memory_space<vmem>>, vector<1x16xf32>,
      %swap3A_1244 = arith.index_cast %add3A_1213 : i32 to index
      %swap3A_1245 = arith.constant 32 : index
      %swap3A_1246 = tpu.vector_load %arg12[%swap3A_1244, %swap3A_1245] {strides = array<i32>} : memref<512x64xf32, #tpu.memory_space<vmem>>, vector<1x16xf32>,
      %swap3A_1247 = vector.shape_cast %swap3A_1246 : vector<1x16xf32> to vector<16xf32>
      %swap3A_1248 = vector.shape_cast %get3A_1221 : vector<16xf32> to vector<1x16xf32>
      tpu.vector_store %arg12[%swap3A_1244, %swap3A_1245], %swap3A_1248 {strides = array<i32>} : memref<512x64xf32, #tpu.memory_space<vmem>>, vector<1x16xf32>,
      %swap3A_1249 = arith.index_cast %add3A_1213 : i32 to index
      %swap3A_1250 = arith.constant 48 : index
      %swap3A_1251 = tpu.vector_load %arg12[%swap3A_1249, %swap3A_1250] {strides = array<i32>} : memref<512x64xf32, #tpu.memory_space<vmem>>, vector<1x16xf32>,
      %swap3A_1252 = vector.shape_cast %swap3A_1251 : vector<1x16xf32> to vector<16xf32>
      %swap3A_1253 = vector.shape_cast %get3A_1225 : vector<16xf32> to vector<1x16xf32>
      tpu.vector_store %arg12[%swap3A_1249, %swap3A_1250], %swap3A_1253 {strides = array<i32>} : memref<512x64xf32, #tpu.memory_space<vmem>>, vector<1x16xf32>,
      %swap3A_1254 = arith.index_cast %add3A_1213 : i32 to index
      %swap3A_1255 = arith.constant 0 : index
      %swap3A_1256 = tpu.vector_load %arg13[%swap3A_1254, %swap3A_1255] {strides = array<i32>} : memref<512x64xf32, #tpu.memory_space<vmem>>, vector<1x16xf32>,
      %swap3A_1257 = vector.shape_cast %swap3A_1256 : vector<1x16xf32> to vector<16xf32>
      %swap3A_1258 = vector.shape_cast %get3A_1229 : vector<16xf32> to vector<1x16xf32>
      tpu.vector_store %arg13[%swap3A_1254, %swap3A_1255], %swap3A_1258 {strides = array<i32>} : memref<512x64xf32, #tpu.memory_space<vmem>>, vector<1x16xf32>,
      %swap3A_1259 = arith.index_cast %add3A_1213 : i32 to index
      %swap3A_1260 = arith.constant 16 : index
      %swap3A_1261 = tpu.vector_load %arg13[%swap3A_1259, %swap3A_1260] {strides = array<i32>} : memref<512x64xf32, #tpu.memory_space<vmem>>, vector<1x16xf32>,
      %swap3A_1262 = vector.shape_cast %swap3A_1261 : vector<1x16xf32> to vector<16xf32>
      %swap3A_1263 = vector.shape_cast %get3A_1233 : vector<16xf32> to vector<1x16xf32>
      tpu.vector_store %arg13[%swap3A_1259, %swap3A_1260], %swap3A_1263 {strides = array<i32>} : memref<512x64xf32, #tpu.memory_space<vmem>>, vector<1x16xf32>,
      %swap3A_1264 = arith.index_cast %add3A_1213 : i32 to index
      %swap3A_1265 = arith.constant 32 : index
      %swap3A_1266 = tpu.vector_load %arg13[%swap3A_1264, %swap3A_1265] {strides = array<i32>} : memref<512x64xf32, #tpu.memory_space<vmem>>, vector<1x16xf32>,
      %swap3A_1267 = vector.shape_cast %swap3A_1266 : vector<1x16xf32> to vector<16xf32>
      %swap3A_1268 = vector.shape_cast %get3A_1229 : vector<16xf32> to vector<1x16xf32>
      tpu.vector_store %arg13[%swap3A_1264, %swap3A_1265], %swap3A_1268 {strides = array<i32>} : memref<512x64xf32, #tpu.memory_space<vmem>>, vector<1x16xf32>,
      %swap3A_1269 = arith.index_cast %add3A_1213 : i32 to index
      %swap3A_1270 = arith.constant 48 : index
      %swap3A_1271 = tpu.vector_load %arg13[%swap3A_1269, %swap3A_1270] {strides = array<i32>} : memref<512x64xf32, #tpu.memory_space<vmem>>, vector<1x16xf32>,
      %swap3A_1272 = vector.shape_cast %swap3A_1271 : vector<1x16xf32> to vector<16xf32>
      %swap3A_1273 = vector.shape_cast %get3A_1233 : vector<16xf32> to vector<1x16xf32>
      tpu.vector_store %arg13[%swap3A_1269, %swap3A_1270], %swap3A_1273 {strides = array<i32>} : memref<512x64xf32, #tpu.memory_space<vmem>>, vector<1x16xf32>,
      %scan3A_1274 = arith.constant 0 : i32
      scf.yield %scan3A_1274 : i32
    }
    %scan3A_133 = arith.constant 8 : i32
    %dma_start3A_134 = arith.constant 384 : i32
    %dma_start3A_135 = arith.constant 0 : i32
    %dma_start3A_136 = tpu.memref_slice %arg12[%dma_start3A_134, %dma_start3A_135] : memref<512x64xf32, #tpu.memory_space<vmem>> -> memref<128x64xf32, #tpu.memory_space<vmem>>
    %dma_start3A_137 = arith.constant 384 : i32
    %dma_start3A_138 = arith.constant 0 : i32
    %dma_start3A_139 = tpu.memref_slice %arg4[%add3A, %dma_start3A_137, %dma_start3A_138] : memref<32x512x64xf32, #tpu.memory_space<hbm>> -> memref<1x128x64xf32, #tpu.memory_space<hbm>>
    %dma_start3A_140 = tpu.memref_squeeze %dma_start3A_139 : memref<1x128x64xf32, #tpu.memory_space<hbm>> -> memref<128x64xf32, #tpu.memory_space<hbm>>
    %dma_start3A_141 = arith.constant 384 : i32
    %dma_start3A_142 = arith.constant 0 : i32
    %dma_start3A_143 = tpu.memref_slice %arg4[%add3A, %dma_start3A_141, %dma_start3A_142] : memref<32x512x64xf32, #tpu.memory_space<hbm>> -> memref<1x128x64xf32, #tpu.memory_space<hbm>>
    %dma_start3A_144 = tpu.memref_squeeze %dma_start3A_143 : memref<1x128x64xf32, #tpu.memory_space<hbm>> -> memref<128x64xf32, #tpu.memory_space<hbm>>
    %dma_start3A_145 = arith.constant 384 : i32
    %dma_start3A_146 = arith.constant 0 : i32
    %dma_start3A_147 = tpu.memref_slice %arg12[%dma_start3A_145, %dma_start3A_146] : memref<512x64xf32, #tpu.memory_space<vmem>> -> memref<128x64xf32, #tpu.memory_space<vmem>>
    tpu.enqueue_dma source(%dma_start3A_147 : memref<128x64xf32, #tpu.memory_space<vmem>>) target(%dma_start3A_144 : memref<128x64xf32, #tpu.memory_space<hbm>>) target_semaphore(%arg14 : memref<!tpu.dma_semaphore, #tpu.memory_space<semaphore_mem>>)
    %dma_start3A_148 = arith.constant 384 : i32
    %dma_start3A_149 = arith.constant 0 : i32
    %dma_start3A_150 = tpu.memref_slice %arg13[%dma_start3A_148, %dma_start3A_149] : memref<512x64xf32, #tpu.memory_space<vmem>> -> memref<128x64xf32, #tpu.memory_space<vmem>>
    %dma_start3A_151 = arith.constant 384 : i32
    %dma_start3A_152 = arith.constant 0 : i32
    %dma_start3A_153 = tpu.memref_slice %arg5[%add3A, %dma_start3A_151, %dma_start3A_152] : memref<32x512x64xf32, #tpu.memory_space<hbm>> -> memref<1x128x64xf32, #tpu.memory_space<hbm>>
    %dma_start3A_154 = tpu.memref_squeeze %dma_start3A_153 : memref<1x128x64xf32, #tpu.memory_space<hbm>> -> memref<128x64xf32, #tpu.memory_space<hbm>>
    %dma_start3A_155 = arith.constant 384 : i32
    %dma_start3A_156 = arith.constant 0 : i32
    %dma_start3A_157 = tpu.memref_slice %arg5[%add3A, %dma_start3A_155, %dma_start3A_156] : memref<32x512x64xf32, #tpu.memory_space<hbm>> -> memref<1x128x64xf32, #tpu.memory_space<hbm>>
    %dma_start3A_158 = tpu.memref_squeeze %dma_start3A_157 : memref<1x128x64xf32, #tpu.memory_space<hbm>> -> memref<128x64xf32, #tpu.memory_space<hbm>>
    %dma_start3A_159 = arith.constant 384 : i32
    %dma_start3A_160 = arith.constant 0 : i32
    %dma_start3A_161 = tpu.memref_slice %arg13[%dma_start3A_159, %dma_start3A_160] : memref<512x64xf32, #tpu.memory_space<vmem>> -> memref<128x64xf32, #tpu.memory_space<vmem>>
    tpu.enqueue_dma source(%dma_start3A_161 : memref<128x64xf32, #tpu.memory_space<vmem>>) target(%dma_start3A_158 : memref<128x64xf32, #tpu.memory_space<hbm>>) target_semaphore(%arg14 : memref<!tpu.dma_semaphore, #tpu.memory_space<semaphore_mem>>)
    %dma_wait3A_162 = arith.constant 0 : i32
    %dma_wait3A_163 = arith.constant 0 : i32
    %dma_wait3A_164 = tpu.memref_slice %arg12[%dma_wait3A_162, %dma_wait3A_163] : memref<512x64xf32, #tpu.memory_space<vmem>> -> memref<128x64xf32, #tpu.memory_space<vmem>>
    %dma_wait3A_165 = arith.constant 0 : i32
    %dma_wait3A_166 = arith.constant 0 : i32
    %dma_wait3A_167 = tpu.memref_slice %arg4[%add3A, %dma_wait3A_165, %dma_wait3A_166] : memref<32x512x64xf32, #tpu.memory_space<hbm>> -> memref<1x128x64xf32, #tpu.memory_space<hbm>>
    %dma_wait3A_168 = tpu.memref_squeeze %dma_wait3A_167 : memref<1x128x64xf32, #tpu.memory_space<hbm>> -> memref<128x64xf32, #tpu.memory_space<hbm>>
    %dma_wait3A_169 = arith.constant 0 : i32
    %dma_wait3A_170 = arith.constant 0 : i32
    %dma_wait3A_171 = tpu.memref_slice %arg4[%add3A, %dma_wait3A_169, %dma_wait3A_170] : memref<32x512x64xf32, #tpu.memory_space<hbm>> -> memref<1x128x64xf32, #tpu.memory_space<hbm>>
    %dma_wait3A_172 = tpu.memref_squeeze %dma_wait3A_171 : memref<1x128x64xf32, #tpu.memory_space<hbm>> -> memref<128x64xf32, #tpu.memory_space<hbm>>
    %dma_wait3A_173 = arith.constant 0 : i32
    %dma_wait3A_174 = arith.constant 0 : i32
    %dma_wait3A_175 = tpu.memref_slice %arg12[%dma_wait3A_173, %dma_wait3A_174] : memref<512x64xf32, #tpu.memory_space<vmem>> -> memref<128x64xf32, #tpu.memory_space<vmem>>
    tpu.wait_dma2 semaphore(%arg14 : memref<!tpu.dma_semaphore, #tpu.memory_space<semaphore_mem>>) src(%dma_wait3A_175 : memref<128x64xf32, #tpu.memory_space<vmem>>) dst(%dma_wait3A_172 : memref<128x64xf32, #tpu.memory_space<hbm>>)
    %dma_wait3A_176 = arith.constant 0 : i32
    %dma_wait3A_177 = arith.constant 0 : i32
    %dma_wait3A_178 = tpu.memref_slice %arg13[%dma_wait3A_176, %dma_wait3A_177] : memref<512x64xf32, #tpu.memory_space<vmem>> -> memref<128x64xf32, #tpu.memory_space<vmem>>
    %dma_wait3A_179 = arith.constant 0 : i32
    %dma_wait3A_180 = arith.constant 0 : i32
    %dma_wait3A_181 = tpu.memref_slice %arg5[%add3A, %dma_wait3A_179, %dma_wait3A_180] : memref<32x512x64xf32, #tpu.memory_space<hbm>> -> memref<1x128x64xf32, #tpu.memory_space<hbm>>
    %dma_wait3A_182 = tpu.memref_squeeze %dma_wait3A_181 : memref<1x128x64xf32, #tpu.memory_space<hbm>> -> memref<128x64xf32, #tpu.memory_space<hbm>>
    %dma_wait3A_183 = arith.constant 0 : i32
    %dma_wait3A_184 = arith.constant 0 : i32
    %dma_wait3A_185 = tpu.memref_slice %arg5[%add3A, %dma_wait3A_183, %dma_wait3A_184] : memref<32x512x64xf32, #tpu.memory_space<hbm>> -> memref<1x128x64xf32, #tpu.memory_space<hbm>>
    %dma_wait3A_186 = tpu.memref_squeeze %dma_wait3A_185 : memref<1x128x64xf32, #tpu.memory_space<hbm>> -> memref<128x64xf32, #tpu.memory_space<hbm>>
    %dma_wait3A_187 = arith.constant 0 : i32
    %dma_wait3A_188 = arith.constant 0 : i32
    %dma_wait3A_189 = tpu.memref_slice %arg13[%dma_wait3A_187, %dma_wait3A_188] : memref<512x64xf32, #tpu.memory_space<vmem>> -> memref<128x64xf32, #tpu.memory_space<vmem>>
    tpu.wait_dma2 semaphore(%arg14 : memref<!tpu.dma_semaphore, #tpu.memory_space<semaphore_mem>>) src(%dma_wait3A_189 : memref<128x64xf32, #tpu.memory_space<vmem>>) dst(%dma_wait3A_186 : memref<128x64xf32, #tpu.memory_space<hbm>>)
    %dma_wait3A_190 = arith.constant 128 : i32
    %dma_wait3A_191 = arith.constant 0 : i32
    %dma_wait3A_192 = tpu.memref_slice %arg12[%dma_wait3A_190, %dma_wait3A_191] : memref<512x64xf32, #tpu.memory_space<vmem>> -> memref<128x64xf32, #tpu.memory_space<vmem>>
    %dma_wait3A_193 = arith.constant 128 : i32
    %dma_wait3A_194 = arith.constant 0 : i32
    %dma_wait3A_195 = tpu.memref_slice %arg4[%add3A, %dma_wait3A_193, %dma_wait3A_194] : memref<32x512x64xf32, #tpu.memory_space<hbm>> -> memref<1x128x64xf32, #tpu.memory_space<hbm>>
    %dma_wait3A_196 = tpu.memref_squeeze %dma_wait3A_195 : memref<1x128x64xf32, #tpu.memory_space<hbm>> -> memref<128x64xf32, #tpu.memory_space<hbm>>
    %dma_wait3A_197 = arith.constant 128 : i32
    %dma_wait3A_198 = arith.constant 0 : i32
    %dma_wait3A_199 = tpu.memref_slice %arg4[%add3A, %dma_wait3A_197, %dma_wait3A_198] : memref<32x512x64xf32, #tpu.memory_space<hbm>> -> memref<1x128x64xf32, #tpu.memory_space<hbm>>
    %dma_wait3A_200 = tpu.memref_squeeze %dma_wait3A_199 : memref<1x128x64xf32, #tpu.memory_space<hbm>> -> memref<128x64xf32, #tpu.memory_space<hbm>>
    %dma_wait3A_201 = arith.constant 128 : i32
    %dma_wait3A_202 = arith.constant 0 : i32
    %dma_wait3A_203 = tpu.memref_slice %arg12[%dma_wait3A_201, %dma_wait3A_202] : memref<512x64xf32, #tpu.memory_space<vmem>> -> memref<128x64xf32, #tpu.memory_space<vmem>>
    tpu.wait_dma2 semaphore(%arg14 : memref<!tpu.dma_semaphore, #tpu.memory_space<semaphore_mem>>) src(%dma_wait3A_203 : memref<128x64xf32, #tpu.memory_space<vmem>>) dst(%dma_wait3A_200 : memref<128x64xf32, #tpu.memory_space<hbm>>)
    %dma_wait3A_204 = arith.constant 128 : i32
    %dma_wait3A_205 = arith.constant 0 : i32
    %dma_wait3A_206 = tpu.memref_slice %arg13[%dma_wait3A_204, %dma_wait3A_205] : memref<512x64xf32, #tpu.memory_space<vmem>> -> memref<128x64xf32, #tpu.memory_space<vmem>>
    %dma_wait3A_207 = arith.constant 128 : i32
    %dma_wait3A_208 = arith.constant 0 : i32
    %dma_wait3A_209 = tpu.memref_slice %arg5[%add3A, %dma_wait3A_207, %dma_wait3A_208] : memref<32x512x64xf32, #tpu.memory_space<hbm>> -> memref<1x128x64xf32, #tpu.memory_space<hbm>>
    %dma_wait3A_210 = tpu.memref_squeeze %dma_wait3A_209 : memref<1x128x64xf32, #tpu.memory_space<hbm>> -> memref<128x64xf32, #tpu.memory_space<hbm>>
    %dma_wait3A_211 = arith.constant 128 : i32
    %dma_wait3A_212 = arith.constant 0 : i32
    %dma_wait3A_213 = tpu.memref_slice %arg5[%add3A, %dma_wait3A_211, %dma_wait3A_212] : memref<32x512x64xf32, #tpu.memory_space<hbm>> -> memref<1x128x64xf32, #tpu.memory_space<hbm>>
    %dma_wait3A_214 = tpu.memref_squeeze %dma_wait3A_213 : memref<1x128x64xf32, #tpu.memory_space<hbm>> -> memref<128x64xf32, #tpu.memory_space<hbm>>
    %dma_wait3A_215 = arith.constant 128 : i32
    %dma_wait3A_216 = arith.constant 0 : i32
    %dma_wait3A_217 = tpu.memref_slice %arg13[%dma_wait3A_215, %dma_wait3A_216] : memref<512x64xf32, #tpu.memory_space<vmem>> -> memref<128x64xf32, #tpu.memory_space<vmem>>
    tpu.wait_dma2 semaphore(%arg14 : memref<!tpu.dma_semaphore, #tpu.memory_space<semaphore_mem>>) src(%dma_wait3A_217 : memref<128x64xf32, #tpu.memory_space<vmem>>) dst(%dma_wait3A_214 : memref<128x64xf32, #tpu.memory_space<hbm>>)
    %dma_wait3A_218 = arith.constant 256 : i32
    %dma_wait3A_219 = arith.constant 0 : i32
    %dma_wait3A_220 = tpu.memref_slice %arg12[%dma_wait3A_218, %dma_wait3A_219] : memref<512x64xf32, #tpu.memory_space<vmem>> -> memref<128x64xf32, #tpu.memory_space<vmem>>
    %dma_wait3A_221 = arith.constant 256 : i32
    %dma_wait3A_222 = arith.constant 0 : i32
    %dma_wait3A_223 = tpu.memref_slice %arg4[%add3A, %dma_wait3A_221, %dma_wait3A_222] : memref<32x512x64xf32, #tpu.memory_space<hbm>> -> memref<1x128x64xf32, #tpu.memory_space<hbm>>
    %dma_wait3A_224 = tpu.memref_squeeze %dma_wait3A_223 : memref<1x128x64xf32, #tpu.memory_space<hbm>> -> memref<128x64xf32, #tpu.memory_space<hbm>>
    %dma_wait3A_225 = arith.constant 256 : i32
    %dma_wait3A_226 = arith.constant 0 : i32
    %dma_wait3A_227 = tpu.memref_slice %arg4[%add3A, %dma_wait3A_225, %dma_wait3A_226] : memref<32x512x64xf32, #tpu.memory_space<hbm>> -> memref<1x128x64xf32, #tpu.memory_space<hbm>>
    %dma_wait3A_228 = tpu.memref_squeeze %dma_wait3A_227 : memref<1x128x64xf32, #tpu.memory_space<hbm>> -> memref<128x64xf32, #tpu.memory_space<hbm>>
    %dma_wait3A_229 = arith.constant 256 : i32
    %dma_wait3A_230 = arith.constant 0 : i32
    %dma_wait3A_231 = tpu.memref_slice %arg12[%dma_wait3A_229, %dma_wait3A_230] : memref<512x64xf32, #tpu.memory_space<vmem>> -> memref<128x64xf32, #tpu.memory_space<vmem>>
    tpu.wait_dma2 semaphore(%arg14 : memref<!tpu.dma_semaphore, #tpu.memory_space<semaphore_mem>>) src(%dma_wait3A_231 : memref<128x64xf32, #tpu.memory_space<vmem>>) dst(%dma_wait3A_228 : memref<128x64xf32, #tpu.memory_space<hbm>>)
    %dma_wait3A_232 = arith.constant 256 : i32
    %dma_wait3A_233 = arith.constant 0 : i32
    %dma_wait3A_234 = tpu.memref_slice %arg13[%dma_wait3A_232, %dma_wait3A_233] : memref<512x64xf32, #tpu.memory_space<vmem>> -> memref<128x64xf32, #tpu.memory_space<vmem>>
    %dma_wait3A_235 = arith.constant 256 : i32
    %dma_wait3A_236 = arith.constant 0 : i32
    %dma_wait3A_237 = tpu.memref_slice %arg5[%add3A, %dma_wait3A_235, %dma_wait3A_236] : memref<32x512x64xf32, #tpu.memory_space<hbm>> -> memref<1x128x64xf32, #tpu.memory_space<hbm>>
    %dma_wait3A_238 = tpu.memref_squeeze %dma_wait3A_237 : memref<1x128x64xf32, #tpu.memory_space<hbm>> -> memref<128x64xf32, #tpu.memory_space<hbm>>
    %dma_wait3A_239 = arith.constant 256 : i32
    %dma_wait3A_240 = arith.constant 0 : i32
    %dma_wait3A_241 = tpu.memref_slice %arg5[%add3A, %dma_wait3A_239, %dma_wait3A_240] : memref<32x512x64xf32, #tpu.memory_space<hbm>> -> memref<1x128x64xf32, #tpu.memory_space<hbm>>
    %dma_wait3A_242 = tpu.memref_squeeze %dma_wait3A_241 : memref<1x128x64xf32, #tpu.memory_space<hbm>> -> memref<128x64xf32, #tpu.memory_space<hbm>>
    %dma_wait3A_243 = arith.constant 256 : i32
    %dma_wait3A_244 = arith.constant 0 : i32
    %dma_wait3A_245 = tpu.memref_slice %arg13[%dma_wait3A_243, %dma_wait3A_244] : memref<512x64xf32, #tpu.memory_space<vmem>> -> memref<128x64xf32, #tpu.memory_space<vmem>>
    tpu.wait_dma2 semaphore(%arg14 : memref<!tpu.dma_semaphore, #tpu.memory_space<semaphore_mem>>) src(%dma_wait3A_245 : memref<128x64xf32, #tpu.memory_space<vmem>>) dst(%dma_wait3A_242 : memref<128x64xf32, #tpu.memory_space<hbm>>)
    %dma_wait3A_246 = arith.constant 384 : i32
    %dma_wait3A_247 = arith.constant 0 : i32
    %dma_wait3A_248 = tpu.memref_slice %arg12[%dma_wait3A_246, %dma_wait3A_247] : memref<512x64xf32, #tpu.memory_space<vmem>> -> memref<128x64xf32, #tpu.memory_space<vmem>>
    %dma_wait3A_249 = arith.constant 384 : i32
    %dma_wait3A_250 = arith.constant 0 : i32
    %dma_wait3A_251 = tpu.memref_slice %arg4[%add3A, %dma_wait3A_249, %dma_wait3A_250] : memref<32x512x64xf32, #tpu.memory_space<hbm>> -> memref<1x128x64xf32, #tpu.memory_space<hbm>>
    %dma_wait3A_252 = tpu.memref_squeeze %dma_wait3A_251 : memref<1x128x64xf32, #tpu.memory_space<hbm>> -> memref<128x64xf32, #tpu.memory_space<hbm>>
    %dma_wait3A_253 = arith.constant 384 : i32
    %dma_wait3A_254 = arith.constant 0 : i32
    %dma_wait3A_255 = tpu.memref_slice %arg4[%add3A, %dma_wait3A_253, %dma_wait3A_254] : memref<32x512x64xf32, #tpu.memory_space<hbm>> -> memref<1x128x64xf32, #tpu.memory_space<hbm>>
    %dma_wait3A_256 = tpu.memref_squeeze %dma_wait3A_255 : memref<1x128x64xf32, #tpu.memory_space<hbm>> -> memref<128x64xf32, #tpu.memory_space<hbm>>
    %dma_wait3A_257 = arith.constant 384 : i32
    %dma_wait3A_258 = arith.constant 0 : i32
    %dma_wait3A_259 = tpu.memref_slice %arg12[%dma_wait3A_257, %dma_wait3A_258] : memref<512x64xf32, #tpu.memory_space<vmem>> -> memref<128x64xf32, #tpu.memory_space<vmem>>
    tpu.wait_dma2 semaphore(%arg14 : memref<!tpu.dma_semaphore, #tpu.memory_space<semaphore_mem>>) src(%dma_wait3A_259 : memref<128x64xf32, #tpu.memory_space<vmem>>) dst(%dma_wait3A_256 : memref<128x64xf32, #tpu.memory_space<hbm>>)
    %dma_wait3A_260 = arith.constant 384 : i32
    %dma_wait3A_261 = arith.constant 0 : i32
    %dma_wait3A_262 = tpu.memref_slice %arg13[%dma_wait3A_260, %dma_wait3A_261] : memref<512x64xf32, #tpu.memory_space<vmem>> -> memref<128x64xf32, #tpu.memory_space<vmem>>
    %dma_wait3A_263 = arith.constant 384 : i32
    %dma_wait3A_264 = arith.constant 0 : i32
    %dma_wait3A_265 = tpu.memref_slice %arg5[%add3A, %dma_wait3A_263, %dma_wait3A_264] : memref<32x512x64xf32, #tpu.memory_space<hbm>> -> memref<1x128x64xf32, #tpu.memory_space<hbm>>
    %dma_wait3A_266 = tpu.memref_squeeze %dma_wait3A_265 : memref<1x128x64xf32, #tpu.memory_space<hbm>> -> memref<128x64xf32, #tpu.memory_space<hbm>>
    %dma_wait3A_267 = arith.constant 384 : i32
    %dma_wait3A_268 = arith.constant 0 : i32
    %dma_wait3A_269 = tpu.memref_slice %arg5[%add3A, %dma_wait3A_267, %dma_wait3A_268] : memref<32x512x64xf32, #tpu.memory_space<hbm>> -> memref<1x128x64xf32, #tpu.memory_space<hbm>>
    %dma_wait3A_270 = tpu.memref_squeeze %dma_wait3A_269 : memref<1x128x64xf32, #tpu.memory_space<hbm>> -> memref<128x64xf32, #tpu.memory_space<hbm>>
    %dma_wait3A_271 = arith.constant 384 : i32
    %dma_wait3A_272 = arith.constant 0 : i32
    %dma_wait3A_273 = tpu.memref_slice %arg13[%dma_wait3A_271, %dma_wait3A_272] : memref<512x64xf32, #tpu.memory_space<vmem>> -> memref<128x64xf32, #tpu.memory_space<vmem>>
    tpu.wait_dma2 semaphore(%arg14 : memref<!tpu.dma_semaphore, #tpu.memory_space<semaphore_mem>>) src(%dma_wait3A_273 : memref<128x64xf32, #tpu.memory_space<vmem>>) dst(%dma_wait3A_270 : memref<128x64xf32, #tpu.memory_space<hbm>>)
    return
  }
}

</mosaic_0001>

<sc_bundles>
// kernel: kernel.3.cloned.1.call-start
scs
__scs_entry_jumppad:
0x0: {  	(pc) =	sbr.rel $0x88, $3  }
0x1: {  	(tag) =	ssettag $0x0;
	lr =	simm.s32 $0x1  }
0x2: {  	[smem:$0x3F9F] =	sst lr;
	_ =	strace $0xD0000000  }
0x3: {  	_ = 	snop  }
0x4: {  	_ = 	snop  }
0x5: {  	_ = 	snop  }
0x6: {  	_ = 	snop  }
0x7: {  	_ = 	snop  }
__scs_overlays_trampoline_lowered:
0x8: {  	[smem:$0x3FAE] =	sst s0  }
0x9: {  	[smem:$0x3FAF] =	sst s1  }
0xa: {  	[smem:$0x3FB0] =	sst s2  }
0xb: {  	[smem:$0x3FB1] =	sst s3  }
0xc: {  	[smem:$0x3FB2] =	sst s4  }
0xd: {  	[smem:$0x3FB3] =	sst s5  }
0xe: {  	[smem:$0x3FB4] =	sst s6  }
0xf: {  	[smem:$0x3FB5] =	sst s7  }
0x10: {  	[smem:$0x3FB6] =	sst s8  }
0x11: {  	[smem:$0x3FB7] =	sst s9;
	s0 =	simm.s32 @!p0 $0x0  }
0x12: {  	s1 =	sld [smem:$0x3F9D];
	s0 =	simm.s32 @p0 $0x1  }
0x13: {  	[smem:$0x3FB8] =	sst s0;
	s0 =	simm.s32 @!p1 $0x0  }
0x14: {  	s2 =	sld [smem:$0x3F9C];
	s0 =	simm.s32 @p1 $0x1  }
0x15: {  	[smem:$0x3FB9] =	sst s0;
	s0 =	simm.s32 @!p2 $0x0  }
0x16: {  	s3 =	sld [smem:$0x3FDB];
	s0 =	simm.s32 @p2 $0x1  }
0x17: {  	s4 =	simm.s32 $0x1BF5;
	[smem:$0x3FBB] =	sst s0  }
0x18: {  	s0 =	sld [smem:$0x3F9E];
	_ =	swait.ge [sflag:s4], $0x0  }
0x19: {  	s7 =	sld [smem:$0x3F9F]  }
0x1a: {  	s8 =	sadd.s32 $0xFFFFE003, lr  }
0x1b: {  	s9 =	sadd.s32 $0xFFFFFEF7, lr;
	s5 =	simm.s32 $0xFFFFFFFF;
	p2 =	slt.u32 s8, $0xFFFFF086  }
0x1c: {  	p1 =	slt.u32 s9, $0xF7A;
	s5 =	simm.s32 @!p2 $0x0  }
0x1d: {  	s5 =	simm.s32 @p1 $0x1;
	p0 =	seq.s32 s7, s2  }
0x1e: {  	s7 =	smul.u32 @!p0 $0xF7A, s2;
	p2 =	seq.s32 @!p0 s5, $0x0  }
0x1f: {  	s9 =	smul.u32 $0xF7A, s1;
	s8 =	simm.s32 @!p0 $0x1BF5;
	p2 =	por !p2, p0  }
0x20: {  	[sflag:s8] =	ssyncset.s32 @!p0 $0xFFFFF086;
	s6 =	sadd.s32 @!p0 s3, s7;
	s7 =	simm.s32 @!p0 $0x108  }
0x21: {  	s3 =	sadd.s32 s3, s9;
	s6 =	sadd.s32 @!p0 $0x88, s6;
	s7 =	simm.s32 @p2 $0x1082  }
0x22: {  	[simem:s7], [sflag:s8] =	dma.local @!p0 [hbm:s6], $0xF7A  }
0x23: {  	s9 =	sor.u32 $0xD0000000, s2;
	s6 =	simm.s32 $0x108;
	_ =	swait.ge @!p0 [sflag:s8], $0x0  }
0x24: {  	s3 =	sadd.s32 $0x88, s3;
	s6 =	simm.s32 @!p1 $0x1082;
	[sflag:s4] =	ssyncset.s32 $0xFFFFF086  }
0x25: {  	[simem:s6], [sflag:s4] =	dma.local [hbm:s3], $0xF7A  }
0x26: {  	[smem:$0x3F9F] =	sst s1;
	(tag) =	ssettag s2;
	_ =	strace s9  }
0x27: {  	s1 =	sld [smem:$0x3FAF]  }
0x28: {  	s2 =	sld [smem:$0x3FB0]  }
0x29: {  	s4 =	sld [smem:$0x3FB2]  }
0x2a: {  	p0 =	seq.s32 s5, $0x0;
	s5 =	sld [smem:$0x3FB3]  }
0x2b: {  	s6 =	sld [smem:$0x3FB4]  }
0x2c: {  	s7 =	sld [smem:$0x3FB5]  }
0x2d: {  	s3 =	simm.s32 $0x108;
	s8 =	sld [smem:$0x3FB6]  }
0x2e: {  	s3 =	simm.s32 @!p0 $0x1082;
	s9 =	sld [smem:$0x3FB7]  }
0x2f: {  	lr =	sadd.s32 s0, s3;
	s0 =	sld [smem:$0x3FAE]  }
0x30: {  	s3 =	sld [smem:$0x3FB1]  }
0x31: {  	[smem:$0x3FBA] =	sst s10  }
0x32: {  	s10 =	sld [smem:$0x3FB8];
	_ =	sdelay $0x3  }
0x33: {  	p0 =	seq.s32 s10, $0x1;
	s10 =	sld [smem:$0x3FBA];
	_ =	sdelay $0x3  }
0x34: {  	[smem:$0x3FBA] =	sst s10  }
0x35: {  	s10 =	sld [smem:$0x3FB9];
	_ =	sdelay $0x3  }
0x36: {  	p1 =	seq.s32 s10, $0x1;
	s10 =	sld [smem:$0x3FBA];
	_ =	sdelay $0x3  }
0x37: {  	[smem:$0x3FBA] =	sst s10  }
0x38: {  	s10 =	sld [smem:$0x3FBB]  }
0x39: {  	_ = 	snop;
	(pc) =	sbr.ind lr, $3  }
0x3a: {  	_ = 	snop  }
0x3b: {  	_ = 	snop  }
0x3c: {  	p2 =	seq.s32 s10, $0x1;
	s10 =	sld [smem:$0x3FBA]  }
0x3d: {  	_ =	shalt  }
0x3e: {  	_ =	shalt  }
0x3f: {  	_ =	shalt  }
0x40: {  	_ =	shalt  }
0x41: {  	_ =	shalt  }
0x42: {  	_ =	shalt  }
0x43: {  	_ =	shalt  }
0x44: {  	_ =	shalt  }
0x45: {  	_ =	shalt  }
0x46: {  	_ =	shalt  }
0x47: {  	_ =	shalt  }
0x48: {  	_ =	shalt  }
0x49: {  	_ =	shalt  }
0x4a: {  	_ =	shalt  }
0x4b: {  	_ =	shalt  }
0x4c: {  	_ =	shalt  }
0x4d: {  	_ =	shalt  }
0x4e: {  	_ =	shalt  }
0x4f: {  	_ =	shalt  }
0x50: {  	_ =	shalt  }
0x51: {  	_ =	shalt  }
0x52: {  	_ =	shalt  }
0x53: {  	_ =	shalt  }
0x54: {  	_ =	shalt  }
0x55: {  	_ =	shalt  }
0x56: {  	_ =	shalt  }
0x57: {  	_ =	shalt  }
0x58: {  	_ =	shalt  }
0x59: {  	_ =	shalt  }
0x5a: {  	_ =	shalt  }
0x5b: {  	_ =	shalt  }
0x5c: {  	_ =	shalt  }
0x5d: {  	_ =	shalt  }
0x5e: {  	_ =	shalt  }
0x5f: {  	_ =	shalt  }
0x60: {  	_ =	shalt  }
0x61: {  	_ =	shalt  }
0x62: {  	_ =	shalt  }
0x63: {  	_ =	shalt  }
0x64: {  	_ =	shalt  }
0x65: {  	_ =	shalt  }
0x66: {  	_ =	shalt  }
0x67: {  	_ =	shalt  }
0x68: {  	_ =	shalt  }
0x69: {  	_ =	shalt  }
0x6a: {  	_ =	shalt  }
0x6b: {  	_ =	shalt  }
0x6c: {  	_ =	shalt  }
0x6d: {  	_ =	shalt  }
0x6e: {  	_ =	shalt  }
0x6f: {  	_ =	shalt  }
0x70: {  	_ =	shalt  }
0x71: {  	_ =	shalt  }
0x72: {  	_ =	shalt  }
0x73: {  	_ =	shalt  }
0x74: {  	_ =	shalt  }
0x75: {  	_ =	shalt  }
0x76: {  	_ =	shalt  }
0x77: {  	_ =	shalt  }
0x78: {  	_ =	shalt  }
0x79: {  	_ =	shalt  }
0x7a: {  	_ =	shalt  }
0x7b: {  	_ =	shalt  }
0x7c: {  	_ =	shalt  }
0x7d: {  	_ =	shalt  }
0x7e: {  	_ =	shalt  }
0x7f: {  	_ =	shalt  }
0x80: {  	_ =	shalt  }
0x81: {  	_ =	shalt  }
0x82: {  	_ =	shalt  }
0x83: {  	_ =	shalt  }
0x84: {  	_ =	shalt  }
0x85: {  	_ =	shalt  }
0x86: {  	_ =	shalt  }
0x87: {  	_ =	shalt  }
.Lfunc_end0:
.L_simem_size_0:
called_computation_lowered:
.L_overlay_start_0:
0x88: {  	s2 =	sld [smem:$0x3FD9]  }
0x89: {  	s3 =	sld [smem:$0x3FFE];
	_ =	sdelay $0x1  }
0x8a: {  	s1 =	srdreg.scid  }
0x8b: {  	s0 =	sand.u32 $0x1, s1  }
0x8c: {  	s14 =	sshll.u32 s0, $0xA;
	s2 =	sadd.s32 s3, s2  }
0x8d: {  	s2 =	sadd.s32 s2, s14  }
0x8e: {  	[smem:$0x3FC6] =	sst s2  }
0x8f: {  	_ = 	snop  }
0x90: {  	s2 =	sld [smem:$0x3FD0];
	_ =	sdelay $0x2  }
0x91: {  	s4 =	simm.s32 $0xA;
	s5 =	simm.s32 $0x10;
	s15 =	sld [smem:$0x3FC9]  }
0x92: {  	[smem:s5], [sflag:s4] =	dma.local [hbm:s2], $0x1  }
0x93: {  	_ =	swait.eq [sflag:s4], $0x1  }
0x94: {  	[sflag:s4] =	ssyncset.done $0x0  }
0x95: {  	s16 =	sld [smem:$0x10];
	[sflag:s4] =	ssyncadd.s32 $0xFFFFFFFF  }
0x96: {  	s17 =	sld [smem:$0x11];
	(tm) =	ssettm $0x1  }
0x97: {  	s18 =	sld [smem:$0x3FFB];
	_ =	sdelay $0x3  }
0x98: {  	_ =	strace s18  }
0x99: {  	s5 =	sld [smem:$0x3FFC];
	_ =	sdelay $0x3  }
0x9a: {  	_ =	strace s5  }
0x9b: {  	s5 =	sld [smem:$0x3FFD];
	_ =	sdelay $0x3  }
0x9c: {  	_ =	strace s5  }
0x9d: {  	_ =	strace $0x8FFFFFFF  }
0x9e: {  	s19 =	sld [smem:$0x3FDB];
	_ =	sdelay $0x1  }
0x9f: {  	s6 =	simm.s32 $_scs_section_size  }
0xa0: {  	s7 =	simm.s32 $_size__tile_overlayer_lowered;
	s8 =	simm.s32 $_tile_overlayer_lowered  }
0xa1: {  	s22 =	simm.s32 $0x1BFF;
	s21 =	sshll.u32 s8, $0x1;
	s5 =	sadd.s32 s6, s19  }
0xa2: {  	s9 =	simm.s32 $0x0;
	s20 =	sshll.u32 s7, $0x1;
	s7 =	sadd.s32 s21, s5  }
0xa3: {  	[timem:s9], [sflag:s22] =	dma.local [hbm:s7], s20  }
0xa4: {  	_ =	swait.ge [sflag:s22], s20  }
0xa5: {  	s6 =	ssub.s32 $0x0, s20;
	[sflag:s22] =	ssyncset.done $0x0  }
0xa6: {  	[sflag:s22] =	ssyncadd.s32 s6;
	_ =	sdelay $0x1  }
0xa7: {  	s23 =	simm.s32 $0x1B8B  }
0xa8: {  	_ =	swait.ge [sflag:s23], $0x1  }
0xa9: {  	[sflag:s23] =	ssyncset.done $0x0  }
0xaa: {  	s25 =	simm.s32 $0x1B8E;
	s24 =	sld [smem:$0x3FFE];
	[sflag:s23] =	ssyncadd.s32 $0xFFFFFFFF  }
0xab: {  	s26 =	simm.s32 $execute0_lowered;
	[smem:$0x3FD2] =	sst s25  }
0xac: {  	s7 =	sshll.u32 s26, $0x1;
	_ =	strace $0x80000046;
	[dreg:$0x1] =	wrdreg $0xFFFFFFFF  }
0xad: {  	s28 =	simm.s32 $_size_execute0_lowered;
	s5 =	sadd.s32 s5, s7;
	[dreg:$0x0] =	wrdreg $0x0  }
0xae: {  	s7 =	sshll.u32 s28, $0x1;
	[dreg:$0x2] =	wrdreg s5  }
0xaf: {  	[dreg:$0x3] =	wrdreg s7  }
0xb0: {  	[dreg:$0x4] =	wrdreg $0xC0  }
0xb1: {  	_ =	task [dreg:s9], $0x5FFFF  }
0xb2: {  	[dreg:$0x1] =	wrdreg $0xFFFFFFFF  }
0xb3: {  	[dreg:$0x0] =	wrdreg $0x60  }
0xb4: {  	[dreg:$0x2] =	wrdreg s24  }
0xb5: {  	[dreg:$0x3] =	wrdreg s15  }
0xb6: {  	[dreg:$0x4] =	wrdreg s16  }
0xb7: {  	[dreg:$0x5] =	wrdreg s17  }
0xb8: {  	[dreg:$0x6] =	wrdreg $0x9  }
0xb9: {  	_ =	task.clear_ibuf [dreg:s9], $0x7FFFF;
	_ =	strace $0x90000046  }
0xba: {  	s29 =	simm.s32 $0x9;
	_ =	strace $0x80000048  }
0xbb: {  	_ =	swait.ge [sflag:s29], $0x1  }
0xbc: {  	[sflag:s29] =	ssyncadd.s32 $0xFFFFFFFF  }
0xbd: {  	_ =	strace $0x90000048  }
0xbe: {  	_ =	sfence  }
0xbf: {  	s30 =	sld [smem:$0x0];
	_ =	sdelay $0x2  }
0xc0: {  	s31 =	sshll.u32 s1, $0xD;
	s1 =	sshrl.u32 s1, $0x2  }
0xc1: {  	s3 =	sand.u32 $0x4000, s31;
	s1 =	sadd.s32 s1, s30  }
0xc2: {  	s0 =	sor.u32 s3, s0;
	s1 =	sshll.u32 s1, $0x11  }
0xc3: {  	s0 =	sor.u32 s1, s0  }
0xc4: {  	s0 =	sadd.s32 $0x8F2B, s0  }
0xc5: {  	[sflag:s0] =	ssyncadd.remote.s32 $0x1  }
0xc6: {  	_ =	sfence.sel $0xFFFF  }
0xc7: {  	[dreg:$0x0] =	wrdreg $0xFFFFFFFF;
	(pc) =	sbr.abs _section_cstart, $3  }
0xc8: {  	[dreg:$0x1] =	wrdreg $0xFFFFFFFF  }
0xc9: {  	_ =	task.clear_ibuf [dreg:s9], $0x2FFFF;
	_ =	strace $0x9FFFFFFF  }
0xca: {  	(tm) =	ssettm $0x7FFFFFFF  }
0xcb: {  	_ =	shalt  }
tec
execute0_lowered:
.L_overlay_start_1:
0x0: {  	(tag) =	ssettag $0x1  }
0x1: {  	s0 =	rddreg [dreg:$0x0]  }
0x2: {  	s1 =	rddreg [dreg:$0x1]  }
0x3: {  	s11 =	rddreg [dreg:$0x2]  }
0x4: {  	s12 =	rddreg [dreg:$0x3]  }
0x5: {  	s2 =	srdreg.scid;
	s5 =	stileid.u32  }
0x6: {  	s15 =	simm.s32 $0x2;
	s16 =	simm.s32 $0x1;
	s20 =	simm.s32 $0xB240  }
0x7: {  	s21 =	simm.s32 $0x5240;
	s22 =	simm.s32 $0xD240;
	s23 =	simm.s32 $0x7240  }
0x8: {  	s24 =	simm.s32 $0xF240;
	s25 =	simm.s32 $0x0;
	s3 =	sand.u32 $0x1, s2  }
0x9: {  	s2 =	simm.s32 $0x0;
	s5 =	sshll.u32 s5, $0x1;
	s4 =	ssub.s32 $0x2, s3  }
0xa: {  	[smem:$0x7FF] =	sst s2;
	s5 =	sor.u32 s3, s5;
	s6 =	sshrl.u32 s4, $0x1  }
0xb: {  	_ =	strace $0x80000047;
	s3 =	sshll.u32 s5, $0x6;
	s29 =	sshll.u32 s5, $0xC  }
0xc: {  	s13 =	ssub.s32 s4, s6;
	s3 =	sadd.s32 s1, s3;
	s4 =	sadd.s32 $0xC08, s0  }
0xd: {  	s5 =	sadd.s32 s11, s29;
	s6 =	sadd.s32 s12, s29;
	s30 =	sor.u32 $0x400, s29  }
0xe: {  	s31 =	sor.u32 $0x800, s29;
	s0 =	sor.u32 $0xC00, s29;
	s7 =	sadd.s32 s11, s30  }
0xf: {  	s8 =	sadd.s32 s12, s30;
	s9 =	sadd.s32 s11, s31;
	s10 =	sadd.s32 s12, s31  }
0x10: {  	s11 =	sadd.s32 s11, s0;
	s12 =	sadd.s32 s12, s0;
	s13 =	smax.u32 s13, $0x1  }
.LBB2_1:
0x11: {  	[tilespmem:s2], [sflag:$0x1] =	stream.linear.gather [hbm4b:s3+s2], $0x200, $0x38;
	[tilespmem:$0x11240] =	vst v63  }
0x12: {  	s0 =	simm.s32 $0x200  }
0x13: {  	[tilespmem:s0], [sflag:$0x2] =	stream.linear.gather [hbm4b:s4+s2], $0x40, $0x38;
	[tilespmem:$0x11240] =	vst v63  }
0x14: {  	_ =	swait.ge [sflag:s15], $0x40  }
0x15: {  	[sflag:s15] =	ssyncset.done $0x0  }
0x16: {  	[sflag:s15] =	ssyncadd.s32 $0xFFFFFFC0  }
0x17: {  	v1 =	vld [tilespmem:$0x200];
	_ =	sdelay $0x2  }
0x18: {  	s18 =	scvt.s32.f32 s2;
	_ =	sdelay $0x1  }
0x19: {  	v2 =	vld [tilespmem:$0x210];
	v0 =	vmul.f32 s18, v1;
	_ =	sdelay $0x1  }
0x1a: {  	v3 =	vmul.f32 $1.591549370e-01, v0  }
0x1b: {  	s26 =	simm.s32 $0x2  }
0x1c: {  	s0 =	scvt.s32.f32 s26;
	v3 =	vadd.f32 $5.000000000e-01, v3  }
0x1d: {  	v4 =	vmul.f32 s18, v2  }
0x1e: {  	s1 =	simm.s32 $0x1;
	v16 =	vmul.f32 s0, v1;
	v3 =	vtrunc.f32 v3  }
0x1f: {  	s19 =	scvt.s32.f32 s1;
	v3 =	vcvt.f32.s32 v3  }
0x20: {  	v5 =	vmul.f32 $1.591549370e-01, v4;
	v14 =	vmul.f32 $1.591549370e-01, v16  }
0x21: {  	v6 =	vmul.f32 s19, v1;
	v3 =	vcvt.s32.f32 v3  }
0x22: {  	v9 =	vmul.f32 s19, v2;
	v5 =	vadd.f32 $5.000000000e-01, v5;
	v14 =	vadd.f32 $5.000000000e-01, v14  }
0x23: {  	v7 =	vmul.f32 $1.591549370e-01, v6;
	v3 =	vmul.f32 $6.283185480e+00, v3  }
0x24: {  	v8 =	vtrunc.f32 v5;
	v14 =	vtrunc.f32 v14  }
0x25: {  	v14 =	vcvt.f32.s32 v14;
	v5 =	vsub.f32 v0, v3;
	v0 =	vadd.f32 $5.000000000e-01, v7  }
0x26: {  	v3 =	vcvt.f32.s32 v8;
	v7 =	vmul.f32 $1.591549370e-01, v9  }
0x27: {  	v10 =	vmul.f32 v5, v5;
	v0 =	vtrunc.f32 v0  }
0x28: {  	v3 =	vcvt.s32.f32 v3;
	v7 =	vadd.f32 $5.000000000e-01, v7;
	v0 =	vcvt.f32.s32 v0  }
0x29: {  	v8 =	vmul.f32 $1.477404440e-04, v10;
	v11 =	vmul.f32 $1.906521540e-05, v10  }
0x2a: {  	v7 =	vtrunc.f32 v7;
	v0 =	vcvt.s32.f32 v0  }
0x2b: {  	v3 =	vmul.f32 $6.283185480e+00, v3;
	v7 =	vcvt.f32.s32 v7;
	v8 =	vsub.f32 $7.998575460e-03, v8  }
0x2c: {  	v14 =	vcvt.s32.f32 v14;
	v11 =	vadd.f32 $-1.344106860e-03, v11;
	v0 =	vmul.f32 $6.283185480e+00, v0  }
0x2d: {  	v4 =	vsub.f32 v4, v3;
	v7 =	vcvt.s32.f32 v7;
	v12 =	vmul.f32 v8, v10  }
0x2e: {  	v8 =	vmul.f32 s0, v2;
	v3 =	vsub.f32 v6, v0;
	v0 =	vmul.f32 v11, v10  }
0x2f: {  	v11 =	vmul.f32 $6.283185480e+00, v7;
	v7 =	vmul.f32 v4, v4  }
0x30: {  	v20 =	vmul.f32 $6.283185480e+00, v14;
	v15 =	vmul.f32 $1.591549370e-01, v8  }
0x31: {  	v13 =	vadd.f32 $4.152230550e-02, v0;
	v0 =	vsub.f32 v9, v11;
	v9 =	vmul.f32 $1.906521540e-05, v7  }
0x32: {  	v6 =	vmul.f32 v3, v3;
	v11 =	vmul.f32 $1.477404440e-04, v7  }
0x33: {  	v15 =	vadd.f32 $5.000000000e-01, v15;
	v9 =	vadd.f32 $-1.344106860e-03, v9;
	v13 =	vmul.f32 v13, v10  }
0x34: {  	v12 =	vadd.f32 $-1.658384350e-01, v12;
	v17 =	vmul.f32 $1.477404440e-04, v6;
	v18 =	vmul.f32 $1.906521540e-05, v6  }
0x35: {  	v15 =	vtrunc.f32 v15;
	v9 =	vmul.f32 v9, v7;
	v13 =	vadd.f32 $-4.998376070e-01, v13  }
0x36: {  	v11 =	vsub.f32 $7.998575460e-03, v11;
	v19 =	vsub.f32 $7.998575460e-03, v17;
	v17 =	vcvt.f32.s32 v15  }
0x37: {  	v12 =	vmul.f32 v12, v10;
	v9 =	vadd.f32 $4.152230550e-02, v9;
	v10 =	vmul.f32 v13, v10  }
0x38: {  	s30 =	simm.s32 $0x240;
	s31 =	simm.s32 $0xE40;
	s17 =	simm.s32 $0x3;
	v18 =	vadd.f32 $-1.344106860e-03, v18;
	v17 =	vcvt.s32.f32 v17;
	v13 =	vmul.f32 v11, v7  }
0x39: {  	s28 =	simm.s32 $0x650;
	s29 =	simm.s32 $0xA50;
	s14 =	simm.s32 $0x240;
	v14 =	vadd.f32 $9.994501470e-01, v12;
	v12 =	vmul.f32 v19, v6;
	v15 =	vmul.f32 v9, v7  }
0x3a: {  	s1 =	simm.s32 $0x640;
	s26 =	simm.s32 $0xE50;
	s0 =	simm.s32 $0xA40;
	v11 =	vmovc v0;
	v9 =	vadd.f32 $9.999710910e-01, v10;
	v10 =	vsub.f32 v16, v20;
	v16 =	vmul.f32 v18, v6  }
.LBB2_2:
0x3b: {  	s18 =	smov.u32 s17  }
0x3c: {  	s19 =	scvt.s32.f32 s17;
	v17 =	vmul.f32 $6.283185480e+00, v17;
	v14 =	vmul.f32 v14, v5;
	v15 =	vadd.f32 $-4.998376070e-01, v15;
	s30 =	sadd.s32 $0x10, s30;
	v5 =	vmovc v3;
	s18 =	sadd.s32 $0x1, s17  }
0x3d: {  	p0 =	sne.s32 s17, $0x3F;
	v19 =	vmul.f32 v11, v0;
	v18 =	vmul.f32 v10, v10;
	v16 =	vadd.f32 $4.152230550e-02, v16;
	v3 =	vmovc v10  }
0x3e: {  	v10 =	vmul.f32 s19, v1;
	v11 =	vsub.f32 v8, v17;
	v15 =	vmul.f32 v15, v7  }
0x3f: {  	v13 =	vadd.f32 $-1.658384350e-01, v13;
	v8 =	vmul.f32 s19, v2;
	v17 =	vmul.f32 $1.906521540e-05, v19  }
0x40: {  	v21 =	vmul.f32 $1.477404440e-04, v19;
	v20 =	vmul.f32 $1.591549370e-01, v10;
	v15 =	vadd.f32 $9.999710910e-01, v15  }
0x41: {  	v12 =	vadd.f32 $-1.658384350e-01, v12;
	v22 =	vmul.f32 $1.591549370e-01, v8;
	v17 =	vadd.f32 $-1.344106860e-03, v17  }
0x42: {  	v23 =	vmul.f32 $1.477404440e-04, v18;
	v16 =	vmul.f32 v16, v6;
	v20 =	vadd.f32 $5.000000000e-01, v20  }
0x43: {  	v13 =	vmul.f32 v13, v7;
	v7 =	vmovc v19;
	v24 =	vmul.f32 $1.906521540e-05, v18;
	v22 =	vadd.f32 $5.000000000e-01, v22  }
0x44: {  	v17 =	vmul.f32 v17, v7;
	v19 =	vtrunc.f32 v20;
	v20 =	vsub.f32 $7.998575460e-03, v23  }
0x45: {  	v13 =	vadd.f32 $9.994501470e-01, v13;
	v23 =	vadd.f32 $-1.344106860e-03, v24;
	v19 =	vcvt.f32.s32 v19  }
0x46: {  	v12 =	vmul.f32 v12, v6;
	v16 =	vadd.f32 $-4.998376070e-01, v16;
	v22 =	vtrunc.f32 v22;
	[tilespmem:s14+$0x0] =	vst v9;
	s14 =	smov.u32 s30  }
.Ltmp0:
0x47: {  	v13 =	vmul.f32 v13, v4;
	v4 =	vmovc v0;
	v0 =	vmovc v11;
	v17 =	vadd.f32 $4.152230550e-02, v17;
	v9 =	vcvt.s32.f32 v19;
	[tilespmem:s1+$0x0] =	vst v14;
	s1 =	smov.u32 s28;
	(pc) =	sbr.rel @p0 .LBB2_2-.Ltmp0, $4  }
0x48: {  	v21 =	vsub.f32 $7.998575460e-03, v21;
	v16 =	vmul.f32 v16, v6;
	v6 =	vmovc v18;
	v19 =	vcvt.f32.s32 v22;
	[tilespmem:s0+$0x0] =	vst v15;
	s0 =	smov.u32 s29  }
0x49: {  	v14 =	vadd.f32 $9.994501470e-01, v12;
	v18 =	vmul.f32 $6.283185480e+00, v9;
	v15 =	vmul.f32 v17, v7;
	[tilespmem:s31+$0x0] =	vst v13;
	s31 =	smov.u32 s26  }
0x4a: {  	s17 =	smov.u32 s18;
	v17 =	vcvt.s32.f32 v19;
	v9 =	vadd.f32 $9.999710910e-01, v16;
	v13 =	vmul.f32 v21, v7  }
0x4b: {  	v12 =	vmul.f32 v20, v6;
	s28 =	sadd.s32 $0x10, s28;
	v16 =	vmul.f32 v23, v6;
	s29 =	sadd.s32 $0x10, s29;
	s26 =	sadd.s32 $0x10, s26;
	v10 =	vsub.f32 v10, v18  }
0x4c: {  	v1 =	vmul.f32 $6.283185480e+00, v17;
	v2 =	vadd.f32 $-4.998376070e-01, v15  }
0x4d: {  	v5 =	vmul.f32 v14, v5;
	v11 =	vmul.f32 v11, v0  }
0x4e: {  	v13 =	vadd.f32 $-1.658384350e-01, v13;
	v35 =	vmul.f32 v10, v10;
	v2 =	vmul.f32 v2, v7  }
0x4f: {  	v36 =	vadd.f32 $4.152230550e-02, v16;
	v37 =	vmul.f32 $1.906521540e-05, v11;
	v38 =	vmul.f32 $1.477404440e-04, v11  }
0x50: {  	v12 =	vadd.f32 $-1.658384350e-01, v12;
	v40 =	vmul.f32 v13, v7;
	v39 =	vmul.f32 $1.477404440e-04, v35  }
0x51: {  	v1 =	vsub.f32 v8, v1;
	v41 =	vmul.f32 v36, v6;
	v42 =	vmul.f32 $1.906521540e-05, v35  }
0x52: {  	v12 =	vmul.f32 v12, v6;
	v2 =	vadd.f32 $9.999710910e-01, v2;
	v8 =	vadd.f32 $-1.344106860e-03, v37  }
0x53: {  	v7 =	vadd.f32 $9.994501470e-01, v40;
	v18 =	vmul.f32 v1, v1;
	v45 =	vsub.f32 $7.998575460e-03, v38  }
0x54: {  	v17 =	vsub.f32 $7.998575460e-03, v39;
	v13 =	vadd.f32 $-4.998376070e-01, v41;
	v8 =	vmul.f32 v8, v11  }
0x55: {  	v15 =	vadd.f32 $-1.344106860e-03, v42;
	v4 =	vmul.f32 v7, v4;
	v43 =	vmul.f32 $1.906521540e-05, v18  }
0x56: {  	v12 =	vadd.f32 $9.994501470e-01, v12;
	v46 =	vmul.f32 $1.477404440e-04, v18;
	v44 =	vmul.f32 v13, v6  }
0x57: {  	v15 =	vmul.f32 v15, v35;
	v8 =	vadd.f32 $4.152230550e-02, v8;
	v7 =	vadd.f32 $-1.344106860e-03, v43  }
0x58: {  	v13 =	vmul.f32 v45, v11;
	v17 =	vmul.f32 v17, v35;
	v48 =	vsub.f32 $7.998575460e-03, v46  }
0x59: {  	v15 =	vadd.f32 $4.152230550e-02, v15;
	v8 =	vmul.f32 v8, v11;
	v7 =	vmul.f32 v7, v18  }
0x5a: {  	v3 =	vmul.f32 v12, v3;
	v6 =	vadd.f32 $9.999710910e-01, v44;
	v47 =	vadd.f32 $-1.658384350e-01, v13  }
0x5b: {  	[tilespmem:s14+$0x0] =	vst v9;
	v49 =	vmul.f32 v15, v35;
	v8 =	vadd.f32 $-4.998376070e-01, v8;
	v7 =	vadd.f32 $4.152230550e-02, v7  }
0x5c: {  	[tilespmem:s1+$0x0] =	vst v5;
	v50 =	vadd.f32 $-1.658384350e-01, v17;
	v13 =	vmul.f32 v48, v18;
	v12 =	vmul.f32 v47, v11  }
0x5d: {  	[tilespmem:s0+$0x0] =	vst v2;
	v52 =	vadd.f32 $-4.998376070e-01, v49;
	v51 =	vmul.f32 v8, v11;
	v7 =	vmul.f32 v7, v18  }
0x5e: {  	s18 =	sadd.s32 $0x10, s30;
	[tilespmem:s31+$0x0] =	vst v4;
	v5 =	vmul.f32 v50, v35;
	v54 =	vadd.f32 $-1.658384350e-01, v13;
	v53 =	vadd.f32 $9.994501470e-01, v12  }
0x5f: {  	[tilespmem:s18+$0x0] =	vst v6;
	v55 =	vmul.f32 v52, v35;
	v2 =	vadd.f32 $9.999710910e-01, v51;
	v7 =	vadd.f32 $-4.998376070e-01, v7  }
0x60: {  	[tilespmem:s28+$0x0] =	vst v3;
	v57 =	vadd.f32 $9.994501470e-01, v5;
	v58 =	vmul.f32 v54, v18;
	v56 =	vmul.f32 v53, v0  }
0x61: {  	v59 =	vadd.f32 $9.999710910e-01, v55;
	[tilespmem:s29+$0x0] =	vst v2;
	v60 =	vmul.f32 v7, v18  }
0x62: {  	s0 =	sadd.s32 $0x10, s18;
	v61 =	vmul.f32 v57, v10;
	v62 =	vadd.f32 $9.994501470e-01, v58;
	[tilespmem:s26+$0x0] =	vst v56  }
0x63: {  	s19 =	sadd.s32 $0x10, s28;
	v63 =	vadd.f32 $9.999710910e-01, v60;
	[tilespmem:s0+$0x0] =	vst v59  }
0x64: {  	s30 =	sadd.s32 $0x10, s29;
	v1 =	vmul.f32 v62, v1;
	[tilespmem:s19+$0x0] =	vst v61  }
0x65: {  	s31 =	sadd.s32 $0x10, s26;
	[tilespmem:s30+$0x0] =	vst v63  }
0x66: {  	[tilespmem:s31+$0x0] =	vst v1  }
0x67: {  	_ =	swait.ge [sflag:s16], $0x200  }
0x68: {  	[sflag:s16] =	ssyncset.done $0x0  }
0x69: {  	s28 =	simm.s32 $0x0;
	s26 =	simm.s32 $0x0;
	[sflag:s16] =	ssyncadd.s32 $0xFFFFFE00  }
.LBB2_4:
0x6a: {  	v0 =	vld [tilespmem:s26+$0x0];
	_ =	sdelay $0x4  }
0x6b: {  	v1 =	vshrl.u32 v0, $0x6  }
0x6c: {  	v59 =	vshll.u32 v1, $0x4  }
0x6d: {  	(v2sf) =	vpush v59, $0x0;
	_ =	sdelay $0x1  }
0x6e: {  	v2 =	vand.u32 $0x3F, v0  }
0x6f: {  	v60 =	vshll.u32 v2, $0x4  }
0x70: {  	(v2sf) =	vpush v60, $0x0;
	_ =	sdelay $0x8  }
0x71: {  	(v2sf) =	vpush v59, $0x1  }
0x72: {  	(v2sf) =	vpush v60, $0x1  }
0x73: {  	s0 =	spop (v2sf)  }
0x74: {  	v61 =	vld [tilespmem:s0+$0x240];
	_ =	sdelay $0x1  }
0x75: {  	v4 =	vld [tilespmem:s0+$0x640]  }
0x76: {  	s1 =	spop (v2sf)  }
0x77: {  	s29 =	sshra.s32 s28, $0x2;
	v3 =	vld [tilespmem:s1+$0xA40]  }
0x78: {  	v5 =	vld [tilespmem:s1+$0xE40];
	[tilespmem:s29+$0x1240] =	vst v61  }
0x79: {  	[tilespmem:s29+$0x1260] =	vst v61  }
0x7a: {  	[tilespmem:s29+$0x9240] =	vst v4  }
0x7b: {  	[tilespmem:s29+$0x9260] =	vst v4  }
0x7c: {  	[tilespmem:s29+$0x1250] =	vst v3  }
0x7d: {  	(v2sf) =	vpush v59, $0x2;
	[tilespmem:s29+$0x1270] =	vst v3  }
0x7e: {  	[tilespmem:s29+$0x9250] =	vst v5  }
0x7f: {  	s14 =	spop (v2sf);
	[tilespmem:s29+$0x9270] =	vst v5  }
0x80: {  	s17 =	spop (v2sf);
	v2 =	vld [tilespmem:s14+$0x240]  }
0x81: {  	(v2sf) =	vpush v60, $0x2;
	v3 =	vld [tilespmem:s17+$0xA40];
	_ =	sdelay $0x2  }
0x82: {  	v4 =	vld [tilespmem:s14+$0x640]  }
0x83: {  	v5 =	vld [tilespmem:s17+$0xE40];
	[tilespmem:s29+$0x1280] =	vst v2  }
0x84: {  	[tilespmem:s29+$0x1290] =	vst v3  }
0x85: {  	[tilespmem:s29+$0x12A0] =	vst v2  }
0x86: {  	[tilespmem:s29+$0x12B0] =	vst v3  }
0x87: {  	[tilespmem:s29+$0x9280] =	vst v4  }
0x88: {  	(v2sf) =	vpush v59, $0x3;
	[tilespmem:s29+$0x9290] =	vst v5  }
0x89: {  	(v2sf) =	vpush v60, $0x3;
	[tilespmem:s29+$0x92A0] =	vst v4  }
0x8a: {  	[tilespmem:s29+$0x92B0] =	vst v5;
	s18 =	spop (v2sf)  }
0x8b: {  	v2 =	vld [tilespmem:s18+$0x240];
	_ =	sdelay $0x1  }
0x8c: {  	v4 =	vld [tilespmem:s18+$0x640]  }
0x8d: {  	s19 =	spop (v2sf)  }
0x8e: {  	v3 =	vld [tilespmem:s19+$0xA40]  }
0x8f: {  	v5 =	vld [tilespmem:s19+$0xE40];
	[tilespmem:s29+$0x12C0] =	vst v2  }
0x90: {  	[tilespmem:s29+$0x12E0] =	vst v2  }
0x91: {  	[tilespmem:s29+$0x92C0] =	vst v4  }
0x92: {  	[tilespmem:s29+$0x92E0] =	vst v4  }
0x93: {  	[tilespmem:s29+$0x12D0] =	vst v3  }
0x94: {  	(v2sf) =	vpush v59, $0x4;
	[tilespmem:s29+$0x12F0] =	vst v3  }
0x95: {  	[tilespmem:s29+$0x92D0] =	vst v5  }
0x96: {  	s30 =	spop (v2sf);
	[tilespmem:s29+$0x92F0] =	vst v5  }
0x97: {  	s31 =	spop (v2sf);
	v2 =	vld [tilespmem:s30+$0x240]  }
0x98: {  	(v2sf) =	vpush v60, $0x4;
	v3 =	vld [tilespmem:s31+$0xA40];
	_ =	sdelay $0x2  }
0x99: {  	v4 =	vld [tilespmem:s30+$0x640]  }
0x9a: {  	v5 =	vld [tilespmem:s31+$0xE40];
	[tilespmem:s29+$0x1300] =	vst v2  }
0x9b: {  	[tilespmem:s29+$0x1310] =	vst v3  }
0x9c: {  	[tilespmem:s29+$0x1320] =	vst v2  }
0x9d: {  	[tilespmem:s29+$0x1330] =	vst v3  }
0x9e: {  	[tilespmem:s29+$0x9300] =	vst v4  }
0x9f: {  	(v2sf) =	vpush v59, $0x5;
	[tilespmem:s29+$0x9310] =	vst v5  }
0xa0: {  	(v2sf) =	vpush v60, $0x5;
	[tilespmem:s29+$0x9320] =	vst v4  }
0xa1: {  	[tilespmem:s29+$0x9330] =	vst v5;
	s14 =	spop (v2sf)  }
0xa2: {  	v2 =	vld [tilespmem:s14+$0x240];
	_ =	sdelay $0x1  }
0xa3: {  	v4 =	vld [tilespmem:s14+$0x640]  }
0xa4: {  	s17 =	spop (v2sf)  }
0xa5: {  	v3 =	vld [tilespmem:s17+$0xA40]  }
0xa6: {  	v5 =	vld [tilespmem:s17+$0xE40];
	[tilespmem:s29+$0x1340] =	vst v2  }
0xa7: {  	[tilespmem:s29+$0x1360] =	vst v2  }
0xa8: {  	[tilespmem:s29+$0x9340] =	vst v4  }
0xa9: {  	[tilespmem:s29+$0x9360] =	vst v4  }
0xaa: {  	[tilespmem:s29+$0x1350] =	vst v3  }
0xab: {  	(v2sf) =	vpush v59, $0x6;
	[tilespmem:s29+$0x1370] =	vst v3  }
0xac: {  	[tilespmem:s29+$0x9350] =	vst v5  }
0xad: {  	s18 =	spop (v2sf);
	[tilespmem:s29+$0x9370] =	vst v5  }
0xae: {  	s19 =	spop (v2sf);
	v2 =	vld [tilespmem:s18+$0x240]  }
0xaf: {  	(v2sf) =	vpush v60, $0x6;
	v3 =	vld [tilespmem:s19+$0xA40];
	_ =	sdelay $0x2  }
0xb0: {  	v4 =	vld [tilespmem:s18+$0x640]  }
0xb1: {  	v5 =	vld [tilespmem:s19+$0xE40];
	[tilespmem:s29+$0x1380] =	vst v2  }
0xb2: {  	[tilespmem:s29+$0x1390] =	vst v3  }
0xb3: {  	[tilespmem:s29+$0x13A0] =	vst v2  }
0xb4: {  	[tilespmem:s29+$0x13B0] =	vst v3  }
0xb5: {  	[tilespmem:s29+$0x9380] =	vst v4  }
0xb6: {  	(v2sf) =	vpush v59, $0x7;
	[tilespmem:s29+$0x9390] =	vst v5  }
0xb7: {  	(v2sf) =	vpush v60, $0x7;
	[tilespmem:s29+$0x93A0] =	vst v4  }
0xb8: {  	[tilespmem:s29+$0x93B0] =	vst v5;
	s30 =	spop (v2sf)  }
0xb9: {  	v2 =	vld [tilespmem:s30+$0x240];
	_ =	sdelay $0x1  }
0xba: {  	v4 =	vld [tilespmem:s30+$0x640]  }
0xbb: {  	s31 =	spop (v2sf)  }
0xbc: {  	v3 =	vld [tilespmem:s31+$0xA40]  }
0xbd: {  	v5 =	vld [tilespmem:s31+$0xE40];
	[tilespmem:s29+$0x13C0] =	vst v2  }
0xbe: {  	[tilespmem:s29+$0x13E0] =	vst v2  }
0xbf: {  	[tilespmem:s29+$0x93C0] =	vst v4  }
0xc0: {  	[tilespmem:s29+$0x93E0] =	vst v4  }
0xc1: {  	[tilespmem:s29+$0x13D0] =	vst v3  }
0xc2: {  	(v2sf) =	vpush v59, $0x8;
	[tilespmem:s29+$0x13F0] =	vst v3  }
0xc3: {  	[tilespmem:s29+$0x93D0] =	vst v5  }
0xc4: {  	s14 =	spop (v2sf);
	[tilespmem:s29+$0x93F0] =	vst v5  }
0xc5: {  	s17 =	spop (v2sf);
	v2 =	vld [tilespmem:s14+$0x240]  }
0xc6: {  	(v2sf) =	vpush v60, $0x8;
	v3 =	vld [tilespmem:s17+$0xA40];
	_ =	sdelay $0x2  }
0xc7: {  	v4 =	vld [tilespmem:s14+$0x640]  }
0xc8: {  	v5 =	vld [tilespmem:s17+$0xE40];
	[tilespmem:s29+$0x1400] =	vst v2  }
0xc9: {  	[tilespmem:s29+$0x1410] =	vst v3  }
0xca: {  	[tilespmem:s29+$0x1420] =	vst v2  }
0xcb: {  	[tilespmem:s29+$0x1430] =	vst v3  }
0xcc: {  	[tilespmem:s29+$0x9400] =	vst v4  }
0xcd: {  	(v2sf) =	vpush v59, $0x9;
	[tilespmem:s29+$0x9410] =	vst v5  }
0xce: {  	(v2sf) =	vpush v60, $0x9;
	[tilespmem:s29+$0x9420] =	vst v4  }
0xcf: {  	[tilespmem:s29+$0x9430] =	vst v5;
	s18 =	spop (v2sf)  }
0xd0: {  	v2 =	vld [tilespmem:s18+$0x240];
	_ =	sdelay $0x1  }
0xd1: {  	v4 =	vld [tilespmem:s18+$0x640]  }
0xd2: {  	s19 =	spop (v2sf)  }
0xd3: {  	v3 =	vld [tilespmem:s19+$0xA40]  }
0xd4: {  	v5 =	vld [tilespmem:s19+$0xE40];
	[tilespmem:s29+$0x1440] =	vst v2  }
0xd5: {  	[tilespmem:s29+$0x1460] =	vst v2  }
0xd6: {  	[tilespmem:s29+$0x9440] =	vst v4  }
0xd7: {  	[tilespmem:s29+$0x9460] =	vst v4  }
0xd8: {  	[tilespmem:s29+$0x1450] =	vst v3  }
0xd9: {  	(v2sf) =	vpush v59, $0xA;
	[tilespmem:s29+$0x1470] =	vst v3  }
0xda: {  	[tilespmem:s29+$0x9450] =	vst v5  }
0xdb: {  	s30 =	spop (v2sf);
	[tilespmem:s29+$0x9470] =	vst v5  }
0xdc: {  	s31 =	spop (v2sf);
	v2 =	vld [tilespmem:s30+$0x240]  }
0xdd: {  	(v2sf) =	vpush v60, $0xA;
	v3 =	vld [tilespmem:s31+$0xA40];
	_ =	sdelay $0x2  }
0xde: {  	v4 =	vld [tilespmem:s30+$0x640]  }
0xdf: {  	v5 =	vld [tilespmem:s31+$0xE40];
	[tilespmem:s29+$0x1480] =	vst v2  }
0xe0: {  	[tilespmem:s29+$0x1490] =	vst v3  }
0xe1: {  	[tilespmem:s29+$0x14A0] =	vst v2  }
0xe2: {  	[tilespmem:s29+$0x14B0] =	vst v3  }
0xe3: {  	[tilespmem:s29+$0x9480] =	vst v4  }
0xe4: {  	(v2sf) =	vpush v59, $0xB;
	[tilespmem:s29+$0x9490] =	vst v5  }
0xe5: {  	(v2sf) =	vpush v60, $0xB;
	[tilespmem:s29+$0x94A0] =	vst v4  }
0xe6: {  	[tilespmem:s29+$0x94B0] =	vst v5;
	s14 =	spop (v2sf)  }
0xe7: {  	v2 =	vld [tilespmem:s14+$0x240];
	_ =	sdelay $0x1  }
0xe8: {  	v4 =	vld [tilespmem:s14+$0x640]  }
0xe9: {  	s17 =	spop (v2sf)  }
0xea: {  	v3 =	vld [tilespmem:s17+$0xA40]  }
0xeb: {  	v5 =	vld [tilespmem:s17+$0xE40];
	[tilespmem:s29+$0x14C0] =	vst v2  }
0xec: {  	[tilespmem:s29+$0x14E0] =	vst v2  }
0xed: {  	[tilespmem:s29+$0x94C0] =	vst v4  }
0xee: {  	[tilespmem:s29+$0x94E0] =	vst v4  }
0xef: {  	[tilespmem:s29+$0x14D0] =	vst v3  }
0xf0: {  	(v2sf) =	vpush v59, $0xC;
	[tilespmem:s29+$0x14F0] =	vst v3  }
0xf1: {  	[tilespmem:s29+$0x94D0] =	vst v5  }
0xf2: {  	s18 =	spop (v2sf);
	[tilespmem:s29+$0x94F0] =	vst v5  }
0xf3: {  	s19 =	spop (v2sf);
	v2 =	vld [tilespmem:s18+$0x240]  }
0xf4: {  	(v2sf) =	vpush v60, $0xC;
	v3 =	vld [tilespmem:s19+$0xA40];
	_ =	sdelay $0x2  }
0xf5: {  	v4 =	vld [tilespmem:s18+$0x640]  }
0xf6: {  	v5 =	vld [tilespmem:s19+$0xE40];
	[tilespmem:s29+$0x1500] =	vst v2  }
0xf7: {  	[tilespmem:s29+$0x1510] =	vst v3  }
0xf8: {  	[tilespmem:s29+$0x1520] =	vst v2  }
0xf9: {  	[tilespmem:s29+$0x1530] =	vst v3  }
0xfa: {  	[tilespmem:s29+$0x9500] =	vst v4  }
0xfb: {  	(v2sf) =	vpush v59, $0xD;
	[tilespmem:s29+$0x9510] =	vst v5  }
0xfc: {  	(v2sf) =	vpush v60, $0xD;
	[tilespmem:s29+$0x9520] =	vst v4  }
0xfd: {  	[tilespmem:s29+$0x9530] =	vst v5;
	s30 =	spop (v2sf)  }
0xfe: {  	v2 =	vld [tilespmem:s30+$0x240];
	_ =	sdelay $0x1  }
0xff: {  	v4 =	vld [tilespmem:s30+$0x640]  }
0x100: {  	s31 =	spop (v2sf)  }
0x101: {  	v3 =	vld [tilespmem:s31+$0xA40]  }
0x102: {  	v5 =	vld [tilespmem:s31+$0xE40];
	[tilespmem:s29+$0x1540] =	vst v2  }
0x103: {  	[tilespmem:s29+$0x1560] =	vst v2  }
0x104: {  	[tilespmem:s29+$0x9540] =	vst v4  }
0x105: {  	[tilespmem:s29+$0x9560] =	vst v4  }
0x106: {  	[tilespmem:s29+$0x1550] =	vst v3  }
0x107: {  	(v2sf) =	vpush v59, $0xE;
	[tilespmem:s29+$0x1570] =	vst v3  }
0x108: {  	[tilespmem:s29+$0x9550] =	vst v5  }
0x109: {  	s14 =	spop (v2sf);
	[tilespmem:s29+$0x9570] =	vst v5  }
0x10a: {  	s17 =	spop (v2sf);
	v2 =	vld [tilespmem:s14+$0x240]  }
0x10b: {  	(v2sf) =	vpush v60, $0xE;
	v3 =	vld [tilespmem:s17+$0xA40];
	_ =	sdelay $0x2  }
0x10c: {  	v4 =	vld [tilespmem:s14+$0x640]  }
0x10d: {  	v5 =	vld [tilespmem:s17+$0xE40];
	[tilespmem:s29+$0x1580] =	vst v2  }
0x10e: {  	[tilespmem:s29+$0x1590] =	vst v3  }
0x10f: {  	[tilespmem:s29+$0x15A0] =	vst v2  }
0x110: {  	[tilespmem:s29+$0x15B0] =	vst v3  }
0x111: {  	[tilespmem:s29+$0x9580] =	vst v4  }
0x112: {  	(v2sf) =	vpush v59, $0xF;
	[tilespmem:s29+$0x9590] =	vst v5  }
0x113: {  	(v2sf) =	vpush v60, $0xF;
	[tilespmem:s29+$0x95A0] =	vst v4  }
0x114: {  	[tilespmem:s29+$0x95B0] =	vst v5;
	s18 =	spop (v2sf)  }
0x115: {  	v62 =	vld [tilespmem:s18+$0x240];
	_ =	sdelay $0x1  }
0x116: {  	v2 =	vld [tilespmem:s18+$0x640]  }
0x117: {  	s19 =	spop (v2sf)  }
0x118: {  	v63 =	vld [tilespmem:s19+$0xA40]  }
0x119: {  	v3 =	vld [tilespmem:s19+$0xE40];
	[tilespmem:s29+$0x15C0] =	vst v62  }
0x11a: {  	[tilespmem:s29+$0x15E0] =	vst v62  }
0x11b: {  	[tilespmem:s29+$0x95C0] =	vst v2  }
0x11c: {  	[tilespmem:s29+$0x95E0] =	vst v2  }
0x11d: {  	[tilespmem:s29+$0x15D0] =	vst v63  }
0x11e: {  	[tilespmem:s29+$0x15F0] =	vst v63  }
0x11f: {  	[tilespmem:s29+$0x95D0] =	vst v3  }
0x120: {  	s30 =	spop (v2sf);
	[tilespmem:s29+$0x95F0] =	vst v3  }
0x121: {  	s31 =	spop (v2sf);
	v0 =	vld [tilespmem:s30+$0x240]  }
0x122: {  	v1 =	vld [tilespmem:s31+$0xA40];
	_ =	sdelay $0x2  }
0x123: {  	v2 =	vld [tilespmem:s30+$0x640]  }
0x124: {  	v3 =	vld [tilespmem:s31+$0xE40];
	[tilespmem:s29+$0x1600] =	vst v0  }
0x125: {  	[tilespmem:s29+$0x1610] =	vst v1  }
0x126: {  	p0 =	sne.s32 s28, $0x7000;
	[tilespmem:s29+$0x1620] =	vst v0  }
.Ltmp1:
0x127: {  	[tilespmem:s29+$0x1630] =	vst v1;
	(pc) =	sbr.rel @p0 .LBB2_4-.Ltmp1, $4  }
0x128: {  	[tilespmem:s29+$0x9600] =	vst v2  }
0x129: {  	[tilespmem:s29+$0x9610] =	vst v3  }
0x12a: {  	[tilespmem:s29+$0x9620] =	vst v2  }
0x12b: {  	s26 =	sadd.s32 $0x10, s26;
	s28 =	sadd.s32 $0x1000, s28;
	[tilespmem:s29+$0x9630] =	vst v3  }
0x12c: {  	s26 =	simm.s32 $0x0;
	s0 =	simm.s32 $0x1240  }
0x12d: {  	[hbm4b:s5+s26] =	stream.linear.scatter [tilespmem:s0], [sflag:$0x1], $0x2000, $0x38;
	[tilespmem:$0x11240] =	vst v63  }
0x12e: {  	s31 =	simm.s32 $0x9240;
	s28 =	simm.s32 $0x80  }
0x12f: {  	[hbm4b:s6+s26] =	stream.linear.scatter [tilespmem:s31], [sflag:$0x1], $0x2000, $0x38;
	[tilespmem:$0x11240] =	vst v63  }
.LBB2_6:
0x130: {  	v0 =	vld [tilespmem:s28+$0x0];
	_ =	sdelay $0x4  }
0x131: {  	v1 =	vshrl.u32 v0, $0x6  }
0x132: {  	v59 =	vshll.u32 v1, $0x4  }
0x133: {  	(v2sf) =	vpush v59, $0x0;
	_ =	sdelay $0x1  }
0x134: {  	v2 =	vand.u32 $0x3F, v0  }
0x135: {  	v60 =	vshll.u32 v2, $0x4  }
0x136: {  	(v2sf) =	vpush v60, $0x0;
	_ =	sdelay $0x8  }
0x137: {  	(v2sf) =	vpush v59, $0x1  }
0x138: {  	(v2sf) =	vpush v60, $0x1  }
0x139: {  	s0 =	spop (v2sf)  }
0x13a: {  	v61 =	vld [tilespmem:s0+$0x240];
	_ =	sdelay $0x1  }
0x13b: {  	v4 =	vld [tilespmem:s0+$0x640]  }
0x13c: {  	s1 =	spop (v2sf)  }
0x13d: {  	s29 =	sshra.s32 s26, $0x2;
	v3 =	vld [tilespmem:s1+$0xA40]  }
0x13e: {  	v5 =	vld [tilespmem:s1+$0xE40];
	[tilespmem:s29+$0x3240] =	vst v61  }
0x13f: {  	[tilespmem:s29+$0x3260] =	vst v61  }
0x140: {  	[tilespmem:s29+$0xB240] =	vst v4  }
0x141: {  	[tilespmem:s29+$0xB260] =	vst v4  }
0x142: {  	[tilespmem:s29+$0x3250] =	vst v3  }
0x143: {  	(v2sf) =	vpush v59, $0x2;
	[tilespmem:s29+$0x3270] =	vst v3  }
0x144: {  	[tilespmem:s29+$0xB250] =	vst v5  }
0x145: {  	s14 =	spop (v2sf);
	[tilespmem:s29+$0xB270] =	vst v5  }
0x146: {  	s17 =	spop (v2sf);
	v2 =	vld [tilespmem:s14+$0x240]  }
0x147: {  	(v2sf) =	vpush v60, $0x2;
	v3 =	vld [tilespmem:s17+$0xA40];
	_ =	sdelay $0x2  }
0x148: {  	v4 =	vld [tilespmem:s14+$0x640]  }
0x149: {  	v5 =	vld [tilespmem:s17+$0xE40];
	[tilespmem:s29+$0x3280] =	vst v2  }
0x14a: {  	[tilespmem:s29+$0x3290] =	vst v3  }
0x14b: {  	[tilespmem:s29+$0x32A0] =	vst v2  }
0x14c: {  	[tilespmem:s29+$0x32B0] =	vst v3  }
0x14d: {  	[tilespmem:s29+$0xB280] =	vst v4  }
0x14e: {  	(v2sf) =	vpush v59, $0x3;
	[tilespmem:s29+$0xB290] =	vst v5  }
0x14f: {  	(v2sf) =	vpush v60, $0x3;
	[tilespmem:s29+$0xB2A0] =	vst v4  }
0x150: {  	[tilespmem:s29+$0xB2B0] =	vst v5;
	s18 =	spop (v2sf)  }
0x151: {  	v2 =	vld [tilespmem:s18+$0x240];
	_ =	sdelay $0x1  }
0x152: {  	v4 =	vld [tilespmem:s18+$0x640]  }
0x153: {  	s19 =	spop (v2sf)  }
0x154: {  	v3 =	vld [tilespmem:s19+$0xA40]  }
0x155: {  	v5 =	vld [tilespmem:s19+$0xE40];
	[tilespmem:s29+$0x32C0] =	vst v2  }
0x156: {  	[tilespmem:s29+$0x32E0] =	vst v2  }
0x157: {  	[tilespmem:s29+$0xB2C0] =	vst v4  }
0x158: {  	[tilespmem:s29+$0xB2E0] =	vst v4  }
0x159: {  	[tilespmem:s29+$0x32D0] =	vst v3  }
0x15a: {  	(v2sf) =	vpush v59, $0x4;
	[tilespmem:s29+$0x32F0] =	vst v3  }
0x15b: {  	[tilespmem:s29+$0xB2D0] =	vst v5  }
0x15c: {  	s30 =	spop (v2sf);
	[tilespmem:s29+$0xB2F0] =	vst v5  }
0x15d: {  	s31 =	spop (v2sf);
	v2 =	vld [tilespmem:s30+$0x240]  }
0x15e: {  	(v2sf) =	vpush v60, $0x4;
	v3 =	vld [tilespmem:s31+$0xA40];
	_ =	sdelay $0x2  }
0x15f: {  	v4 =	vld [tilespmem:s30+$0x640]  }
0x160: {  	v5 =	vld [tilespmem:s31+$0xE40];
	[tilespmem:s29+$0x3300] =	vst v2  }
0x161: {  	[tilespmem:s29+$0x3310] =	vst v3  }
0x162: {  	[tilespmem:s29+$0x3320] =	vst v2  }
0x163: {  	[tilespmem:s29+$0x3330] =	vst v3  }
0x164: {  	[tilespmem:s29+$0xB300] =	vst v4  }
0x165: {  	(v2sf) =	vpush v59, $0x5;
	[tilespmem:s29+$0xB310] =	vst v5  }
0x166: {  	(v2sf) =	vpush v60, $0x5;
	[tilespmem:s29+$0xB320] =	vst v4  }
0x167: {  	[tilespmem:s29+$0xB330] =	vst v5;
	s14 =	spop (v2sf)  }
0x168: {  	v2 =	vld [tilespmem:s14+$0x240];
	_ =	sdelay $0x1  }
0x169: {  	v4 =	vld [tilespmem:s14+$0x640]  }
0x16a: {  	s17 =	spop (v2sf)  }
0x16b: {  	v3 =	vld [tilespmem:s17+$0xA40]  }
0x16c: {  	v5 =	vld [tilespmem:s17+$0xE40];
	[tilespmem:s29+$0x3340] =	vst v2  }
0x16d: {  	[tilespmem:s29+$0x3360] =	vst v2  }
0x16e: {  	[tilespmem:s29+$0xB340] =	vst v4  }
0x16f: {  	[tilespmem:s29+$0xB360] =	vst v4  }
0x170: {  	[tilespmem:s29+$0x3350] =	vst v3  }
0x171: {  	(v2sf) =	vpush v59, $0x6;
	[tilespmem:s29+$0x3370] =	vst v3  }
0x172: {  	[tilespmem:s29+$0xB350] =	vst v5  }
0x173: {  	s18 =	spop (v2sf);
	[tilespmem:s29+$0xB370] =	vst v5  }
0x174: {  	s19 =	spop (v2sf);
	v2 =	vld [tilespmem:s18+$0x240]  }
0x175: {  	(v2sf) =	vpush v60, $0x6;
	v3 =	vld [tilespmem:s19+$0xA40];
	_ =	sdelay $0x2  }
0x176: {  	v4 =	vld [tilespmem:s18+$0x640]  }
0x177: {  	v5 =	vld [tilespmem:s19+$0xE40];
	[tilespmem:s29+$0x3380] =	vst v2  }
0x178: {  	[tilespmem:s29+$0x3390] =	vst v3  }
0x179: {  	[tilespmem:s29+$0x33A0] =	vst v2  }
0x17a: {  	[tilespmem:s29+$0x33B0] =	vst v3  }
0x17b: {  	[tilespmem:s29+$0xB380] =	vst v4  }
0x17c: {  	(v2sf) =	vpush v59, $0x7;
	[tilespmem:s29+$0xB390] =	vst v5  }
0x17d: {  	(v2sf) =	vpush v60, $0x7;
	[tilespmem:s29+$0xB3A0] =	vst v4  }
0x17e: {  	[tilespmem:s29+$0xB3B0] =	vst v5;
	s30 =	spop (v2sf)  }
0x17f: {  	v2 =	vld [tilespmem:s30+$0x240];
	_ =	sdelay $0x1  }
0x180: {  	v4 =	vld [tilespmem:s30+$0x640]  }
0x181: {  	s31 =	spop (v2sf)  }
0x182: {  	v3 =	vld [tilespmem:s31+$0xA40]  }
0x183: {  	v5 =	vld [tilespmem:s31+$0xE40];
	[tilespmem:s29+$0x33C0] =	vst v2  }
0x184: {  	[tilespmem:s29+$0x33E0] =	vst v2  }
0x185: {  	[tilespmem:s29+$0xB3C0] =	vst v4  }
0x186: {  	[tilespmem:s29+$0xB3E0] =	vst v4  }
0x187: {  	[tilespmem:s29+$0x33D0] =	vst v3  }
0x188: {  	(v2sf) =	vpush v59, $0x8;
	[tilespmem:s29+$0x33F0] =	vst v3  }
0x189: {  	[tilespmem:s29+$0xB3D0] =	vst v5  }
0x18a: {  	s14 =	spop (v2sf);
	[tilespmem:s29+$0xB3F0] =	vst v5  }
0x18b: {  	s17 =	spop (v2sf);
	v2 =	vld [tilespmem:s14+$0x240]  }
0x18c: {  	(v2sf) =	vpush v60, $0x8;
	v3 =	vld [tilespmem:s17+$0xA40];
	_ =	sdelay $0x2  }
0x18d: {  	v4 =	vld [tilespmem:s14+$0x640]  }
0x18e: {  	v5 =	vld [tilespmem:s17+$0xE40];
	[tilespmem:s29+$0x3400] =	vst v2  }
0x18f: {  	[tilespmem:s29+$0x3410] =	vst v3  }
0x190: {  	[tilespmem:s29+$0x3420] =	vst v2  }
0x191: {  	[tilespmem:s29+$0x3430] =	vst v3  }
0x192: {  	[tilespmem:s29+$0xB400] =	vst v4  }
0x193: {  	(v2sf) =	vpush v59, $0x9;
	[tilespmem:s29+$0xB410] =	vst v5  }
0x194: {  	(v2sf) =	vpush v60, $0x9;
	[tilespmem:s29+$0xB420] =	vst v4  }
0x195: {  	[tilespmem:s29+$0xB430] =	vst v5;
	s18 =	spop (v2sf)  }
0x196: {  	v2 =	vld [tilespmem:s18+$0x240];
	_ =	sdelay $0x1  }
0x197: {  	v4 =	vld [tilespmem:s18+$0x640]  }
0x198: {  	s19 =	spop (v2sf)  }
0x199: {  	v3 =	vld [tilespmem:s19+$0xA40]  }
0x19a: {  	v5 =	vld [tilespmem:s19+$0xE40];
	[tilespmem:s29+$0x3440] =	vst v2  }
0x19b: {  	[tilespmem:s29+$0x3460] =	vst v2  }
0x19c: {  	[tilespmem:s29+$0xB440] =	vst v4  }
0x19d: {  	[tilespmem:s29+$0xB460] =	vst v4  }
0x19e: {  	[tilespmem:s29+$0x3450] =	vst v3  }
0x19f: {  	(v2sf) =	vpush v59, $0xA;
	[tilespmem:s29+$0x3470] =	vst v3  }
0x1a0: {  	[tilespmem:s29+$0xB450] =	vst v5  }
0x1a1: {  	s30 =	spop (v2sf);
	[tilespmem:s29+$0xB470] =	vst v5  }
0x1a2: {  	s31 =	spop (v2sf);
	v2 =	vld [tilespmem:s30+$0x240]  }
0x1a3: {  	(v2sf) =	vpush v60, $0xA;
	v3 =	vld [tilespmem:s31+$0xA40];
	_ =	sdelay $0x2  }
0x1a4: {  	v4 =	vld [tilespmem:s30+$0x640]  }
0x1a5: {  	v5 =	vld [tilespmem:s31+$0xE40];
	[tilespmem:s29+$0x3480] =	vst v2  }
0x1a6: {  	[tilespmem:s29+$0x3490] =	vst v3  }
0x1a7: {  	[tilespmem:s29+$0x34A0] =	vst v2  }
0x1a8: {  	[tilespmem:s29+$0x34B0] =	vst v3  }
0x1a9: {  	[tilespmem:s29+$0xB480] =	vst v4  }
0x1aa: {  	(v2sf) =	vpush v59, $0xB;
	[tilespmem:s29+$0xB490] =	vst v5  }
0x1ab: {  	(v2sf) =	vpush v60, $0xB;
	[tilespmem:s29+$0xB4A0] =	vst v4  }
0x1ac: {  	[tilespmem:s29+$0xB4B0] =	vst v5;
	s14 =	spop (v2sf)  }
0x1ad: {  	v2 =	vld [tilespmem:s14+$0x240];
	_ =	sdelay $0x1  }
0x1ae: {  	v4 =	vld [tilespmem:s14+$0x640]  }
0x1af: {  	s17 =	spop (v2sf)  }
0x1b0: {  	v3 =	vld [tilespmem:s17+$0xA40]  }
0x1b1: {  	v5 =	vld [tilespmem:s17+$0xE40];
	[tilespmem:s29+$0x34C0] =	vst v2  }
0x1b2: {  	[tilespmem:s29+$0x34E0] =	vst v2  }
0x1b3: {  	[tilespmem:s29+$0xB4C0] =	vst v4  }
0x1b4: {  	[tilespmem:s29+$0xB4E0] =	vst v4  }
0x1b5: {  	[tilespmem:s29+$0x34D0] =	vst v3  }
0x1b6: {  	(v2sf) =	vpush v59, $0xC;
	[tilespmem:s29+$0x34F0] =	vst v3  }
0x1b7: {  	[tilespmem:s29+$0xB4D0] =	vst v5  }
0x1b8: {  	s18 =	spop (v2sf);
	[tilespmem:s29+$0xB4F0] =	vst v5  }
0x1b9: {  	s19 =	spop (v2sf);
	v2 =	vld [tilespmem:s18+$0x240]  }
0x1ba: {  	(v2sf) =	vpush v60, $0xC;
	v3 =	vld [tilespmem:s19+$0xA40];
	_ =	sdelay $0x2  }
0x1bb: {  	v4 =	vld [tilespmem:s18+$0x640]  }
0x1bc: {  	v5 =	vld [tilespmem:s19+$0xE40];
	[tilespmem:s29+$0x3500] =	vst v2  }
0x1bd: {  	[tilespmem:s29+$0x3510] =	vst v3  }
0x1be: {  	[tilespmem:s29+$0x3520] =	vst v2  }
0x1bf: {  	[tilespmem:s29+$0x3530] =	vst v3  }
0x1c0: {  	[tilespmem:s29+$0xB500] =	vst v4  }
0x1c1: {  	(v2sf) =	vpush v59, $0xD;
	[tilespmem:s29+$0xB510] =	vst v5  }
0x1c2: {  	(v2sf) =	vpush v60, $0xD;
	[tilespmem:s29+$0xB520] =	vst v4  }
0x1c3: {  	[tilespmem:s29+$0xB530] =	vst v5;
	s30 =	spop (v2sf)  }
0x1c4: {  	v2 =	vld [tilespmem:s30+$0x240];
	_ =	sdelay $0x1  }
0x1c5: {  	v4 =	vld [tilespmem:s30+$0x640]  }
0x1c6: {  	s31 =	spop (v2sf)  }
0x1c7: {  	v3 =	vld [tilespmem:s31+$0xA40]  }
0x1c8: {  	v5 =	vld [tilespmem:s31+$0xE40];
	[tilespmem:s29+$0x3540] =	vst v2  }
0x1c9: {  	[tilespmem:s29+$0x3560] =	vst v2  }
0x1ca: {  	[tilespmem:s29+$0xB540] =	vst v4  }
0x1cb: {  	[tilespmem:s29+$0xB560] =	vst v4  }
0x1cc: {  	[tilespmem:s29+$0x3550] =	vst v3  }
0x1cd: {  	(v2sf) =	vpush v59, $0xE;
	[tilespmem:s29+$0x3570] =	vst v3  }
0x1ce: {  	[tilespmem:s29+$0xB550] =	vst v5  }
0x1cf: {  	s14 =	spop (v2sf);
	[tilespmem:s29+$0xB570] =	vst v5  }
0x1d0: {  	s17 =	spop (v2sf);
	v2 =	vld [tilespmem:s14+$0x240]  }
0x1d1: {  	(v2sf) =	vpush v60, $0xE;
	v3 =	vld [tilespmem:s17+$0xA40];
	_ =	sdelay $0x2  }
0x1d2: {  	v4 =	vld [tilespmem:s14+$0x640]  }
0x1d3: {  	v5 =	vld [tilespmem:s17+$0xE40];
	[tilespmem:s29+$0x3580] =	vst v2  }
0x1d4: {  	[tilespmem:s29+$0x3590] =	vst v3  }
0x1d5: {  	[tilespmem:s29+$0x35A0] =	vst v2  }
0x1d6: {  	[tilespmem:s29+$0x35B0] =	vst v3  }
0x1d7: {  	[tilespmem:s29+$0xB580] =	vst v4  }
0x1d8: {  	(v2sf) =	vpush v59, $0xF;
	[tilespmem:s29+$0xB590] =	vst v5  }
0x1d9: {  	(v2sf) =	vpush v60, $0xF;
	[tilespmem:s29+$0xB5A0] =	vst v4  }
0x1da: {  	[tilespmem:s29+$0xB5B0] =	vst v5;
	s18 =	spop (v2sf)  }
0x1db: {  	v62 =	vld [tilespmem:s18+$0x240];
	_ =	sdelay $0x1  }
0x1dc: {  	v2 =	vld [tilespmem:s18+$0x640]  }
0x1dd: {  	s19 =	spop (v2sf)  }
0x1de: {  	v63 =	vld [tilespmem:s19+$0xA40]  }
0x1df: {  	v3 =	vld [tilespmem:s19+$0xE40];
	[tilespmem:s29+$0x35C0] =	vst v62  }
0x1e0: {  	[tilespmem:s29+$0x35E0] =	vst v62  }
0x1e1: {  	[tilespmem:s29+$0xB5C0] =	vst v2  }
0x1e2: {  	[tilespmem:s29+$0xB5E0] =	vst v2  }
0x1e3: {  	[tilespmem:s29+$0x35D0] =	vst v63  }
0x1e4: {  	[tilespmem:s29+$0x35F0] =	vst v63  }
0x1e5: {  	[tilespmem:s29+$0xB5D0] =	vst v3  }
0x1e6: {  	s30 =	spop (v2sf);
	[tilespmem:s29+$0xB5F0] =	vst v3  }
0x1e7: {  	s31 =	spop (v2sf);
	v0 =	vld [tilespmem:s30+$0x240]  }
0x1e8: {  	v1 =	vld [tilespmem:s31+$0xA40];
	_ =	sdelay $0x2  }
0x1e9: {  	v2 =	vld [tilespmem:s30+$0x640]  }
0x1ea: {  	v3 =	vld [tilespmem:s31+$0xE40];
	[tilespmem:s29+$0x3600] =	vst v0  }
0x1eb: {  	[tilespmem:s29+$0x3610] =	vst v1  }
0x1ec: {  	p0 =	sne.s32 s26, $0x7000;
	[tilespmem:s29+$0x3620] =	vst v0  }
.Ltmp2:
0x1ed: {  	[tilespmem:s29+$0x3630] =	vst v1;
	(pc) =	sbr.rel @p0 .LBB2_6-.Ltmp2, $4  }
0x1ee: {  	[tilespmem:s29+$0xB600] =	vst v2  }
0x1ef: {  	[tilespmem:s29+$0xB610] =	vst v3  }
0x1f0: {  	[tilespmem:s29+$0xB620] =	vst v2  }
0x1f1: {  	s28 =	sadd.s32 $0x10, s28;
	s26 =	sadd.s32 $0x1000, s26;
	[tilespmem:s29+$0xB630] =	vst v3  }
0x1f2: {  	s26 =	simm.s32 $0x0;
	s0 =	simm.s32 $0x3240  }
0x1f3: {  	[hbm4b:s7+s26] =	stream.linear.scatter [tilespmem:s0], [sflag:$0x1], $0x2000, $0x38;
	[tilespmem:$0x11240] =	vst v63  }
0x1f4: {  	s28 =	simm.s32 $0x100  }
0x1f5: {  	[hbm4b:s8+s26] =	stream.linear.scatter [tilespmem:s20], [sflag:$0x1], $0x2000, $0x38;
	[tilespmem:$0x11240] =	vst v63  }
.LBB2_8:
0x1f6: {  	v0 =	vld [tilespmem:s28+$0x0];
	_ =	sdelay $0x4  }
0x1f7: {  	v1 =	vshrl.u32 v0, $0x6  }
0x1f8: {  	v59 =	vshll.u32 v1, $0x4  }
0x1f9: {  	(v2sf) =	vpush v59, $0x0;
	_ =	sdelay $0x1  }
0x1fa: {  	v2 =	vand.u32 $0x3F, v0  }
0x1fb: {  	v60 =	vshll.u32 v2, $0x4  }
0x1fc: {  	(v2sf) =	vpush v60, $0x0;
	_ =	sdelay $0x8  }
0x1fd: {  	(v2sf) =	vpush v59, $0x1  }
0x1fe: {  	(v2sf) =	vpush v60, $0x1  }
0x1ff: {  	s0 =	spop (v2sf)  }
0x200: {  	v61 =	vld [tilespmem:s0+$0x240];
	_ =	sdelay $0x1  }
0x201: {  	v4 =	vld [tilespmem:s0+$0x640]  }
0x202: {  	s1 =	spop (v2sf)  }
0x203: {  	s29 =	sshra.s32 s26, $0x2;
	v3 =	vld [tilespmem:s1+$0xA40]  }
0x204: {  	v5 =	vld [tilespmem:s1+$0xE40];
	[tilespmem:s29+$0x5240] =	vst v61  }
0x205: {  	[tilespmem:s29+$0x5260] =	vst v61  }
0x206: {  	[tilespmem:s29+$0xD240] =	vst v4  }
0x207: {  	[tilespmem:s29+$0xD260] =	vst v4  }
0x208: {  	[tilespmem:s29+$0x5250] =	vst v3  }
0x209: {  	(v2sf) =	vpush v59, $0x2;
	[tilespmem:s29+$0x5270] =	vst v3  }
0x20a: {  	[tilespmem:s29+$0xD250] =	vst v5  }
0x20b: {  	s14 =	spop (v2sf);
	[tilespmem:s29+$0xD270] =	vst v5  }
0x20c: {  	s17 =	spop (v2sf);
	v2 =	vld [tilespmem:s14+$0x240]  }
0x20d: {  	(v2sf) =	vpush v60, $0x2;
	v3 =	vld [tilespmem:s17+$0xA40];
	_ =	sdelay $0x2  }
0x20e: {  	v4 =	vld [tilespmem:s14+$0x640]  }
0x20f: {  	v5 =	vld [tilespmem:s17+$0xE40];
	[tilespmem:s29+$0x5280] =	vst v2  }
0x210: {  	[tilespmem:s29+$0x5290] =	vst v3  }
0x211: {  	[tilespmem:s29+$0x52A0] =	vst v2  }
0x212: {  	[tilespmem:s29+$0x52B0] =	vst v3  }
0x213: {  	[tilespmem:s29+$0xD280] =	vst v4  }
0x214: {  	(v2sf) =	vpush v59, $0x3;
	[tilespmem:s29+$0xD290] =	vst v5  }
0x215: {  	(v2sf) =	vpush v60, $0x3;
	[tilespmem:s29+$0xD2A0] =	vst v4  }
0x216: {  	[tilespmem:s29+$0xD2B0] =	vst v5;
	s18 =	spop (v2sf)  }
0x217: {  	v2 =	vld [tilespmem:s18+$0x240];
	_ =	sdelay $0x1  }
0x218: {  	v4 =	vld [tilespmem:s18+$0x640]  }
0x219: {  	s19 =	spop (v2sf)  }
0x21a: {  	v3 =	vld [tilespmem:s19+$0xA40]  }
0x21b: {  	v5 =	vld [tilespmem:s19+$0xE40];
	[tilespmem:s29+$0x52C0] =	vst v2  }
0x21c: {  	[tilespmem:s29+$0x52E0] =	vst v2  }
0x21d: {  	[tilespmem:s29+$0xD2C0] =	vst v4  }
0x21e: {  	[tilespmem:s29+$0xD2E0] =	vst v4  }
0x21f: {  	[tilespmem:s29+$0x52D0] =	vst v3  }
0x220: {  	(v2sf) =	vpush v59, $0x4;
	[tilespmem:s29+$0x52F0] =	vst v3  }
0x221: {  	[tilespmem:s29+$0xD2D0] =	vst v5  }
0x222: {  	s30 =	spop (v2sf);
	[tilespmem:s29+$0xD2F0] =	vst v5  }
0x223: {  	s31 =	spop (v2sf);
	v2 =	vld [tilespmem:s30+$0x240]  }
0x224: {  	(v2sf) =	vpush v60, $0x4;
	v3 =	vld [tilespmem:s31+$0xA40];
	_ =	sdelay $0x2  }
0x225: {  	v4 =	vld [tilespmem:s30+$0x640]  }
0x226: {  	v5 =	vld [tilespmem:s31+$0xE40];
	[tilespmem:s29+$0x5300] =	vst v2  }
0x227: {  	[tilespmem:s29+$0x5310] =	vst v3  }
0x228: {  	[tilespmem:s29+$0x5320] =	vst v2  }
0x229: {  	[tilespmem:s29+$0x5330] =	vst v3  }
0x22a: {  	[tilespmem:s29+$0xD300] =	vst v4  }
0x22b: {  	(v2sf) =	vpush v59, $0x5;
	[tilespmem:s29+$0xD310] =	vst v5  }
0x22c: {  	(v2sf) =	vpush v60, $0x5;
	[tilespmem:s29+$0xD320] =	vst v4  }
0x22d: {  	[tilespmem:s29+$0xD330] =	vst v5;
	s14 =	spop (v2sf)  }
0x22e: {  	v2 =	vld [tilespmem:s14+$0x240];
	_ =	sdelay $0x1  }
0x22f: {  	v4 =	vld [tilespmem:s14+$0x640]  }
0x230: {  	s17 =	spop (v2sf)  }
0x231: {  	v3 =	vld [tilespmem:s17+$0xA40]  }
0x232: {  	v5 =	vld [tilespmem:s17+$0xE40];
	[tilespmem:s29+$0x5340] =	vst v2  }
0x233: {  	[tilespmem:s29+$0x5360] =	vst v2  }
0x234: {  	[tilespmem:s29+$0xD340] =	vst v4  }
0x235: {  	[tilespmem:s29+$0xD360] =	vst v4  }
0x236: {  	[tilespmem:s29+$0x5350] =	vst v3  }
0x237: {  	(v2sf) =	vpush v59, $0x6;
	[tilespmem:s29+$0x5370] =	vst v3  }
0x238: {  	[tilespmem:s29+$0xD350] =	vst v5  }
0x239: {  	s18 =	spop (v2sf);
	[tilespmem:s29+$0xD370] =	vst v5  }
0x23a: {  	s19 =	spop (v2sf);
	v2 =	vld [tilespmem:s18+$0x240]  }
0x23b: {  	(v2sf) =	vpush v60, $0x6;
	v3 =	vld [tilespmem:s19+$0xA40];
	_ =	sdelay $0x2  }
0x23c: {  	v4 =	vld [tilespmem:s18+$0x640]  }
0x23d: {  	v5 =	vld [tilespmem:s19+$0xE40];
	[tilespmem:s29+$0x5380] =	vst v2  }
0x23e: {  	[tilespmem:s29+$0x5390] =	vst v3  }
0x23f: {  	[tilespmem:s29+$0x53A0] =	vst v2  }
0x240: {  	[tilespmem:s29+$0x53B0] =	vst v3  }
0x241: {  	[tilespmem:s29+$0xD380] =	vst v4  }
0x242: {  	(v2sf) =	vpush v59, $0x7;
	[tilespmem:s29+$0xD390] =	vst v5  }
0x243: {  	(v2sf) =	vpush v60, $0x7;
	[tilespmem:s29+$0xD3A0] =	vst v4  }
0x244: {  	[tilespmem:s29+$0xD3B0] =	vst v5;
	s30 =	spop (v2sf)  }
0x245: {  	v2 =	vld [tilespmem:s30+$0x240];
	_ =	sdelay $0x1  }
0x246: {  	v4 =	vld [tilespmem:s30+$0x640]  }
0x247: {  	s31 =	spop (v2sf)  }
0x248: {  	v3 =	vld [tilespmem:s31+$0xA40]  }
0x249: {  	v5 =	vld [tilespmem:s31+$0xE40];
	[tilespmem:s29+$0x53C0] =	vst v2  }
0x24a: {  	[tilespmem:s29+$0x53E0] =	vst v2  }
0x24b: {  	[tilespmem:s29+$0xD3C0] =	vst v4  }
0x24c: {  	[tilespmem:s29+$0xD3E0] =	vst v4  }
0x24d: {  	[tilespmem:s29+$0x53D0] =	vst v3  }
0x24e: {  	(v2sf) =	vpush v59, $0x8;
	[tilespmem:s29+$0x53F0] =	vst v3  }
0x24f: {  	[tilespmem:s29+$0xD3D0] =	vst v5  }
0x250: {  	s14 =	spop (v2sf);
	[tilespmem:s29+$0xD3F0] =	vst v5  }
0x251: {  	s17 =	spop (v2sf);
	v2 =	vld [tilespmem:s14+$0x240]  }
0x252: {  	(v2sf) =	vpush v60, $0x8;
	v3 =	vld [tilespmem:s17+$0xA40];
	_ =	sdelay $0x2  }
0x253: {  	v4 =	vld [tilespmem:s14+$0x640]  }
0x254: {  	v5 =	vld [tilespmem:s17+$0xE40];
	[tilespmem:s29+$0x5400] =	vst v2  }
0x255: {  	[tilespmem:s29+$0x5410] =	vst v3  }
0x256: {  	[tilespmem:s29+$0x5420] =	vst v2  }
0x257: {  	[tilespmem:s29+$0x5430] =	vst v3  }
0x258: {  	[tilespmem:s29+$0xD400] =	vst v4  }
0x259: {  	(v2sf) =	vpush v59, $0x9;
	[tilespmem:s29+$0xD410] =	vst v5  }
0x25a: {  	(v2sf) =	vpush v60, $0x9;
	[tilespmem:s29+$0xD420] =	vst v4  }
0x25b: {  	[tilespmem:s29+$0xD430] =	vst v5;
	s18 =	spop (v2sf)  }
0x25c: {  	v2 =	vld [tilespmem:s18+$0x240];
	_ =	sdelay $0x1  }
0x25d: {  	v4 =	vld [tilespmem:s18+$0x640]  }
0x25e: {  	s19 =	spop (v2sf)  }
0x25f: {  	v3 =	vld [tilespmem:s19+$0xA40]  }
0x260: {  	v5 =	vld [tilespmem:s19+$0xE40];
	[tilespmem:s29+$0x5440] =	vst v2  }
0x261: {  	[tilespmem:s29+$0x5460] =	vst v2  }
0x262: {  	[tilespmem:s29+$0xD440] =	vst v4  }
0x263: {  	[tilespmem:s29+$0xD460] =	vst v4  }
0x264: {  	[tilespmem:s29+$0x5450] =	vst v3  }
0x265: {  	(v2sf) =	vpush v59, $0xA;
	[tilespmem:s29+$0x5470] =	vst v3  }
0x266: {  	[tilespmem:s29+$0xD450] =	vst v5  }
0x267: {  	s30 =	spop (v2sf);
	[tilespmem:s29+$0xD470] =	vst v5  }
0x268: {  	s31 =	spop (v2sf);
	v2 =	vld [tilespmem:s30+$0x240]  }
0x269: {  	(v2sf) =	vpush v60, $0xA;
	v3 =	vld [tilespmem:s31+$0xA40];
	_ =	sdelay $0x2  }
0x26a: {  	v4 =	vld [tilespmem:s30+$0x640]  }
0x26b: {  	v5 =	vld [tilespmem:s31+$0xE40];
	[tilespmem:s29+$0x5480] =	vst v2  }
0x26c: {  	[tilespmem:s29+$0x5490] =	vst v3  }
0x26d: {  	[tilespmem:s29+$0x54A0] =	vst v2  }
0x26e: {  	[tilespmem:s29+$0x54B0] =	vst v3  }
0x26f: {  	[tilespmem:s29+$0xD480] =	vst v4  }
0x270: {  	(v2sf) =	vpush v59, $0xB;
	[tilespmem:s29+$0xD490] =	vst v5  }
0x271: {  	(v2sf) =	vpush v60, $0xB;
	[tilespmem:s29+$0xD4A0] =	vst v4  }
0x272: {  	[tilespmem:s29+$0xD4B0] =	vst v5;
	s14 =	spop (v2sf)  }
0x273: {  	v2 =	vld [tilespmem:s14+$0x240];
	_ =	sdelay $0x1  }
0x274: {  	v4 =	vld [tilespmem:s14+$0x640]  }
0x275: {  	s17 =	spop (v2sf)  }
0x276: {  	v3 =	vld [tilespmem:s17+$0xA40]  }
0x277: {  	v5 =	vld [tilespmem:s17+$0xE40];
	[tilespmem:s29+$0x54C0] =	vst v2  }
0x278: {  	[tilespmem:s29+$0x54E0] =	vst v2  }
0x279: {  	[tilespmem:s29+$0xD4C0] =	vst v4  }
0x27a: {  	[tilespmem:s29+$0xD4E0] =	vst v4  }
0x27b: {  	[tilespmem:s29+$0x54D0] =	vst v3  }
0x27c: {  	(v2sf) =	vpush v59, $0xC;
	[tilespmem:s29+$0x54F0] =	vst v3  }
0x27d: {  	[tilespmem:s29+$0xD4D0] =	vst v5  }
0x27e: {  	s18 =	spop (v2sf);
	[tilespmem:s29+$0xD4F0] =	vst v5  }
0x27f: {  	s19 =	spop (v2sf);
	v2 =	vld [tilespmem:s18+$0x240]  }
0x280: {  	(v2sf) =	vpush v60, $0xC;
	v3 =	vld [tilespmem:s19+$0xA40];
	_ =	sdelay $0x2  }
0x281: {  	v4 =	vld [tilespmem:s18+$0x640]  }
0x282: {  	v5 =	vld [tilespmem:s19+$0xE40];
	[tilespmem:s29+$0x5500] =	vst v2  }
0x283: {  	[tilespmem:s29+$0x5510] =	vst v3  }
0x284: {  	[tilespmem:s29+$0x5520] =	vst v2  }
0x285: {  	[tilespmem:s29+$0x5530] =	vst v3  }
0x286: {  	[tilespmem:s29+$0xD500] =	vst v4  }
0x287: {  	(v2sf) =	vpush v59, $0xD;
	[tilespmem:s29+$0xD510] =	vst v5  }
0x288: {  	(v2sf) =	vpush v60, $0xD;
	[tilespmem:s29+$0xD520] =	vst v4  }
0x289: {  	[tilespmem:s29+$0xD530] =	vst v5;
	s30 =	spop (v2sf)  }
0x28a: {  	v2 =	vld [tilespmem:s30+$0x240];
	_ =	sdelay $0x1  }
0x28b: {  	v4 =	vld [tilespmem:s30+$0x640]  }
0x28c: {  	s31 =	spop (v2sf)  }
0x28d: {  	v3 =	vld [tilespmem:s31+$0xA40]  }
0x28e: {  	v5 =	vld [tilespmem:s31+$0xE40];
	[tilespmem:s29+$0x5540] =	vst v2  }
0x28f: {  	[tilespmem:s29+$0x5560] =	vst v2  }
0x290: {  	[tilespmem:s29+$0xD540] =	vst v4  }
0x291: {  	[tilespmem:s29+$0xD560] =	vst v4  }
0x292: {  	[tilespmem:s29+$0x5550] =	vst v3  }
0x293: {  	(v2sf) =	vpush v59, $0xE;
	[tilespmem:s29+$0x5570] =	vst v3  }
0x294: {  	[tilespmem:s29+$0xD550] =	vst v5  }
0x295: {  	s14 =	spop (v2sf);
	[tilespmem:s29+$0xD570] =	vst v5  }
0x296: {  	s17 =	spop (v2sf);
	v2 =	vld [tilespmem:s14+$0x240]  }
0x297: {  	(v2sf) =	vpush v60, $0xE;
	v3 =	vld [tilespmem:s17+$0xA40];
	_ =	sdelay $0x2  }
0x298: {  	v4 =	vld [tilespmem:s14+$0x640]  }
0x299: {  	v5 =	vld [tilespmem:s17+$0xE40];
	[tilespmem:s29+$0x5580] =	vst v2  }
0x29a: {  	[tilespmem:s29+$0x5590] =	vst v3  }
0x29b: {  	[tilespmem:s29+$0x55A0] =	vst v2  }
0x29c: {  	[tilespmem:s29+$0x55B0] =	vst v3  }
0x29d: {  	[tilespmem:s29+$0xD580] =	vst v4  }
0x29e: {  	(v2sf) =	vpush v59, $0xF;
	[tilespmem:s29+$0xD590] =	vst v5  }
0x29f: {  	(v2sf) =	vpush v60, $0xF;
	[tilespmem:s29+$0xD5A0] =	vst v4  }
0x2a0: {  	[tilespmem:s29+$0xD5B0] =	vst v5;
	s18 =	spop (v2sf)  }
0x2a1: {  	v62 =	vld [tilespmem:s18+$0x240];
	_ =	sdelay $0x1  }
0x2a2: {  	v2 =	vld [tilespmem:s18+$0x640]  }
0x2a3: {  	s19 =	spop (v2sf)  }
0x2a4: {  	v63 =	vld [tilespmem:s19+$0xA40]  }
0x2a5: {  	v3 =	vld [tilespmem:s19+$0xE40];
	[tilespmem:s29+$0x55C0] =	vst v62  }
0x2a6: {  	[tilespmem:s29+$0x55E0] =	vst v62  }
0x2a7: {  	[tilespmem:s29+$0xD5C0] =	vst v2  }
0x2a8: {  	[tilespmem:s29+$0xD5E0] =	vst v2  }
0x2a9: {  	[tilespmem:s29+$0x55D0] =	vst v63  }
0x2aa: {  	[tilespmem:s29+$0x55F0] =	vst v63  }
0x2ab: {  	[tilespmem:s29+$0xD5D0] =	vst v3  }
0x2ac: {  	s30 =	spop (v2sf);
	[tilespmem:s29+$0xD5F0] =	vst v3  }
0x2ad: {  	s31 =	spop (v2sf);
	v0 =	vld [tilespmem:s30+$0x240]  }
0x2ae: {  	v1 =	vld [tilespmem:s31+$0xA40];
	_ =	sdelay $0x2  }
0x2af: {  	v2 =	vld [tilespmem:s30+$0x640]  }
0x2b0: {  	v3 =	vld [tilespmem:s31+$0xE40];
	[tilespmem:s29+$0x5600] =	vst v0  }
0x2b1: {  	[tilespmem:s29+$0x5610] =	vst v1  }
0x2b2: {  	p0 =	sne.s32 s26, $0x7000;
	[tilespmem:s29+$0x5620] =	vst v0  }
.Ltmp3:
0x2b3: {  	[tilespmem:s29+$0x5630] =	vst v1;
	(pc) =	sbr.rel @p0 .LBB2_8-.Ltmp3, $4  }
0x2b4: {  	[tilespmem:s29+$0xD600] =	vst v2  }
0x2b5: {  	[tilespmem:s29+$0xD610] =	vst v3  }
0x2b6: {  	[tilespmem:s29+$0xD620] =	vst v2  }
0x2b7: {  	s28 =	sadd.s32 $0x10, s28;
	s26 =	sadd.s32 $0x1000, s26;
	[tilespmem:s29+$0xD630] =	vst v3  }
0x2b8: {  	s26 =	simm.s32 $0x0  }
0x2b9: {  	[hbm4b:s9+s26] =	stream.linear.scatter [tilespmem:s21], [sflag:$0x1], $0x2000, $0x38;
	[tilespmem:$0x11240] =	vst v63  }
0x2ba: {  	s28 =	simm.s32 $0x180  }
0x2bb: {  	[hbm4b:s10+s26] =	stream.linear.scatter [tilespmem:s22], [sflag:$0x1], $0x2000, $0x38;
	[tilespmem:$0x11240] =	vst v63  }
.LBB2_10:
0x2bc: {  	v0 =	vld [tilespmem:s28+$0x0];
	_ =	sdelay $0x4  }
0x2bd: {  	v1 =	vshrl.u32 v0, $0x6  }
0x2be: {  	v59 =	vshll.u32 v1, $0x4  }
0x2bf: {  	(v2sf) =	vpush v59, $0x0;
	_ =	sdelay $0x1  }
0x2c0: {  	v2 =	vand.u32 $0x3F, v0  }
0x2c1: {  	v60 =	vshll.u32 v2, $0x4  }
0x2c2: {  	(v2sf) =	vpush v60, $0x0;
	_ =	sdelay $0x8  }
0x2c3: {  	(v2sf) =	vpush v59, $0x1  }
0x2c4: {  	(v2sf) =	vpush v60, $0x1  }
0x2c5: {  	s0 =	spop (v2sf)  }
0x2c6: {  	v61 =	vld [tilespmem:s0+$0x240];
	_ =	sdelay $0x1  }
0x2c7: {  	v4 =	vld [tilespmem:s0+$0x640]  }
0x2c8: {  	s1 =	spop (v2sf)  }
0x2c9: {  	s29 =	sshra.s32 s26, $0x2;
	v3 =	vld [tilespmem:s1+$0xA40]  }
0x2ca: {  	v5 =	vld [tilespmem:s1+$0xE40];
	[tilespmem:s29+$0x7240] =	vst v61  }
0x2cb: {  	[tilespmem:s29+$0x7260] =	vst v61  }
0x2cc: {  	[tilespmem:s29+$0xF240] =	vst v4  }
0x2cd: {  	[tilespmem:s29+$0xF260] =	vst v4  }
0x2ce: {  	[tilespmem:s29+$0x7250] =	vst v3  }
0x2cf: {  	(v2sf) =	vpush v59, $0x2;
	[tilespmem:s29+$0x7270] =	vst v3  }
0x2d0: {  	[tilespmem:s29+$0xF250] =	vst v5  }
0x2d1: {  	s14 =	spop (v2sf);
	[tilespmem:s29+$0xF270] =	vst v5  }
0x2d2: {  	s17 =	spop (v2sf);
	v2 =	vld [tilespmem:s14+$0x240]  }
0x2d3: {  	(v2sf) =	vpush v60, $0x2;
	v3 =	vld [tilespmem:s17+$0xA40];
	_ =	sdelay $0x2  }
0x2d4: {  	v4 =	vld [tilespmem:s14+$0x640]  }
0x2d5: {  	v5 =	vld [tilespmem:s17+$0xE40];
	[tilespmem:s29+$0x7280] =	vst v2  }
0x2d6: {  	[tilespmem:s29+$0x7290] =	vst v3  }
0x2d7: {  	[tilespmem:s29+$0x72A0] =	vst v2  }
0x2d8: {  	[tilespmem:s29+$0x72B0] =	vst v3  }
0x2d9: {  	[tilespmem:s29+$0xF280] =	vst v4  }
0x2da: {  	(v2sf) =	vpush v59, $0x3;
	[tilespmem:s29+$0xF290] =	vst v5  }
0x2db: {  	(v2sf) =	vpush v60, $0x3;
	[tilespmem:s29+$0xF2A0] =	vst v4  }
0x2dc: {  	[tilespmem:s29+$0xF2B0] =	vst v5;
	s18 =	spop (v2sf)  }
0x2dd: {  	v2 =	vld [tilespmem:s18+$0x240];
	_ =	sdelay $0x1  }
0x2de: {  	v4 =	vld [tilespmem:s18+$0x640]  }
0x2df: {  	s19 =	spop (v2sf)  }
0x2e0: {  	v3 =	vld [tilespmem:s19+$0xA40]  }
0x2e1: {  	v5 =	vld [tilespmem:s19+$0xE40];
	[tilespmem:s29+$0x72C0] =	vst v2  }
0x2e2: {  	[tilespmem:s29+$0x72E0] =	vst v2  }
0x2e3: {  	[tilespmem:s29+$0xF2C0] =	vst v4  }
0x2e4: {  	[tilespmem:s29+$0xF2E0] =	vst v4  }
0x2e5: {  	[tilespmem:s29+$0x72D0] =	vst v3  }
0x2e6: {  	(v2sf) =	vpush v59, $0x4;
	[tilespmem:s29+$0x72F0] =	vst v3  }
0x2e7: {  	[tilespmem:s29+$0xF2D0] =	vst v5  }
0x2e8: {  	s30 =	spop (v2sf);
	[tilespmem:s29+$0xF2F0] =	vst v5  }
0x2e9: {  	s31 =	spop (v2sf);
	v2 =	vld [tilespmem:s30+$0x240]  }
0x2ea: {  	(v2sf) =	vpush v60, $0x4;
	v3 =	vld [tilespmem:s31+$0xA40];
	_ =	sdelay $0x2  }
0x2eb: {  	v4 =	vld [tilespmem:s30+$0x640]  }
0x2ec: {  	v5 =	vld [tilespmem:s31+$0xE40];
	[tilespmem:s29+$0x7300] =	vst v2  }
0x2ed: {  	[tilespmem:s29+$0x7310] =	vst v3  }
0x2ee: {  	[tilespmem:s29+$0x7320] =	vst v2  }
0x2ef: {  	[tilespmem:s29+$0x7330] =	vst v3  }
0x2f0: {  	[tilespmem:s29+$0xF300] =	vst v4  }
0x2f1: {  	(v2sf) =	vpush v59, $0x5;
	[tilespmem:s29+$0xF310] =	vst v5  }
0x2f2: {  	(v2sf) =	vpush v60, $0x5;
	[tilespmem:s29+$0xF320] =	vst v4  }
0x2f3: {  	[tilespmem:s29+$0xF330] =	vst v5;
	s14 =	spop (v2sf)  }
0x2f4: {  	v2 =	vld [tilespmem:s14+$0x240];
	_ =	sdelay $0x1  }
0x2f5: {  	v4 =	vld [tilespmem:s14+$0x640]  }
0x2f6: {  	s17 =	spop (v2sf)  }
0x2f7: {  	v3 =	vld [tilespmem:s17+$0xA40]  }
0x2f8: {  	v5 =	vld [tilespmem:s17+$0xE40];
	[tilespmem:s29+$0x7340] =	vst v2  }
0x2f9: {  	[tilespmem:s29+$0x7360] =	vst v2  }
0x2fa: {  	[tilespmem:s29+$0xF340] =	vst v4  }
0x2fb: {  	[tilespmem:s29+$0xF360] =	vst v4  }
0x2fc: {  	[tilespmem:s29+$0x7350] =	vst v3  }
0x2fd: {  	(v2sf) =	vpush v59, $0x6;
	[tilespmem:s29+$0x7370] =	vst v3  }
0x2fe: {  	[tilespmem:s29+$0xF350] =	vst v5  }
0x2ff: {  	s18 =	spop (v2sf);
	[tilespmem:s29+$0xF370] =	vst v5  }
0x300: {  	s19 =	spop (v2sf);
	v2 =	vld [tilespmem:s18+$0x240]  }
0x301: {  	(v2sf) =	vpush v60, $0x6;
	v3 =	vld [tilespmem:s19+$0xA40];
	_ =	sdelay $0x2  }
0x302: {  	v4 =	vld [tilespmem:s18+$0x640]  }
0x303: {  	v5 =	vld [tilespmem:s19+$0xE40];
	[tilespmem:s29+$0x7380] =	vst v2  }
0x304: {  	[tilespmem:s29+$0x7390] =	vst v3  }
0x305: {  	[tilespmem:s29+$0x73A0] =	vst v2  }
0x306: {  	[tilespmem:s29+$0x73B0] =	vst v3  }
0x307: {  	[tilespmem:s29+$0xF380] =	vst v4  }
0x308: {  	(v2sf) =	vpush v59, $0x7;
	[tilespmem:s29+$0xF390] =	vst v5  }
0x309: {  	(v2sf) =	vpush v60, $0x7;
	[tilespmem:s29+$0xF3A0] =	vst v4  }
0x30a: {  	[tilespmem:s29+$0xF3B0] =	vst v5;
	s30 =	spop (v2sf)  }
0x30b: {  	v2 =	vld [tilespmem:s30+$0x240];
	_ =	sdelay $0x1  }
0x30c: {  	v4 =	vld [tilespmem:s30+$0x640]  }
0x30d: {  	s31 =	spop (v2sf)  }
0x30e: {  	v3 =	vld [tilespmem:s31+$0xA40]  }
0x30f: {  	v5 =	vld [tilespmem:s31+$0xE40];
	[tilespmem:s29+$0x73C0] =	vst v2  }
0x310: {  	[tilespmem:s29+$0x73E0] =	vst v2  }
0x311: {  	[tilespmem:s29+$0xF3C0] =	vst v4  }
0x312: {  	[tilespmem:s29+$0xF3E0] =	vst v4  }
0x313: {  	[tilespmem:s29+$0x73D0] =	vst v3  }
0x314: {  	(v2sf) =	vpush v59, $0x8;
	[tilespmem:s29+$0x73F0] =	vst v3  }
0x315: {  	[tilespmem:s29+$0xF3D0] =	vst v5  }
0x316: {  	s14 =	spop (v2sf);
	[tilespmem:s29+$0xF3F0] =	vst v5  }
0x317: {  	s17 =	spop (v2sf);
	v2 =	vld [tilespmem:s14+$0x240]  }
0x318: {  	(v2sf) =	vpush v60, $0x8;
	v3 =	vld [tilespmem:s17+$0xA40];
	_ =	sdelay $0x2  }
0x319: {  	v4 =	vld [tilespmem:s14+$0x640]  }
0x31a: {  	v5 =	vld [tilespmem:s17+$0xE40];
	[tilespmem:s29+$0x7400] =	vst v2  }
0x31b: {  	[tilespmem:s29+$0x7410] =	vst v3  }
0x31c: {  	[tilespmem:s29+$0x7420] =	vst v2  }
0x31d: {  	[tilespmem:s29+$0x7430] =	vst v3  }
0x31e: {  	[tilespmem:s29+$0xF400] =	vst v4  }
0x31f: {  	(v2sf) =	vpush v59, $0x9;
	[tilespmem:s29+$0xF410] =	vst v5  }
0x320: {  	(v2sf) =	vpush v60, $0x9;
	[tilespmem:s29+$0xF420] =	vst v4  }
0x321: {  	[tilespmem:s29+$0xF430] =	vst v5;
	s18 =	spop (v2sf)  }
0x322: {  	v2 =	vld [tilespmem:s18+$0x240];
	_ =	sdelay $0x1  }
0x323: {  	v4 =	vld [tilespmem:s18+$0x640]  }
0x324: {  	s19 =	spop (v2sf)  }
0x325: {  	v3 =	vld [tilespmem:s19+$0xA40]  }
0x326: {  	v5 =	vld [tilespmem:s19+$0xE40];
	[tilespmem:s29+$0x7440] =	vst v2  }
0x327: {  	[tilespmem:s29+$0x7460] =	vst v2  }
0x328: {  	[tilespmem:s29+$0xF440] =	vst v4  }
0x329: {  	[tilespmem:s29+$0xF460] =	vst v4  }
0x32a: {  	[tilespmem:s29+$0x7450] =	vst v3  }
0x32b: {  	(v2sf) =	vpush v59, $0xA;
	[tilespmem:s29+$0x7470] =	vst v3  }
0x32c: {  	[tilespmem:s29+$0xF450] =	vst v5  }
0x32d: {  	s30 =	spop (v2sf);
	[tilespmem:s29+$0xF470] =	vst v5  }
0x32e: {  	s31 =	spop (v2sf);
	v2 =	vld [tilespmem:s30+$0x240]  }
0x32f: {  	(v2sf) =	vpush v60, $0xA;
	v3 =	vld [tilespmem:s31+$0xA40];
	_ =	sdelay $0x2  }
0x330: {  	v4 =	vld [tilespmem:s30+$0x640]  }
0x331: {  	v5 =	vld [tilespmem:s31+$0xE40];
	[tilespmem:s29+$0x7480] =	vst v2  }
0x332: {  	[tilespmem:s29+$0x7490] =	vst v3  }
0x333: {  	[tilespmem:s29+$0x74A0] =	vst v2  }
0x334: {  	[tilespmem:s29+$0x74B0] =	vst v3  }
0x335: {  	[tilespmem:s29+$0xF480] =	vst v4  }
0x336: {  	(v2sf) =	vpush v59, $0xB;
	[tilespmem:s29+$0xF490] =	vst v5  }
0x337: {  	(v2sf) =	vpush v60, $0xB;
	[tilespmem:s29+$0xF4A0] =	vst v4  }
0x338: {  	[tilespmem:s29+$0xF4B0] =	vst v5;
	s14 =	spop (v2sf)  }
0x339: {  	v2 =	vld [tilespmem:s14+$0x240];
	_ =	sdelay $0x1  }
0x33a: {  	v4 =	vld [tilespmem:s14+$0x640]  }
0x33b: {  	s17 =	spop (v2sf)  }
0x33c: {  	v3 =	vld [tilespmem:s17+$0xA40]  }
0x33d: {  	v5 =	vld [tilespmem:s17+$0xE40];
	[tilespmem:s29+$0x74C0] =	vst v2  }
0x33e: {  	[tilespmem:s29+$0x74E0] =	vst v2  }
0x33f: {  	[tilespmem:s29+$0xF4C0] =	vst v4  }
0x340: {  	[tilespmem:s29+$0xF4E0] =	vst v4  }
0x341: {  	[tilespmem:s29+$0x74D0] =	vst v3  }
0x342: {  	(v2sf) =	vpush v59, $0xC;
	[tilespmem:s29+$0x74F0] =	vst v3  }
0x343: {  	[tilespmem:s29+$0xF4D0] =	vst v5  }
0x344: {  	s18 =	spop (v2sf);
	[tilespmem:s29+$0xF4F0] =	vst v5  }
0x345: {  	s19 =	spop (v2sf);
	v2 =	vld [tilespmem:s18+$0x240]  }
0x346: {  	(v2sf) =	vpush v60, $0xC;
	v3 =	vld [tilespmem:s19+$0xA40];
	_ =	sdelay $0x2  }
0x347: {  	v4 =	vld [tilespmem:s18+$0x640]  }
0x348: {  	v5 =	vld [tilespmem:s19+$0xE40];
	[tilespmem:s29+$0x7500] =	vst v2  }
0x349: {  	[tilespmem:s29+$0x7510] =	vst v3  }
0x34a: {  	[tilespmem:s29+$0x7520] =	vst v2  }
0x34b: {  	[tilespmem:s29+$0x7530] =	vst v3  }
0x34c: {  	[tilespmem:s29+$0xF500] =	vst v4  }
0x34d: {  	(v2sf) =	vpush v59, $0xD;
	[tilespmem:s29+$0xF510] =	vst v5  }
0x34e: {  	(v2sf) =	vpush v60, $0xD;
	[tilespmem:s29+$0xF520] =	vst v4  }
0x34f: {  	[tilespmem:s29+$0xF530] =	vst v5;
	s30 =	spop (v2sf)  }
0x350: {  	v2 =	vld [tilespmem:s30+$0x240];
	_ =	sdelay $0x1  }
0x351: {  	v4 =	vld [tilespmem:s30+$0x640]  }
0x352: {  	s31 =	spop (v2sf)  }
0x353: {  	v3 =	vld [tilespmem:s31+$0xA40]  }
0x354: {  	v5 =	vld [tilespmem:s31+$0xE40];
	[tilespmem:s29+$0x7540] =	vst v2  }
0x355: {  	[tilespmem:s29+$0x7560] =	vst v2  }
0x356: {  	[tilespmem:s29+$0xF540] =	vst v4  }
0x357: {  	[tilespmem:s29+$0xF560] =	vst v4  }
0x358: {  	[tilespmem:s29+$0x7550] =	vst v3  }
0x359: {  	(v2sf) =	vpush v59, $0xE;
	[tilespmem:s29+$0x7570] =	vst v3  }
0x35a: {  	[tilespmem:s29+$0xF550] =	vst v5  }
0x35b: {  	s14 =	spop (v2sf);
	[tilespmem:s29+$0xF570] =	vst v5  }
0x35c: {  	s17 =	spop (v2sf);
	v2 =	vld [tilespmem:s14+$0x240]  }
0x35d: {  	(v2sf) =	vpush v60, $0xE;
	v3 =	vld [tilespmem:s17+$0xA40];
	_ =	sdelay $0x2  }
0x35e: {  	v4 =	vld [tilespmem:s14+$0x640]  }
0x35f: {  	v5 =	vld [tilespmem:s17+$0xE40];
	[tilespmem:s29+$0x7580] =	vst v2  }
0x360: {  	[tilespmem:s29+$0x7590] =	vst v3  }
0x361: {  	[tilespmem:s29+$0x75A0] =	vst v2  }
0x362: {  	[tilespmem:s29+$0x75B0] =	vst v3  }
0x363: {  	[tilespmem:s29+$0xF580] =	vst v4  }
0x364: {  	(v2sf) =	vpush v59, $0xF;
	[tilespmem:s29+$0xF590] =	vst v5  }
0x365: {  	(v2sf) =	vpush v60, $0xF;
	[tilespmem:s29+$0xF5A0] =	vst v4  }
0x366: {  	[tilespmem:s29+$0xF5B0] =	vst v5;
	s18 =	spop (v2sf)  }
0x367: {  	v62 =	vld [tilespmem:s18+$0x240];
	_ =	sdelay $0x1  }
0x368: {  	v2 =	vld [tilespmem:s18+$0x640]  }
0x369: {  	s19 =	spop (v2sf)  }
0x36a: {  	v63 =	vld [tilespmem:s19+$0xA40]  }
0x36b: {  	v3 =	vld [tilespmem:s19+$0xE40];
	[tilespmem:s29+$0x75C0] =	vst v62  }
0x36c: {  	[tilespmem:s29+$0x75E0] =	vst v62  }
0x36d: {  	[tilespmem:s29+$0xF5C0] =	vst v2  }
0x36e: {  	[tilespmem:s29+$0xF5E0] =	vst v2  }
0x36f: {  	[tilespmem:s29+$0x75D0] =	vst v63  }
0x370: {  	[tilespmem:s29+$0x75F0] =	vst v63  }
0x371: {  	[tilespmem:s29+$0xF5D0] =	vst v3  }
0x372: {  	s30 =	spop (v2sf);
	[tilespmem:s29+$0xF5F0] =	vst v3  }
0x373: {  	s31 =	spop (v2sf);
	v0 =	vld [tilespmem:s30+$0x240]  }
0x374: {  	v1 =	vld [tilespmem:s31+$0xA40];
	_ =	sdelay $0x2  }
0x375: {  	v2 =	vld [tilespmem:s30+$0x640]  }
0x376: {  	v3 =	vld [tilespmem:s31+$0xE40];
	[tilespmem:s29+$0x7600] =	vst v0  }
0x377: {  	[tilespmem:s29+$0x7610] =	vst v1  }
0x378: {  	p0 =	sne.s32 s26, $0x7000;
	[tilespmem:s29+$0x7620] =	vst v0  }
.Ltmp4:
0x379: {  	[tilespmem:s29+$0x7630] =	vst v1;
	(pc) =	sbr.rel @p0 .LBB2_10-.Ltmp4, $4  }
0x37a: {  	[tilespmem:s29+$0xF600] =	vst v2  }
0x37b: {  	[tilespmem:s29+$0xF610] =	vst v3  }
0x37c: {  	[tilespmem:s29+$0xF620] =	vst v2  }
0x37d: {  	s28 =	sadd.s32 $0x10, s28;
	s26 =	sadd.s32 $0x1000, s26;
	[tilespmem:s29+$0xF630] =	vst v3  }
0x37e: {  	[hbm4b:s11+s2] =	stream.linear.scatter [tilespmem:s23], [sflag:$0x1], $0x2000, $0x38;
	[tilespmem:$0x11240] =	vst v63  }
0x37f: {  	_ = 	snop  }
0x380: {  	[hbm4b:s12+s2] =	stream.linear.scatter [tilespmem:s24], [sflag:$0x1], $0x2000, $0x38;
	[tilespmem:$0x11240] =	vst v63  }
0x381: {  	_ =	swait.ge [sflag:s16], $0x2000  }
0x382: {  	[sflag:s16] =	ssyncset.done $0x0  }
0x383: {  	[sflag:s16] =	ssyncadd.s32 $0xFFFFE000  }
0x384: {  	_ =	swait.ge [sflag:s16], $0x2000  }
0x385: {  	[sflag:s16] =	ssyncset.done $0x0  }
0x386: {  	[sflag:s16] =	ssyncadd.s32 $0xFFFFE000  }
0x387: {  	_ =	swait.ge [sflag:s16], $0x2000  }
0x388: {  	[sflag:s16] =	ssyncset.done $0x0  }
0x389: {  	[sflag:s16] =	ssyncadd.s32 $0xFFFFE000  }
0x38a: {  	_ =	swait.ge [sflag:s16], $0x2000  }
0x38b: {  	[sflag:s16] =	ssyncset.done $0x0  }
0x38c: {  	[sflag:s16] =	ssyncadd.s32 $0xFFFFE000  }
0x38d: {  	_ =	swait.ge [sflag:s16], $0x2000  }
0x38e: {  	[sflag:s16] =	ssyncset.done $0x0  }
0x38f: {  	[sflag:s16] =	ssyncadd.s32 $0xFFFFE000  }
0x390: {  	_ =	swait.ge [sflag:s16], $0x2000  }
0x391: {  	[sflag:s16] =	ssyncset.done $0x0  }
0x392: {  	s25 =	sadd.s32 $0x1, s25;
	[sflag:s16] =	ssyncadd.s32 $0xFFFFE000  }
0x393: {  	p0 =	sne.s32 s25, s13;
	_ =	swait.ge [sflag:s16], $0x2000  }
.Ltmp5:
0x394: {  	[sflag:s16] =	ssyncset.done $0x0;
	(pc) =	sbr.rel @p0 .LBB2_1-.Ltmp5, $4  }
0x395: {  	[sflag:s16] =	ssyncadd.s32 $0xFFFFE000  }
0x396: {  	_ =	swait.ge [sflag:s16], $0x2000  }
0x397: {  	[sflag:s16] =	ssyncset.done $0x0  }
0x398: {  	[sflag:s16] =	ssyncadd.s32 $0xFFFFE000  }
0x399: {  	_ =	sfence.sel $0x180000  }
0x39a: {  	[bflag:$0x0] =	sbarrier.arrive $0xFFFF  }
0x39b: {  	_ =	strace $0x90000047  }
0x39c: {  	s0 =	stileid.u32;
	[bflag:$0x2] =	sbarrier.arrive $0xFFFF  }
0x39d: {  	p0 =	sne.s32 s0, $0x0;
	s0 =	rddreg [dreg:$0x4]  }
0x39e: {  	s0 =	sadd.s32 @!p0 $0x100000, s0  }
0x39f: {  	[sflag:s0] =	ssyncadd.tile.s32 @!p0 $0x1;
	_ =	shalt  }
.Lfunc_end2:
_tile_overlayer_lowered:
.L_overlay_start_2:
0x3a0: {  	(tag) =	ssettag $0x2  }
0x3a1: {  	s0 =	rddreg [dreg:$0x0];
	s2 =	stileid.u32  }
0x3a2: {  	s1 =	rddreg [dreg:$0x1];
	p0 =	sne.s32 s2, $0x0  }
0x3a3: {  	s3 =	rddreg [dreg:$0x2];
	[bflag:$0x3] =	sbarrier.arrive $0xFFFF;
	s2 =	simm.s32 @!p0 $0x1C02  }
0x3a4: {  	[timem:s3], [sflag:s2] =	dma.local @!p0 [hbm:s0], s1  }
0x3a5: {  	s0 =	simm.s32 @!p0 $0x2  }
0x3a6: {  	_ =	swait.ge @!p0 [sflag:s0], s1  }
0x3a7: {  	s1 =	ssub.s32 @!p0 $0x0, s1;
	[sflag:s0] =	ssyncset.done @!p0 $0x0  }
0x3a8: {  	[sflag:s0] =	ssyncadd.s32 @!p0 s1  }
0x3a9: {  	[bflag:$0x3] =	sbarrier.arrive $0xFFFF  }
0x3aa: {  	_ =	shalt  }

</sc_bundles>
